<compile_context>
chip_gen: v7x
topology: tpu7x:2x2x1
jax: 0.10.2.dev20260603
libtpu: 0.0.44.dev20260713+nightly
codegen_flags: <defaults>
</compile_context>

<pallas_src>
import functools

import jax
import jax.numpy as jnp
from jax import lax
from jax.experimental import pallas as pl
from jax.experimental.pallas import tpu as pltpu
from jax.experimental.pallas import tpu_sc as plsc

L = 16
NSLOTS = 4
DIST = 2


def _make_sc_kernel(B, H, W, C):
    mesh = plsc.VectorSubcoreMesh(core_axis_name="c", subcore_axis_name="s")
    n_vec = C // L

    @functools.partial(
        pl.kernel,
        mesh=mesh,
        out_type=jax.ShapeDtypeStruct((B, H, W, C), jnp.float32),
        scratch_types=[
            pltpu.VMEM((NSLOTS, W, C), jnp.float32),
            pltpu.VMEM((W, C), jnp.float32),
            pltpu.VMEM((C,), jnp.float32),
        ]
        + [pltpu.SemaphoreType.DMA] * (2 * NSLOTS),
    )
    def sc_kernel(x_hbm, row_hbm, col_hbm, out_hbm, buf, pos, rowv, *sems):
        isems = sems[:NSLOTS]
        osems = sems[NSLOTS:]
        h = lax.axis_index("s") * 2 + lax.axis_index("c")

        pltpu.sync_copy(col_hbm, pos)
        pltpu.sync_copy(row_hbm.at[h], rowv)

        @plsc.parallel_loop(0, W, unroll=2)
        def _pos_body(w):
            for j in range(n_vec):
                sl = pl.ds(j * L, L)
                plsc.addupdate(pos.at[w, sl], rowv[sl])

        for s in range(DIST):
            pltpu.async_copy(x_hbm.at[s, h], buf.at[s], isems[s])

        def group(g, carry):
            for s in (0, 2):
                b = NSLOTS * g + s
                s0, s1 = s, s + 1
                p0, p1 = (s + 2) % NSLOTS, (s + 3) % NSLOTS

                pltpu.make_async_copy(
                    x_hbm.at[b, h], buf.at[s0], isems[s0]).wait()
                pltpu.make_async_copy(
                    x_hbm.at[b + 1, h], buf.at[s1], isems[s1]).wait()

                def retire():
                    pltpu.make_async_copy(
                        buf.at[p0], out_hbm.at[b - 2, h], osems[p0]).wait()
                    pltpu.make_async_copy(
                        buf.at[p1], out_hbm.at[b - 1, h], osems[p1]).wait()

                if s == 0:
                    pl.when(g > 0)(retire)
                else:
                    retire()

                @pl.when(b + 2 < B)
                def _prefetch():
                    pltpu.async_copy(
                        x_hbm.at[b + 2, h], buf.at[p0], isems[p0])
                    pltpu.async_copy(
                        x_hbm.at[b + 3, h], buf.at[p1], isems[p1])

                @plsc.parallel_loop(0, W, unroll=2)
                def _add_body(w):
                    for j in range(n_vec):
                        sl = pl.ds(j * L, L)
                        pv = pos[w, sl]
                        plsc.addupdate(buf.at[s0, w, sl], pv)
                        plsc.addupdate(buf.at[s1, w, sl], pv)

                pltpu.async_copy(buf.at[s0], out_hbm.at[b, h], osems[s0])
                pltpu.async_copy(buf.at[s1], out_hbm.at[b + 1, h], osems[s1])
            return carry

        lax.fori_loop(0, B // NSLOTS, group, 0)

        for d in range(DIST, 0, -1):
            s = (B - d) % NSLOTS
            pltpu.make_async_copy(
                buf.at[s], out_hbm.at[B - d, h], osems[s]).wait()

    return sc_kernel


def kernel(x, row_emb, col_emb):
    b, h, w, c = x.shape
    return _make_sc_kernel(b, h, w, c)(x, row_emb, col_emb)

# --- scband reference (transcript-rebuilt; emitter-appended) ---
"""Pipeline reference for scband-patch-position-encoding-8306466750665 (READ-ONLY COPY).

The authoritative reference and input builder live on the scoring server;
editing this copy changes nothing except your own understanding.
"""

import jax, jax.numpy as jnp
import numpy as np


def setup_inputs(seed: int = 0) -> dict:
    key = jax.random.key(seed)
    k1, k2, k3 = jax.random.split(key, 3)
    x = jax.random.normal(k1, (64, 32, 32, 768), dtype=jnp.float32)
    row_emb = jax.random.normal(k2, (32, 768), dtype=jnp.float32) * 0.02
    col_emb = jax.random.normal(k3, (32, 768), dtype=jnp.float32) * 0.02
    return {"x": x, "row_emb": row_emb, "col_emb": col_emb}


def reference(x, row_emb, col_emb):
    h = x.shape[-3]
    w = x.shape[-2]
    row_idxs = jnp.arange(h)
    col_idxs = jnp.arange(w)
    row = jnp.take(row_emb, row_idxs, axis=0)  # [h, c]
    col = jnp.take(col_emb, col_idxs, axis=0)  # [w, c]
    x = x + row[:, None, :]   # broadcast 'h c -> h 1 c'
    x = x + col[None, :, :]   # broadcast 'w c -> 1 w c'
    return x

if __name__ == "__main__":
    import jax
    _d = setup_inputs()
    print(jax.jit(kernel)(*tuple(_d.values())))

</pallas_src>

<mosaic_0001>
#map = affine_map<(d0, d1) -> (0, 0, 0, 0)>
#map1 = affine_map<(d0, d1) -> (0, 0)>
module attributes {stable_mosaic.version = 14 : i64} {
  func.func @sc_kernel(%arg0: i32, %arg1: i32, %arg2: memref<64x32x32x768xf32, #tpu.memory_space<hbm>>, %arg3: memref<32x768xf32, #tpu.memory_space<hbm>>, %arg4: memref<32x768xf32, #tpu.memory_space<hbm>>, %arg5: memref<64x32x32x768xf32, #tpu.memory_space<hbm>>, %arg6: memref<4x32x768xf32, #tpu.memory_space<vmem>>, %arg7: memref<32x768xf32, #tpu.memory_space<vmem>>, %arg8: memref<768xf32, #tpu.memory_space<vmem>>, %arg9: memref<!tpu.dma_semaphore, #tpu.memory_space<semaphore_mem>>, %arg10: memref<!tpu.dma_semaphore, #tpu.memory_space<semaphore_mem>>, %arg11: memref<!tpu.dma_semaphore, #tpu.memory_space<semaphore_mem>>, %arg12: memref<!tpu.dma_semaphore, #tpu.memory_space<semaphore_mem>>, %arg13: memref<!tpu.dma_semaphore, #tpu.memory_space<semaphore_mem>>, %arg14: memref<!tpu.dma_semaphore, #tpu.memory_space<semaphore_mem>>, %arg15: memref<!tpu.dma_semaphore, #tpu.memory_space<semaphore_mem>>, %arg16: memref<!tpu.dma_semaphore, #tpu.memory_space<semaphore_mem>>) attributes {dimension_semantics = [#tpu.dimension_semantics<core_parallel>, #tpu.dimension_semantics<subcore_parallel>], iteration_bounds = array<i64: 2, 16>, scalar_prefetch = 0 : i64, scratch_operands = 11 : i64, tpu.core_type = #tpu.core_type<sc_vector_subcore>, window_params = [{transform_indices = #map}, {transform_indices = #map1}, {transform_indices = #map1}, {transform_indices = #map}]} {
    %mul3A = arith.constant 2 : i32
    %mul3A_0 = arith.muli %arg1, %mul3A : i32
    %add3A = arith.addi %mul3A_0, %arg0 : i32
    "tpu.region"() ({
      %run_scoped3A = tpu.sem_alloc : memref<!tpu.dma_semaphore, #tpu.memory_space<semaphore_mem>>
      tpu.enqueue_dma source(%arg4 : memref<32x768xf32, #tpu.memory_space<hbm>>) target(%arg7 : memref<32x768xf32, #tpu.memory_space<vmem>>) target_semaphore(%run_scoped3A : memref<!tpu.dma_semaphore, #tpu.memory_space<semaphore_mem>>)
      tpu.wait_dma2 semaphore(%run_scoped3A : memref<!tpu.dma_semaphore, #tpu.memory_space<semaphore_mem>>) src(%arg4 : memref<32x768xf32, #tpu.memory_space<hbm>>) dst(%arg7 : memref<32x768xf32, #tpu.memory_space<vmem>>)
      tpu.yield
    }) : () -> ()
    "tpu.region"() ({
      %run_scoped3A = tpu.sem_alloc : memref<!tpu.dma_semaphore, #tpu.memory_space<semaphore_mem>>
      %dma_start3A_78 = arith.constant 0 : i32
      %dma_start3A_79 = tpu.memref_slice %arg3[%add3A, %dma_start3A_78] : memref<32x768xf32, #tpu.memory_space<hbm>> -> memref<1x768xf32, #tpu.memory_space<hbm>>
      %dma_start3A_80 = tpu.memref_squeeze %dma_start3A_79 : memref<1x768xf32, #tpu.memory_space<hbm>> -> memref<768xf32, #tpu.memory_space<hbm>>
      %dma_start3A_81 = arith.constant 0 : i32
      %dma_start3A_82 = tpu.memref_slice %arg3[%add3A, %dma_start3A_81] : memref<32x768xf32, #tpu.memory_space<hbm>> -> memref<1x768xf32, #tpu.memory_space<hbm>>
      %dma_start3A_83 = tpu.memref_squeeze %dma_start3A_82 : memref<1x768xf32, #tpu.memory_space<hbm>> -> memref<768xf32, #tpu.memory_space<hbm>>
      tpu.enqueue_dma source(%dma_start3A_83 : memref<768xf32, #tpu.memory_space<hbm>>) target(%arg8 : memref<768xf32, #tpu.memory_space<vmem>>) target_semaphore(%run_scoped3A : memref<!tpu.dma_semaphore, #tpu.memory_space<semaphore_mem>>)
      %dma_wait3A_84 = arith.constant 0 : i32
      %dma_wait3A_85 = tpu.memref_slice %arg3[%add3A, %dma_wait3A_84] : memref<32x768xf32, #tpu.memory_space<hbm>> -> memref<1x768xf32, #tpu.memory_space<hbm>>
      %dma_wait3A_86 = tpu.memref_squeeze %dma_wait3A_85 : memref<1x768xf32, #tpu.memory_space<hbm>> -> memref<768xf32, #tpu.memory_space<hbm>>
      %dma_wait3A_87 = arith.constant 0 : i32
      %dma_wait3A_88 = tpu.memref_slice %arg3[%add3A, %dma_wait3A_87] : memref<32x768xf32, #tpu.memory_space<hbm>> -> memref<1x768xf32, #tpu.memory_space<hbm>>
      %dma_wait3A_89 = tpu.memref_squeeze %dma_wait3A_88 : memref<1x768xf32, #tpu.memory_space<hbm>> -> memref<768xf32, #tpu.memory_space<hbm>>
      tpu.wait_dma2 semaphore(%run_scoped3A : memref<!tpu.dma_semaphore, #tpu.memory_space<semaphore_mem>>) src(%dma_wait3A_89 : memref<768xf32, #tpu.memory_space<hbm>>) dst(%arg8 : memref<768xf32, #tpu.memory_space<vmem>>)
      tpu.yield
    }) : () -> ()
    %parallel_loop3A = arith.constant 0 : i32
    %parallel_loop3A_1 = arith.constant 32 : i32
    %parallel_loop3A_2 = arith.constant 1 : i32
    scf.for %parallel_loop3A_78 = %parallel_loop3A to %parallel_loop3A_1 step %parallel_loop3A_2  : i32 {
      %parallel_loop3A_79 = arith.constant 0 : index
      %parallel_loop3A_80 = tpu.vector_load %arg8[%parallel_loop3A_79] {strides = array<i32>} : memref<768xf32, #tpu.memory_space<vmem>>, vector<16xf32>,
      %parallel_loop3A_81 = vector.shape_cast %parallel_loop3A_80 : vector<16xf32> to vector<16xf32>
      %parallel_loop3A_82 = arith.index_cast %parallel_loop3A_78 : i32 to index
      %parallel_loop3A_83 = arith.constant 0 : index
      %parallel_loop3A_84 = tpu.vector_load %arg7[%parallel_loop3A_82, %parallel_loop3A_83] {strides = array<i32>} : memref<32x768xf32, #tpu.memory_space<vmem>>, vector<1x16xf32>,
      %parallel_loop3A_85 = vector.shape_cast %parallel_loop3A_84 : vector<1x16xf32> to vector<16xf32>
      %parallel_loop3A_86 = vector.shape_cast %parallel_loop3A_81 : vector<16xf32> to vector<1x16xf32>
      tpu.vector_store %arg7[%parallel_loop3A_82, %parallel_loop3A_83], %parallel_loop3A_86 {add = true, strides = array<i32>} : memref<32x768xf32, #tpu.memory_space<vmem>>, vector<1x16xf32>,
      %parallel_loop3A_87 = arith.constant 16 : index
      %parallel_loop3A_88 = tpu.vector_load %arg8[%parallel_loop3A_87] {strides = array<i32>} : memref<768xf32, #tpu.memory_space<vmem>>, vector<16xf32>,
      %parallel_loop3A_89 = vector.shape_cast %parallel_loop3A_88 : vector<16xf32> to vector<16xf32>
      %parallel_loop3A_90 = arith.index_cast %parallel_loop3A_78 : i32 to index
      %parallel_loop3A_91 = arith.constant 16 : index
      %parallel_loop3A_92 = tpu.vector_load %arg7[%parallel_loop3A_90, %parallel_loop3A_91] {strides = array<i32>} : memref<32x768xf32, #tpu.memory_space<vmem>>, vector<1x16xf32>,
      %parallel_loop3A_93 = vector.shape_cast %parallel_loop3A_92 : vector<1x16xf32> to vector<16xf32>
      %parallel_loop3A_94 = vector.shape_cast %parallel_loop3A_89 : vector<16xf32> to vector<1x16xf32>
      tpu.vector_store %arg7[%parallel_loop3A_90, %parallel_loop3A_91], %parallel_loop3A_94 {add = true, strides = array<i32>} : memref<32x768xf32, #tpu.memory_space<vmem>>, vector<1x16xf32>,
      %parallel_loop3A_95 = arith.constant 32 : index
      %parallel_loop3A_96 = tpu.vector_load %arg8[%parallel_loop3A_95] {strides = array<i32>} : memref<768xf32, #tpu.memory_space<vmem>>, vector<16xf32>,
      %parallel_loop3A_97 = vector.shape_cast %parallel_loop3A_96 : vector<16xf32> to vector<16xf32>
      %parallel_loop3A_98 = arith.index_cast %parallel_loop3A_78 : i32 to index
      %parallel_loop3A_99 = arith.constant 32 : index
      %parallel_loop3A_100 = tpu.vector_load %arg7[%parallel_loop3A_98, %parallel_loop3A_99] {strides = array<i32>} : memref<32x768xf32, #tpu.memory_space<vmem>>, vector<1x16xf32>,
      %parallel_loop3A_101 = vector.shape_cast %parallel_loop3A_100 : vector<1x16xf32> to vector<16xf32>
      %parallel_loop3A_102 = vector.shape_cast %parallel_loop3A_97 : vector<16xf32> to vector<1x16xf32>
      tpu.vector_store %arg7[%parallel_loop3A_98, %parallel_loop3A_99], %parallel_loop3A_102 {add = true, strides = array<i32>} : memref<32x768xf32, #tpu.memory_space<vmem>>, vector<1x16xf32>,
      %parallel_loop3A_103 = arith.constant 48 : index
      %parallel_loop3A_104 = tpu.vector_load %arg8[%parallel_loop3A_103] {strides = array<i32>} : memref<768xf32, #tpu.memory_space<vmem>>, vector<16xf32>,
      %parallel_loop3A_105 = vector.shape_cast %parallel_loop3A_104 : vector<16xf32> to vector<16xf32>
      %parallel_loop3A_106 = arith.index_cast %parallel_loop3A_78 : i32 to index
      %parallel_loop3A_107 = arith.constant 48 : index
      %parallel_loop3A_108 = tpu.vector_load %arg7[%parallel_loop3A_106, %parallel_loop3A_107] {strides = array<i32>} : memref<32x768xf32, #tpu.memory_space<vmem>>, vector<1x16xf32>,
      %parallel_loop3A_109 = vector.shape_cast %parallel_loop3A_108 : vector<1x16xf32> to vector<16xf32>
      %parallel_loop3A_110 = vector.shape_cast %parallel_loop3A_105 : vector<16xf32> to vector<1x16xf32>
      tpu.vector_store %arg7[%parallel_loop3A_106, %parallel_loop3A_107], %parallel_loop3A_110 {add = true, strides = array<i32>} : memref<32x768xf32, #tpu.memory_space<vmem>>, vector<1x16xf32>,
      %parallel_loop3A_111 = arith.constant 64 : index
      %parallel_loop3A_112 = tpu.vector_load %arg8[%parallel_loop3A_111] {strides = array<i32>} : memref<768xf32, #tpu.memory_space<vmem>>, vector<16xf32>,
      %parallel_loop3A_113 = vector.shape_cast %parallel_loop3A_112 : vector<16xf32> to vector<16xf32>
      %parallel_loop3A_114 = arith.index_cast %parallel_loop3A_78 : i32 to index
      %parallel_loop3A_115 = arith.constant 64 : index
      %parallel_loop3A_116 = tpu.vector_load %arg7[%parallel_loop3A_114, %parallel_loop3A_115] {strides = array<i32>} : memref<32x768xf32, #tpu.memory_space<vmem>>, vector<1x16xf32>,
      %parallel_loop3A_117 = vector.shape_cast %parallel_loop3A_116 : vector<1x16xf32> to vector<16xf32>
      %parallel_loop3A_118 = vector.shape_cast %parallel_loop3A_113 : vector<16xf32> to vector<1x16xf32>
      tpu.vector_store %arg7[%parallel_loop3A_114, %parallel_loop3A_115], %parallel_loop3A_118 {add = true, strides = array<i32>} : memref<32x768xf32, #tpu.memory_space<vmem>>, vector<1x16xf32>,
      %parallel_loop3A_119 = arith.constant 80 : index
      %parallel_loop3A_120 = tpu.vector_load %arg8[%parallel_loop3A_119] {strides = array<i32>} : memref<768xf32, #tpu.memory_space<vmem>>, vector<16xf32>,
      %parallel_loop3A_121 = vector.shape_cast %parallel_loop3A_120 : vector<16xf32> to vector<16xf32>
      %parallel_loop3A_122 = arith.index_cast %parallel_loop3A_78 : i32 to index
      %parallel_loop3A_123 = arith.constant 80 : index
      %parallel_loop3A_124 = tpu.vector_load %arg7[%parallel_loop3A_122, %parallel_loop3A_123] {strides = array<i32>} : memref<32x768xf32, #tpu.memory_space<vmem>>, vector<1x16xf32>,
      %parallel_loop3A_125 = vector.shape_cast %parallel_loop3A_124 : vector<1x16xf32> to vector<16xf32>
      %parallel_loop3A_126 = vector.shape_cast %parallel_loop3A_121 : vector<16xf32> to vector<1x16xf32>
      tpu.vector_store %arg7[%parallel_loop3A_122, %parallel_loop3A_123], %parallel_loop3A_126 {add = true, strides = array<i32>} : memref<32x768xf32, #tpu.memory_space<vmem>>, vector<1x16xf32>,
      %parallel_loop3A_127 = arith.constant 96 : index
      %parallel_loop3A_128 = tpu.vector_load %arg8[%parallel_loop3A_127] {strides = array<i32>} : memref<768xf32, #tpu.memory_space<vmem>>, vector<16xf32>,
      %parallel_loop3A_129 = vector.shape_cast %parallel_loop3A_128 : vector<16xf32> to vector<16xf32>
      %parallel_loop3A_130 = arith.index_cast %parallel_loop3A_78 : i32 to index
      %parallel_loop3A_131 = arith.constant 96 : index
      %parallel_loop3A_132 = tpu.vector_load %arg7[%parallel_loop3A_130, %parallel_loop3A_131] {strides = array<i32>} : memref<32x768xf32, #tpu.memory_space<vmem>>, vector<1x16xf32>,
      %parallel_loop3A_133 = vector.shape_cast %parallel_loop3A_132 : vector<1x16xf32> to vector<16xf32>
      %parallel_loop3A_134 = vector.shape_cast %parallel_loop3A_129 : vector<16xf32> to vector<1x16xf32>
      tpu.vector_store %arg7[%parallel_loop3A_130, %parallel_loop3A_131], %parallel_loop3A_134 {add = true, strides = array<i32>} : memref<32x768xf32, #tpu.memory_space<vmem>>, vector<1x16xf32>,
      %parallel_loop3A_135 = arith.constant 112 : index
      %parallel_loop3A_136 = tpu.vector_load %arg8[%parallel_loop3A_135] {strides = array<i32>} : memref<768xf32, #tpu.memory_space<vmem>>, vector<16xf32>,
      %parallel_loop3A_137 = vector.shape_cast %parallel_loop3A_136 : vector<16xf32> to vector<16xf32>
      %parallel_loop3A_138 = arith.index_cast %parallel_loop3A_78 : i32 to index
      %parallel_loop3A_139 = arith.constant 112 : index
      %parallel_loop3A_140 = tpu.vector_load %arg7[%parallel_loop3A_138, %parallel_loop3A_139] {strides = array<i32>} : memref<32x768xf32, #tpu.memory_space<vmem>>, vector<1x16xf32>,
      %parallel_loop3A_141 = vector.shape_cast %parallel_loop3A_140 : vector<1x16xf32> to vector<16xf32>
      %parallel_loop3A_142 = vector.shape_cast %parallel_loop3A_137 : vector<16xf32> to vector<1x16xf32>
      tpu.vector_store %arg7[%parallel_loop3A_138, %parallel_loop3A_139], %parallel_loop3A_142 {add = true, strides = array<i32>} : memref<32x768xf32, #tpu.memory_space<vmem>>, vector<1x16xf32>,
      %parallel_loop3A_143 = arith.constant 128 : index
      %parallel_loop3A_144 = tpu.vector_load %arg8[%parallel_loop3A_143] {strides = array<i32>} : memref<768xf32, #tpu.memory_space<vmem>>, vector<16xf32>,
      %parallel_loop3A_145 = vector.shape_cast %parallel_loop3A_144 : vector<16xf32> to vector<16xf32>
      %parallel_loop3A_146 = arith.index_cast %parallel_loop3A_78 : i32 to index
      %parallel_loop3A_147 = arith.constant 128 : index
      %parallel_loop3A_148 = tpu.vector_load %arg7[%parallel_loop3A_146, %parallel_loop3A_147] {strides = array<i32>} : memref<32x768xf32, #tpu.memory_space<vmem>>, vector<1x16xf32>,
      %parallel_loop3A_149 = vector.shape_cast %parallel_loop3A_148 : vector<1x16xf32> to vector<16xf32>
      %parallel_loop3A_150 = vector.shape_cast %parallel_loop3A_145 : vector<16xf32> to vector<1x16xf32>
      tpu.vector_store %arg7[%parallel_loop3A_146, %parallel_loop3A_147], %parallel_loop3A_150 {add = true, strides = array<i32>} : memref<32x768xf32, #tpu.memory_space<vmem>>, vector<1x16xf32>,
      %parallel_loop3A_151 = arith.constant 144 : index
      %parallel_loop3A_152 = tpu.vector_load %arg8[%parallel_loop3A_151] {strides = array<i32>} : memref<768xf32, #tpu.memory_space<vmem>>, vector<16xf32>,
      %parallel_loop3A_153 = vector.shape_cast %parallel_loop3A_152 : vector<16xf32> to vector<16xf32>
      %parallel_loop3A_154 = arith.index_cast %parallel_loop3A_78 : i32 to index
      %parallel_loop3A_155 = arith.constant 144 : index
      %parallel_loop3A_156 = tpu.vector_load %arg7[%parallel_loop3A_154, %parallel_loop3A_155] {strides = array<i32>} : memref<32x768xf32, #tpu.memory_space<vmem>>, vector<1x16xf32>,
      %parallel_loop3A_157 = vector.shape_cast %parallel_loop3A_156 : vector<1x16xf32> to vector<16xf32>
      %parallel_loop3A_158 = vector.shape_cast %parallel_loop3A_153 : vector<16xf32> to vector<1x16xf32>
      tpu.vector_store %arg7[%parallel_loop3A_154, %parallel_loop3A_155], %parallel_loop3A_158 {add = true, strides = array<i32>} : memref<32x768xf32, #tpu.memory_space<vmem>>, vector<1x16xf32>,
      %parallel_loop3A_159 = arith.constant 160 : index
      %parallel_loop3A_160 = tpu.vector_load %arg8[%parallel_loop3A_159] {strides = array<i32>} : memref<768xf32, #tpu.memory_space<vmem>>, vector<16xf32>,
      %parallel_loop3A_161 = vector.shape_cast %parallel_loop3A_160 : vector<16xf32> to vector<16xf32>
      %parallel_loop3A_162 = arith.index_cast %parallel_loop3A_78 : i32 to index
      %parallel_loop3A_163 = arith.constant 160 : index
      %parallel_loop3A_164 = tpu.vector_load %arg7[%parallel_loop3A_162, %parallel_loop3A_163] {strides = array<i32>} : memref<32x768xf32, #tpu.memory_space<vmem>>, vector<1x16xf32>,
      %parallel_loop3A_165 = vector.shape_cast %parallel_loop3A_164 : vector<1x16xf32> to vector<16xf32>
      %parallel_loop3A_166 = vector.shape_cast %parallel_loop3A_161 : vector<16xf32> to vector<1x16xf32>
      tpu.vector_store %arg7[%parallel_loop3A_162, %parallel_loop3A_163], %parallel_loop3A_166 {add = true, strides = array<i32>} : memref<32x768xf32, #tpu.memory_space<vmem>>, vector<1x16xf32>,
      %parallel_loop3A_167 = arith.constant 176 : index
      %parallel_loop3A_168 = tpu.vector_load %arg8[%parallel_loop3A_167] {strides = array<i32>} : memref<768xf32, #tpu.memory_space<vmem>>, vector<16xf32>,
      %parallel_loop3A_169 = vector.shape_cast %parallel_loop3A_168 : vector<16xf32> to vector<16xf32>
      %parallel_loop3A_170 = arith.index_cast %parallel_loop3A_78 : i32 to index
      %parallel_loop3A_171 = arith.constant 176 : index
      %parallel_loop3A_172 = tpu.vector_load %arg7[%parallel_loop3A_170, %parallel_loop3A_171] {strides = array<i32>} : memref<32x768xf32, #tpu.memory_space<vmem>>, vector<1x16xf32>,
      %parallel_loop3A_173 = vector.shape_cast %parallel_loop3A_172 : vector<1x16xf32> to vector<16xf32>
      %parallel_loop3A_174 = vector.shape_cast %parallel_loop3A_169 : vector<16xf32> to vector<1x16xf32>
      tpu.vector_store %arg7[%parallel_loop3A_170, %parallel_loop3A_171], %parallel_loop3A_174 {add = true, strides = array<i32>} : memref<32x768xf32, #tpu.memory_space<vmem>>, vector<1x16xf32>,
      %parallel_loop3A_175 = arith.constant 192 : index
      %parallel_loop3A_176 = tpu.vector_load %arg8[%parallel_loop3A_175] {strides = array<i32>} : memref<768xf32, #tpu.memory_space<vmem>>, vector<16xf32>,
      %parallel_loop3A_177 = vector.shape_cast %parallel_loop3A_176 : vector<16xf32> to vector<16xf32>
      %parallel_loop3A_178 = arith.index_cast %parallel_loop3A_78 : i32 to index
      %parallel_loop3A_179 = arith.constant 192 : index
      %parallel_loop3A_180 = tpu.vector_load %arg7[%parallel_loop3A_178, %parallel_loop3A_179] {strides = array<i32>} : memref<32x768xf32, #tpu.memory_space<vmem>>, vector<1x16xf32>,
      %parallel_loop3A_181 = vector.shape_cast %parallel_loop3A_180 : vector<1x16xf32> to vector<16xf32>
      %parallel_loop3A_182 = vector.shape_cast %parallel_loop3A_177 : vector<16xf32> to vector<1x16xf32>
      tpu.vector_store %arg7[%parallel_loop3A_178, %parallel_loop3A_179], %parallel_loop3A_182 {add = true, strides = array<i32>} : memref<32x768xf32, #tpu.memory_space<vmem>>, vector<1x16xf32>,
      %parallel_loop3A_183 = arith.constant 208 : index
      %parallel_loop3A_184 = tpu.vector_load %arg8[%parallel_loop3A_183] {strides = array<i32>} : memref<768xf32, #tpu.memory_space<vmem>>, vector<16xf32>,
      %parallel_loop3A_185 = vector.shape_cast %parallel_loop3A_184 : vector<16xf32> to vector<16xf32>
      %parallel_loop3A_186 = arith.index_cast %parallel_loop3A_78 : i32 to index
      %parallel_loop3A_187 = arith.constant 208 : index
      %parallel_loop3A_188 = tpu.vector_load %arg7[%parallel_loop3A_186, %parallel_loop3A_187] {strides = array<i32>} : memref<32x768xf32, #tpu.memory_space<vmem>>, vector<1x16xf32>,
      %parallel_loop3A_189 = vector.shape_cast %parallel_loop3A_188 : vector<1x16xf32> to vector<16xf32>
      %parallel_loop3A_190 = vector.shape_cast %parallel_loop3A_185 : vector<16xf32> to vector<1x16xf32>
      tpu.vector_store %arg7[%parallel_loop3A_186, %parallel_loop3A_187], %parallel_loop3A_190 {add = true, strides = array<i32>} : memref<32x768xf32, #tpu.memory_space<vmem>>, vector<1x16xf32>,
      %parallel_loop3A_191 = arith.constant 224 : index
      %parallel_loop3A_192 = tpu.vector_load %arg8[%parallel_loop3A_191] {strides = array<i32>} : memref<768xf32, #tpu.memory_space<vmem>>, vector<16xf32>,
      %parallel_loop3A_193 = vector.shape_cast %parallel_loop3A_192 : vector<16xf32> to vector<16xf32>
      %parallel_loop3A_194 = arith.index_cast %parallel_loop3A_78 : i32 to index
      %parallel_loop3A_195 = arith.constant 224 : index
      %parallel_loop3A_196 = tpu.vector_load %arg7[%parallel_loop3A_194, %parallel_loop3A_195] {strides = array<i32>} : memref<32x768xf32, #tpu.memory_space<vmem>>, vector<1x16xf32>,
      %parallel_loop3A_197 = vector.shape_cast %parallel_loop3A_196 : vector<1x16xf32> to vector<16xf32>
      %parallel_loop3A_198 = vector.shape_cast %parallel_loop3A_193 : vector<16xf32> to vector<1x16xf32>
      tpu.vector_store %arg7[%parallel_loop3A_194, %parallel_loop3A_195], %parallel_loop3A_198 {add = true, strides = array<i32>} : memref<32x768xf32, #tpu.memory_space<vmem>>, vector<1x16xf32>,
      %parallel_loop3A_199 = arith.constant 240 : index
      %parallel_loop3A_200 = tpu.vector_load %arg8[%parallel_loop3A_199] {strides = array<i32>} : memref<768xf32, #tpu.memory_space<vmem>>, vector<16xf32>,
      %parallel_loop3A_201 = vector.shape_cast %parallel_loop3A_200 : vector<16xf32> to vector<16xf32>
      %parallel_loop3A_202 = arith.index_cast %parallel_loop3A_78 : i32 to index
      %parallel_loop3A_203 = arith.constant 240 : index
      %parallel_loop3A_204 = tpu.vector_load %arg7[%parallel_loop3A_202, %parallel_loop3A_203] {strides = array<i32>} : memref<32x768xf32, #tpu.memory_space<vmem>>, vector<1x16xf32>,
      %parallel_loop3A_205 = vector.shape_cast %parallel_loop3A_204 : vector<1x16xf32> to vector<16xf32>
      %parallel_loop3A_206 = vector.shape_cast %parallel_loop3A_201 : vector<16xf32> to vector<1x16xf32>
      tpu.vector_store %arg7[%parallel_loop3A_202, %parallel_loop3A_203], %parallel_loop3A_206 {add = true, strides = array<i32>} : memref<32x768xf32, #tpu.memory_space<vmem>>, vector<1x16xf32>,
      %parallel_loop3A_207 = arith.constant 256 : index
      %parallel_loop3A_208 = tpu.vector_load %arg8[%parallel_loop3A_207] {strides = array<i32>} : memref<768xf32, #tpu.memory_space<vmem>>, vector<16xf32>,
      %parallel_loop3A_209 = vector.shape_cast %parallel_loop3A_208 : vector<16xf32> to vector<16xf32>
      %parallel_loop3A_210 = arith.index_cast %parallel_loop3A_78 : i32 to index
      %parallel_loop3A_211 = arith.constant 256 : index
      %parallel_loop3A_212 = tpu.vector_load %arg7[%parallel_loop3A_210, %parallel_loop3A_211] {strides = array<i32>} : memref<32x768xf32, #tpu.memory_space<vmem>>, vector<1x16xf32>,
      %parallel_loop3A_213 = vector.shape_cast %parallel_loop3A_212 : vector<1x16xf32> to vector<16xf32>
      %parallel_loop3A_214 = vector.shape_cast %parallel_loop3A_209 : vector<16xf32> to vector<1x16xf32>
      tpu.vector_store %arg7[%parallel_loop3A_210, %parallel_loop3A_211], %parallel_loop3A_214 {add = true, strides = array<i32>} : memref<32x768xf32, #tpu.memory_space<vmem>>, vector<1x16xf32>,
      %parallel_loop3A_215 = arith.constant 272 : index
      %parallel_loop3A_216 = tpu.vector_load %arg8[%parallel_loop3A_215] {strides = array<i32>} : memref<768xf32, #tpu.memory_space<vmem>>, vector<16xf32>,
      %parallel_loop3A_217 = vector.shape_cast %parallel_loop3A_216 : vector<16xf32> to vector<16xf32>
      %parallel_loop3A_218 = arith.index_cast %parallel_loop3A_78 : i32 to index
      %parallel_loop3A_219 = arith.constant 272 : index
      %parallel_loop3A_220 = tpu.vector_load %arg7[%parallel_loop3A_218, %parallel_loop3A_219] {strides = array<i32>} : memref<32x768xf32, #tpu.memory_space<vmem>>, vector<1x16xf32>,
      %parallel_loop3A_221 = vector.shape_cast %parallel_loop3A_220 : vector<1x16xf32> to vector<16xf32>
      %parallel_loop3A_222 = vector.shape_cast %parallel_loop3A_217 : vector<16xf32> to vector<1x16xf32>
      tpu.vector_store %arg7[%parallel_loop3A_218, %parallel_loop3A_219], %parallel_loop3A_222 {add = true, strides = array<i32>} : memref<32x768xf32, #tpu.memory_space<vmem>>, vector<1x16xf32>,
      %parallel_loop3A_223 = arith.constant 288 : index
      %parallel_loop3A_224 = tpu.vector_load %arg8[%parallel_loop3A_223] {strides = array<i32>} : memref<768xf32, #tpu.memory_space<vmem>>, vector<16xf32>,
      %parallel_loop3A_225 = vector.shape_cast %parallel_loop3A_224 : vector<16xf32> to vector<16xf32>
      %parallel_loop3A_226 = arith.index_cast %parallel_loop3A_78 : i32 to index
      %parallel_loop3A_227 = arith.constant 288 : index
      %parallel_loop3A_228 = tpu.vector_load %arg7[%parallel_loop3A_226, %parallel_loop3A_227] {strides = array<i32>} : memref<32x768xf32, #tpu.memory_space<vmem>>, vector<1x16xf32>,
      %parallel_loop3A_229 = vector.shape_cast %parallel_loop3A_228 : vector<1x16xf32> to vector<16xf32>
      %parallel_loop3A_230 = vector.shape_cast %parallel_loop3A_225 : vector<16xf32> to vector<1x16xf32>
      tpu.vector_store %arg7[%parallel_loop3A_226, %parallel_loop3A_227], %parallel_loop3A_230 {add = true, strides = array<i32>} : memref<32x768xf32, #tpu.memory_space<vmem>>, vector<1x16xf32>,
      %parallel_loop3A_231 = arith.constant 304 : index
      %parallel_loop3A_232 = tpu.vector_load %arg8[%parallel_loop3A_231] {strides = array<i32>} : memref<768xf32, #tpu.memory_space<vmem>>, vector<16xf32>,
      %parallel_loop3A_233 = vector.shape_cast %parallel_loop3A_232 : vector<16xf32> to vector<16xf32>
      %parallel_loop3A_234 = arith.index_cast %parallel_loop3A_78 : i32 to index
      %parallel_loop3A_235 = arith.constant 304 : index
      %parallel_loop3A_236 = tpu.vector_load %arg7[%parallel_loop3A_234, %parallel_loop3A_235] {strides = array<i32>} : memref<32x768xf32, #tpu.memory_space<vmem>>, vector<1x16xf32>,
      %parallel_loop3A_237 = vector.shape_cast %parallel_loop3A_236 : vector<1x16xf32> to vector<16xf32>
      %parallel_loop3A_238 = vector.shape_cast %parallel_loop3A_233 : vector<16xf32> to vector<1x16xf32>
      tpu.vector_store %arg7[%parallel_loop3A_234, %parallel_loop3A_235], %parallel_loop3A_238 {add = true, strides = array<i32>} : memref<32x768xf32, #tpu.memory_space<vmem>>, vector<1x16xf32>,
      %parallel_loop3A_239 = arith.constant 320 : index
      %parallel_loop3A_240 = tpu.vector_load %arg8[%parallel_loop3A_239] {strides = array<i32>} : memref<768xf32, #tpu.memory_space<vmem>>, vector<16xf32>,
      %parallel_loop3A_241 = vector.shape_cast %parallel_loop3A_240 : vector<16xf32> to vector<16xf32>
      %parallel_loop3A_242 = arith.index_cast %parallel_loop3A_78 : i32 to index
      %parallel_loop3A_243 = arith.constant 320 : index
      %parallel_loop3A_244 = tpu.vector_load %arg7[%parallel_loop3A_242, %parallel_loop3A_243] {strides = array<i32>} : memref<32x768xf32, #tpu.memory_space<vmem>>, vector<1x16xf32>,
      %parallel_loop3A_245 = vector.shape_cast %parallel_loop3A_244 : vector<1x16xf32> to vector<16xf32>
      %parallel_loop3A_246 = vector.shape_cast %parallel_loop3A_241 : vector<16xf32> to vector<1x16xf32>
      tpu.vector_store %arg7[%parallel_loop3A_242, %parallel_loop3A_243], %parallel_loop3A_246 {add = true, strides = array<i32>} : memref<32x768xf32, #tpu.memory_space<vmem>>, vector<1x16xf32>,
      %parallel_loop3A_247 = arith.constant 336 : index
      %parallel_loop3A_248 = tpu.vector_load %arg8[%parallel_loop3A_247] {strides = array<i32>} : memref<768xf32, #tpu.memory_space<vmem>>, vector<16xf32>,
      %parallel_loop3A_249 = vector.shape_cast %parallel_loop3A_248 : vector<16xf32> to vector<16xf32>
      %parallel_loop3A_250 = arith.index_cast %parallel_loop3A_78 : i32 to index
      %parallel_loop3A_251 = arith.constant 336 : index
      %parallel_loop3A_252 = tpu.vector_load %arg7[%parallel_loop3A_250, %parallel_loop3A_251] {strides = array<i32>} : memref<32x768xf32, #tpu.memory_space<vmem>>, vector<1x16xf32>,
      %parallel_loop3A_253 = vector.shape_cast %parallel_loop3A_252 : vector<1x16xf32> to vector<16xf32>
      %parallel_loop3A_254 = vector.shape_cast %parallel_loop3A_249 : vector<16xf32> to vector<1x16xf32>
      tpu.vector_store %arg7[%parallel_loop3A_250, %parallel_loop3A_251], %parallel_loop3A_254 {add = true, strides = array<i32>} : memref<32x768xf32, #tpu.memory_space<vmem>>, vector<1x16xf32>,
      %parallel_loop3A_255 = arith.constant 352 : index
      %parallel_loop3A_256 = tpu.vector_load %arg8[%parallel_loop3A_255] {strides = array<i32>} : memref<768xf32, #tpu.memory_space<vmem>>, vector<16xf32>,
      %parallel_loop3A_257 = vector.shape_cast %parallel_loop3A_256 : vector<16xf32> to vector<16xf32>
      %parallel_loop3A_258 = arith.index_cast %parallel_loop3A_78 : i32 to index
      %parallel_loop3A_259 = arith.constant 352 : index
      %parallel_loop3A_260 = tpu.vector_load %arg7[%parallel_loop3A_258, %parallel_loop3A_259] {strides = array<i32>} : memref<32x768xf32, #tpu.memory_space<vmem>>, vector<1x16xf32>,
      %parallel_loop3A_261 = vector.shape_cast %parallel_loop3A_260 : vector<1x16xf32> to vector<16xf32>
      %parallel_loop3A_262 = vector.shape_cast %parallel_loop3A_257 : vector<16xf32> to vector<1x16xf32>
      tpu.vector_store %arg7[%parallel_loop3A_258, %parallel_loop3A_259], %parallel_loop3A_262 {add = true, strides = array<i32>} : memref<32x768xf32, #tpu.memory_space<vmem>>, vector<1x16xf32>,
      %parallel_loop3A_263 = arith.constant 368 : index
      %parallel_loop3A_264 = tpu.vector_load %arg8[%parallel_loop3A_263] {strides = array<i32>} : memref<768xf32, #tpu.memory_space<vmem>>, vector<16xf32>,
      %parallel_loop3A_265 = vector.shape_cast %parallel_loop3A_264 : vector<16xf32> to vector<16xf32>
      %parallel_loop3A_266 = arith.index_cast %parallel_loop3A_78 : i32 to index
      %parallel_loop3A_267 = arith.constant 368 : index
      %parallel_loop3A_268 = tpu.vector_load %arg7[%parallel_loop3A_266, %parallel_loop3A_267] {strides = array<i32>} : memref<32x768xf32, #tpu.memory_space<vmem>>, vector<1x16xf32>,
      %parallel_loop3A_269 = vector.shape_cast %parallel_loop3A_268 : vector<1x16xf32> to vector<16xf32>
      %parallel_loop3A_270 = vector.shape_cast %parallel_loop3A_265 : vector<16xf32> to vector<1x16xf32>
      tpu.vector_store %arg7[%parallel_loop3A_266, %parallel_loop3A_267], %parallel_loop3A_270 {add = true, strides = array<i32>} : memref<32x768xf32, #tpu.memory_space<vmem>>, vector<1x16xf32>,
      %parallel_loop3A_271 = arith.constant 384 : index
      %parallel_loop3A_272 = tpu.vector_load %arg8[%parallel_loop3A_271] {strides = array<i32>} : memref<768xf32, #tpu.memory_space<vmem>>, vector<16xf32>,
      %parallel_loop3A_273 = vector.shape_cast %parallel_loop3A_272 : vector<16xf32> to vector<16xf32>
      %parallel_loop3A_274 = arith.index_cast %parallel_loop3A_78 : i32 to index
      %parallel_loop3A_275 = arith.constant 384 : index
      %parallel_loop3A_276 = tpu.vector_load %arg7[%parallel_loop3A_274, %parallel_loop3A_275] {strides = array<i32>} : memref<32x768xf32, #tpu.memory_space<vmem>>, vector<1x16xf32>,
      %parallel_loop3A_277 = vector.shape_cast %parallel_loop3A_276 : vector<1x16xf32> to vector<16xf32>
      %parallel_loop3A_278 = vector.shape_cast %parallel_loop3A_273 : vector<16xf32> to vector<1x16xf32>
      tpu.vector_store %arg7[%parallel_loop3A_274, %parallel_loop3A_275], %parallel_loop3A_278 {add = true, strides = array<i32>} : memref<32x768xf32, #tpu.memory_space<vmem>>, vector<1x16xf32>,
      %parallel_loop3A_279 = arith.constant 400 : index
      %parallel_loop3A_280 = tpu.vector_load %arg8[%parallel_loop3A_279] {strides = array<i32>} : memref<768xf32, #tpu.memory_space<vmem>>, vector<16xf32>,
      %parallel_loop3A_281 = vector.shape_cast %parallel_loop3A_280 : vector<16xf32> to vector<16xf32>
      %parallel_loop3A_282 = arith.index_cast %parallel_loop3A_78 : i32 to index
      %parallel_loop3A_283 = arith.constant 400 : index
      %parallel_loop3A_284 = tpu.vector_load %arg7[%parallel_loop3A_282, %parallel_loop3A_283] {strides = array<i32>} : memref<32x768xf32, #tpu.memory_space<vmem>>, vector<1x16xf32>,
      %parallel_loop3A_285 = vector.shape_cast %parallel_loop3A_284 : vector<1x16xf32> to vector<16xf32>
      %parallel_loop3A_286 = vector.shape_cast %parallel_loop3A_281 : vector<16xf32> to vector<1x16xf32>
      tpu.vector_store %arg7[%parallel_loop3A_282, %parallel_loop3A_283], %parallel_loop3A_286 {add = true, strides = array<i32>} : memref<32x768xf32, #tpu.memory_space<vmem>>, vector<1x16xf32>,
      %parallel_loop3A_287 = arith.constant 416 : index
      %parallel_loop3A_288 = tpu.vector_load %arg8[%parallel_loop3A_287] {strides = array<i32>} : memref<768xf32, #tpu.memory_space<vmem>>, vector<16xf32>,
      %parallel_loop3A_289 = vector.shape_cast %parallel_loop3A_288 : vector<16xf32> to vector<16xf32>
      %parallel_loop3A_290 = arith.index_cast %parallel_loop3A_78 : i32 to index
      %parallel_loop3A_291 = arith.constant 416 : index
      %parallel_loop3A_292 = tpu.vector_load %arg7[%parallel_loop3A_290, %parallel_loop3A_291] {strides = array<i32>} : memref<32x768xf32, #tpu.memory_space<vmem>>, vector<1x16xf32>,
      %parallel_loop3A_293 = vector.shape_cast %parallel_loop3A_292 : vector<1x16xf32> to vector<16xf32>
      %parallel_loop3A_294 = vector.shape_cast %parallel_loop3A_289 : vector<16xf32> to vector<1x16xf32>
      tpu.vector_store %arg7[%parallel_loop3A_290, %parallel_loop3A_291], %parallel_loop3A_294 {add = true, strides = array<i32>} : memref<32x768xf32, #tpu.memory_space<vmem>>, vector<1x16xf32>,
      %parallel_loop3A_295 = arith.constant 432 : index
      %parallel_loop3A_296 = tpu.vector_load %arg8[%parallel_loop3A_295] {strides = array<i32>} : memref<768xf32, #tpu.memory_space<vmem>>, vector<16xf32>,
      %parallel_loop3A_297 = vector.shape_cast %parallel_loop3A_296 : vector<16xf32> to vector<16xf32>
      %parallel_loop3A_298 = arith.index_cast %parallel_loop3A_78 : i32 to index
      %parallel_loop3A_299 = arith.constant 432 : index
      %parallel_loop3A_300 = tpu.vector_load %arg7[%parallel_loop3A_298, %parallel_loop3A_299] {strides = array<i32>} : memref<32x768xf32, #tpu.memory_space<vmem>>, vector<1x16xf32>,
      %parallel_loop3A_301 = vector.shape_cast %parallel_loop3A_300 : vector<1x16xf32> to vector<16xf32>
      %parallel_loop3A_302 = vector.shape_cast %parallel_loop3A_297 : vector<16xf32> to vector<1x16xf32>
      tpu.vector_store %arg7[%parallel_loop3A_298, %parallel_loop3A_299], %parallel_loop3A_302 {add = true, strides = array<i32>} : memref<32x768xf32, #tpu.memory_space<vmem>>, vector<1x16xf32>,
      %parallel_loop3A_303 = arith.constant 448 : index
      %parallel_loop3A_304 = tpu.vector_load %arg8[%parallel_loop3A_303] {strides = array<i32>} : memref<768xf32, #tpu.memory_space<vmem>>, vector<16xf32>,
      %parallel_loop3A_305 = vector.shape_cast %parallel_loop3A_304 : vector<16xf32> to vector<16xf32>
      %parallel_loop3A_306 = arith.index_cast %parallel_loop3A_78 : i32 to index
      %parallel_loop3A_307 = arith.constant 448 : index
      %parallel_loop3A_308 = tpu.vector_load %arg7[%parallel_loop3A_306, %parallel_loop3A_307] {strides = array<i32>} : memref<32x768xf32, #tpu.memory_space<vmem>>, vector<1x16xf32>,
      %parallel_loop3A_309 = vector.shape_cast %parallel_loop3A_308 : vector<1x16xf32> to vector<16xf32>
      %parallel_loop3A_310 = vector.shape_cast %parallel_loop3A_305 : vector<16xf32> to vector<1x16xf32>
      tpu.vector_store %arg7[%parallel_loop3A_306, %parallel_loop3A_307], %parallel_loop3A_310 {add = true, strides = array<i32>} : memref<32x768xf32, #tpu.memory_space<vmem>>, vector<1x16xf32>,
      %parallel_loop3A_311 = arith.constant 464 : index
      %parallel_loop3A_312 = tpu.vector_load %arg8[%parallel_loop3A_311] {strides = array<i32>} : memref<768xf32, #tpu.memory_space<vmem>>, vector<16xf32>,
      %parallel_loop3A_313 = vector.shape_cast %parallel_loop3A_312 : vector<16xf32> to vector<16xf32>
      %parallel_loop3A_314 = arith.index_cast %parallel_loop3A_78 : i32 to index
      %parallel_loop3A_315 = arith.constant 464 : index
      %parallel_loop3A_316 = tpu.vector_load %arg7[%parallel_loop3A_314, %parallel_loop3A_315] {strides = array<i32>} : memref<32x768xf32, #tpu.memory_space<vmem>>, vector<1x16xf32>,
      %parallel_loop3A_317 = vector.shape_cast %parallel_loop3A_316 : vector<1x16xf32> to vector<16xf32>
      %parallel_loop3A_318 = vector.shape_cast %parallel_loop3A_313 : vector<16xf32> to vector<1x16xf32>
      tpu.vector_store %arg7[%parallel_loop3A_314, %parallel_loop3A_315], %parallel_loop3A_318 {add = true, strides = array<i32>} : memref<32x768xf32, #tpu.memory_space<vmem>>, vector<1x16xf32>,
      %parallel_loop3A_319 = arith.constant 480 : index
      %parallel_loop3A_320 = tpu.vector_load %arg8[%parallel_loop3A_319] {strides = array<i32>} : memref<768xf32, #tpu.memory_space<vmem>>, vector<16xf32>,
      %parallel_loop3A_321 = vector.shape_cast %parallel_loop3A_320 : vector<16xf32> to vector<16xf32>
      %parallel_loop3A_322 = arith.index_cast %parallel_loop3A_78 : i32 to index
      %parallel_loop3A_323 = arith.constant 480 : index
      %parallel_loop3A_324 = tpu.vector_load %arg7[%parallel_loop3A_322, %parallel_loop3A_323] {strides = array<i32>} : memref<32x768xf32, #tpu.memory_space<vmem>>, vector<1x16xf32>,
      %parallel_loop3A_325 = vector.shape_cast %parallel_loop3A_324 : vector<1x16xf32> to vector<16xf32>
      %parallel_loop3A_326 = vector.shape_cast %parallel_loop3A_321 : vector<16xf32> to vector<1x16xf32>
      tpu.vector_store %arg7[%parallel_loop3A_322, %parallel_loop3A_323], %parallel_loop3A_326 {add = true, strides = array<i32>} : memref<32x768xf32, #tpu.memory_space<vmem>>, vector<1x16xf32>,
      %parallel_loop3A_327 = arith.constant 496 : index
      %parallel_loop3A_328 = tpu.vector_load %arg8[%parallel_loop3A_327] {strides = array<i32>} : memref<768xf32, #tpu.memory_space<vmem>>, vector<16xf32>,
      %parallel_loop3A_329 = vector.shape_cast %parallel_loop3A_328 : vector<16xf32> to vector<16xf32>
      %parallel_loop3A_330 = arith.index_cast %parallel_loop3A_78 : i32 to index
      %parallel_loop3A_331 = arith.constant 496 : index
      %parallel_loop3A_332 = tpu.vector_load %arg7[%parallel_loop3A_330, %parallel_loop3A_331] {strides = array<i32>} : memref<32x768xf32, #tpu.memory_space<vmem>>, vector<1x16xf32>,
      %parallel_loop3A_333 = vector.shape_cast %parallel_loop3A_332 : vector<1x16xf32> to vector<16xf32>
      %parallel_loop3A_334 = vector.shape_cast %parallel_loop3A_329 : vector<16xf32> to vector<1x16xf32>
      tpu.vector_store %arg7[%parallel_loop3A_330, %parallel_loop3A_331], %parallel_loop3A_334 {add = true, strides = array<i32>} : memref<32x768xf32, #tpu.memory_space<vmem>>, vector<1x16xf32>,
      %parallel_loop3A_335 = arith.constant 512 : index
      %parallel_loop3A_336 = tpu.vector_load %arg8[%parallel_loop3A_335] {strides = array<i32>} : memref<768xf32, #tpu.memory_space<vmem>>, vector<16xf32>,
      %parallel_loop3A_337 = vector.shape_cast %parallel_loop3A_336 : vector<16xf32> to vector<16xf32>
      %parallel_loop3A_338 = arith.index_cast %parallel_loop3A_78 : i32 to index
      %parallel_loop3A_339 = arith.constant 512 : index
      %parallel_loop3A_340 = tpu.vector_load %arg7[%parallel_loop3A_338, %parallel_loop3A_339] {strides = array<i32>} : memref<32x768xf32, #tpu.memory_space<vmem>>, vector<1x16xf32>,
      %parallel_loop3A_341 = vector.shape_cast %parallel_loop3A_340 : vector<1x16xf32> to vector<16xf32>
      %parallel_loop3A_342 = vector.shape_cast %parallel_loop3A_337 : vector<16xf32> to vector<1x16xf32>
      tpu.vector_store %arg7[%parallel_loop3A_338, %parallel_loop3A_339], %parallel_loop3A_342 {add = true, strides = array<i32>} : memref<32x768xf32, #tpu.memory_space<vmem>>, vector<1x16xf32>,
      %parallel_loop3A_343 = arith.constant 528 : index
      %parallel_loop3A_344 = tpu.vector_load %arg8[%parallel_loop3A_343] {strides = array<i32>} : memref<768xf32, #tpu.memory_space<vmem>>, vector<16xf32>,
      %parallel_loop3A_345 = vector.shape_cast %parallel_loop3A_344 : vector<16xf32> to vector<16xf32>
      %parallel_loop3A_346 = arith.index_cast %parallel_loop3A_78 : i32 to index
      %parallel_loop3A_347 = arith.constant 528 : index
      %parallel_loop3A_348 = tpu.vector_load %arg7[%parallel_loop3A_346, %parallel_loop3A_347] {strides = array<i32>} : memref<32x768xf32, #tpu.memory_space<vmem>>, vector<1x16xf32>,
      %parallel_loop3A_349 = vector.shape_cast %parallel_loop3A_348 : vector<1x16xf32> to vector<16xf32>
      %parallel_loop3A_350 = vector.shape_cast %parallel_loop3A_345 : vector<16xf32> to vector<1x16xf32>
      tpu.vector_store %arg7[%parallel_loop3A_346, %parallel_loop3A_347], %parallel_loop3A_350 {add = true, strides = array<i32>} : memref<32x768xf32, #tpu.memory_space<vmem>>, vector<1x16xf32>,
      %parallel_loop3A_351 = arith.constant 544 : index
      %parallel_loop3A_352 = tpu.vector_load %arg8[%parallel_loop3A_351] {strides = array<i32>} : memref<768xf32, #tpu.memory_space<vmem>>, vector<16xf32>,
      %parallel_loop3A_353 = vector.shape_cast %parallel_loop3A_352 : vector<16xf32> to vector<16xf32>
      %parallel_loop3A_354 = arith.index_cast %parallel_loop3A_78 : i32 to index
      %parallel_loop3A_355 = arith.constant 544 : index
      %parallel_loop3A_356 = tpu.vector_load %arg7[%parallel_loop3A_354, %parallel_loop3A_355] {strides = array<i32>} : memref<32x768xf32, #tpu.memory_space<vmem>>, vector<1x16xf32>,
      %parallel_loop3A_357 = vector.shape_cast %parallel_loop3A_356 : vector<1x16xf32> to vector<16xf32>
      %parallel_loop3A_358 = vector.shape_cast %parallel_loop3A_353 : vector<16xf32> to vector<1x16xf32>
      tpu.vector_store %arg7[%parallel_loop3A_354, %parallel_loop3A_355], %parallel_loop3A_358 {add = true, strides = array<i32>} : memref<32x768xf32, #tpu.memory_space<vmem>>, vector<1x16xf32>,
      %parallel_loop3A_359 = arith.constant 560 : index
      %parallel_loop3A_360 = tpu.vector_load %arg8[%parallel_loop3A_359] {strides = array<i32>} : memref<768xf32, #tpu.memory_space<vmem>>, vector<16xf32>,
      %parallel_loop3A_361 = vector.shape_cast %parallel_loop3A_360 : vector<16xf32> to vector<16xf32>
      %parallel_loop3A_362 = arith.index_cast %parallel_loop3A_78 : i32 to index
      %parallel_loop3A_363 = arith.constant 560 : index
      %parallel_loop3A_364 = tpu.vector_load %arg7[%parallel_loop3A_362, %parallel_loop3A_363] {strides = array<i32>} : memref<32x768xf32, #tpu.memory_space<vmem>>, vector<1x16xf32>,
      %parallel_loop3A_365 = vector.shape_cast %parallel_loop3A_364 : vector<1x16xf32> to vector<16xf32>
      %parallel_loop3A_366 = vector.shape_cast %parallel_loop3A_361 : vector<16xf32> to vector<1x16xf32>
      tpu.vector_store %arg7[%parallel_loop3A_362, %parallel_loop3A_363], %parallel_loop3A_366 {add = true, strides = array<i32>} : memref<32x768xf32, #tpu.memory_space<vmem>>, vector<1x16xf32>,
      %parallel_loop3A_367 = arith.constant 576 : index
      %parallel_loop3A_368 = tpu.vector_load %arg8[%parallel_loop3A_367] {strides = array<i32>} : memref<768xf32, #tpu.memory_space<vmem>>, vector<16xf32>,
      %parallel_loop3A_369 = vector.shape_cast %parallel_loop3A_368 : vector<16xf32> to vector<16xf32>
      %parallel_loop3A_370 = arith.index_cast %parallel_loop3A_78 : i32 to index
      %parallel_loop3A_371 = arith.constant 576 : index
      %parallel_loop3A_372 = tpu.vector_load %arg7[%parallel_loop3A_370, %parallel_loop3A_371] {strides = array<i32>} : memref<32x768xf32, #tpu.memory_space<vmem>>, vector<1x16xf32>,
      %parallel_loop3A_373 = vector.shape_cast %parallel_loop3A_372 : vector<1x16xf32> to vector<16xf32>
      %parallel_loop3A_374 = vector.shape_cast %parallel_loop3A_369 : vector<16xf32> to vector<1x16xf32>
      tpu.vector_store %arg7[%parallel_loop3A_370, %parallel_loop3A_371], %parallel_loop3A_374 {add = true, strides = array<i32>} : memref<32x768xf32, #tpu.memory_space<vmem>>, vector<1x16xf32>,
      %parallel_loop3A_375 = arith.constant 592 : index
      %parallel_loop3A_376 = tpu.vector_load %arg8[%parallel_loop3A_375] {strides = array<i32>} : memref<768xf32, #tpu.memory_space<vmem>>, vector<16xf32>,
      %parallel_loop3A_377 = vector.shape_cast %parallel_loop3A_376 : vector<16xf32> to vector<16xf32>
      %parallel_loop3A_378 = arith.index_cast %parallel_loop3A_78 : i32 to index
      %parallel_loop3A_379 = arith.constant 592 : index
      %parallel_loop3A_380 = tpu.vector_load %arg7[%parallel_loop3A_378, %parallel_loop3A_379] {strides = array<i32>} : memref<32x768xf32, #tpu.memory_space<vmem>>, vector<1x16xf32>,
      %parallel_loop3A_381 = vector.shape_cast %parallel_loop3A_380 : vector<1x16xf32> to vector<16xf32>
      %parallel_loop3A_382 = vector.shape_cast %parallel_loop3A_377 : vector<16xf32> to vector<1x16xf32>
      tpu.vector_store %arg7[%parallel_loop3A_378, %parallel_loop3A_379], %parallel_loop3A_382 {add = true, strides = array<i32>} : memref<32x768xf32, #tpu.memory_space<vmem>>, vector<1x16xf32>,
      %parallel_loop3A_383 = arith.constant 608 : index
      %parallel_loop3A_384 = tpu.vector_load %arg8[%parallel_loop3A_383] {strides = array<i32>} : memref<768xf32, #tpu.memory_space<vmem>>, vector<16xf32>,
      %parallel_loop3A_385 = vector.shape_cast %parallel_loop3A_384 : vector<16xf32> to vector<16xf32>
      %parallel_loop3A_386 = arith.index_cast %parallel_loop3A_78 : i32 to index
      %parallel_loop3A_387 = arith.constant 608 : index
      %parallel_loop3A_388 = tpu.vector_load %arg7[%parallel_loop3A_386, %parallel_loop3A_387] {strides = array<i32>} : memref<32x768xf32, #tpu.memory_space<vmem>>, vector<1x16xf32>,
      %parallel_loop3A_389 = vector.shape_cast %parallel_loop3A_388 : vector<1x16xf32> to vector<16xf32>
      %parallel_loop3A_390 = vector.shape_cast %parallel_loop3A_385 : vector<16xf32> to vector<1x16xf32>
      tpu.vector_store %arg7[%parallel_loop3A_386, %parallel_loop3A_387], %parallel_loop3A_390 {add = true, strides = array<i32>} : memref<32x768xf32, #tpu.memory_space<vmem>>, vector<1x16xf32>,
      %parallel_loop3A_391 = arith.constant 624 : index
      %parallel_loop3A_392 = tpu.vector_load %arg8[%parallel_loop3A_391] {strides = array<i32>} : memref<768xf32, #tpu.memory_space<vmem>>, vector<16xf32>,
      %parallel_loop3A_393 = vector.shape_cast %parallel_loop3A_392 : vector<16xf32> to vector<16xf32>
      %parallel_loop3A_394 = arith.index_cast %parallel_loop3A_78 : i32 to index
      %parallel_loop3A_395 = arith.constant 624 : index
      %parallel_loop3A_396 = tpu.vector_load %arg7[%parallel_loop3A_394, %parallel_loop3A_395] {strides = array<i32>} : memref<32x768xf32, #tpu.memory_space<vmem>>, vector<1x16xf32>,
      %parallel_loop3A_397 = vector.shape_cast %parallel_loop3A_396 : vector<1x16xf32> to vector<16xf32>
      %parallel_loop3A_398 = vector.shape_cast %parallel_loop3A_393 : vector<16xf32> to vector<1x16xf32>
      tpu.vector_store %arg7[%parallel_loop3A_394, %parallel_loop3A_395], %parallel_loop3A_398 {add = true, strides = array<i32>} : memref<32x768xf32, #tpu.memory_space<vmem>>, vector<1x16xf32>,
      %parallel_loop3A_399 = arith.constant 640 : index
      %parallel_loop3A_400 = tpu.vector_load %arg8[%parallel_loop3A_399] {strides = array<i32>} : memref<768xf32, #tpu.memory_space<vmem>>, vector<16xf32>,
      %parallel_loop3A_401 = vector.shape_cast %parallel_loop3A_400 : vector<16xf32> to vector<16xf32>
      %parallel_loop3A_402 = arith.index_cast %parallel_loop3A_78 : i32 to index
      %parallel_loop3A_403 = arith.constant 640 : index
      %parallel_loop3A_404 = tpu.vector_load %arg7[%parallel_loop3A_402, %parallel_loop3A_403] {strides = array<i32>} : memref<32x768xf32, #tpu.memory_space<vmem>>, vector<1x16xf32>,
      %parallel_loop3A_405 = vector.shape_cast %parallel_loop3A_404 : vector<1x16xf32> to vector<16xf32>
      %parallel_loop3A_406 = vector.shape_cast %parallel_loop3A_401 : vector<16xf32> to vector<1x16xf32>
      tpu.vector_store %arg7[%parallel_loop3A_402, %parallel_loop3A_403], %parallel_loop3A_406 {add = true, strides = array<i32>} : memref<32x768xf32, #tpu.memory_space<vmem>>, vector<1x16xf32>,
      %parallel_loop3A_407 = arith.constant 656 : index
      %parallel_loop3A_408 = tpu.vector_load %arg8[%parallel_loop3A_407] {strides = array<i32>} : memref<768xf32, #tpu.memory_space<vmem>>, vector<16xf32>,
      %parallel_loop3A_409 = vector.shape_cast %parallel_loop3A_408 : vector<16xf32> to vector<16xf32>
      %parallel_loop3A_410 = arith.index_cast %parallel_loop3A_78 : i32 to index
      %parallel_loop3A_411 = arith.constant 656 : index
      %parallel_loop3A_412 = tpu.vector_load %arg7[%parallel_loop3A_410, %parallel_loop3A_411] {strides = array<i32>} : memref<32x768xf32, #tpu.memory_space<vmem>>, vector<1x16xf32>,
      %parallel_loop3A_413 = vector.shape_cast %parallel_loop3A_412 : vector<1x16xf32> to vector<16xf32>
      %parallel_loop3A_414 = vector.shape_cast %parallel_loop3A_409 : vector<16xf32> to vector<1x16xf32>
      tpu.vector_store %arg7[%parallel_loop3A_410, %parallel_loop3A_411], %parallel_loop3A_414 {add = true, strides = array<i32>} : memref<32x768xf32, #tpu.memory_space<vmem>>, vector<1x16xf32>,
      %parallel_loop3A_415 = arith.constant 672 : index
      %parallel_loop3A_416 = tpu.vector_load %arg8[%parallel_loop3A_415] {strides = array<i32>} : memref<768xf32, #tpu.memory_space<vmem>>, vector<16xf32>,
      %parallel_loop3A_417 = vector.shape_cast %parallel_loop3A_416 : vector<16xf32> to vector<16xf32>
      %parallel_loop3A_418 = arith.index_cast %parallel_loop3A_78 : i32 to index
      %parallel_loop3A_419 = arith.constant 672 : index
      %parallel_loop3A_420 = tpu.vector_load %arg7[%parallel_loop3A_418, %parallel_loop3A_419] {strides = array<i32>} : memref<32x768xf32, #tpu.memory_space<vmem>>, vector<1x16xf32>,
      %parallel_loop3A_421 = vector.shape_cast %parallel_loop3A_420 : vector<1x16xf32> to vector<16xf32>
      %parallel_loop3A_422 = vector.shape_cast %parallel_loop3A_417 : vector<16xf32> to vector<1x16xf32>
      tpu.vector_store %arg7[%parallel_loop3A_418, %parallel_loop3A_419], %parallel_loop3A_422 {add = true, strides = array<i32>} : memref<32x768xf32, #tpu.memory_space<vmem>>, vector<1x16xf32>,
      %parallel_loop3A_423 = arith.constant 688 : index
      %parallel_loop3A_424 = tpu.vector_load %arg8[%parallel_loop3A_423] {strides = array<i32>} : memref<768xf32, #tpu.memory_space<vmem>>, vector<16xf32>,
      %parallel_loop3A_425 = vector.shape_cast %parallel_loop3A_424 : vector<16xf32> to vector<16xf32>
      %parallel_loop3A_426 = arith.index_cast %parallel_loop3A_78 : i32 to index
      %parallel_loop3A_427 = arith.constant 688 : index
      %parallel_loop3A_428 = tpu.vector_load %arg7[%parallel_loop3A_426, %parallel_loop3A_427] {strides = array<i32>} : memref<32x768xf32, #tpu.memory_space<vmem>>, vector<1x16xf32>,
      %parallel_loop3A_429 = vector.shape_cast %parallel_loop3A_428 : vector<1x16xf32> to vector<16xf32>
      %parallel_loop3A_430 = vector.shape_cast %parallel_loop3A_425 : vector<16xf32> to vector<1x16xf32>
      tpu.vector_store %arg7[%parallel_loop3A_426, %parallel_loop3A_427], %parallel_loop3A_430 {add = true, strides = array<i32>} : memref<32x768xf32, #tpu.memory_space<vmem>>, vector<1x16xf32>,
      %parallel_loop3A_431 = arith.constant 704 : index
      %parallel_loop3A_432 = tpu.vector_load %arg8[%parallel_loop3A_431] {strides = array<i32>} : memref<768xf32, #tpu.memory_space<vmem>>, vector<16xf32>,
      %parallel_loop3A_433 = vector.shape_cast %parallel_loop3A_432 : vector<16xf32> to vector<16xf32>
      %parallel_loop3A_434 = arith.index_cast %parallel_loop3A_78 : i32 to index
      %parallel_loop3A_435 = arith.constant 704 : index
      %parallel_loop3A_436 = tpu.vector_load %arg7[%parallel_loop3A_434, %parallel_loop3A_435] {strides = array<i32>} : memref<32x768xf32, #tpu.memory_space<vmem>>, vector<1x16xf32>,
      %parallel_loop3A_437 = vector.shape_cast %parallel_loop3A_436 : vector<1x16xf32> to vector<16xf32>
      %parallel_loop3A_438 = vector.shape_cast %parallel_loop3A_433 : vector<16xf32> to vector<1x16xf32>
      tpu.vector_store %arg7[%parallel_loop3A_434, %parallel_loop3A_435], %parallel_loop3A_438 {add = true, strides = array<i32>} : memref<32x768xf32, #tpu.memory_space<vmem>>, vector<1x16xf32>,
      %parallel_loop3A_439 = arith.constant 720 : index
      %parallel_loop3A_440 = tpu.vector_load %arg8[%parallel_loop3A_439] {strides = array<i32>} : memref<768xf32, #tpu.memory_space<vmem>>, vector<16xf32>,
      %parallel_loop3A_441 = vector.shape_cast %parallel_loop3A_440 : vector<16xf32> to vector<16xf32>
      %parallel_loop3A_442 = arith.index_cast %parallel_loop3A_78 : i32 to index
      %parallel_loop3A_443 = arith.constant 720 : index
      %parallel_loop3A_444 = tpu.vector_load %arg7[%parallel_loop3A_442, %parallel_loop3A_443] {strides = array<i32>} : memref<32x768xf32, #tpu.memory_space<vmem>>, vector<1x16xf32>,
      %parallel_loop3A_445 = vector.shape_cast %parallel_loop3A_444 : vector<1x16xf32> to vector<16xf32>
      %parallel_loop3A_446 = vector.shape_cast %parallel_loop3A_441 : vector<16xf32> to vector<1x16xf32>
      tpu.vector_store %arg7[%parallel_loop3A_442, %parallel_loop3A_443], %parallel_loop3A_446 {add = true, strides = array<i32>} : memref<32x768xf32, #tpu.memory_space<vmem>>, vector<1x16xf32>,
      %parallel_loop3A_447 = arith.constant 736 : index
      %parallel_loop3A_448 = tpu.vector_load %arg8[%parallel_loop3A_447] {strides = array<i32>} : memref<768xf32, #tpu.memory_space<vmem>>, vector<16xf32>,
      %parallel_loop3A_449 = vector.shape_cast %parallel_loop3A_448 : vector<16xf32> to vector<16xf32>
      %parallel_loop3A_450 = arith.index_cast %parallel_loop3A_78 : i32 to index
      %parallel_loop3A_451 = arith.constant 736 : index
      %parallel_loop3A_452 = tpu.vector_load %arg7[%parallel_loop3A_450, %parallel_loop3A_451] {strides = array<i32>} : memref<32x768xf32, #tpu.memory_space<vmem>>, vector<1x16xf32>,
      %parallel_loop3A_453 = vector.shape_cast %parallel_loop3A_452 : vector<1x16xf32> to vector<16xf32>
      %parallel_loop3A_454 = vector.shape_cast %parallel_loop3A_449 : vector<16xf32> to vector<1x16xf32>
      tpu.vector_store %arg7[%parallel_loop3A_450, %parallel_loop3A_451], %parallel_loop3A_454 {add = true, strides = array<i32>} : memref<32x768xf32, #tpu.memory_space<vmem>>, vector<1x16xf32>,
      %parallel_loop3A_455 = arith.constant 752 : index
      %parallel_loop3A_456 = tpu.vector_load %arg8[%parallel_loop3A_455] {strides = array<i32>} : memref<768xf32, #tpu.memory_space<vmem>>, vector<16xf32>,
      %parallel_loop3A_457 = vector.shape_cast %parallel_loop3A_456 : vector<16xf32> to vector<16xf32>
      %parallel_loop3A_458 = arith.index_cast %parallel_loop3A_78 : i32 to index
      %parallel_loop3A_459 = arith.constant 752 : index
      %parallel_loop3A_460 = tpu.vector_load %arg7[%parallel_loop3A_458, %parallel_loop3A_459] {strides = array<i32>} : memref<32x768xf32, #tpu.memory_space<vmem>>, vector<1x16xf32>,
      %parallel_loop3A_461 = vector.shape_cast %parallel_loop3A_460 : vector<1x16xf32> to vector<16xf32>
      %parallel_loop3A_462 = vector.shape_cast %parallel_loop3A_457 : vector<16xf32> to vector<1x16xf32>
      tpu.vector_store %arg7[%parallel_loop3A_458, %parallel_loop3A_459], %parallel_loop3A_462 {add = true, strides = array<i32>} : memref<32x768xf32, #tpu.memory_space<vmem>>, vector<1x16xf32>,
    } {sc.loop_unroll_factor = 2 : i64, sc.parallel_access}
    %dma_start3A = arith.constant 0 : i32
    %dma_start3A_3 = arith.constant 0 : i32
    %dma_start3A_4 = arith.constant 0 : i32
    %dma_start3A_5 = arith.constant 0 : i32
    %dma_start3A_6 = tpu.memref_slice %arg6[%dma_start3A_3, %dma_start3A_4, %dma_start3A_5] : memref<4x32x768xf32, #tpu.memory_space<vmem>> -> memref<1x32x768xf32, #tpu.memory_space<vmem>>
    %dma_start3A_7 = tpu.memref_squeeze %dma_start3A_6 : memref<1x32x768xf32, #tpu.memory_space<vmem>> -> memref<32x768xf32, #tpu.memory_space<vmem>>
    %dma_start3A_8 = arith.constant 0 : i32
    %dma_start3A_9 = arith.constant 0 : i32
    %dma_start3A_10 = tpu.memref_slice %arg2[%dma_start3A, %add3A, %dma_start3A_8, %dma_start3A_9] : memref<64x32x32x768xf32, #tpu.memory_space<hbm>> -> memref<1x1x32x768xf32, #tpu.memory_space<hbm>>
    %dma_start3A_11 = tpu.memref_squeeze %dma_start3A_10 : memref<1x1x32x768xf32, #tpu.memory_space<hbm>> -> memref<32x768xf32, #tpu.memory_space<hbm>>
    %dma_start3A_12 = arith.constant 0 : i32
    %dma_start3A_13 = arith.constant 0 : i32
    %dma_start3A_14 = tpu.memref_slice %arg6[%dma_start3A_3, %dma_start3A_12, %dma_start3A_13] : memref<4x32x768xf32, #tpu.memory_space<vmem>> -> memref<1x32x768xf32, #tpu.memory_space<vmem>>
    %dma_start3A_15 = tpu.memref_squeeze %dma_start3A_14 : memref<1x32x768xf32, #tpu.memory_space<vmem>> -> memref<32x768xf32, #tpu.memory_space<vmem>>
    %dma_start3A_16 = arith.constant 0 : i32
    %dma_start3A_17 = arith.constant 0 : i32
    %dma_start3A_18 = tpu.memref_slice %arg2[%dma_start3A, %add3A, %dma_start3A_16, %dma_start3A_17] : memref<64x32x32x768xf32, #tpu.memory_space<hbm>> -> memref<1x1x32x768xf32, #tpu.memory_space<hbm>>
    %dma_start3A_19 = tpu.memref_squeeze %dma_start3A_18 : memref<1x1x32x768xf32, #tpu.memory_space<hbm>> -> memref<32x768xf32, #tpu.memory_space<hbm>>
    tpu.enqueue_dma source(%dma_start3A_19 : memref<32x768xf32, #tpu.memory_space<hbm>>) target(%dma_start3A_15 : memref<32x768xf32, #tpu.memory_space<vmem>>) target_semaphore(%arg9 : memref<!tpu.dma_semaphore, #tpu.memory_space<semaphore_mem>>)
    %dma_start3A_20 = arith.constant 1 : i32
    %dma_start3A_21 = arith.constant 1 : i32
    %dma_start3A_22 = arith.constant 0 : i32
    %dma_start3A_23 = arith.constant 0 : i32
    %dma_start3A_24 = tpu.memref_slice %arg6[%dma_start3A_21, %dma_start3A_22, %dma_start3A_23] : memref<4x32x768xf32, #tpu.memory_space<vmem>> -> memref<1x32x768xf32, #tpu.memory_space<vmem>>
    %dma_start3A_25 = tpu.memref_squeeze %dma_start3A_24 : memref<1x32x768xf32, #tpu.memory_space<vmem>> -> memref<32x768xf32, #tpu.memory_space<vmem>>
    %dma_start3A_26 = arith.constant 0 : i32
    %dma_start3A_27 = arith.constant 0 : i32
    %dma_start3A_28 = tpu.memref_slice %arg2[%dma_start3A_20, %add3A, %dma_start3A_26, %dma_start3A_27] : memref<64x32x32x768xf32, #tpu.memory_space<hbm>> -> memref<1x1x32x768xf32, #tpu.memory_space<hbm>>
    %dma_start3A_29 = tpu.memref_squeeze %dma_start3A_28 : memref<1x1x32x768xf32, #tpu.memory_space<hbm>> -> memref<32x768xf32, #tpu.memory_space<hbm>>
    %dma_start3A_30 = arith.constant 0 : i32
    %dma_start3A_31 = arith.constant 0 : i32
    %dma_start3A_32 = tpu.memref_slice %arg6[%dma_start3A_21, %dma_start3A_30, %dma_start3A_31] : memref<4x32x768xf32, #tpu.memory_space<vmem>> -> memref<1x32x768xf32, #tpu.memory_space<vmem>>
    %dma_start3A_33 = tpu.memref_squeeze %dma_start3A_32 : memref<1x32x768xf32, #tpu.memory_space<vmem>> -> memref<32x768xf32, #tpu.memory_space<vmem>>
    %dma_start3A_34 = arith.constant 0 : i32
    %dma_start3A_35 = arith.constant 0 : i32
    %dma_start3A_36 = tpu.memref_slice %arg2[%dma_start3A_20, %add3A, %dma_start3A_34, %dma_start3A_35] : memref<64x32x32x768xf32, #tpu.memory_space<hbm>> -> memref<1x1x32x768xf32, #tpu.memory_space<hbm>>
    %dma_start3A_37 = tpu.memref_squeeze %dma_start3A_36 : memref<1x1x32x768xf32, #tpu.memory_space<hbm>> -> memref<32x768xf32, #tpu.memory_space<hbm>>
    tpu.enqueue_dma source(%dma_start3A_37 : memref<32x768xf32, #tpu.memory_space<hbm>>) target(%dma_start3A_33 : memref<32x768xf32, #tpu.memory_space<vmem>>) target_semaphore(%arg10 : memref<!tpu.dma_semaphore, #tpu.memory_space<semaphore_mem>>)
    %scan3A = arith.constant 0 : i32
    %scan3A_38 = arith.constant 0 : i32
    %scan3A_39 = arith.constant 16 : i32
    %scan3A_40 = arith.addi %scan3A_38, %scan3A_39 : i32
    %scan3A_41 = arith.constant 1 : i32
    scf.for %scan3A_78 = %scan3A_38 to %scan3A_40 step %scan3A_41  : i32 {
      %mul3A_79 = arith.constant 4 : i32
      %mul3A_80 = arith.muli %mul3A_79, %scan3A_78 : i32
      %add3A_81 = arith.constant 0 : i32
      %add3A_82 = arith.addi %mul3A_80, %add3A_81 : i32
      %dma_wait3A_83 = arith.constant 0 : i32
      %dma_wait3A_84 = arith.constant 0 : i32
      %dma_wait3A_85 = arith.constant 0 : i32
      %dma_wait3A_86 = tpu.memref_slice %arg6[%dma_wait3A_83, %dma_wait3A_84, %dma_wait3A_85] : memref<4x32x768xf32, #tpu.memory_space<vmem>> -> memref<1x32x768xf32, #tpu.memory_space<vmem>>
      %dma_wait3A_87 = tpu.memref_squeeze %dma_wait3A_86 : memref<1x32x768xf32, #tpu.memory_space<vmem>> -> memref<32x768xf32, #tpu.memory_space<vmem>>
      %dma_wait3A_88 = arith.constant 0 : i32
      %dma_wait3A_89 = arith.constant 0 : i32
      %dma_wait3A_90 = tpu.memref_slice %arg2[%add3A_82, %add3A, %dma_wait3A_88, %dma_wait3A_89] : memref<64x32x32x768xf32, #tpu.memory_space<hbm>> -> memref<1x1x32x768xf32, #tpu.memory_space<hbm>>
      %dma_wait3A_91 = tpu.memref_squeeze %dma_wait3A_90 : memref<1x1x32x768xf32, #tpu.memory_space<hbm>> -> memref<32x768xf32, #tpu.memory_space<hbm>>
      %dma_wait3A_92 = arith.constant 0 : i32
      %dma_wait3A_93 = arith.constant 0 : i32
      %dma_wait3A_94 = tpu.memref_slice %arg6[%dma_wait3A_83, %dma_wait3A_92, %dma_wait3A_93] : memref<4x32x768xf32, #tpu.memory_space<vmem>> -> memref<1x32x768xf32, #tpu.memory_space<vmem>>
      %dma_wait3A_95 = tpu.memref_squeeze %dma_wait3A_94 : memref<1x32x768xf32, #tpu.memory_space<vmem>> -> memref<32x768xf32, #tpu.memory_space<vmem>>
      %dma_wait3A_96 = arith.constant 0 : i32
      %dma_wait3A_97 = arith.constant 0 : i32
      %dma_wait3A_98 = tpu.memref_slice %arg2[%add3A_82, %add3A, %dma_wait3A_96, %dma_wait3A_97] : memref<64x32x32x768xf32, #tpu.memory_space<hbm>> -> memref<1x1x32x768xf32, #tpu.memory_space<hbm>>
      %dma_wait3A_99 = tpu.memref_squeeze %dma_wait3A_98 : memref<1x1x32x768xf32, #tpu.memory_space<hbm>> -> memref<32x768xf32, #tpu.memory_space<hbm>>
      tpu.wait_dma2 semaphore(%arg9 : memref<!tpu.dma_semaphore, #tpu.memory_space<semaphore_mem>>) src(%dma_wait3A_99 : memref<32x768xf32, #tpu.memory_space<hbm>>) dst(%dma_wait3A_95 : memref<32x768xf32, #tpu.memory_space<vmem>>)
      %add3A_100 = arith.constant 1 : i32
      %add3A_101 = arith.addi %add3A_82, %add3A_100 : i32
      %dma_wait3A_102 = arith.constant 1 : i32
      %dma_wait3A_103 = arith.constant 0 : i32
      %dma_wait3A_104 = arith.constant 0 : i32
      %dma_wait3A_105 = tpu.memref_slice %arg6[%dma_wait3A_102, %dma_wait3A_103, %dma_wait3A_104] : memref<4x32x768xf32, #tpu.memory_space<vmem>> -> memref<1x32x768xf32, #tpu.memory_space<vmem>>
      %dma_wait3A_106 = tpu.memref_squeeze %dma_wait3A_105 : memref<1x32x768xf32, #tpu.memory_space<vmem>> -> memref<32x768xf32, #tpu.memory_space<vmem>>
      %dma_wait3A_107 = arith.constant 0 : i32
      %dma_wait3A_108 = arith.constant 0 : i32
      %dma_wait3A_109 = tpu.memref_slice %arg2[%add3A_101, %add3A, %dma_wait3A_107, %dma_wait3A_108] : memref<64x32x32x768xf32, #tpu.memory_space<hbm>> -> memref<1x1x32x768xf32, #tpu.memory_space<hbm>>
      %dma_wait3A_110 = tpu.memref_squeeze %dma_wait3A_109 : memref<1x1x32x768xf32, #tpu.memory_space<hbm>> -> memref<32x768xf32, #tpu.memory_space<hbm>>
      %dma_wait3A_111 = arith.constant 0 : i32
      %dma_wait3A_112 = arith.constant 0 : i32
      %dma_wait3A_113 = tpu.memref_slice %arg6[%dma_wait3A_102, %dma_wait3A_111, %dma_wait3A_112] : memref<4x32x768xf32, #tpu.memory_space<vmem>> -> memref<1x32x768xf32, #tpu.memory_space<vmem>>
      %dma_wait3A_114 = tpu.memref_squeeze %dma_wait3A_113 : memref<1x32x768xf32, #tpu.memory_space<vmem>> -> memref<32x768xf32, #tpu.memory_space<vmem>>
      %dma_wait3A_115 = arith.constant 0 : i32
      %dma_wait3A_116 = arith.constant 0 : i32
      %dma_wait3A_117 = tpu.memref_slice %arg2[%add3A_101, %add3A, %dma_wait3A_115, %dma_wait3A_116] : memref<64x32x32x768xf32, #tpu.memory_space<hbm>> -> memref<1x1x32x768xf32, #tpu.memory_space<hbm>>
      %dma_wait3A_118 = tpu.memref_squeeze %dma_wait3A_117 : memref<1x1x32x768xf32, #tpu.memory_space<hbm>> -> memref<32x768xf32, #tpu.memory_space<hbm>>
      tpu.wait_dma2 semaphore(%arg10 : memref<!tpu.dma_semaphore, #tpu.memory_space<semaphore_mem>>) src(%dma_wait3A_118 : memref<32x768xf32, #tpu.memory_space<hbm>>) dst(%dma_wait3A_114 : memref<32x768xf32, #tpu.memory_space<vmem>>)
      %gt3A = arith.constant 0 : i32
      %gt3A_119 = arith.cmpi sgt, %scan3A_78, %gt3A : i32
      %convert_element_type3A = arith.extui %gt3A_119 : i1 to i32
      %cond3A = arith.constant 0 : i32
      %cond3A_120 = arith.cmpi ne, %convert_element_type3A, %cond3A : i32
      scf.if %cond3A_120 {
        %sub3A_289 = arith.constant 2 : i32
        %sub3A_290 = arith.subi %add3A_82, %sub3A_289 : i32
        %dma_wait3A_291 = arith.constant 2 : i32
        %dma_wait3A_292 = arith.constant 0 : i32
        %dma_wait3A_293 = arith.constant 0 : i32
        %dma_wait3A_294 = tpu.memref_slice %arg6[%dma_wait3A_291, %dma_wait3A_292, %dma_wait3A_293] : memref<4x32x768xf32, #tpu.memory_space<vmem>> -> memref<1x32x768xf32, #tpu.memory_space<vmem>>
        %dma_wait3A_295 = tpu.memref_squeeze %dma_wait3A_294 : memref<1x32x768xf32, #tpu.memory_space<vmem>> -> memref<32x768xf32, #tpu.memory_space<vmem>>
        %dma_wait3A_296 = arith.constant 0 : i32
        %dma_wait3A_297 = arith.constant 0 : i32
        %dma_wait3A_298 = tpu.memref_slice %arg5[%sub3A_290, %add3A, %dma_wait3A_296, %dma_wait3A_297] : memref<64x32x32x768xf32, #tpu.memory_space<hbm>> -> memref<1x1x32x768xf32, #tpu.memory_space<hbm>>
        %dma_wait3A_299 = tpu.memref_squeeze %dma_wait3A_298 : memref<1x1x32x768xf32, #tpu.memory_space<hbm>> -> memref<32x768xf32, #tpu.memory_space<hbm>>
        %dma_wait3A_300 = arith.constant 0 : i32
        %dma_wait3A_301 = arith.constant 0 : i32
        %dma_wait3A_302 = tpu.memref_slice %arg5[%sub3A_290, %add3A, %dma_wait3A_300, %dma_wait3A_301] : memref<64x32x32x768xf32, #tpu.memory_space<hbm>> -> memref<1x1x32x768xf32, #tpu.memory_space<hbm>>
        %dma_wait3A_303 = tpu.memref_squeeze %dma_wait3A_302 : memref<1x1x32x768xf32, #tpu.memory_space<hbm>> -> memref<32x768xf32, #tpu.memory_space<hbm>>
        %dma_wait3A_304 = arith.constant 0 : i32
        %dma_wait3A_305 = arith.constant 0 : i32
        %dma_wait3A_306 = tpu.memref_slice %arg6[%dma_wait3A_291, %dma_wait3A_304, %dma_wait3A_305] : memref<4x32x768xf32, #tpu.memory_space<vmem>> -> memref<1x32x768xf32, #tpu.memory_space<vmem>>
        %dma_wait3A_307 = tpu.memref_squeeze %dma_wait3A_306 : memref<1x32x768xf32, #tpu.memory_space<vmem>> -> memref<32x768xf32, #tpu.memory_space<vmem>>
        tpu.wait_dma2 semaphore(%arg15 : memref<!tpu.dma_semaphore, #tpu.memory_space<semaphore_mem>>) src(%dma_wait3A_307 : memref<32x768xf32, #tpu.memory_space<vmem>>) dst(%dma_wait3A_303 : memref<32x768xf32, #tpu.memory_space<hbm>>)
        %sub3A_308 = arith.constant 1 : i32
        %sub3A_309 = arith.subi %add3A_82, %sub3A_308 : i32
        %dma_wait3A_310 = arith.constant 3 : i32
        %dma_wait3A_311 = arith.constant 0 : i32
        %dma_wait3A_312 = arith.constant 0 : i32
        %dma_wait3A_313 = tpu.memref_slice %arg6[%dma_wait3A_310, %dma_wait3A_311, %dma_wait3A_312] : memref<4x32x768xf32, #tpu.memory_space<vmem>> -> memref<1x32x768xf32, #tpu.memory_space<vmem>>
        %dma_wait3A_314 = tpu.memref_squeeze %dma_wait3A_313 : memref<1x32x768xf32, #tpu.memory_space<vmem>> -> memref<32x768xf32, #tpu.memory_space<vmem>>
        %dma_wait3A_315 = arith.constant 0 : i32
        %dma_wait3A_316 = arith.constant 0 : i32
        %dma_wait3A_317 = tpu.memref_slice %arg5[%sub3A_309, %add3A, %dma_wait3A_315, %dma_wait3A_316] : memref<64x32x32x768xf32, #tpu.memory_space<hbm>> -> memref<1x1x32x768xf32, #tpu.memory_space<hbm>>
        %dma_wait3A_318 = tpu.memref_squeeze %dma_wait3A_317 : memref<1x1x32x768xf32, #tpu.memory_space<hbm>> -> memref<32x768xf32, #tpu.memory_space<hbm>>
        %dma_wait3A_319 = arith.constant 0 : i32
        %dma_wait3A_320 = arith.constant 0 : i32
        %dma_wait3A_321 = tpu.memref_slice %arg5[%sub3A_309, %add3A, %dma_wait3A_319, %dma_wait3A_320] : memref<64x32x32x768xf32, #tpu.memory_space<hbm>> -> memref<1x1x32x768xf32, #tpu.memory_space<hbm>>
        %dma_wait3A_322 = tpu.memref_squeeze %dma_wait3A_321 : memref<1x1x32x768xf32, #tpu.memory_space<hbm>> -> memref<32x768xf32, #tpu.memory_space<hbm>>
        %dma_wait3A_323 = arith.constant 0 : i32
        %dma_wait3A_324 = arith.constant 0 : i32
        %dma_wait3A_325 = tpu.memref_slice %arg6[%dma_wait3A_310, %dma_wait3A_323, %dma_wait3A_324] : memref<4x32x768xf32, #tpu.memory_space<vmem>> -> memref<1x32x768xf32, #tpu.memory_space<vmem>>
        %dma_wait3A_326 = tpu.memref_squeeze %dma_wait3A_325 : memref<1x32x768xf32, #tpu.memory_space<vmem>> -> memref<32x768xf32, #tpu.memory_space<vmem>>
        tpu.wait_dma2 semaphore(%arg16 : memref<!tpu.dma_semaphore, #tpu.memory_space<semaphore_mem>>) src(%dma_wait3A_326 : memref<32x768xf32, #tpu.memory_space<vmem>>) dst(%dma_wait3A_322 : memref<32x768xf32, #tpu.memory_space<hbm>>)
      } else {
      }
      %add3A_121 = arith.constant 2 : i32
      %add3A_122 = arith.addi %add3A_82, %add3A_121 : i32
      %lt3A = arith.constant 64 : i32
      %lt3A_123 = arith.cmpi slt, %add3A_122, %lt3A : i32
      %convert_element_type3A_124 = arith.extui %lt3A_123 : i1 to i32
      %cond3A_125 = arith.constant 0 : i32
      %cond3A_126 = arith.cmpi ne, %convert_element_type3A_124, %cond3A_125 : i32
      scf.if %cond3A_126 {
        %add3A_289 = arith.constant 2 : i32
        %add3A_290 = arith.addi %add3A_82, %add3A_289 : i32
        %dma_start3A_291 = arith.constant 2 : i32
        %dma_start3A_292 = arith.constant 0 : i32
        %dma_start3A_293 = arith.constant 0 : i32
        %dma_start3A_294 = tpu.memref_slice %arg6[%dma_start3A_291, %dma_start3A_292, %dma_start3A_293] : memref<4x32x768xf32, #tpu.memory_space<vmem>> -> memref<1x32x768xf32, #tpu.memory_space<vmem>>
        %dma_start3A_295 = tpu.memref_squeeze %dma_start3A_294 : memref<1x32x768xf32, #tpu.memory_space<vmem>> -> memref<32x768xf32, #tpu.memory_space<vmem>>
        %dma_start3A_296 = arith.constant 0 : i32
        %dma_start3A_297 = arith.constant 0 : i32
        %dma_start3A_298 = tpu.memref_slice %arg2[%add3A_290, %add3A, %dma_start3A_296, %dma_start3A_297] : memref<64x32x32x768xf32, #tpu.memory_space<hbm>> -> memref<1x1x32x768xf32, #tpu.memory_space<hbm>>
        %dma_start3A_299 = tpu.memref_squeeze %dma_start3A_298 : memref<1x1x32x768xf32, #tpu.memory_space<hbm>> -> memref<32x768xf32, #tpu.memory_space<hbm>>
        %dma_start3A_300 = arith.constant 0 : i32
        %dma_start3A_301 = arith.constant 0 : i32
        %dma_start3A_302 = tpu.memref_slice %arg6[%dma_start3A_291, %dma_start3A_300, %dma_start3A_301] : memref<4x32x768xf32, #tpu.memory_space<vmem>> -> memref<1x32x768xf32, #tpu.memory_space<vmem>>
        %dma_start3A_303 = tpu.memref_squeeze %dma_start3A_302 : memref<1x32x768xf32, #tpu.memory_space<vmem>> -> memref<32x768xf32, #tpu.memory_space<vmem>>
        %dma_start3A_304 = arith.constant 0 : i32
        %dma_start3A_305 = arith.constant 0 : i32
        %dma_start3A_306 = tpu.memref_slice %arg2[%add3A_290, %add3A, %dma_start3A_304, %dma_start3A_305] : memref<64x32x32x768xf32, #tpu.memory_space<hbm>> -> memref<1x1x32x768xf32, #tpu.memory_space<hbm>>
        %dma_start3A_307 = tpu.memref_squeeze %dma_start3A_306 : memref<1x1x32x768xf32, #tpu.memory_space<hbm>> -> memref<32x768xf32, #tpu.memory_space<hbm>>
        tpu.enqueue_dma source(%dma_start3A_307 : memref<32x768xf32, #tpu.memory_space<hbm>>) target(%dma_start3A_303 : memref<32x768xf32, #tpu.memory_space<vmem>>) target_semaphore(%arg11 : memref<!tpu.dma_semaphore, #tpu.memory_space<semaphore_mem>>)
        %add3A_308 = arith.constant 3 : i32
        %add3A_309 = arith.addi %add3A_82, %add3A_308 : i32
        %dma_start3A_310 = arith.constant 3 : i32
        %dma_start3A_311 = arith.constant 0 : i32
        %dma_start3A_312 = arith.constant 0 : i32
        %dma_start3A_313 = tpu.memref_slice %arg6[%dma_start3A_310, %dma_start3A_311, %dma_start3A_312] : memref<4x32x768xf32, #tpu.memory_space<vmem>> -> memref<1x32x768xf32, #tpu.memory_space<vmem>>
        %dma_start3A_314 = tpu.memref_squeeze %dma_start3A_313 : memref<1x32x768xf32, #tpu.memory_space<vmem>> -> memref<32x768xf32, #tpu.memory_space<vmem>>
        %dma_start3A_315 = arith.constant 0 : i32
        %dma_start3A_316 = arith.constant 0 : i32
        %dma_start3A_317 = tpu.memref_slice %arg2[%add3A_309, %add3A, %dma_start3A_315, %dma_start3A_316] : memref<64x32x32x768xf32, #tpu.memory_space<hbm>> -> memref<1x1x32x768xf32, #tpu.memory_space<hbm>>
        %dma_start3A_318 = tpu.memref_squeeze %dma_start3A_317 : memref<1x1x32x768xf32, #tpu.memory_space<hbm>> -> memref<32x768xf32, #tpu.memory_space<hbm>>
        %dma_start3A_319 = arith.constant 0 : i32
        %dma_start3A_320 = arith.constant 0 : i32
        %dma_start3A_321 = tpu.memref_slice %arg6[%dma_start3A_310, %dma_start3A_319, %dma_start3A_320] : memref<4x32x768xf32, #tpu.memory_space<vmem>> -> memref<1x32x768xf32, #tpu.memory_space<vmem>>
        %dma_start3A_322 = tpu.memref_squeeze %dma_start3A_321 : memref<1x32x768xf32, #tpu.memory_space<vmem>> -> memref<32x768xf32, #tpu.memory_space<vmem>>
        %dma_start3A_323 = arith.constant 0 : i32
        %dma_start3A_324 = arith.constant 0 : i32
        %dma_start3A_325 = tpu.memref_slice %arg2[%add3A_309, %add3A, %dma_start3A_323, %dma_start3A_324] : memref<64x32x32x768xf32, #tpu.memory_space<hbm>> -> memref<1x1x32x768xf32, #tpu.memory_space<hbm>>
        %dma_start3A_326 = tpu.memref_squeeze %dma_start3A_325 : memref<1x1x32x768xf32, #tpu.memory_space<hbm>> -> memref<32x768xf32, #tpu.memory_space<hbm>>
        tpu.enqueue_dma source(%dma_start3A_326 : memref<32x768xf32, #tpu.memory_space<hbm>>) target(%dma_start3A_322 : memref<32x768xf32, #tpu.memory_space<vmem>>) target_semaphore(%arg12 : memref<!tpu.dma_semaphore, #tpu.memory_space<semaphore_mem>>)
      } else {
      }
      %parallel_loop3A_127 = arith.constant 0 : i32
      %parallel_loop3A_128 = arith.constant 32 : i32
      %parallel_loop3A_129 = arith.constant 1 : i32
      scf.for %parallel_loop3A_289 = %parallel_loop3A_127 to %parallel_loop3A_128 step %parallel_loop3A_129  : i32 {
        %parallel_loop3A_290 = arith.index_cast %parallel_loop3A_289 : i32 to index
        %parallel_loop3A_291 = arith.constant 0 : index
        %parallel_loop3A_292 = tpu.vector_load %arg7[%parallel_loop3A_290, %parallel_loop3A_291] {strides = array<i32>} : memref<32x768xf32, #tpu.memory_space<vmem>>, vector<1x16xf32>,
        %parallel_loop3A_293 = vector.shape_cast %parallel_loop3A_292 : vector<1x16xf32> to vector<16xf32>
        %parallel_loop3A_294 = arith.constant 0 : i32
        %parallel_loop3A_295 = arith.index_cast %parallel_loop3A_294 : i32 to index
        %parallel_loop3A_296 = arith.index_cast %parallel_loop3A_289 : i32 to index
        %parallel_loop3A_297 = arith.constant 0 : index
        %parallel_loop3A_298 = tpu.vector_load %arg6[%parallel_loop3A_295, %parallel_loop3A_296, %parallel_loop3A_297] {strides = array<i32>} : memref<4x32x768xf32, #tpu.memory_space<vmem>>, vector<1x1x16xf32>,
        %parallel_loop3A_299 = vector.shape_cast %parallel_loop3A_298 : vector<1x1x16xf32> to vector<16xf32>
        %parallel_loop3A_300 = vector.shape_cast %parallel_loop3A_293 : vector<16xf32> to vector<1x1x16xf32>
        tpu.vector_store %arg6[%parallel_loop3A_295, %parallel_loop3A_296, %parallel_loop3A_297], %parallel_loop3A_300 {add = true, strides = array<i32>} : memref<4x32x768xf32, #tpu.memory_space<vmem>>, vector<1x1x16xf32>,
        %parallel_loop3A_301 = arith.constant 1 : i32
        %parallel_loop3A_302 = arith.index_cast %parallel_loop3A_301 : i32 to index
        %parallel_loop3A_303 = arith.index_cast %parallel_loop3A_289 : i32 to index
        %parallel_loop3A_304 = arith.constant 0 : index
        %parallel_loop3A_305 = tpu.vector_load %arg6[%parallel_loop3A_302, %parallel_loop3A_303, %parallel_loop3A_304] {strides = array<i32>} : memref<4x32x768xf32, #tpu.memory_space<vmem>>, vector<1x1x16xf32>,
        %parallel_loop3A_306 = vector.shape_cast %parallel_loop3A_305 : vector<1x1x16xf32> to vector<16xf32>
        %parallel_loop3A_307 = vector.shape_cast %parallel_loop3A_293 : vector<16xf32> to vector<1x1x16xf32>
        tpu.vector_store %arg6[%parallel_loop3A_302, %parallel_loop3A_303, %parallel_loop3A_304], %parallel_loop3A_307 {add = true, strides = array<i32>} : memref<4x32x768xf32, #tpu.memory_space<vmem>>, vector<1x1x16xf32>,
        %parallel_loop3A_308 = arith.index_cast %parallel_loop3A_289 : i32 to index
        %parallel_loop3A_309 = arith.constant 16 : index
        %parallel_loop3A_310 = tpu.vector_load %arg7[%parallel_loop3A_308, %parallel_loop3A_309] {strides = array<i32>} : memref<32x768xf32, #tpu.memory_space<vmem>>, vector<1x16xf32>,
        %parallel_loop3A_311 = vector.shape_cast %parallel_loop3A_310 : vector<1x16xf32> to vector<16xf32>
        %parallel_loop3A_312 = arith.constant 0 : i32
        %parallel_loop3A_313 = arith.index_cast %parallel_loop3A_312 : i32 to index
        %parallel_loop3A_314 = arith.index_cast %parallel_loop3A_289 : i32 to index
        %parallel_loop3A_315 = arith.constant 16 : index
        %parallel_loop3A_316 = tpu.vector_load %arg6[%parallel_loop3A_313, %parallel_loop3A_314, %parallel_loop3A_315] {strides = array<i32>} : memref<4x32x768xf32, #tpu.memory_space<vmem>>, vector<1x1x16xf32>,
        %parallel_loop3A_317 = vector.shape_cast %parallel_loop3A_316 : vector<1x1x16xf32> to vector<16xf32>
        %parallel_loop3A_318 = vector.shape_cast %parallel_loop3A_311 : vector<16xf32> to vector<1x1x16xf32>
        tpu.vector_store %arg6[%parallel_loop3A_313, %parallel_loop3A_314, %parallel_loop3A_315], %parallel_loop3A_318 {add = true, strides = array<i32>} : memref<4x32x768xf32, #tpu.memory_space<vmem>>, vector<1x1x16xf32>,
        %parallel_loop3A_319 = arith.constant 1 : i32
        %parallel_loop3A_320 = arith.index_cast %parallel_loop3A_319 : i32 to index
        %parallel_loop3A_321 = arith.index_cast %parallel_loop3A_289 : i32 to index
        %parallel_loop3A_322 = arith.constant 16 : index
        %parallel_loop3A_323 = tpu.vector_load %arg6[%parallel_loop3A_320, %parallel_loop3A_321, %parallel_loop3A_322] {strides = array<i32>} : memref<4x32x768xf32, #tpu.memory_space<vmem>>, vector<1x1x16xf32>,
        %parallel_loop3A_324 = vector.shape_cast %parallel_loop3A_323 : vector<1x1x16xf32> to vector<16xf32>
        %parallel_loop3A_325 = vector.shape_cast %parallel_loop3A_311 : vector<16xf32> to vector<1x1x16xf32>
        tpu.vector_store %arg6[%parallel_loop3A_320, %parallel_loop3A_321, %parallel_loop3A_322], %parallel_loop3A_325 {add = true, strides = array<i32>} : memref<4x32x768xf32, #tpu.memory_space<vmem>>, vector<1x1x16xf32>,
        %parallel_loop3A_326 = arith.index_cast %parallel_loop3A_289 : i32 to index
        %parallel_loop3A_327 = arith.constant 32 : index
        %parallel_loop3A_328 = tpu.vector_load %arg7[%parallel_loop3A_326, %parallel_loop3A_327] {strides = array<i32>} : memref<32x768xf32, #tpu.memory_space<vmem>>, vector<1x16xf32>,
        %parallel_loop3A_329 = vector.shape_cast %parallel_loop3A_328 : vector<1x16xf32> to vector<16xf32>
        %parallel_loop3A_330 = arith.constant 0 : i32
        %parallel_loop3A_331 = arith.index_cast %parallel_loop3A_330 : i32 to index
        %parallel_loop3A_332 = arith.index_cast %parallel_loop3A_289 : i32 to index
        %parallel_loop3A_333 = arith.constant 32 : index
        %parallel_loop3A_334 = tpu.vector_load %arg6[%parallel_loop3A_331, %parallel_loop3A_332, %parallel_loop3A_333] {strides = array<i32>} : memref<4x32x768xf32, #tpu.memory_space<vmem>>, vector<1x1x16xf32>,
        %parallel_loop3A_335 = vector.shape_cast %parallel_loop3A_334 : vector<1x1x16xf32> to vector<16xf32>
        %parallel_loop3A_336 = vector.shape_cast %parallel_loop3A_329 : vector<16xf32> to vector<1x1x16xf32>
        tpu.vector_store %arg6[%parallel_loop3A_331, %parallel_loop3A_332, %parallel_loop3A_333], %parallel_loop3A_336 {add = true, strides = array<i32>} : memref<4x32x768xf32, #tpu.memory_space<vmem>>, vector<1x1x16xf32>,
        %parallel_loop3A_337 = arith.constant 1 : i32
        %parallel_loop3A_338 = arith.index_cast %parallel_loop3A_337 : i32 to index
        %parallel_loop3A_339 = arith.index_cast %parallel_loop3A_289 : i32 to index
        %parallel_loop3A_340 = arith.constant 32 : index
        %parallel_loop3A_341 = tpu.vector_load %arg6[%parallel_loop3A_338, %parallel_loop3A_339, %parallel_loop3A_340] {strides = array<i32>} : memref<4x32x768xf32, #tpu.memory_space<vmem>>, vector<1x1x16xf32>,
        %parallel_loop3A_342 = vector.shape_cast %parallel_loop3A_341 : vector<1x1x16xf32> to vector<16xf32>
        %parallel_loop3A_343 = vector.shape_cast %parallel_loop3A_329 : vector<16xf32> to vector<1x1x16xf32>
        tpu.vector_store %arg6[%parallel_loop3A_338, %parallel_loop3A_339, %parallel_loop3A_340], %parallel_loop3A_343 {add = true, strides = array<i32>} : memref<4x32x768xf32, #tpu.memory_space<vmem>>, vector<1x1x16xf32>,
        %parallel_loop3A_344 = arith.index_cast %parallel_loop3A_289 : i32 to index
        %parallel_loop3A_345 = arith.constant 48 : index
        %parallel_loop3A_346 = tpu.vector_load %arg7[%parallel_loop3A_344, %parallel_loop3A_345] {strides = array<i32>} : memref<32x768xf32, #tpu.memory_space<vmem>>, vector<1x16xf32>,
        %parallel_loop3A_347 = vector.shape_cast %parallel_loop3A_346 : vector<1x16xf32> to vector<16xf32>
        %parallel_loop3A_348 = arith.constant 0 : i32
        %parallel_loop3A_349 = arith.index_cast %parallel_loop3A_348 : i32 to index
        %parallel_loop3A_350 = arith.index_cast %parallel_loop3A_289 : i32 to index
        %parallel_loop3A_351 = arith.constant 48 : index
        %parallel_loop3A_352 = tpu.vector_load %arg6[%parallel_loop3A_349, %parallel_loop3A_350, %parallel_loop3A_351] {strides = array<i32>} : memref<4x32x768xf32, #tpu.memory_space<vmem>>, vector<1x1x16xf32>,
        %parallel_loop3A_353 = vector.shape_cast %parallel_loop3A_352 : vector<1x1x16xf32> to vector<16xf32>
        %parallel_loop3A_354 = vector.shape_cast %parallel_loop3A_347 : vector<16xf32> to vector<1x1x16xf32>
        tpu.vector_store %arg6[%parallel_loop3A_349, %parallel_loop3A_350, %parallel_loop3A_351], %parallel_loop3A_354 {add = true, strides = array<i32>} : memref<4x32x768xf32, #tpu.memory_space<vmem>>, vector<1x1x16xf32>,
        %parallel_loop3A_355 = arith.constant 1 : i32
        %parallel_loop3A_356 = arith.index_cast %parallel_loop3A_355 : i32 to index
        %parallel_loop3A_357 = arith.index_cast %parallel_loop3A_289 : i32 to index
        %parallel_loop3A_358 = arith.constant 48 : index
        %parallel_loop3A_359 = tpu.vector_load %arg6[%parallel_loop3A_356, %parallel_loop3A_357, %parallel_loop3A_358] {strides = array<i32>} : memref<4x32x768xf32, #tpu.memory_space<vmem>>, vector<1x1x16xf32>,
        %parallel_loop3A_360 = vector.shape_cast %parallel_loop3A_359 : vector<1x1x16xf32> to vector<16xf32>
        %parallel_loop3A_361 = vector.shape_cast %parallel_loop3A_347 : vector<16xf32> to vector<1x1x16xf32>
        tpu.vector_store %arg6[%parallel_loop3A_356, %parallel_loop3A_357, %parallel_loop3A_358], %parallel_loop3A_361 {add = true, strides = array<i32>} : memref<4x32x768xf32, #tpu.memory_space<vmem>>, vector<1x1x16xf32>,
        %parallel_loop3A_362 = arith.index_cast %parallel_loop3A_289 : i32 to index
        %parallel_loop3A_363 = arith.constant 64 : index
        %parallel_loop3A_364 = tpu.vector_load %arg7[%parallel_loop3A_362, %parallel_loop3A_363] {strides = array<i32>} : memref<32x768xf32, #tpu.memory_space<vmem>>, vector<1x16xf32>,
        %parallel_loop3A_365 = vector.shape_cast %parallel_loop3A_364 : vector<1x16xf32> to vector<16xf32>
        %parallel_loop3A_366 = arith.constant 0 : i32
        %parallel_loop3A_367 = arith.index_cast %parallel_loop3A_366 : i32 to index
        %parallel_loop3A_368 = arith.index_cast %parallel_loop3A_289 : i32 to index
        %parallel_loop3A_369 = arith.constant 64 : index
        %parallel_loop3A_370 = tpu.vector_load %arg6[%parallel_loop3A_367, %parallel_loop3A_368, %parallel_loop3A_369] {strides = array<i32>} : memref<4x32x768xf32, #tpu.memory_space<vmem>>, vector<1x1x16xf32>,
        %parallel_loop3A_371 = vector.shape_cast %parallel_loop3A_370 : vector<1x1x16xf32> to vector<16xf32>
        %parallel_loop3A_372 = vector.shape_cast %parallel_loop3A_365 : vector<16xf32> to vector<1x1x16xf32>
        tpu.vector_store %arg6[%parallel_loop3A_367, %parallel_loop3A_368, %parallel_loop3A_369], %parallel_loop3A_372 {add = true, strides = array<i32>} : memref<4x32x768xf32, #tpu.memory_space<vmem>>, vector<1x1x16xf32>,
        %parallel_loop3A_373 = arith.constant 1 : i32
        %parallel_loop3A_374 = arith.index_cast %parallel_loop3A_373 : i32 to index
        %parallel_loop3A_375 = arith.index_cast %parallel_loop3A_289 : i32 to index
        %parallel_loop3A_376 = arith.constant 64 : index
        %parallel_loop3A_377 = tpu.vector_load %arg6[%parallel_loop3A_374, %parallel_loop3A_375, %parallel_loop3A_376] {strides = array<i32>} : memref<4x32x768xf32, #tpu.memory_space<vmem>>, vector<1x1x16xf32>,
        %parallel_loop3A_378 = vector.shape_cast %parallel_loop3A_377 : vector<1x1x16xf32> to vector<16xf32>
        %parallel_loop3A_379 = vector.shape_cast %parallel_loop3A_365 : vector<16xf32> to vector<1x1x16xf32>
        tpu.vector_store %arg6[%parallel_loop3A_374, %parallel_loop3A_375, %parallel_loop3A_376], %parallel_loop3A_379 {add = true, strides = array<i32>} : memref<4x32x768xf32, #tpu.memory_space<vmem>>, vector<1x1x16xf32>,
        %parallel_loop3A_380 = arith.index_cast %parallel_loop3A_289 : i32 to index
        %parallel_loop3A_381 = arith.constant 80 : index
        %parallel_loop3A_382 = tpu.vector_load %arg7[%parallel_loop3A_380, %parallel_loop3A_381] {strides = array<i32>} : memref<32x768xf32, #tpu.memory_space<vmem>>, vector<1x16xf32>,
        %parallel_loop3A_383 = vector.shape_cast %parallel_loop3A_382 : vector<1x16xf32> to vector<16xf32>
        %parallel_loop3A_384 = arith.constant 0 : i32
        %parallel_loop3A_385 = arith.index_cast %parallel_loop3A_384 : i32 to index
        %parallel_loop3A_386 = arith.index_cast %parallel_loop3A_289 : i32 to index
        %parallel_loop3A_387 = arith.constant 80 : index
        %parallel_loop3A_388 = tpu.vector_load %arg6[%parallel_loop3A_385, %parallel_loop3A_386, %parallel_loop3A_387] {strides = array<i32>} : memref<4x32x768xf32, #tpu.memory_space<vmem>>, vector<1x1x16xf32>,
        %parallel_loop3A_389 = vector.shape_cast %parallel_loop3A_388 : vector<1x1x16xf32> to vector<16xf32>
        %parallel_loop3A_390 = vector.shape_cast %parallel_loop3A_383 : vector<16xf32> to vector<1x1x16xf32>
        tpu.vector_store %arg6[%parallel_loop3A_385, %parallel_loop3A_386, %parallel_loop3A_387], %parallel_loop3A_390 {add = true, strides = array<i32>} : memref<4x32x768xf32, #tpu.memory_space<vmem>>, vector<1x1x16xf32>,
        %parallel_loop3A_391 = arith.constant 1 : i32
        %parallel_loop3A_392 = arith.index_cast %parallel_loop3A_391 : i32 to index
        %parallel_loop3A_393 = arith.index_cast %parallel_loop3A_289 : i32 to index
        %parallel_loop3A_394 = arith.constant 80 : index
        %parallel_loop3A_395 = tpu.vector_load %arg6[%parallel_loop3A_392, %parallel_loop3A_393, %parallel_loop3A_394] {strides = array<i32>} : memref<4x32x768xf32, #tpu.memory_space<vmem>>, vector<1x1x16xf32>,
        %parallel_loop3A_396 = vector.shape_cast %parallel_loop3A_395 : vector<1x1x16xf32> to vector<16xf32>
        %parallel_loop3A_397 = vector.shape_cast %parallel_loop3A_383 : vector<16xf32> to vector<1x1x16xf32>
        tpu.vector_store %arg6[%parallel_loop3A_392, %parallel_loop3A_393, %parallel_loop3A_394], %parallel_loop3A_397 {add = true, strides = array<i32>} : memref<4x32x768xf32, #tpu.memory_space<vmem>>, vector<1x1x16xf32>,
        %parallel_loop3A_398 = arith.index_cast %parallel_loop3A_289 : i32 to index
        %parallel_loop3A_399 = arith.constant 96 : index
        %parallel_loop3A_400 = tpu.vector_load %arg7[%parallel_loop3A_398, %parallel_loop3A_399] {strides = array<i32>} : memref<32x768xf32, #tpu.memory_space<vmem>>, vector<1x16xf32>,
        %parallel_loop3A_401 = vector.shape_cast %parallel_loop3A_400 : vector<1x16xf32> to vector<16xf32>
        %parallel_loop3A_402 = arith.constant 0 : i32
        %parallel_loop3A_403 = arith.index_cast %parallel_loop3A_402 : i32 to index
        %parallel_loop3A_404 = arith.index_cast %parallel_loop3A_289 : i32 to index
        %parallel_loop3A_405 = arith.constant 96 : index
        %parallel_loop3A_406 = tpu.vector_load %arg6[%parallel_loop3A_403, %parallel_loop3A_404, %parallel_loop3A_405] {strides = array<i32>} : memref<4x32x768xf32, #tpu.memory_space<vmem>>, vector<1x1x16xf32>,
        %parallel_loop3A_407 = vector.shape_cast %parallel_loop3A_406 : vector<1x1x16xf32> to vector<16xf32>
        %parallel_loop3A_408 = vector.shape_cast %parallel_loop3A_401 : vector<16xf32> to vector<1x1x16xf32>
        tpu.vector_store %arg6[%parallel_loop3A_403, %parallel_loop3A_404, %parallel_loop3A_405], %parallel_loop3A_408 {add = true, strides = array<i32>} : memref<4x32x768xf32, #tpu.memory_space<vmem>>, vector<1x1x16xf32>,
        %parallel_loop3A_409 = arith.constant 1 : i32
        %parallel_loop3A_410 = arith.index_cast %parallel_loop3A_409 : i32 to index
        %parallel_loop3A_411 = arith.index_cast %parallel_loop3A_289 : i32 to index
        %parallel_loop3A_412 = arith.constant 96 : index
        %parallel_loop3A_413 = tpu.vector_load %arg6[%parallel_loop3A_410, %parallel_loop3A_411, %parallel_loop3A_412] {strides = array<i32>} : memref<4x32x768xf32, #tpu.memory_space<vmem>>, vector<1x1x16xf32>,
        %parallel_loop3A_414 = vector.shape_cast %parallel_loop3A_413 : vector<1x1x16xf32> to vector<16xf32>
        %parallel_loop3A_415 = vector.shape_cast %parallel_loop3A_401 : vector<16xf32> to vector<1x1x16xf32>
        tpu.vector_store %arg6[%parallel_loop3A_410, %parallel_loop3A_411, %parallel_loop3A_412], %parallel_loop3A_415 {add = true, strides = array<i32>} : memref<4x32x768xf32, #tpu.memory_space<vmem>>, vector<1x1x16xf32>,
        %parallel_loop3A_416 = arith.index_cast %parallel_loop3A_289 : i32 to index
        %parallel_loop3A_417 = arith.constant 112 : index
        %parallel_loop3A_418 = tpu.vector_load %arg7[%parallel_loop3A_416, %parallel_loop3A_417] {strides = array<i32>} : memref<32x768xf32, #tpu.memory_space<vmem>>, vector<1x16xf32>,
        %parallel_loop3A_419 = vector.shape_cast %parallel_loop3A_418 : vector<1x16xf32> to vector<16xf32>
        %parallel_loop3A_420 = arith.constant 0 : i32
        %parallel_loop3A_421 = arith.index_cast %parallel_loop3A_420 : i32 to index
        %parallel_loop3A_422 = arith.index_cast %parallel_loop3A_289 : i32 to index
        %parallel_loop3A_423 = arith.constant 112 : index
        %parallel_loop3A_424 = tpu.vector_load %arg6[%parallel_loop3A_421, %parallel_loop3A_422, %parallel_loop3A_423] {strides = array<i32>} : memref<4x32x768xf32, #tpu.memory_space<vmem>>, vector<1x1x16xf32>,
        %parallel_loop3A_425 = vector.shape_cast %parallel_loop3A_424 : vector<1x1x16xf32> to vector<16xf32>
        %parallel_loop3A_426 = vector.shape_cast %parallel_loop3A_419 : vector<16xf32> to vector<1x1x16xf32>
        tpu.vector_store %arg6[%parallel_loop3A_421, %parallel_loop3A_422, %parallel_loop3A_423], %parallel_loop3A_426 {add = true, strides = array<i32>} : memref<4x32x768xf32, #tpu.memory_space<vmem>>, vector<1x1x16xf32>,
        %parallel_loop3A_427 = arith.constant 1 : i32
        %parallel_loop3A_428 = arith.index_cast %parallel_loop3A_427 : i32 to index
        %parallel_loop3A_429 = arith.index_cast %parallel_loop3A_289 : i32 to index
        %parallel_loop3A_430 = arith.constant 112 : index
        %parallel_loop3A_431 = tpu.vector_load %arg6[%parallel_loop3A_428, %parallel_loop3A_429, %parallel_loop3A_430] {strides = array<i32>} : memref<4x32x768xf32, #tpu.memory_space<vmem>>, vector<1x1x16xf32>,
        %parallel_loop3A_432 = vector.shape_cast %parallel_loop3A_431 : vector<1x1x16xf32> to vector<16xf32>
        %parallel_loop3A_433 = vector.shape_cast %parallel_loop3A_419 : vector<16xf32> to vector<1x1x16xf32>
        tpu.vector_store %arg6[%parallel_loop3A_428, %parallel_loop3A_429, %parallel_loop3A_430], %parallel_loop3A_433 {add = true, strides = array<i32>} : memref<4x32x768xf32, #tpu.memory_space<vmem>>, vector<1x1x16xf32>,
        %parallel_loop3A_434 = arith.index_cast %parallel_loop3A_289 : i32 to index
        %parallel_loop3A_435 = arith.constant 128 : index
        %parallel_loop3A_436 = tpu.vector_load %arg7[%parallel_loop3A_434, %parallel_loop3A_435] {strides = array<i32>} : memref<32x768xf32, #tpu.memory_space<vmem>>, vector<1x16xf32>,
        %parallel_loop3A_437 = vector.shape_cast %parallel_loop3A_436 : vector<1x16xf32> to vector<16xf32>
        %parallel_loop3A_438 = arith.constant 0 : i32
        %parallel_loop3A_439 = arith.index_cast %parallel_loop3A_438 : i32 to index
        %parallel_loop3A_440 = arith.index_cast %parallel_loop3A_289 : i32 to index
        %parallel_loop3A_441 = arith.constant 128 : index
        %parallel_loop3A_442 = tpu.vector_load %arg6[%parallel_loop3A_439, %parallel_loop3A_440, %parallel_loop3A_441] {strides = array<i32>} : memref<4x32x768xf32, #tpu.memory_space<vmem>>, vector<1x1x16xf32>,
        %parallel_loop3A_443 = vector.shape_cast %parallel_loop3A_442 : vector<1x1x16xf32> to vector<16xf32>
        %parallel_loop3A_444 = vector.shape_cast %parallel_loop3A_437 : vector<16xf32> to vector<1x1x16xf32>
        tpu.vector_store %arg6[%parallel_loop3A_439, %parallel_loop3A_440, %parallel_loop3A_441], %parallel_loop3A_444 {add = true, strides = array<i32>} : memref<4x32x768xf32, #tpu.memory_space<vmem>>, vector<1x1x16xf32>,
        %parallel_loop3A_445 = arith.constant 1 : i32
        %parallel_loop3A_446 = arith.index_cast %parallel_loop3A_445 : i32 to index
        %parallel_loop3A_447 = arith.index_cast %parallel_loop3A_289 : i32 to index
        %parallel_loop3A_448 = arith.constant 128 : index
        %parallel_loop3A_449 = tpu.vector_load %arg6[%parallel_loop3A_446, %parallel_loop3A_447, %parallel_loop3A_448] {strides = array<i32>} : memref<4x32x768xf32, #tpu.memory_space<vmem>>, vector<1x1x16xf32>,
        %parallel_loop3A_450 = vector.shape_cast %parallel_loop3A_449 : vector<1x1x16xf32> to vector<16xf32>
        %parallel_loop3A_451 = vector.shape_cast %parallel_loop3A_437 : vector<16xf32> to vector<1x1x16xf32>
        tpu.vector_store %arg6[%parallel_loop3A_446, %parallel_loop3A_447, %parallel_loop3A_448], %parallel_loop3A_451 {add = true, strides = array<i32>} : memref<4x32x768xf32, #tpu.memory_space<vmem>>, vector<1x1x16xf32>,
        %parallel_loop3A_452 = arith.index_cast %parallel_loop3A_289 : i32 to index
        %parallel_loop3A_453 = arith.constant 144 : index
        %parallel_loop3A_454 = tpu.vector_load %arg7[%parallel_loop3A_452, %parallel_loop3A_453] {strides = array<i32>} : memref<32x768xf32, #tpu.memory_space<vmem>>, vector<1x16xf32>,
        %parallel_loop3A_455 = vector.shape_cast %parallel_loop3A_454 : vector<1x16xf32> to vector<16xf32>
        %parallel_loop3A_456 = arith.constant 0 : i32
        %parallel_loop3A_457 = arith.index_cast %parallel_loop3A_456 : i32 to index
        %parallel_loop3A_458 = arith.index_cast %parallel_loop3A_289 : i32 to index
        %parallel_loop3A_459 = arith.constant 144 : index
        %parallel_loop3A_460 = tpu.vector_load %arg6[%parallel_loop3A_457, %parallel_loop3A_458, %parallel_loop3A_459] {strides = array<i32>} : memref<4x32x768xf32, #tpu.memory_space<vmem>>, vector<1x1x16xf32>,
        %parallel_loop3A_461 = vector.shape_cast %parallel_loop3A_460 : vector<1x1x16xf32> to vector<16xf32>
        %parallel_loop3A_462 = vector.shape_cast %parallel_loop3A_455 : vector<16xf32> to vector<1x1x16xf32>
        tpu.vector_store %arg6[%parallel_loop3A_457, %parallel_loop3A_458, %parallel_loop3A_459], %parallel_loop3A_462 {add = true, strides = array<i32>} : memref<4x32x768xf32, #tpu.memory_space<vmem>>, vector<1x1x16xf32>,
        %parallel_loop3A_463 = arith.constant 1 : i32
        %parallel_loop3A_464 = arith.index_cast %parallel_loop3A_463 : i32 to index
        %parallel_loop3A_465 = arith.index_cast %parallel_loop3A_289 : i32 to index
        %parallel_loop3A_466 = arith.constant 144 : index
        %parallel_loop3A_467 = tpu.vector_load %arg6[%parallel_loop3A_464, %parallel_loop3A_465, %parallel_loop3A_466] {strides = array<i32>} : memref<4x32x768xf32, #tpu.memory_space<vmem>>, vector<1x1x16xf32>,
        %parallel_loop3A_468 = vector.shape_cast %parallel_loop3A_467 : vector<1x1x16xf32> to vector<16xf32>
        %parallel_loop3A_469 = vector.shape_cast %parallel_loop3A_455 : vector<16xf32> to vector<1x1x16xf32>
        tpu.vector_store %arg6[%parallel_loop3A_464, %parallel_loop3A_465, %parallel_loop3A_466], %parallel_loop3A_469 {add = true, strides = array<i32>} : memref<4x32x768xf32, #tpu.memory_space<vmem>>, vector<1x1x16xf32>,
        %parallel_loop3A_470 = arith.index_cast %parallel_loop3A_289 : i32 to index
        %parallel_loop3A_471 = arith.constant 160 : index
        %parallel_loop3A_472 = tpu.vector_load %arg7[%parallel_loop3A_470, %parallel_loop3A_471] {strides = array<i32>} : memref<32x768xf32, #tpu.memory_space<vmem>>, vector<1x16xf32>,
        %parallel_loop3A_473 = vector.shape_cast %parallel_loop3A_472 : vector<1x16xf32> to vector<16xf32>
        %parallel_loop3A_474 = arith.constant 0 : i32
        %parallel_loop3A_475 = arith.index_cast %parallel_loop3A_474 : i32 to index
        %parallel_loop3A_476 = arith.index_cast %parallel_loop3A_289 : i32 to index
        %parallel_loop3A_477 = arith.constant 160 : index
        %parallel_loop3A_478 = tpu.vector_load %arg6[%parallel_loop3A_475, %parallel_loop3A_476, %parallel_loop3A_477] {strides = array<i32>} : memref<4x32x768xf32, #tpu.memory_space<vmem>>, vector<1x1x16xf32>,
        %parallel_loop3A_479 = vector.shape_cast %parallel_loop3A_478 : vector<1x1x16xf32> to vector<16xf32>
        %parallel_loop3A_480 = vector.shape_cast %parallel_loop3A_473 : vector<16xf32> to vector<1x1x16xf32>
        tpu.vector_store %arg6[%parallel_loop3A_475, %parallel_loop3A_476, %parallel_loop3A_477], %parallel_loop3A_480 {add = true, strides = array<i32>} : memref<4x32x768xf32, #tpu.memory_space<vmem>>, vector<1x1x16xf32>,
        %parallel_loop3A_481 = arith.constant 1 : i32
        %parallel_loop3A_482 = arith.index_cast %parallel_loop3A_481 : i32 to index
        %parallel_loop3A_483 = arith.index_cast %parallel_loop3A_289 : i32 to index
        %parallel_loop3A_484 = arith.constant 160 : index
        %parallel_loop3A_485 = tpu.vector_load %arg6[%parallel_loop3A_482, %parallel_loop3A_483, %parallel_loop3A_484] {strides = array<i32>} : memref<4x32x768xf32, #tpu.memory_space<vmem>>, vector<1x1x16xf32>,
        %parallel_loop3A_486 = vector.shape_cast %parallel_loop3A_485 : vector<1x1x16xf32> to vector<16xf32>
        %parallel_loop3A_487 = vector.shape_cast %parallel_loop3A_473 : vector<16xf32> to vector<1x1x16xf32>
        tpu.vector_store %arg6[%parallel_loop3A_482, %parallel_loop3A_483, %parallel_loop3A_484], %parallel_loop3A_487 {add = true, strides = array<i32>} : memref<4x32x768xf32, #tpu.memory_space<vmem>>, vector<1x1x16xf32>,
        %parallel_loop3A_488 = arith.index_cast %parallel_loop3A_289 : i32 to index
        %parallel_loop3A_489 = arith.constant 176 : index
        %parallel_loop3A_490 = tpu.vector_load %arg7[%parallel_loop3A_488, %parallel_loop3A_489] {strides = array<i32>} : memref<32x768xf32, #tpu.memory_space<vmem>>, vector<1x16xf32>,
        %parallel_loop3A_491 = vector.shape_cast %parallel_loop3A_490 : vector<1x16xf32> to vector<16xf32>
        %parallel_loop3A_492 = arith.constant 0 : i32
        %parallel_loop3A_493 = arith.index_cast %parallel_loop3A_492 : i32 to index
        %parallel_loop3A_494 = arith.index_cast %parallel_loop3A_289 : i32 to index
        %parallel_loop3A_495 = arith.constant 176 : index
        %parallel_loop3A_496 = tpu.vector_load %arg6[%parallel_loop3A_493, %parallel_loop3A_494, %parallel_loop3A_495] {strides = array<i32>} : memref<4x32x768xf32, #tpu.memory_space<vmem>>, vector<1x1x16xf32>,
        %parallel_loop3A_497 = vector.shape_cast %parallel_loop3A_496 : vector<1x1x16xf32> to vector<16xf32>
        %parallel_loop3A_498 = vector.shape_cast %parallel_loop3A_491 : vector<16xf32> to vector<1x1x16xf32>
        tpu.vector_store %arg6[%parallel_loop3A_493, %parallel_loop3A_494, %parallel_loop3A_495], %parallel_loop3A_498 {add = true, strides = array<i32>} : memref<4x32x768xf32, #tpu.memory_space<vmem>>, vector<1x1x16xf32>,
        %parallel_loop3A_499 = arith.constant 1 : i32
        %parallel_loop3A_500 = arith.index_cast %parallel_loop3A_499 : i32 to index
        %parallel_loop3A_501 = arith.index_cast %parallel_loop3A_289 : i32 to index
        %parallel_loop3A_502 = arith.constant 176 : index
        %parallel_loop3A_503 = tpu.vector_load %arg6[%parallel_loop3A_500, %parallel_loop3A_501, %parallel_loop3A_502] {strides = array<i32>} : memref<4x32x768xf32, #tpu.memory_space<vmem>>, vector<1x1x16xf32>,
        %parallel_loop3A_504 = vector.shape_cast %parallel_loop3A_503 : vector<1x1x16xf32> to vector<16xf32>
        %parallel_loop3A_505 = vector.shape_cast %parallel_loop3A_491 : vector<16xf32> to vector<1x1x16xf32>
        tpu.vector_store %arg6[%parallel_loop3A_500, %parallel_loop3A_501, %parallel_loop3A_502], %parallel_loop3A_505 {add = true, strides = array<i32>} : memref<4x32x768xf32, #tpu.memory_space<vmem>>, vector<1x1x16xf32>,
        %parallel_loop3A_506 = arith.index_cast %parallel_loop3A_289 : i32 to index
        %parallel_loop3A_507 = arith.constant 192 : index
        %parallel_loop3A_508 = tpu.vector_load %arg7[%parallel_loop3A_506, %parallel_loop3A_507] {strides = array<i32>} : memref<32x768xf32, #tpu.memory_space<vmem>>, vector<1x16xf32>,
        %parallel_loop3A_509 = vector.shape_cast %parallel_loop3A_508 : vector<1x16xf32> to vector<16xf32>
        %parallel_loop3A_510 = arith.constant 0 : i32
        %parallel_loop3A_511 = arith.index_cast %parallel_loop3A_510 : i32 to index
        %parallel_loop3A_512 = arith.index_cast %parallel_loop3A_289 : i32 to index
        %parallel_loop3A_513 = arith.constant 192 : index
        %parallel_loop3A_514 = tpu.vector_load %arg6[%parallel_loop3A_511, %parallel_loop3A_512, %parallel_loop3A_513] {strides = array<i32>} : memref<4x32x768xf32, #tpu.memory_space<vmem>>, vector<1x1x16xf32>,
        %parallel_loop3A_515 = vector.shape_cast %parallel_loop3A_514 : vector<1x1x16xf32> to vector<16xf32>
        %parallel_loop3A_516 = vector.shape_cast %parallel_loop3A_509 : vector<16xf32> to vector<1x1x16xf32>
        tpu.vector_store %arg6[%parallel_loop3A_511, %parallel_loop3A_512, %parallel_loop3A_513], %parallel_loop3A_516 {add = true, strides = array<i32>} : memref<4x32x768xf32, #tpu.memory_space<vmem>>, vector<1x1x16xf32>,
        %parallel_loop3A_517 = arith.constant 1 : i32
        %parallel_loop3A_518 = arith.index_cast %parallel_loop3A_517 : i32 to index
        %parallel_loop3A_519 = arith.index_cast %parallel_loop3A_289 : i32 to index
        %parallel_loop3A_520 = arith.constant 192 : index
        %parallel_loop3A_521 = tpu.vector_load %arg6[%parallel_loop3A_518, %parallel_loop3A_519, %parallel_loop3A_520] {strides = array<i32>} : memref<4x32x768xf32, #tpu.memory_space<vmem>>, vector<1x1x16xf32>,
        %parallel_loop3A_522 = vector.shape_cast %parallel_loop3A_521 : vector<1x1x16xf32> to vector<16xf32>
        %parallel_loop3A_523 = vector.shape_cast %parallel_loop3A_509 : vector<16xf32> to vector<1x1x16xf32>
        tpu.vector_store %arg6[%parallel_loop3A_518, %parallel_loop3A_519, %parallel_loop3A_520], %parallel_loop3A_523 {add = true, strides = array<i32>} : memref<4x32x768xf32, #tpu.memory_space<vmem>>, vector<1x1x16xf32>,
        %parallel_loop3A_524 = arith.index_cast %parallel_loop3A_289 : i32 to index
        %parallel_loop3A_525 = arith.constant 208 : index
        %parallel_loop3A_526 = tpu.vector_load %arg7[%parallel_loop3A_524, %parallel_loop3A_525] {strides = array<i32>} : memref<32x768xf32, #tpu.memory_space<vmem>>, vector<1x16xf32>,
        %parallel_loop3A_527 = vector.shape_cast %parallel_loop3A_526 : vector<1x16xf32> to vector<16xf32>
        %parallel_loop3A_528 = arith.constant 0 : i32
        %parallel_loop3A_529 = arith.index_cast %parallel_loop3A_528 : i32 to index
        %parallel_loop3A_530 = arith.index_cast %parallel_loop3A_289 : i32 to index
        %parallel_loop3A_531 = arith.constant 208 : index
        %parallel_loop3A_532 = tpu.vector_load %arg6[%parallel_loop3A_529, %parallel_loop3A_530, %parallel_loop3A_531] {strides = array<i32>} : memref<4x32x768xf32, #tpu.memory_space<vmem>>, vector<1x1x16xf32>,
        %parallel_loop3A_533 = vector.shape_cast %parallel_loop3A_532 : vector<1x1x16xf32> to vector<16xf32>
        %parallel_loop3A_534 = vector.shape_cast %parallel_loop3A_527 : vector<16xf32> to vector<1x1x16xf32>
        tpu.vector_store %arg6[%parallel_loop3A_529, %parallel_loop3A_530, %parallel_loop3A_531], %parallel_loop3A_534 {add = true, strides = array<i32>} : memref<4x32x768xf32, #tpu.memory_space<vmem>>, vector<1x1x16xf32>,
        %parallel_loop3A_535 = arith.constant 1 : i32
        %parallel_loop3A_536 = arith.index_cast %parallel_loop3A_535 : i32 to index
        %parallel_loop3A_537 = arith.index_cast %parallel_loop3A_289 : i32 to index
        %parallel_loop3A_538 = arith.constant 208 : index
        %parallel_loop3A_539 = tpu.vector_load %arg6[%parallel_loop3A_536, %parallel_loop3A_537, %parallel_loop3A_538] {strides = array<i32>} : memref<4x32x768xf32, #tpu.memory_space<vmem>>, vector<1x1x16xf32>,
        %parallel_loop3A_540 = vector.shape_cast %parallel_loop3A_539 : vector<1x1x16xf32> to vector<16xf32>
        %parallel_loop3A_541 = vector.shape_cast %parallel_loop3A_527 : vector<16xf32> to vector<1x1x16xf32>
        tpu.vector_store %arg6[%parallel_loop3A_536, %parallel_loop3A_537, %parallel_loop3A_538], %parallel_loop3A_541 {add = true, strides = array<i32>} : memref<4x32x768xf32, #tpu.memory_space<vmem>>, vector<1x1x16xf32>,
        %parallel_loop3A_542 = arith.index_cast %parallel_loop3A_289 : i32 to index
        %parallel_loop3A_543 = arith.constant 224 : index
        %parallel_loop3A_544 = tpu.vector_load %arg7[%parallel_loop3A_542, %parallel_loop3A_543] {strides = array<i32>} : memref<32x768xf32, #tpu.memory_space<vmem>>, vector<1x16xf32>,
        %parallel_loop3A_545 = vector.shape_cast %parallel_loop3A_544 : vector<1x16xf32> to vector<16xf32>
        %parallel_loop3A_546 = arith.constant 0 : i32
        %parallel_loop3A_547 = arith.index_cast %parallel_loop3A_546 : i32 to index
        %parallel_loop3A_548 = arith.index_cast %parallel_loop3A_289 : i32 to index
        %parallel_loop3A_549 = arith.constant 224 : index
        %parallel_loop3A_550 = tpu.vector_load %arg6[%parallel_loop3A_547, %parallel_loop3A_548, %parallel_loop3A_549] {strides = array<i32>} : memref<4x32x768xf32, #tpu.memory_space<vmem>>, vector<1x1x16xf32>,
        %parallel_loop3A_551 = vector.shape_cast %parallel_loop3A_550 : vector<1x1x16xf32> to vector<16xf32>
        %parallel_loop3A_552 = vector.shape_cast %parallel_loop3A_545 : vector<16xf32> to vector<1x1x16xf32>
        tpu.vector_store %arg6[%parallel_loop3A_547, %parallel_loop3A_548, %parallel_loop3A_549], %parallel_loop3A_552 {add = true, strides = array<i32>} : memref<4x32x768xf32, #tpu.memory_space<vmem>>, vector<1x1x16xf32>,
        %parallel_loop3A_553 = arith.constant 1 : i32
        %parallel_loop3A_554 = arith.index_cast %parallel_loop3A_553 : i32 to index
        %parallel_loop3A_555 = arith.index_cast %parallel_loop3A_289 : i32 to index
        %parallel_loop3A_556 = arith.constant 224 : index
        %parallel_loop3A_557 = tpu.vector_load %arg6[%parallel_loop3A_554, %parallel_loop3A_555, %parallel_loop3A_556] {strides = array<i32>} : memref<4x32x768xf32, #tpu.memory_space<vmem>>, vector<1x1x16xf32>,
        %parallel_loop3A_558 = vector.shape_cast %parallel_loop3A_557 : vector<1x1x16xf32> to vector<16xf32>
        %parallel_loop3A_559 = vector.shape_cast %parallel_loop3A_545 : vector<16xf32> to vector<1x1x16xf32>
        tpu.vector_store %arg6[%parallel_loop3A_554, %parallel_loop3A_555, %parallel_loop3A_556], %parallel_loop3A_559 {add = true, strides = array<i32>} : memref<4x32x768xf32, #tpu.memory_space<vmem>>, vector<1x1x16xf32>,
        %parallel_loop3A_560 = arith.index_cast %parallel_loop3A_289 : i32 to index
        %parallel_loop3A_561 = arith.constant 240 : index
        %parallel_loop3A_562 = tpu.vector_load %arg7[%parallel_loop3A_560, %parallel_loop3A_561] {strides = array<i32>} : memref<32x768xf32, #tpu.memory_space<vmem>>, vector<1x16xf32>,
        %parallel_loop3A_563 = vector.shape_cast %parallel_loop3A_562 : vector<1x16xf32> to vector<16xf32>
        %parallel_loop3A_564 = arith.constant 0 : i32
        %parallel_loop3A_565 = arith.index_cast %parallel_loop3A_564 : i32 to index
        %parallel_loop3A_566 = arith.index_cast %parallel_loop3A_289 : i32 to index
        %parallel_loop3A_567 = arith.constant 240 : index
        %parallel_loop3A_568 = tpu.vector_load %arg6[%parallel_loop3A_565, %parallel_loop3A_566, %parallel_loop3A_567] {strides = array<i32>} : memref<4x32x768xf32, #tpu.memory_space<vmem>>, vector<1x1x16xf32>,
        %parallel_loop3A_569 = vector.shape_cast %parallel_loop3A_568 : vector<1x1x16xf32> to vector<16xf32>
        %parallel_loop3A_570 = vector.shape_cast %parallel_loop3A_563 : vector<16xf32> to vector<1x1x16xf32>
        tpu.vector_store %arg6[%parallel_loop3A_565, %parallel_loop3A_566, %parallel_loop3A_567], %parallel_loop3A_570 {add = true, strides = array<i32>} : memref<4x32x768xf32, #tpu.memory_space<vmem>>, vector<1x1x16xf32>,
        %parallel_loop3A_571 = arith.constant 1 : i32
        %parallel_loop3A_572 = arith.index_cast %parallel_loop3A_571 : i32 to index
        %parallel_loop3A_573 = arith.index_cast %parallel_loop3A_289 : i32 to index
        %parallel_loop3A_574 = arith.constant 240 : index
        %parallel_loop3A_575 = tpu.vector_load %arg6[%parallel_loop3A_572, %parallel_loop3A_573, %parallel_loop3A_574] {strides = array<i32>} : memref<4x32x768xf32, #tpu.memory_space<vmem>>, vector<1x1x16xf32>,
        %parallel_loop3A_576 = vector.shape_cast %parallel_loop3A_575 : vector<1x1x16xf32> to vector<16xf32>
        %parallel_loop3A_577 = vector.shape_cast %parallel_loop3A_563 : vector<16xf32> to vector<1x1x16xf32>
        tpu.vector_store %arg6[%parallel_loop3A_572, %parallel_loop3A_573, %parallel_loop3A_574], %parallel_loop3A_577 {add = true, strides = array<i32>} : memref<4x32x768xf32, #tpu.memory_space<vmem>>, vector<1x1x16xf32>,
        %parallel_loop3A_578 = arith.index_cast %parallel_loop3A_289 : i32 to index
        %parallel_loop3A_579 = arith.constant 256 : index
        %parallel_loop3A_580 = tpu.vector_load %arg7[%parallel_loop3A_578, %parallel_loop3A_579] {strides = array<i32>} : memref<32x768xf32, #tpu.memory_space<vmem>>, vector<1x16xf32>,
        %parallel_loop3A_581 = vector.shape_cast %parallel_loop3A_580 : vector<1x16xf32> to vector<16xf32>
        %parallel_loop3A_582 = arith.constant 0 : i32
        %parallel_loop3A_583 = arith.index_cast %parallel_loop3A_582 : i32 to index
        %parallel_loop3A_584 = arith.index_cast %parallel_loop3A_289 : i32 to index
        %parallel_loop3A_585 = arith.constant 256 : index
        %parallel_loop3A_586 = tpu.vector_load %arg6[%parallel_loop3A_583, %parallel_loop3A_584, %parallel_loop3A_585] {strides = array<i32>} : memref<4x32x768xf32, #tpu.memory_space<vmem>>, vector<1x1x16xf32>,
        %parallel_loop3A_587 = vector.shape_cast %parallel_loop3A_586 : vector<1x1x16xf32> to vector<16xf32>
        %parallel_loop3A_588 = vector.shape_cast %parallel_loop3A_581 : vector<16xf32> to vector<1x1x16xf32>
        tpu.vector_store %arg6[%parallel_loop3A_583, %parallel_loop3A_584, %parallel_loop3A_585], %parallel_loop3A_588 {add = true, strides = array<i32>} : memref<4x32x768xf32, #tpu.memory_space<vmem>>, vector<1x1x16xf32>,
        %parallel_loop3A_589 = arith.constant 1 : i32
        %parallel_loop3A_590 = arith.index_cast %parallel_loop3A_589 : i32 to index
        %parallel_loop3A_591 = arith.index_cast %parallel_loop3A_289 : i32 to index
        %parallel_loop3A_592 = arith.constant 256 : index
        %parallel_loop3A_593 = tpu.vector_load %arg6[%parallel_loop3A_590, %parallel_loop3A_591, %parallel_loop3A_592] {strides = array<i32>} : memref<4x32x768xf32, #tpu.memory_space<vmem>>, vector<1x1x16xf32>,
        %parallel_loop3A_594 = vector.shape_cast %parallel_loop3A_593 : vector<1x1x16xf32> to vector<16xf32>
        %parallel_loop3A_595 = vector.shape_cast %parallel_loop3A_581 : vector<16xf32> to vector<1x1x16xf32>
        tpu.vector_store %arg6[%parallel_loop3A_590, %parallel_loop3A_591, %parallel_loop3A_592], %parallel_loop3A_595 {add = true, strides = array<i32>} : memref<4x32x768xf32, #tpu.memory_space<vmem>>, vector<1x1x16xf32>,
        %parallel_loop3A_596 = arith.index_cast %parallel_loop3A_289 : i32 to index
        %parallel_loop3A_597 = arith.constant 272 : index
        %parallel_loop3A_598 = tpu.vector_load %arg7[%parallel_loop3A_596, %parallel_loop3A_597] {strides = array<i32>} : memref<32x768xf32, #tpu.memory_space<vmem>>, vector<1x16xf32>,
        %parallel_loop3A_599 = vector.shape_cast %parallel_loop3A_598 : vector<1x16xf32> to vector<16xf32>
        %parallel_loop3A_600 = arith.constant 0 : i32
        %parallel_loop3A_601 = arith.index_cast %parallel_loop3A_600 : i32 to index
        %parallel_loop3A_602 = arith.index_cast %parallel_loop3A_289 : i32 to index
        %parallel_loop3A_603 = arith.constant 272 : index
        %parallel_loop3A_604 = tpu.vector_load %arg6[%parallel_loop3A_601, %parallel_loop3A_602, %parallel_loop3A_603] {strides = array<i32>} : memref<4x32x768xf32, #tpu.memory_space<vmem>>, vector<1x1x16xf32>,
        %parallel_loop3A_605 = vector.shape_cast %parallel_loop3A_604 : vector<1x1x16xf32> to vector<16xf32>
        %parallel_loop3A_606 = vector.shape_cast %parallel_loop3A_599 : vector<16xf32> to vector<1x1x16xf32>
        tpu.vector_store %arg6[%parallel_loop3A_601, %parallel_loop3A_602, %parallel_loop3A_603], %parallel_loop3A_606 {add = true, strides = array<i32>} : memref<4x32x768xf32, #tpu.memory_space<vmem>>, vector<1x1x16xf32>,
        %parallel_loop3A_607 = arith.constant 1 : i32
        %parallel_loop3A_608 = arith.index_cast %parallel_loop3A_607 : i32 to index
        %parallel_loop3A_609 = arith.index_cast %parallel_loop3A_289 : i32 to index
        %parallel_loop3A_610 = arith.constant 272 : index
        %parallel_loop3A_611 = tpu.vector_load %arg6[%parallel_loop3A_608, %parallel_loop3A_609, %parallel_loop3A_610] {strides = array<i32>} : memref<4x32x768xf32, #tpu.memory_space<vmem>>, vector<1x1x16xf32>,
        %parallel_loop3A_612 = vector.shape_cast %parallel_loop3A_611 : vector<1x1x16xf32> to vector<16xf32>
        %parallel_loop3A_613 = vector.shape_cast %parallel_loop3A_599 : vector<16xf32> to vector<1x1x16xf32>
        tpu.vector_store %arg6[%parallel_loop3A_608, %parallel_loop3A_609, %parallel_loop3A_610], %parallel_loop3A_613 {add = true, strides = array<i32>} : memref<4x32x768xf32, #tpu.memory_space<vmem>>, vector<1x1x16xf32>,
        %parallel_loop3A_614 = arith.index_cast %parallel_loop3A_289 : i32 to index
        %parallel_loop3A_615 = arith.constant 288 : index
        %parallel_loop3A_616 = tpu.vector_load %arg7[%parallel_loop3A_614, %parallel_loop3A_615] {strides = array<i32>} : memref<32x768xf32, #tpu.memory_space<vmem>>, vector<1x16xf32>,
        %parallel_loop3A_617 = vector.shape_cast %parallel_loop3A_616 : vector<1x16xf32> to vector<16xf32>
        %parallel_loop3A_618 = arith.constant 0 : i32
        %parallel_loop3A_619 = arith.index_cast %parallel_loop3A_618 : i32 to index
        %parallel_loop3A_620 = arith.index_cast %parallel_loop3A_289 : i32 to index
        %parallel_loop3A_621 = arith.constant 288 : index
        %parallel_loop3A_622 = tpu.vector_load %arg6[%parallel_loop3A_619, %parallel_loop3A_620, %parallel_loop3A_621] {strides = array<i32>} : memref<4x32x768xf32, #tpu.memory_space<vmem>>, vector<1x1x16xf32>,
        %parallel_loop3A_623 = vector.shape_cast %parallel_loop3A_622 : vector<1x1x16xf32> to vector<16xf32>
        %parallel_loop3A_624 = vector.shape_cast %parallel_loop3A_617 : vector<16xf32> to vector<1x1x16xf32>
        tpu.vector_store %arg6[%parallel_loop3A_619, %parallel_loop3A_620, %parallel_loop3A_621], %parallel_loop3A_624 {add = true, strides = array<i32>} : memref<4x32x768xf32, #tpu.memory_space<vmem>>, vector<1x1x16xf32>,
        %parallel_loop3A_625 = arith.constant 1 : i32
        %parallel_loop3A_626 = arith.index_cast %parallel_loop3A_625 : i32 to index
        %parallel_loop3A_627 = arith.index_cast %parallel_loop3A_289 : i32 to index
        %parallel_loop3A_628 = arith.constant 288 : index
        %parallel_loop3A_629 = tpu.vector_load %arg6[%parallel_loop3A_626, %parallel_loop3A_627, %parallel_loop3A_628] {strides = array<i32>} : memref<4x32x768xf32, #tpu.memory_space<vmem>>, vector<1x1x16xf32>,
        %parallel_loop3A_630 = vector.shape_cast %parallel_loop3A_629 : vector<1x1x16xf32> to vector<16xf32>
        %parallel_loop3A_631 = vector.shape_cast %parallel_loop3A_617 : vector<16xf32> to vector<1x1x16xf32>
        tpu.vector_store %arg6[%parallel_loop3A_626, %parallel_loop3A_627, %parallel_loop3A_628], %parallel_loop3A_631 {add = true, strides = array<i32>} : memref<4x32x768xf32, #tpu.memory_space<vmem>>, vector<1x1x16xf32>,
        %parallel_loop3A_632 = arith.index_cast %parallel_loop3A_289 : i32 to index
        %parallel_loop3A_633 = arith.constant 304 : index
        %parallel_loop3A_634 = tpu.vector_load %arg7[%parallel_loop3A_632, %parallel_loop3A_633] {strides = array<i32>} : memref<32x768xf32, #tpu.memory_space<vmem>>, vector<1x16xf32>,
        %parallel_loop3A_635 = vector.shape_cast %parallel_loop3A_634 : vector<1x16xf32> to vector<16xf32>
        %parallel_loop3A_636 = arith.constant 0 : i32
        %parallel_loop3A_637 = arith.index_cast %parallel_loop3A_636 : i32 to index
        %parallel_loop3A_638 = arith.index_cast %parallel_loop3A_289 : i32 to index
        %parallel_loop3A_639 = arith.constant 304 : index
        %parallel_loop3A_640 = tpu.vector_load %arg6[%parallel_loop3A_637, %parallel_loop3A_638, %parallel_loop3A_639] {strides = array<i32>} : memref<4x32x768xf32, #tpu.memory_space<vmem>>, vector<1x1x16xf32>,
        %parallel_loop3A_641 = vector.shape_cast %parallel_loop3A_640 : vector<1x1x16xf32> to vector<16xf32>
        %parallel_loop3A_642 = vector.shape_cast %parallel_loop3A_635 : vector<16xf32> to vector<1x1x16xf32>
        tpu.vector_store %arg6[%parallel_loop3A_637, %parallel_loop3A_638, %parallel_loop3A_639], %parallel_loop3A_642 {add = true, strides = array<i32>} : memref<4x32x768xf32, #tpu.memory_space<vmem>>, vector<1x1x16xf32>,
        %parallel_loop3A_643 = arith.constant 1 : i32
        %parallel_loop3A_644 = arith.index_cast %parallel_loop3A_643 : i32 to index
        %parallel_loop3A_645 = arith.index_cast %parallel_loop3A_289 : i32 to index
        %parallel_loop3A_646 = arith.constant 304 : index
        %parallel_loop3A_647 = tpu.vector_load %arg6[%parallel_loop3A_644, %parallel_loop3A_645, %parallel_loop3A_646] {strides = array<i32>} : memref<4x32x768xf32, #tpu.memory_space<vmem>>, vector<1x1x16xf32>,
        %parallel_loop3A_648 = vector.shape_cast %parallel_loop3A_647 : vector<1x1x16xf32> to vector<16xf32>
        %parallel_loop3A_649 = vector.shape_cast %parallel_loop3A_635 : vector<16xf32> to vector<1x1x16xf32>
        tpu.vector_store %arg6[%parallel_loop3A_644, %parallel_loop3A_645, %parallel_loop3A_646], %parallel_loop3A_649 {add = true, strides = array<i32>} : memref<4x32x768xf32, #tpu.memory_space<vmem>>, vector<1x1x16xf32>,
        %parallel_loop3A_650 = arith.index_cast %parallel_loop3A_289 : i32 to index
        %parallel_loop3A_651 = arith.constant 320 : index
        %parallel_loop3A_652 = tpu.vector_load %arg7[%parallel_loop3A_650, %parallel_loop3A_651] {strides = array<i32>} : memref<32x768xf32, #tpu.memory_space<vmem>>, vector<1x16xf32>,
        %parallel_loop3A_653 = vector.shape_cast %parallel_loop3A_652 : vector<1x16xf32> to vector<16xf32>
        %parallel_loop3A_654 = arith.constant 0 : i32
        %parallel_loop3A_655 = arith.index_cast %parallel_loop3A_654 : i32 to index
        %parallel_loop3A_656 = arith.index_cast %parallel_loop3A_289 : i32 to index
        %parallel_loop3A_657 = arith.constant 320 : index
        %parallel_loop3A_658 = tpu.vector_load %arg6[%parallel_loop3A_655, %parallel_loop3A_656, %parallel_loop3A_657] {strides = array<i32>} : memref<4x32x768xf32, #tpu.memory_space<vmem>>, vector<1x1x16xf32>,
        %parallel_loop3A_659 = vector.shape_cast %parallel_loop3A_658 : vector<1x1x16xf32> to vector<16xf32>
        %parallel_loop3A_660 = vector.shape_cast %parallel_loop3A_653 : vector<16xf32> to vector<1x1x16xf32>
        tpu.vector_store %arg6[%parallel_loop3A_655, %parallel_loop3A_656, %parallel_loop3A_657], %parallel_loop3A_660 {add = true, strides = array<i32>} : memref<4x32x768xf32, #tpu.memory_space<vmem>>, vector<1x1x16xf32>,
        %parallel_loop3A_661 = arith.constant 1 : i32
        %parallel_loop3A_662 = arith.index_cast %parallel_loop3A_661 : i32 to index
        %parallel_loop3A_663 = arith.index_cast %parallel_loop3A_289 : i32 to index
        %parallel_loop3A_664 = arith.constant 320 : index
        %parallel_loop3A_665 = tpu.vector_load %arg6[%parallel_loop3A_662, %parallel_loop3A_663, %parallel_loop3A_664] {strides = array<i32>} : memref<4x32x768xf32, #tpu.memory_space<vmem>>, vector<1x1x16xf32>,
        %parallel_loop3A_666 = vector.shape_cast %parallel_loop3A_665 : vector<1x1x16xf32> to vector<16xf32>
        %parallel_loop3A_667 = vector.shape_cast %parallel_loop3A_653 : vector<16xf32> to vector<1x1x16xf32>
        tpu.vector_store %arg6[%parallel_loop3A_662, %parallel_loop3A_663, %parallel_loop3A_664], %parallel_loop3A_667 {add = true, strides = array<i32>} : memref<4x32x768xf32, #tpu.memory_space<vmem>>, vector<1x1x16xf32>,
        %parallel_loop3A_668 = arith.index_cast %parallel_loop3A_289 : i32 to index
        %parallel_loop3A_669 = arith.constant 336 : index
        %parallel_loop3A_670 = tpu.vector_load %arg7[%parallel_loop3A_668, %parallel_loop3A_669] {strides = array<i32>} : memref<32x768xf32, #tpu.memory_space<vmem>>, vector<1x16xf32>,
        %parallel_loop3A_671 = vector.shape_cast %parallel_loop3A_670 : vector<1x16xf32> to vector<16xf32>
        %parallel_loop3A_672 = arith.constant 0 : i32
        %parallel_loop3A_673 = arith.index_cast %parallel_loop3A_672 : i32 to index
        %parallel_loop3A_674 = arith.index_cast %parallel_loop3A_289 : i32 to index
        %parallel_loop3A_675 = arith.constant 336 : index
        %parallel_loop3A_676 = tpu.vector_load %arg6[%parallel_loop3A_673, %parallel_loop3A_674, %parallel_loop3A_675] {strides = array<i32>} : memref<4x32x768xf32, #tpu.memory_space<vmem>>, vector<1x1x16xf32>,
        %parallel_loop3A_677 = vector.shape_cast %parallel_loop3A_676 : vector<1x1x16xf32> to vector<16xf32>
        %parallel_loop3A_678 = vector.shape_cast %parallel_loop3A_671 : vector<16xf32> to vector<1x1x16xf32>
        tpu.vector_store %arg6[%parallel_loop3A_673, %parallel_loop3A_674, %parallel_loop3A_675], %parallel_loop3A_678 {add = true, strides = array<i32>} : memref<4x32x768xf32, #tpu.memory_space<vmem>>, vector<1x1x16xf32>,
        %parallel_loop3A_679 = arith.constant 1 : i32
        %parallel_loop3A_680 = arith.index_cast %parallel_loop3A_679 : i32 to index
        %parallel_loop3A_681 = arith.index_cast %parallel_loop3A_289 : i32 to index
        %parallel_loop3A_682 = arith.constant 336 : index
        %parallel_loop3A_683 = tpu.vector_load %arg6[%parallel_loop3A_680, %parallel_loop3A_681, %parallel_loop3A_682] {strides = array<i32>} : memref<4x32x768xf32, #tpu.memory_space<vmem>>, vector<1x1x16xf32>,
        %parallel_loop3A_684 = vector.shape_cast %parallel_loop3A_683 : vector<1x1x16xf32> to vector<16xf32>
        %parallel_loop3A_685 = vector.shape_cast %parallel_loop3A_671 : vector<16xf32> to vector<1x1x16xf32>
        tpu.vector_store %arg6[%parallel_loop3A_680, %parallel_loop3A_681, %parallel_loop3A_682], %parallel_loop3A_685 {add = true, strides = array<i32>} : memref<4x32x768xf32, #tpu.memory_space<vmem>>, vector<1x1x16xf32>,
        %parallel_loop3A_686 = arith.index_cast %parallel_loop3A_289 : i32 to index
        %parallel_loop3A_687 = arith.constant 352 : index
        %parallel_loop3A_688 = tpu.vector_load %arg7[%parallel_loop3A_686, %parallel_loop3A_687] {strides = array<i32>} : memref<32x768xf32, #tpu.memory_space<vmem>>, vector<1x16xf32>,
        %parallel_loop3A_689 = vector.shape_cast %parallel_loop3A_688 : vector<1x16xf32> to vector<16xf32>
        %parallel_loop3A_690 = arith.constant 0 : i32
        %parallel_loop3A_691 = arith.index_cast %parallel_loop3A_690 : i32 to index
        %parallel_loop3A_692 = arith.index_cast %parallel_loop3A_289 : i32 to index
        %parallel_loop3A_693 = arith.constant 352 : index
        %parallel_loop3A_694 = tpu.vector_load %arg6[%parallel_loop3A_691, %parallel_loop3A_692, %parallel_loop3A_693] {strides = array<i32>} : memref<4x32x768xf32, #tpu.memory_space<vmem>>, vector<1x1x16xf32>,
        %parallel_loop3A_695 = vector.shape_cast %parallel_loop3A_694 : vector<1x1x16xf32> to vector<16xf32>
        %parallel_loop3A_696 = vector.shape_cast %parallel_loop3A_689 : vector<16xf32> to vector<1x1x16xf32>
        tpu.vector_store %arg6[%parallel_loop3A_691, %parallel_loop3A_692, %parallel_loop3A_693], %parallel_loop3A_696 {add = true, strides = array<i32>} : memref<4x32x768xf32, #tpu.memory_space<vmem>>, vector<1x1x16xf32>,
        %parallel_loop3A_697 = arith.constant 1 : i32
        %parallel_loop3A_698 = arith.index_cast %parallel_loop3A_697 : i32 to index
        %parallel_loop3A_699 = arith.index_cast %parallel_loop3A_289 : i32 to index
        %parallel_loop3A_700 = arith.constant 352 : index
        %parallel_loop3A_701 = tpu.vector_load %arg6[%parallel_loop3A_698, %parallel_loop3A_699, %parallel_loop3A_700] {strides = array<i32>} : memref<4x32x768xf32, #tpu.memory_space<vmem>>, vector<1x1x16xf32>,
        %parallel_loop3A_702 = vector.shape_cast %parallel_loop3A_701 : vector<1x1x16xf32> to vector<16xf32>
        %parallel_loop3A_703 = vector.shape_cast %parallel_loop3A_689 : vector<16xf32> to vector<1x1x16xf32>
        tpu.vector_store %arg6[%parallel_loop3A_698, %parallel_loop3A_699, %parallel_loop3A_700], %parallel_loop3A_703 {add = true, strides = array<i32>} : memref<4x32x768xf32, #tpu.memory_space<vmem>>, vector<1x1x16xf32>,
        %parallel_loop3A_704 = arith.index_cast %parallel_loop3A_289 : i32 to index
        %parallel_loop3A_705 = arith.constant 368 : index
        %parallel_loop3A_706 = tpu.vector_load %arg7[%parallel_loop3A_704, %parallel_loop3A_705] {strides = array<i32>} : memref<32x768xf32, #tpu.memory_space<vmem>>, vector<1x16xf32>,
        %parallel_loop3A_707 = vector.shape_cast %parallel_loop3A_706 : vector<1x16xf32> to vector<16xf32>
        %parallel_loop3A_708 = arith.constant 0 : i32
        %parallel_loop3A_709 = arith.index_cast %parallel_loop3A_708 : i32 to index
        %parallel_loop3A_710 = arith.index_cast %parallel_loop3A_289 : i32 to index
        %parallel_loop3A_711 = arith.constant 368 : index
        %parallel_loop3A_712 = tpu.vector_load %arg6[%parallel_loop3A_709, %parallel_loop3A_710, %parallel_loop3A_711] {strides = array<i32>} : memref<4x32x768xf32, #tpu.memory_space<vmem>>, vector<1x1x16xf32>,
        %parallel_loop3A_713 = vector.shape_cast %parallel_loop3A_712 : vector<1x1x16xf32> to vector<16xf32>
        %parallel_loop3A_714 = vector.shape_cast %parallel_loop3A_707 : vector<16xf32> to vector<1x1x16xf32>
        tpu.vector_store %arg6[%parallel_loop3A_709, %parallel_loop3A_710, %parallel_loop3A_711], %parallel_loop3A_714 {add = true, strides = array<i32>} : memref<4x32x768xf32, #tpu.memory_space<vmem>>, vector<1x1x16xf32>,
        %parallel_loop3A_715 = arith.constant 1 : i32
        %parallel_loop3A_716 = arith.index_cast %parallel_loop3A_715 : i32 to index
        %parallel_loop3A_717 = arith.index_cast %parallel_loop3A_289 : i32 to index
        %parallel_loop3A_718 = arith.constant 368 : index
        %parallel_loop3A_719 = tpu.vector_load %arg6[%parallel_loop3A_716, %parallel_loop3A_717, %parallel_loop3A_718] {strides = array<i32>} : memref<4x32x768xf32, #tpu.memory_space<vmem>>, vector<1x1x16xf32>,
        %parallel_loop3A_720 = vector.shape_cast %parallel_loop3A_719 : vector<1x1x16xf32> to vector<16xf32>
        %parallel_loop3A_721 = vector.shape_cast %parallel_loop3A_707 : vector<16xf32> to vector<1x1x16xf32>
        tpu.vector_store %arg6[%parallel_loop3A_716, %parallel_loop3A_717, %parallel_loop3A_718], %parallel_loop3A_721 {add = true, strides = array<i32>} : memref<4x32x768xf32, #tpu.memory_space<vmem>>, vector<1x1x16xf32>,
        %parallel_loop3A_722 = arith.index_cast %parallel_loop3A_289 : i32 to index
        %parallel_loop3A_723 = arith.constant 384 : index
        %parallel_loop3A_724 = tpu.vector_load %arg7[%parallel_loop3A_722, %parallel_loop3A_723] {strides = array<i32>} : memref<32x768xf32, #tpu.memory_space<vmem>>, vector<1x16xf32>,
        %parallel_loop3A_725 = vector.shape_cast %parallel_loop3A_724 : vector<1x16xf32> to vector<16xf32>
        %parallel_loop3A_726 = arith.constant 0 : i32
        %parallel_loop3A_727 = arith.index_cast %parallel_loop3A_726 : i32 to index
        %parallel_loop3A_728 = arith.index_cast %parallel_loop3A_289 : i32 to index
        %parallel_loop3A_729 = arith.constant 384 : index
        %parallel_loop3A_730 = tpu.vector_load %arg6[%parallel_loop3A_727, %parallel_loop3A_728, %parallel_loop3A_729] {strides = array<i32>} : memref<4x32x768xf32, #tpu.memory_space<vmem>>, vector<1x1x16xf32>,
        %parallel_loop3A_731 = vector.shape_cast %parallel_loop3A_730 : vector<1x1x16xf32> to vector<16xf32>
        %parallel_loop3A_732 = vector.shape_cast %parallel_loop3A_725 : vector<16xf32> to vector<1x1x16xf32>
        tpu.vector_store %arg6[%parallel_loop3A_727, %parallel_loop3A_728, %parallel_loop3A_729], %parallel_loop3A_732 {add = true, strides = array<i32>} : memref<4x32x768xf32, #tpu.memory_space<vmem>>, vector<1x1x16xf32>,
        %parallel_loop3A_733 = arith.constant 1 : i32
        %parallel_loop3A_734 = arith.index_cast %parallel_loop3A_733 : i32 to index
        %parallel_loop3A_735 = arith.index_cast %parallel_loop3A_289 : i32 to index
        %parallel_loop3A_736 = arith.constant 384 : index
        %parallel_loop3A_737 = tpu.vector_load %arg6[%parallel_loop3A_734, %parallel_loop3A_735, %parallel_loop3A_736] {strides = array<i32>} : memref<4x32x768xf32, #tpu.memory_space<vmem>>, vector<1x1x16xf32>,
        %parallel_loop3A_738 = vector.shape_cast %parallel_loop3A_737 : vector<1x1x16xf32> to vector<16xf32>
        %parallel_loop3A_739 = vector.shape_cast %parallel_loop3A_725 : vector<16xf32> to vector<1x1x16xf32>
        tpu.vector_store %arg6[%parallel_loop3A_734, %parallel_loop3A_735, %parallel_loop3A_736], %parallel_loop3A_739 {add = true, strides = array<i32>} : memref<4x32x768xf32, #tpu.memory_space<vmem>>, vector<1x1x16xf32>,
        %parallel_loop3A_740 = arith.index_cast %parallel_loop3A_289 : i32 to index
        %parallel_loop3A_741 = arith.constant 400 : index
        %parallel_loop3A_742 = tpu.vector_load %arg7[%parallel_loop3A_740, %parallel_loop3A_741] {strides = array<i32>} : memref<32x768xf32, #tpu.memory_space<vmem>>, vector<1x16xf32>,
        %parallel_loop3A_743 = vector.shape_cast %parallel_loop3A_742 : vector<1x16xf32> to vector<16xf32>
        %parallel_loop3A_744 = arith.constant 0 : i32
        %parallel_loop3A_745 = arith.index_cast %parallel_loop3A_744 : i32 to index
        %parallel_loop3A_746 = arith.index_cast %parallel_loop3A_289 : i32 to index
        %parallel_loop3A_747 = arith.constant 400 : index
        %parallel_loop3A_748 = tpu.vector_load %arg6[%parallel_loop3A_745, %parallel_loop3A_746, %parallel_loop3A_747] {strides = array<i32>} : memref<4x32x768xf32, #tpu.memory_space<vmem>>, vector<1x1x16xf32>,
        %parallel_loop3A_749 = vector.shape_cast %parallel_loop3A_748 : vector<1x1x16xf32> to vector<16xf32>
        %parallel_loop3A_750 = vector.shape_cast %parallel_loop3A_743 : vector<16xf32> to vector<1x1x16xf32>
        tpu.vector_store %arg6[%parallel_loop3A_745, %parallel_loop3A_746, %parallel_loop3A_747], %parallel_loop3A_750 {add = true, strides = array<i32>} : memref<4x32x768xf32, #tpu.memory_space<vmem>>, vector<1x1x16xf32>,
        %parallel_loop3A_751 = arith.constant 1 : i32
        %parallel_loop3A_752 = arith.index_cast %parallel_loop3A_751 : i32 to index
        %parallel_loop3A_753 = arith.index_cast %parallel_loop3A_289 : i32 to index
        %parallel_loop3A_754 = arith.constant 400 : index
        %parallel_loop3A_755 = tpu.vector_load %arg6[%parallel_loop3A_752, %parallel_loop3A_753, %parallel_loop3A_754] {strides = array<i32>} : memref<4x32x768xf32, #tpu.memory_space<vmem>>, vector<1x1x16xf32>,
        %parallel_loop3A_756 = vector.shape_cast %parallel_loop3A_755 : vector<1x1x16xf32> to vector<16xf32>
        %parallel_loop3A_757 = vector.shape_cast %parallel_loop3A_743 : vector<16xf32> to vector<1x1x16xf32>
        tpu.vector_store %arg6[%parallel_loop3A_752, %parallel_loop3A_753, %parallel_loop3A_754], %parallel_loop3A_757 {add = true, strides = array<i32>} : memref<4x32x768xf32, #tpu.memory_space<vmem>>, vector<1x1x16xf32>,
        %parallel_loop3A_758 = arith.index_cast %parallel_loop3A_289 : i32 to index
        %parallel_loop3A_759 = arith.constant 416 : index
        %parallel_loop3A_760 = tpu.vector_load %arg7[%parallel_loop3A_758, %parallel_loop3A_759] {strides = array<i32>} : memref<32x768xf32, #tpu.memory_space<vmem>>, vector<1x16xf32>,
        %parallel_loop3A_761 = vector.shape_cast %parallel_loop3A_760 : vector<1x16xf32> to vector<16xf32>
        %parallel_loop3A_762 = arith.constant 0 : i32
        %parallel_loop3A_763 = arith.index_cast %parallel_loop3A_762 : i32 to index
        %parallel_loop3A_764 = arith.index_cast %parallel_loop3A_289 : i32 to index
        %parallel_loop3A_765 = arith.constant 416 : index
        %parallel_loop3A_766 = tpu.vector_load %arg6[%parallel_loop3A_763, %parallel_loop3A_764, %parallel_loop3A_765] {strides = array<i32>} : memref<4x32x768xf32, #tpu.memory_space<vmem>>, vector<1x1x16xf32>,
        %parallel_loop3A_767 = vector.shape_cast %parallel_loop3A_766 : vector<1x1x16xf32> to vector<16xf32>
        %parallel_loop3A_768 = vector.shape_cast %parallel_loop3A_761 : vector<16xf32> to vector<1x1x16xf32>
        tpu.vector_store %arg6[%parallel_loop3A_763, %parallel_loop3A_764, %parallel_loop3A_765], %parallel_loop3A_768 {add = true, strides = array<i32>} : memref<4x32x768xf32, #tpu.memory_space<vmem>>, vector<1x1x16xf32>,
        %parallel_loop3A_769 = arith.constant 1 : i32
        %parallel_loop3A_770 = arith.index_cast %parallel_loop3A_769 : i32 to index
        %parallel_loop3A_771 = arith.index_cast %parallel_loop3A_289 : i32 to index
        %parallel_loop3A_772 = arith.constant 416 : index
        %parallel_loop3A_773 = tpu.vector_load %arg6[%parallel_loop3A_770, %parallel_loop3A_771, %parallel_loop3A_772] {strides = array<i32>} : memref<4x32x768xf32, #tpu.memory_space<vmem>>, vector<1x1x16xf32>,
        %parallel_loop3A_774 = vector.shape_cast %parallel_loop3A_773 : vector<1x1x16xf32> to vector<16xf32>
        %parallel_loop3A_775 = vector.shape_cast %parallel_loop3A_761 : vector<16xf32> to vector<1x1x16xf32>
        tpu.vector_store %arg6[%parallel_loop3A_770, %parallel_loop3A_771, %parallel_loop3A_772], %parallel_loop3A_775 {add = true, strides = array<i32>} : memref<4x32x768xf32, #tpu.memory_space<vmem>>, vector<1x1x16xf32>,
        %parallel_loop3A_776 = arith.index_cast %parallel_loop3A_289 : i32 to index
        %parallel_loop3A_777 = arith.constant 432 : index
        %parallel_loop3A_778 = tpu.vector_load %arg7[%parallel_loop3A_776, %parallel_loop3A_777] {strides = array<i32>} : memref<32x768xf32, #tpu.memory_space<vmem>>, vector<1x16xf32>,
        %parallel_loop3A_779 = vector.shape_cast %parallel_loop3A_778 : vector<1x16xf32> to vector<16xf32>
        %parallel_loop3A_780 = arith.constant 0 : i32
        %parallel_loop3A_781 = arith.index_cast %parallel_loop3A_780 : i32 to index
        %parallel_loop3A_782 = arith.index_cast %parallel_loop3A_289 : i32 to index
        %parallel_loop3A_783 = arith.constant 432 : index
        %parallel_loop3A_784 = tpu.vector_load %arg6[%parallel_loop3A_781, %parallel_loop3A_782, %parallel_loop3A_783] {strides = array<i32>} : memref<4x32x768xf32, #tpu.memory_space<vmem>>, vector<1x1x16xf32>,
        %parallel_loop3A_785 = vector.shape_cast %parallel_loop3A_784 : vector<1x1x16xf32> to vector<16xf32>
        %parallel_loop3A_786 = vector.shape_cast %parallel_loop3A_779 : vector<16xf32> to vector<1x1x16xf32>
        tpu.vector_store %arg6[%parallel_loop3A_781, %parallel_loop3A_782, %parallel_loop3A_783], %parallel_loop3A_786 {add = true, strides = array<i32>} : memref<4x32x768xf32, #tpu.memory_space<vmem>>, vector<1x1x16xf32>,
        %parallel_loop3A_787 = arith.constant 1 : i32
        %parallel_loop3A_788 = arith.index_cast %parallel_loop3A_787 : i32 to index
        %parallel_loop3A_789 = arith.index_cast %parallel_loop3A_289 : i32 to index
        %parallel_loop3A_790 = arith.constant 432 : index
        %parallel_loop3A_791 = tpu.vector_load %arg6[%parallel_loop3A_788, %parallel_loop3A_789, %parallel_loop3A_790] {strides = array<i32>} : memref<4x32x768xf32, #tpu.memory_space<vmem>>, vector<1x1x16xf32>,
        %parallel_loop3A_792 = vector.shape_cast %parallel_loop3A_791 : vector<1x1x16xf32> to vector<16xf32>
        %parallel_loop3A_793 = vector.shape_cast %parallel_loop3A_779 : vector<16xf32> to vector<1x1x16xf32>
        tpu.vector_store %arg6[%parallel_loop3A_788, %parallel_loop3A_789, %parallel_loop3A_790], %parallel_loop3A_793 {add = true, strides = array<i32>} : memref<4x32x768xf32, #tpu.memory_space<vmem>>, vector<1x1x16xf32>,
        %parallel_loop3A_794 = arith.index_cast %parallel_loop3A_289 : i32 to index
        %parallel_loop3A_795 = arith.constant 448 : index
        %parallel_loop3A_796 = tpu.vector_load %arg7[%parallel_loop3A_794, %parallel_loop3A_795] {strides = array<i32>} : memref<32x768xf32, #tpu.memory_space<vmem>>, vector<1x16xf32>,
        %parallel_loop3A_797 = vector.shape_cast %parallel_loop3A_796 : vector<1x16xf32> to vector<16xf32>
        %parallel_loop3A_798 = arith.constant 0 : i32
        %parallel_loop3A_799 = arith.index_cast %parallel_loop3A_798 : i32 to index
        %parallel_loop3A_800 = arith.index_cast %parallel_loop3A_289 : i32 to index
        %parallel_loop3A_801 = arith.constant 448 : index
        %parallel_loop3A_802 = tpu.vector_load %arg6[%parallel_loop3A_799, %parallel_loop3A_800, %parallel_loop3A_801] {strides = array<i32>} : memref<4x32x768xf32, #tpu.memory_space<vmem>>, vector<1x1x16xf32>,
        %parallel_loop3A_803 = vector.shape_cast %parallel_loop3A_802 : vector<1x1x16xf32> to vector<16xf32>
        %parallel_loop3A_804 = vector.shape_cast %parallel_loop3A_797 : vector<16xf32> to vector<1x1x16xf32>
        tpu.vector_store %arg6[%parallel_loop3A_799, %parallel_loop3A_800, %parallel_loop3A_801], %parallel_loop3A_804 {add = true, strides = array<i32>} : memref<4x32x768xf32, #tpu.memory_space<vmem>>, vector<1x1x16xf32>,
        %parallel_loop3A_805 = arith.constant 1 : i32
        %parallel_loop3A_806 = arith.index_cast %parallel_loop3A_805 : i32 to index
        %parallel_loop3A_807 = arith.index_cast %parallel_loop3A_289 : i32 to index
        %parallel_loop3A_808 = arith.constant 448 : index
        %parallel_loop3A_809 = tpu.vector_load %arg6[%parallel_loop3A_806, %parallel_loop3A_807, %parallel_loop3A_808] {strides = array<i32>} : memref<4x32x768xf32, #tpu.memory_space<vmem>>, vector<1x1x16xf32>,
        %parallel_loop3A_810 = vector.shape_cast %parallel_loop3A_809 : vector<1x1x16xf32> to vector<16xf32>
        %parallel_loop3A_811 = vector.shape_cast %parallel_loop3A_797 : vector<16xf32> to vector<1x1x16xf32>
        tpu.vector_store %arg6[%parallel_loop3A_806, %parallel_loop3A_807, %parallel_loop3A_808], %parallel_loop3A_811 {add = true, strides = array<i32>} : memref<4x32x768xf32, #tpu.memory_space<vmem>>, vector<1x1x16xf32>,
        %parallel_loop3A_812 = arith.index_cast %parallel_loop3A_289 : i32 to index
        %parallel_loop3A_813 = arith.constant 464 : index
        %parallel_loop3A_814 = tpu.vector_load %arg7[%parallel_loop3A_812, %parallel_loop3A_813] {strides = array<i32>} : memref<32x768xf32, #tpu.memory_space<vmem>>, vector<1x16xf32>,
        %parallel_loop3A_815 = vector.shape_cast %parallel_loop3A_814 : vector<1x16xf32> to vector<16xf32>
        %parallel_loop3A_816 = arith.constant 0 : i32
        %parallel_loop3A_817 = arith.index_cast %parallel_loop3A_816 : i32 to index
        %parallel_loop3A_818 = arith.index_cast %parallel_loop3A_289 : i32 to index
        %parallel_loop3A_819 = arith.constant 464 : index
        %parallel_loop3A_820 = tpu.vector_load %arg6[%parallel_loop3A_817, %parallel_loop3A_818, %parallel_loop3A_819] {strides = array<i32>} : memref<4x32x768xf32, #tpu.memory_space<vmem>>, vector<1x1x16xf32>,
        %parallel_loop3A_821 = vector.shape_cast %parallel_loop3A_820 : vector<1x1x16xf32> to vector<16xf32>
        %parallel_loop3A_822 = vector.shape_cast %parallel_loop3A_815 : vector<16xf32> to vector<1x1x16xf32>
        tpu.vector_store %arg6[%parallel_loop3A_817, %parallel_loop3A_818, %parallel_loop3A_819], %parallel_loop3A_822 {add = true, strides = array<i32>} : memref<4x32x768xf32, #tpu.memory_space<vmem>>, vector<1x1x16xf32>,
        %parallel_loop3A_823 = arith.constant 1 : i32
        %parallel_loop3A_824 = arith.index_cast %parallel_loop3A_823 : i32 to index
        %parallel_loop3A_825 = arith.index_cast %parallel_loop3A_289 : i32 to index
        %parallel_loop3A_826 = arith.constant 464 : index
        %parallel_loop3A_827 = tpu.vector_load %arg6[%parallel_loop3A_824, %parallel_loop3A_825, %parallel_loop3A_826] {strides = array<i32>} : memref<4x32x768xf32, #tpu.memory_space<vmem>>, vector<1x1x16xf32>,
        %parallel_loop3A_828 = vector.shape_cast %parallel_loop3A_827 : vector<1x1x16xf32> to vector<16xf32>
        %parallel_loop3A_829 = vector.shape_cast %parallel_loop3A_815 : vector<16xf32> to vector<1x1x16xf32>
        tpu.vector_store %arg6[%parallel_loop3A_824, %parallel_loop3A_825, %parallel_loop3A_826], %parallel_loop3A_829 {add = true, strides = array<i32>} : memref<4x32x768xf32, #tpu.memory_space<vmem>>, vector<1x1x16xf32>,
        %parallel_loop3A_830 = arith.index_cast %parallel_loop3A_289 : i32 to index
        %parallel_loop3A_831 = arith.constant 480 : index
        %parallel_loop3A_832 = tpu.vector_load %arg7[%parallel_loop3A_830, %parallel_loop3A_831] {strides = array<i32>} : memref<32x768xf32, #tpu.memory_space<vmem>>, vector<1x16xf32>,
        %parallel_loop3A_833 = vector.shape_cast %parallel_loop3A_832 : vector<1x16xf32> to vector<16xf32>
        %parallel_loop3A_834 = arith.constant 0 : i32
        %parallel_loop3A_835 = arith.index_cast %parallel_loop3A_834 : i32 to index
        %parallel_loop3A_836 = arith.index_cast %parallel_loop3A_289 : i32 to index
        %parallel_loop3A_837 = arith.constant 480 : index
        %parallel_loop3A_838 = tpu.vector_load %arg6[%parallel_loop3A_835, %parallel_loop3A_836, %parallel_loop3A_837] {strides = array<i32>} : memref<4x32x768xf32, #tpu.memory_space<vmem>>, vector<1x1x16xf32>,
        %parallel_loop3A_839 = vector.shape_cast %parallel_loop3A_838 : vector<1x1x16xf32> to vector<16xf32>
        %parallel_loop3A_840 = vector.shape_cast %parallel_loop3A_833 : vector<16xf32> to vector<1x1x16xf32>
        tpu.vector_store %arg6[%parallel_loop3A_835, %parallel_loop3A_836, %parallel_loop3A_837], %parallel_loop3A_840 {add = true, strides = array<i32>} : memref<4x32x768xf32, #tpu.memory_space<vmem>>, vector<1x1x16xf32>,
        %parallel_loop3A_841 = arith.constant 1 : i32
        %parallel_loop3A_842 = arith.index_cast %parallel_loop3A_841 : i32 to index
        %parallel_loop3A_843 = arith.index_cast %parallel_loop3A_289 : i32 to index
        %parallel_loop3A_844 = arith.constant 480 : index
        %parallel_loop3A_845 = tpu.vector_load %arg6[%parallel_loop3A_842, %parallel_loop3A_843, %parallel_loop3A_844] {strides = array<i32>} : memref<4x32x768xf32, #tpu.memory_space<vmem>>, vector<1x1x16xf32>,
        %parallel_loop3A_846 = vector.shape_cast %parallel_loop3A_845 : vector<1x1x16xf32> to vector<16xf32>
        %parallel_loop3A_847 = vector.shape_cast %parallel_loop3A_833 : vector<16xf32> to vector<1x1x16xf32>
        tpu.vector_store %arg6[%parallel_loop3A_842, %parallel_loop3A_843, %parallel_loop3A_844], %parallel_loop3A_847 {add = true, strides = array<i32>} : memref<4x32x768xf32, #tpu.memory_space<vmem>>, vector<1x1x16xf32>,
        %parallel_loop3A_848 = arith.index_cast %parallel_loop3A_289 : i32 to index
        %parallel_loop3A_849 = arith.constant 496 : index
        %parallel_loop3A_850 = tpu.vector_load %arg7[%parallel_loop3A_848, %parallel_loop3A_849] {strides = array<i32>} : memref<32x768xf32, #tpu.memory_space<vmem>>, vector<1x16xf32>,
        %parallel_loop3A_851 = vector.shape_cast %parallel_loop3A_850 : vector<1x16xf32> to vector<16xf32>
        %parallel_loop3A_852 = arith.constant 0 : i32
        %parallel_loop3A_853 = arith.index_cast %parallel_loop3A_852 : i32 to index
        %parallel_loop3A_854 = arith.index_cast %parallel_loop3A_289 : i32 to index
        %parallel_loop3A_855 = arith.constant 496 : index
        %parallel_loop3A_856 = tpu.vector_load %arg6[%parallel_loop3A_853, %parallel_loop3A_854, %parallel_loop3A_855] {strides = array<i32>} : memref<4x32x768xf32, #tpu.memory_space<vmem>>, vector<1x1x16xf32>,
        %parallel_loop3A_857 = vector.shape_cast %parallel_loop3A_856 : vector<1x1x16xf32> to vector<16xf32>
        %parallel_loop3A_858 = vector.shape_cast %parallel_loop3A_851 : vector<16xf32> to vector<1x1x16xf32>
        tpu.vector_store %arg6[%parallel_loop3A_853, %parallel_loop3A_854, %parallel_loop3A_855], %parallel_loop3A_858 {add = true, strides = array<i32>} : memref<4x32x768xf32, #tpu.memory_space<vmem>>, vector<1x1x16xf32>,
        %parallel_loop3A_859 = arith.constant 1 : i32
        %parallel_loop3A_860 = arith.index_cast %parallel_loop3A_859 : i32 to index
        %parallel_loop3A_861 = arith.index_cast %parallel_loop3A_289 : i32 to index
        %parallel_loop3A_862 = arith.constant 496 : index
        %parallel_loop3A_863 = tpu.vector_load %arg6[%parallel_loop3A_860, %parallel_loop3A_861, %parallel_loop3A_862] {strides = array<i32>} : memref<4x32x768xf32, #tpu.memory_space<vmem>>, vector<1x1x16xf32>,
        %parallel_loop3A_864 = vector.shape_cast %parallel_loop3A_863 : vector<1x1x16xf32> to vector<16xf32>
        %parallel_loop3A_865 = vector.shape_cast %parallel_loop3A_851 : vector<16xf32> to vector<1x1x16xf32>
        tpu.vector_store %arg6[%parallel_loop3A_860, %parallel_loop3A_861, %parallel_loop3A_862], %parallel_loop3A_865 {add = true, strides = array<i32>} : memref<4x32x768xf32, #tpu.memory_space<vmem>>, vector<1x1x16xf32>,
        %parallel_loop3A_866 = arith.index_cast %parallel_loop3A_289 : i32 to index
        %parallel_loop3A_867 = arith.constant 512 : index
        %parallel_loop3A_868 = tpu.vector_load %arg7[%parallel_loop3A_866, %parallel_loop3A_867] {strides = array<i32>} : memref<32x768xf32, #tpu.memory_space<vmem>>, vector<1x16xf32>,
        %parallel_loop3A_869 = vector.shape_cast %parallel_loop3A_868 : vector<1x16xf32> to vector<16xf32>
        %parallel_loop3A_870 = arith.constant 0 : i32
        %parallel_loop3A_871 = arith.index_cast %parallel_loop3A_870 : i32 to index
        %parallel_loop3A_872 = arith.index_cast %parallel_loop3A_289 : i32 to index
        %parallel_loop3A_873 = arith.constant 512 : index
        %parallel_loop3A_874 = tpu.vector_load %arg6[%parallel_loop3A_871, %parallel_loop3A_872, %parallel_loop3A_873] {strides = array<i32>} : memref<4x32x768xf32, #tpu.memory_space<vmem>>, vector<1x1x16xf32>,
        %parallel_loop3A_875 = vector.shape_cast %parallel_loop3A_874 : vector<1x1x16xf32> to vector<16xf32>
        %parallel_loop3A_876 = vector.shape_cast %parallel_loop3A_869 : vector<16xf32> to vector<1x1x16xf32>
        tpu.vector_store %arg6[%parallel_loop3A_871, %parallel_loop3A_872, %parallel_loop3A_873], %parallel_loop3A_876 {add = true, strides = array<i32>} : memref<4x32x768xf32, #tpu.memory_space<vmem>>, vector<1x1x16xf32>,
        %parallel_loop3A_877 = arith.constant 1 : i32
        %parallel_loop3A_878 = arith.index_cast %parallel_loop3A_877 : i32 to index
        %parallel_loop3A_879 = arith.index_cast %parallel_loop3A_289 : i32 to index
        %parallel_loop3A_880 = arith.constant 512 : index
        %parallel_loop3A_881 = tpu.vector_load %arg6[%parallel_loop3A_878, %parallel_loop3A_879, %parallel_loop3A_880] {strides = array<i32>} : memref<4x32x768xf32, #tpu.memory_space<vmem>>, vector<1x1x16xf32>,
        %parallel_loop3A_882 = vector.shape_cast %parallel_loop3A_881 : vector<1x1x16xf32> to vector<16xf32>
        %parallel_loop3A_883 = vector.shape_cast %parallel_loop3A_869 : vector<16xf32> to vector<1x1x16xf32>
        tpu.vector_store %arg6[%parallel_loop3A_878, %parallel_loop3A_879, %parallel_loop3A_880], %parallel_loop3A_883 {add = true, strides = array<i32>} : memref<4x32x768xf32, #tpu.memory_space<vmem>>, vector<1x1x16xf32>,
        %parallel_loop3A_884 = arith.index_cast %parallel_loop3A_289 : i32 to index
        %parallel_loop3A_885 = arith.constant 528 : index
        %parallel_loop3A_886 = tpu.vector_load %arg7[%parallel_loop3A_884, %parallel_loop3A_885] {strides = array<i32>} : memref<32x768xf32, #tpu.memory_space<vmem>>, vector<1x16xf32>,
        %parallel_loop3A_887 = vector.shape_cast %parallel_loop3A_886 : vector<1x16xf32> to vector<16xf32>
        %parallel_loop3A_888 = arith.constant 0 : i32
        %parallel_loop3A_889 = arith.index_cast %parallel_loop3A_888 : i32 to index
        %parallel_loop3A_890 = arith.index_cast %parallel_loop3A_289 : i32 to index
        %parallel_loop3A_891 = arith.constant 528 : index
        %parallel_loop3A_892 = tpu.vector_load %arg6[%parallel_loop3A_889, %parallel_loop3A_890, %parallel_loop3A_891] {strides = array<i32>} : memref<4x32x768xf32, #tpu.memory_space<vmem>>, vector<1x1x16xf32>,
        %parallel_loop3A_893 = vector.shape_cast %parallel_loop3A_892 : vector<1x1x16xf32> to vector<16xf32>
        %parallel_loop3A_894 = vector.shape_cast %parallel_loop3A_887 : vector<16xf32> to vector<1x1x16xf32>
        tpu.vector_store %arg6[%parallel_loop3A_889, %parallel_loop3A_890, %parallel_loop3A_891], %parallel_loop3A_894 {add = true, strides = array<i32>} : memref<4x32x768xf32, #tpu.memory_space<vmem>>, vector<1x1x16xf32>,
        %parallel_loop3A_895 = arith.constant 1 : i32
        %parallel_loop3A_896 = arith.index_cast %parallel_loop3A_895 : i32 to index
        %parallel_loop3A_897 = arith.index_cast %parallel_loop3A_289 : i32 to index
        %parallel_loop3A_898 = arith.constant 528 : index
        %parallel_loop3A_899 = tpu.vector_load %arg6[%parallel_loop3A_896, %parallel_loop3A_897, %parallel_loop3A_898] {strides = array<i32>} : memref<4x32x768xf32, #tpu.memory_space<vmem>>, vector<1x1x16xf32>,
        %parallel_loop3A_900 = vector.shape_cast %parallel_loop3A_899 : vector<1x1x16xf32> to vector<16xf32>
        %parallel_loop3A_901 = vector.shape_cast %parallel_loop3A_887 : vector<16xf32> to vector<1x1x16xf32>
        tpu.vector_store %arg6[%parallel_loop3A_896, %parallel_loop3A_897, %parallel_loop3A_898], %parallel_loop3A_901 {add = true, strides = array<i32>} : memref<4x32x768xf32, #tpu.memory_space<vmem>>, vector<1x1x16xf32>,
        %parallel_loop3A_902 = arith.index_cast %parallel_loop3A_289 : i32 to index
        %parallel_loop3A_903 = arith.constant 544 : index
        %parallel_loop3A_904 = tpu.vector_load %arg7[%parallel_loop3A_902, %parallel_loop3A_903] {strides = array<i32>} : memref<32x768xf32, #tpu.memory_space<vmem>>, vector<1x16xf32>,
        %parallel_loop3A_905 = vector.shape_cast %parallel_loop3A_904 : vector<1x16xf32> to vector<16xf32>
        %parallel_loop3A_906 = arith.constant 0 : i32
        %parallel_loop3A_907 = arith.index_cast %parallel_loop3A_906 : i32 to index
        %parallel_loop3A_908 = arith.index_cast %parallel_loop3A_289 : i32 to index
        %parallel_loop3A_909 = arith.constant 544 : index
        %parallel_loop3A_910 = tpu.vector_load %arg6[%parallel_loop3A_907, %parallel_loop3A_908, %parallel_loop3A_909] {strides = array<i32>} : memref<4x32x768xf32, #tpu.memory_space<vmem>>, vector<1x1x16xf32>,
        %parallel_loop3A_911 = vector.shape_cast %parallel_loop3A_910 : vector<1x1x16xf32> to vector<16xf32>
        %parallel_loop3A_912 = vector.shape_cast %parallel_loop3A_905 : vector<16xf32> to vector<1x1x16xf32>
        tpu.vector_store %arg6[%parallel_loop3A_907, %parallel_loop3A_908, %parallel_loop3A_909], %parallel_loop3A_912 {add = true, strides = array<i32>} : memref<4x32x768xf32, #tpu.memory_space<vmem>>, vector<1x1x16xf32>,
        %parallel_loop3A_913 = arith.constant 1 : i32
        %parallel_loop3A_914 = arith.index_cast %parallel_loop3A_913 : i32 to index
        %parallel_loop3A_915 = arith.index_cast %parallel_loop3A_289 : i32 to index
        %parallel_loop3A_916 = arith.constant 544 : index
        %parallel_loop3A_917 = tpu.vector_load %arg6[%parallel_loop3A_914, %parallel_loop3A_915, %parallel_loop3A_916] {strides = array<i32>} : memref<4x32x768xf32, #tpu.memory_space<vmem>>, vector<1x1x16xf32>,
        %parallel_loop3A_918 = vector.shape_cast %parallel_loop3A_917 : vector<1x1x16xf32> to vector<16xf32>
        %parallel_loop3A_919 = vector.shape_cast %parallel_loop3A_905 : vector<16xf32> to vector<1x1x16xf32>
        tpu.vector_store %arg6[%parallel_loop3A_914, %parallel_loop3A_915, %parallel_loop3A_916], %parallel_loop3A_919 {add = true, strides = array<i32>} : memref<4x32x768xf32, #tpu.memory_space<vmem>>, vector<1x1x16xf32>,
        %parallel_loop3A_920 = arith.index_cast %parallel_loop3A_289 : i32 to index
        %parallel_loop3A_921 = arith.constant 560 : index
        %parallel_loop3A_922 = tpu.vector_load %arg7[%parallel_loop3A_920, %parallel_loop3A_921] {strides = array<i32>} : memref<32x768xf32, #tpu.memory_space<vmem>>, vector<1x16xf32>,
        %parallel_loop3A_923 = vector.shape_cast %parallel_loop3A_922 : vector<1x16xf32> to vector<16xf32>
        %parallel_loop3A_924 = arith.constant 0 : i32
        %parallel_loop3A_925 = arith.index_cast %parallel_loop3A_924 : i32 to index
        %parallel_loop3A_926 = arith.index_cast %parallel_loop3A_289 : i32 to index
        %parallel_loop3A_927 = arith.constant 560 : index
        %parallel_loop3A_928 = tpu.vector_load %arg6[%parallel_loop3A_925, %parallel_loop3A_926, %parallel_loop3A_927] {strides = array<i32>} : memref<4x32x768xf32, #tpu.memory_space<vmem>>, vector<1x1x16xf32>,
        %parallel_loop3A_929 = vector.shape_cast %parallel_loop3A_928 : vector<1x1x16xf32> to vector<16xf32>
        %parallel_loop3A_930 = vector.shape_cast %parallel_loop3A_923 : vector<16xf32> to vector<1x1x16xf32>
        tpu.vector_store %arg6[%parallel_loop3A_925, %parallel_loop3A_926, %parallel_loop3A_927], %parallel_loop3A_930 {add = true, strides = array<i32>} : memref<4x32x768xf32, #tpu.memory_space<vmem>>, vector<1x1x16xf32>,
        %parallel_loop3A_931 = arith.constant 1 : i32
        %parallel_loop3A_932 = arith.index_cast %parallel_loop3A_931 : i32 to index
        %parallel_loop3A_933 = arith.index_cast %parallel_loop3A_289 : i32 to index
        %parallel_loop3A_934 = arith.constant 560 : index
        %parallel_loop3A_935 = tpu.vector_load %arg6[%parallel_loop3A_932, %parallel_loop3A_933, %parallel_loop3A_934] {strides = array<i32>} : memref<4x32x768xf32, #tpu.memory_space<vmem>>, vector<1x1x16xf32>,
        %parallel_loop3A_936 = vector.shape_cast %parallel_loop3A_935 : vector<1x1x16xf32> to vector<16xf32>
        %parallel_loop3A_937 = vector.shape_cast %parallel_loop3A_923 : vector<16xf32> to vector<1x1x16xf32>
        tpu.vector_store %arg6[%parallel_loop3A_932, %parallel_loop3A_933, %parallel_loop3A_934], %parallel_loop3A_937 {add = true, strides = array<i32>} : memref<4x32x768xf32, #tpu.memory_space<vmem>>, vector<1x1x16xf32>,
        %parallel_loop3A_938 = arith.index_cast %parallel_loop3A_289 : i32 to index
        %parallel_loop3A_939 = arith.constant 576 : index
        %parallel_loop3A_940 = tpu.vector_load %arg7[%parallel_loop3A_938, %parallel_loop3A_939] {strides = array<i32>} : memref<32x768xf32, #tpu.memory_space<vmem>>, vector<1x16xf32>,
        %parallel_loop3A_941 = vector.shape_cast %parallel_loop3A_940 : vector<1x16xf32> to vector<16xf32>
        %parallel_loop3A_942 = arith.constant 0 : i32
        %parallel_loop3A_943 = arith.index_cast %parallel_loop3A_942 : i32 to index
        %parallel_loop3A_944 = arith.index_cast %parallel_loop3A_289 : i32 to index
        %parallel_loop3A_945 = arith.constant 576 : index
        %parallel_loop3A_946 = tpu.vector_load %arg6[%parallel_loop3A_943, %parallel_loop3A_944, %parallel_loop3A_945] {strides = array<i32>} : memref<4x32x768xf32, #tpu.memory_space<vmem>>, vector<1x1x16xf32>,
        %parallel_loop3A_947 = vector.shape_cast %parallel_loop3A_946 : vector<1x1x16xf32> to vector<16xf32>
        %parallel_loop3A_948 = vector.shape_cast %parallel_loop3A_941 : vector<16xf32> to vector<1x1x16xf32>
        tpu.vector_store %arg6[%parallel_loop3A_943, %parallel_loop3A_944, %parallel_loop3A_945], %parallel_loop3A_948 {add = true, strides = array<i32>} : memref<4x32x768xf32, #tpu.memory_space<vmem>>, vector<1x1x16xf32>,
        %parallel_loop3A_949 = arith.constant 1 : i32
        %parallel_loop3A_950 = arith.index_cast %parallel_loop3A_949 : i32 to index
        %parallel_loop3A_951 = arith.index_cast %parallel_loop3A_289 : i32 to index
        %parallel_loop3A_952 = arith.constant 576 : index
        %parallel_loop3A_953 = tpu.vector_load %arg6[%parallel_loop3A_950, %parallel_loop3A_951, %parallel_loop3A_952] {strides = array<i32>} : memref<4x32x768xf32, #tpu.memory_space<vmem>>, vector<1x1x16xf32>,
        %parallel_loop3A_954 = vector.shape_cast %parallel_loop3A_953 : vector<1x1x16xf32> to vector<16xf32>
        %parallel_loop3A_955 = vector.shape_cast %parallel_loop3A_941 : vector<16xf32> to vector<1x1x16xf32>
        tpu.vector_store %arg6[%parallel_loop3A_950, %parallel_loop3A_951, %parallel_loop3A_952], %parallel_loop3A_955 {add = true, strides = array<i32>} : memref<4x32x768xf32, #tpu.memory_space<vmem>>, vector<1x1x16xf32>,
        %parallel_loop3A_956 = arith.index_cast %parallel_loop3A_289 : i32 to index
        %parallel_loop3A_957 = arith.constant 592 : index
        %parallel_loop3A_958 = tpu.vector_load %arg7[%parallel_loop3A_956, %parallel_loop3A_957] {strides = array<i32>} : memref<32x768xf32, #tpu.memory_space<vmem>>, vector<1x16xf32>,
        %parallel_loop3A_959 = vector.shape_cast %parallel_loop3A_958 : vector<1x16xf32> to vector<16xf32>
        %parallel_loop3A_960 = arith.constant 0 : i32
        %parallel_loop3A_961 = arith.index_cast %parallel_loop3A_960 : i32 to index
        %parallel_loop3A_962 = arith.index_cast %parallel_loop3A_289 : i32 to index
        %parallel_loop3A_963 = arith.constant 592 : index
        %parallel_loop3A_964 = tpu.vector_load %arg6[%parallel_loop3A_961, %parallel_loop3A_962, %parallel_loop3A_963] {strides = array<i32>} : memref<4x32x768xf32, #tpu.memory_space<vmem>>, vector<1x1x16xf32>,
        %parallel_loop3A_965 = vector.shape_cast %parallel_loop3A_964 : vector<1x1x16xf32> to vector<16xf32>
        %parallel_loop3A_966 = vector.shape_cast %parallel_loop3A_959 : vector<16xf32> to vector<1x1x16xf32>
        tpu.vector_store %arg6[%parallel_loop3A_961, %parallel_loop3A_962, %parallel_loop3A_963], %parallel_loop3A_966 {add = true, strides = array<i32>} : memref<4x32x768xf32, #tpu.memory_space<vmem>>, vector<1x1x16xf32>,
        %parallel_loop3A_967 = arith.constant 1 : i32
        %parallel_loop3A_968 = arith.index_cast %parallel_loop3A_967 : i32 to index
        %parallel_loop3A_969 = arith.index_cast %parallel_loop3A_289 : i32 to index
        %parallel_loop3A_970 = arith.constant 592 : index
        %parallel_loop3A_971 = tpu.vector_load %arg6[%parallel_loop3A_968, %parallel_loop3A_969, %parallel_loop3A_970] {strides = array<i32>} : memref<4x32x768xf32, #tpu.memory_space<vmem>>, vector<1x1x16xf32>,
        %parallel_loop3A_972 = vector.shape_cast %parallel_loop3A_971 : vector<1x1x16xf32> to vector<16xf32>
        %parallel_loop3A_973 = vector.shape_cast %parallel_loop3A_959 : vector<16xf32> to vector<1x1x16xf32>
        tpu.vector_store %arg6[%parallel_loop3A_968, %parallel_loop3A_969, %parallel_loop3A_970], %parallel_loop3A_973 {add = true, strides = array<i32>} : memref<4x32x768xf32, #tpu.memory_space<vmem>>, vector<1x1x16xf32>,
        %parallel_loop3A_974 = arith.index_cast %parallel_loop3A_289 : i32 to index
        %parallel_loop3A_975 = arith.constant 608 : index
        %parallel_loop3A_976 = tpu.vector_load %arg7[%parallel_loop3A_974, %parallel_loop3A_975] {strides = array<i32>} : memref<32x768xf32, #tpu.memory_space<vmem>>, vector<1x16xf32>,
        %parallel_loop3A_977 = vector.shape_cast %parallel_loop3A_976 : vector<1x16xf32> to vector<16xf32>
        %parallel_loop3A_978 = arith.constant 0 : i32
        %parallel_loop3A_979 = arith.index_cast %parallel_loop3A_978 : i32 to index
        %parallel_loop3A_980 = arith.index_cast %parallel_loop3A_289 : i32 to index
        %parallel_loop3A_981 = arith.constant 608 : index
        %parallel_loop3A_982 = tpu.vector_load %arg6[%parallel_loop3A_979, %parallel_loop3A_980, %parallel_loop3A_981] {strides = array<i32>} : memref<4x32x768xf32, #tpu.memory_space<vmem>>, vector<1x1x16xf32>,
        %parallel_loop3A_983 = vector.shape_cast %parallel_loop3A_982 : vector<1x1x16xf32> to vector<16xf32>
        %parallel_loop3A_984 = vector.shape_cast %parallel_loop3A_977 : vector<16xf32> to vector<1x1x16xf32>
        tpu.vector_store %arg6[%parallel_loop3A_979, %parallel_loop3A_980, %parallel_loop3A_981], %parallel_loop3A_984 {add = true, strides = array<i32>} : memref<4x32x768xf32, #tpu.memory_space<vmem>>, vector<1x1x16xf32>,
        %parallel_loop3A_985 = arith.constant 1 : i32
        %parallel_loop3A_986 = arith.index_cast %parallel_loop3A_985 : i32 to index
        %parallel_loop3A_987 = arith.index_cast %parallel_loop3A_289 : i32 to index
        %parallel_loop3A_988 = arith.constant 608 : index
        %parallel_loop3A_989 = tpu.vector_load %arg6[%parallel_loop3A_986, %parallel_loop3A_987, %parallel_loop3A_988] {strides = array<i32>} : memref<4x32x768xf32, #tpu.memory_space<vmem>>, vector<1x1x16xf32>,
        %parallel_loop3A_990 = vector.shape_cast %parallel_loop3A_989 : vector<1x1x16xf32> to vector<16xf32>
        %parallel_loop3A_991 = vector.shape_cast %parallel_loop3A_977 : vector<16xf32> to vector<1x1x16xf32>
        tpu.vector_store %arg6[%parallel_loop3A_986, %parallel_loop3A_987, %parallel_loop3A_988], %parallel_loop3A_991 {add = true, strides = array<i32>} : memref<4x32x768xf32, #tpu.memory_space<vmem>>, vector<1x1x16xf32>,
        %parallel_loop3A_992 = arith.index_cast %parallel_loop3A_289 : i32 to index
        %parallel_loop3A_993 = arith.constant 624 : index
        %parallel_loop3A_994 = tpu.vector_load %arg7[%parallel_loop3A_992, %parallel_loop3A_993] {strides = array<i32>} : memref<32x768xf32, #tpu.memory_space<vmem>>, vector<1x16xf32>,
        %parallel_loop3A_995 = vector.shape_cast %parallel_loop3A_994 : vector<1x16xf32> to vector<16xf32>
        %parallel_loop3A_996 = arith.constant 0 : i32
        %parallel_loop3A_997 = arith.index_cast %parallel_loop3A_996 : i32 to index
        %parallel_loop3A_998 = arith.index_cast %parallel_loop3A_289 : i32 to index
        %parallel_loop3A_999 = arith.constant 624 : index
        %parallel_loop3A_1000 = tpu.vector_load %arg6[%parallel_loop3A_997, %parallel_loop3A_998, %parallel_loop3A_999] {strides = array<i32>} : memref<4x32x768xf32, #tpu.memory_space<vmem>>, vector<1x1x16xf32>,
        %parallel_loop3A_1001 = vector.shape_cast %parallel_loop3A_1000 : vector<1x1x16xf32> to vector<16xf32>
        %parallel_loop3A_1002 = vector.shape_cast %parallel_loop3A_995 : vector<16xf32> to vector<1x1x16xf32>
        tpu.vector_store %arg6[%parallel_loop3A_997, %parallel_loop3A_998, %parallel_loop3A_999], %parallel_loop3A_1002 {add = true, strides = array<i32>} : memref<4x32x768xf32, #tpu.memory_space<vmem>>, vector<1x1x16xf32>,
        %parallel_loop3A_1003 = arith.constant 1 : i32
        %parallel_loop3A_1004 = arith.index_cast %parallel_loop3A_1003 : i32 to index
        %parallel_loop3A_1005 = arith.index_cast %parallel_loop3A_289 : i32 to index
        %parallel_loop3A_1006 = arith.constant 624 : index
        %parallel_loop3A_1007 = tpu.vector_load %arg6[%parallel_loop3A_1004, %parallel_loop3A_1005, %parallel_loop3A_1006] {strides = array<i32>} : memref<4x32x768xf32, #tpu.memory_space<vmem>>, vector<1x1x16xf32>,
        %parallel_loop3A_1008 = vector.shape_cast %parallel_loop3A_1007 : vector<1x1x16xf32> to vector<16xf32>
        %parallel_loop3A_1009 = vector.shape_cast %parallel_loop3A_995 : vector<16xf32> to vector<1x1x16xf32>
        tpu.vector_store %arg6[%parallel_loop3A_1004, %parallel_loop3A_1005, %parallel_loop3A_1006], %parallel_loop3A_1009 {add = true, strides = array<i32>} : memref<4x32x768xf32, #tpu.memory_space<vmem>>, vector<1x1x16xf32>,
        %parallel_loop3A_1010 = arith.index_cast %parallel_loop3A_289 : i32 to index
        %parallel_loop3A_1011 = arith.constant 640 : index
        %parallel_loop3A_1012 = tpu.vector_load %arg7[%parallel_loop3A_1010, %parallel_loop3A_1011] {strides = array<i32>} : memref<32x768xf32, #tpu.memory_space<vmem>>, vector<1x16xf32>,
        %parallel_loop3A_1013 = vector.shape_cast %parallel_loop3A_1012 : vector<1x16xf32> to vector<16xf32>
        %parallel_loop3A_1014 = arith.constant 0 : i32
        %parallel_loop3A_1015 = arith.index_cast %parallel_loop3A_1014 : i32 to index
        %parallel_loop3A_1016 = arith.index_cast %parallel_loop3A_289 : i32 to index
        %parallel_loop3A_1017 = arith.constant 640 : index
        %parallel_loop3A_1018 = tpu.vector_load %arg6[%parallel_loop3A_1015, %parallel_loop3A_1016, %parallel_loop3A_1017] {strides = array<i32>} : memref<4x32x768xf32, #tpu.memory_space<vmem>>, vector<1x1x16xf32>,
        %parallel_loop3A_1019 = vector.shape_cast %parallel_loop3A_1018 : vector<1x1x16xf32> to vector<16xf32>
        %parallel_loop3A_1020 = vector.shape_cast %parallel_loop3A_1013 : vector<16xf32> to vector<1x1x16xf32>
        tpu.vector_store %arg6[%parallel_loop3A_1015, %parallel_loop3A_1016, %parallel_loop3A_1017], %parallel_loop3A_1020 {add = true, strides = array<i32>} : memref<4x32x768xf32, #tpu.memory_space<vmem>>, vector<1x1x16xf32>,
        %parallel_loop3A_1021 = arith.constant 1 : i32
        %parallel_loop3A_1022 = arith.index_cast %parallel_loop3A_1021 : i32 to index
        %parallel_loop3A_1023 = arith.index_cast %parallel_loop3A_289 : i32 to index
        %parallel_loop3A_1024 = arith.constant 640 : index
        %parallel_loop3A_1025 = tpu.vector_load %arg6[%parallel_loop3A_1022, %parallel_loop3A_1023, %parallel_loop3A_1024] {strides = array<i32>} : memref<4x32x768xf32, #tpu.memory_space<vmem>>, vector<1x1x16xf32>,
        %parallel_loop3A_1026 = vector.shape_cast %parallel_loop3A_1025 : vector<1x1x16xf32> to vector<16xf32>
        %parallel_loop3A_1027 = vector.shape_cast %parallel_loop3A_1013 : vector<16xf32> to vector<1x1x16xf32>
        tpu.vector_store %arg6[%parallel_loop3A_1022, %parallel_loop3A_1023, %parallel_loop3A_1024], %parallel_loop3A_1027 {add = true, strides = array<i32>} : memref<4x32x768xf32, #tpu.memory_space<vmem>>, vector<1x1x16xf32>,
        %parallel_loop3A_1028 = arith.index_cast %parallel_loop3A_289 : i32 to index
        %parallel_loop3A_1029 = arith.constant 656 : index
        %parallel_loop3A_1030 = tpu.vector_load %arg7[%parallel_loop3A_1028, %parallel_loop3A_1029] {strides = array<i32>} : memref<32x768xf32, #tpu.memory_space<vmem>>, vector<1x16xf32>,
        %parallel_loop3A_1031 = vector.shape_cast %parallel_loop3A_1030 : vector<1x16xf32> to vector<16xf32>
        %parallel_loop3A_1032 = arith.constant 0 : i32
        %parallel_loop3A_1033 = arith.index_cast %parallel_loop3A_1032 : i32 to index
        %parallel_loop3A_1034 = arith.index_cast %parallel_loop3A_289 : i32 to index
        %parallel_loop3A_1035 = arith.constant 656 : index
        %parallel_loop3A_1036 = tpu.vector_load %arg6[%parallel_loop3A_1033, %parallel_loop3A_1034, %parallel_loop3A_1035] {strides = array<i32>} : memref<4x32x768xf32, #tpu.memory_space<vmem>>, vector<1x1x16xf32>,
        %parallel_loop3A_1037 = vector.shape_cast %parallel_loop3A_1036 : vector<1x1x16xf32> to vector<16xf32>
        %parallel_loop3A_1038 = vector.shape_cast %parallel_loop3A_1031 : vector<16xf32> to vector<1x1x16xf32>
        tpu.vector_store %arg6[%parallel_loop3A_1033, %parallel_loop3A_1034, %parallel_loop3A_1035], %parallel_loop3A_1038 {add = true, strides = array<i32>} : memref<4x32x768xf32, #tpu.memory_space<vmem>>, vector<1x1x16xf32>,
        %parallel_loop3A_1039 = arith.constant 1 : i32
        %parallel_loop3A_1040 = arith.index_cast %parallel_loop3A_1039 : i32 to index
        %parallel_loop3A_1041 = arith.index_cast %parallel_loop3A_289 : i32 to index
        %parallel_loop3A_1042 = arith.constant 656 : index
        %parallel_loop3A_1043 = tpu.vector_load %arg6[%parallel_loop3A_1040, %parallel_loop3A_1041, %parallel_loop3A_1042] {strides = array<i32>} : memref<4x32x768xf32, #tpu.memory_space<vmem>>, vector<1x1x16xf32>,
        %parallel_loop3A_1044 = vector.shape_cast %parallel_loop3A_1043 : vector<1x1x16xf32> to vector<16xf32>
        %parallel_loop3A_1045 = vector.shape_cast %parallel_loop3A_1031 : vector<16xf32> to vector<1x1x16xf32>
        tpu.vector_store %arg6[%parallel_loop3A_1040, %parallel_loop3A_1041, %parallel_loop3A_1042], %parallel_loop3A_1045 {add = true, strides = array<i32>} : memref<4x32x768xf32, #tpu.memory_space<vmem>>, vector<1x1x16xf32>,
        %parallel_loop3A_1046 = arith.index_cast %parallel_loop3A_289 : i32 to index
        %parallel_loop3A_1047 = arith.constant 672 : index
        %parallel_loop3A_1048 = tpu.vector_load %arg7[%parallel_loop3A_1046, %parallel_loop3A_1047] {strides = array<i32>} : memref<32x768xf32, #tpu.memory_space<vmem>>, vector<1x16xf32>,
        %parallel_loop3A_1049 = vector.shape_cast %parallel_loop3A_1048 : vector<1x16xf32> to vector<16xf32>
        %parallel_loop3A_1050 = arith.constant 0 : i32
        %parallel_loop3A_1051 = arith.index_cast %parallel_loop3A_1050 : i32 to index
        %parallel_loop3A_1052 = arith.index_cast %parallel_loop3A_289 : i32 to index
        %parallel_loop3A_1053 = arith.constant 672 : index
        %parallel_loop3A_1054 = tpu.vector_load %arg6[%parallel_loop3A_1051, %parallel_loop3A_1052, %parallel_loop3A_1053] {strides = array<i32>} : memref<4x32x768xf32, #tpu.memory_space<vmem>>, vector<1x1x16xf32>,
        %parallel_loop3A_1055 = vector.shape_cast %parallel_loop3A_1054 : vector<1x1x16xf32> to vector<16xf32>
        %parallel_loop3A_1056 = vector.shape_cast %parallel_loop3A_1049 : vector<16xf32> to vector<1x1x16xf32>
        tpu.vector_store %arg6[%parallel_loop3A_1051, %parallel_loop3A_1052, %parallel_loop3A_1053], %parallel_loop3A_1056 {add = true, strides = array<i32>} : memref<4x32x768xf32, #tpu.memory_space<vmem>>, vector<1x1x16xf32>,
        %parallel_loop3A_1057 = arith.constant 1 : i32
        %parallel_loop3A_1058 = arith.index_cast %parallel_loop3A_1057 : i32 to index
        %parallel_loop3A_1059 = arith.index_cast %parallel_loop3A_289 : i32 to index
        %parallel_loop3A_1060 = arith.constant 672 : index
        %parallel_loop3A_1061 = tpu.vector_load %arg6[%parallel_loop3A_1058, %parallel_loop3A_1059, %parallel_loop3A_1060] {strides = array<i32>} : memref<4x32x768xf32, #tpu.memory_space<vmem>>, vector<1x1x16xf32>,
        %parallel_loop3A_1062 = vector.shape_cast %parallel_loop3A_1061 : vector<1x1x16xf32> to vector<16xf32>
        %parallel_loop3A_1063 = vector.shape_cast %parallel_loop3A_1049 : vector<16xf32> to vector<1x1x16xf32>
        tpu.vector_store %arg6[%parallel_loop3A_1058, %parallel_loop3A_1059, %parallel_loop3A_1060], %parallel_loop3A_1063 {add = true, strides = array<i32>} : memref<4x32x768xf32, #tpu.memory_space<vmem>>, vector<1x1x16xf32>,
        %parallel_loop3A_1064 = arith.index_cast %parallel_loop3A_289 : i32 to index
        %parallel_loop3A_1065 = arith.constant 688 : index
        %parallel_loop3A_1066 = tpu.vector_load %arg7[%parallel_loop3A_1064, %parallel_loop3A_1065] {strides = array<i32>} : memref<32x768xf32, #tpu.memory_space<vmem>>, vector<1x16xf32>,
        %parallel_loop3A_1067 = vector.shape_cast %parallel_loop3A_1066 : vector<1x16xf32> to vector<16xf32>
        %parallel_loop3A_1068 = arith.constant 0 : i32
        %parallel_loop3A_1069 = arith.index_cast %parallel_loop3A_1068 : i32 to index
        %parallel_loop3A_1070 = arith.index_cast %parallel_loop3A_289 : i32 to index
        %parallel_loop3A_1071 = arith.constant 688 : index
        %parallel_loop3A_1072 = tpu.vector_load %arg6[%parallel_loop3A_1069, %parallel_loop3A_1070, %parallel_loop3A_1071] {strides = array<i32>} : memref<4x32x768xf32, #tpu.memory_space<vmem>>, vector<1x1x16xf32>,
        %parallel_loop3A_1073 = vector.shape_cast %parallel_loop3A_1072 : vector<1x1x16xf32> to vector<16xf32>
        %parallel_loop3A_1074 = vector.shape_cast %parallel_loop3A_1067 : vector<16xf32> to vector<1x1x16xf32>
        tpu.vector_store %arg6[%parallel_loop3A_1069, %parallel_loop3A_1070, %parallel_loop3A_1071], %parallel_loop3A_1074 {add = true, strides = array<i32>} : memref<4x32x768xf32, #tpu.memory_space<vmem>>, vector<1x1x16xf32>,
        %parallel_loop3A_1075 = arith.constant 1 : i32
        %parallel_loop3A_1076 = arith.index_cast %parallel_loop3A_1075 : i32 to index
        %parallel_loop3A_1077 = arith.index_cast %parallel_loop3A_289 : i32 to index
        %parallel_loop3A_1078 = arith.constant 688 : index
        %parallel_loop3A_1079 = tpu.vector_load %arg6[%parallel_loop3A_1076, %parallel_loop3A_1077, %parallel_loop3A_1078] {strides = array<i32>} : memref<4x32x768xf32, #tpu.memory_space<vmem>>, vector<1x1x16xf32>,
        %parallel_loop3A_1080 = vector.shape_cast %parallel_loop3A_1079 : vector<1x1x16xf32> to vector<16xf32>
        %parallel_loop3A_1081 = vector.shape_cast %parallel_loop3A_1067 : vector<16xf32> to vector<1x1x16xf32>
        tpu.vector_store %arg6[%parallel_loop3A_1076, %parallel_loop3A_1077, %parallel_loop3A_1078], %parallel_loop3A_1081 {add = true, strides = array<i32>} : memref<4x32x768xf32, #tpu.memory_space<vmem>>, vector<1x1x16xf32>,
        %parallel_loop3A_1082 = arith.index_cast %parallel_loop3A_289 : i32 to index
        %parallel_loop3A_1083 = arith.constant 704 : index
        %parallel_loop3A_1084 = tpu.vector_load %arg7[%parallel_loop3A_1082, %parallel_loop3A_1083] {strides = array<i32>} : memref<32x768xf32, #tpu.memory_space<vmem>>, vector<1x16xf32>,
        %parallel_loop3A_1085 = vector.shape_cast %parallel_loop3A_1084 : vector<1x16xf32> to vector<16xf32>
        %parallel_loop3A_1086 = arith.constant 0 : i32
        %parallel_loop3A_1087 = arith.index_cast %parallel_loop3A_1086 : i32 to index
        %parallel_loop3A_1088 = arith.index_cast %parallel_loop3A_289 : i32 to index
        %parallel_loop3A_1089 = arith.constant 704 : index
        %parallel_loop3A_1090 = tpu.vector_load %arg6[%parallel_loop3A_1087, %parallel_loop3A_1088, %parallel_loop3A_1089] {strides = array<i32>} : memref<4x32x768xf32, #tpu.memory_space<vmem>>, vector<1x1x16xf32>,
        %parallel_loop3A_1091 = vector.shape_cast %parallel_loop3A_1090 : vector<1x1x16xf32> to vector<16xf32>
        %parallel_loop3A_1092 = vector.shape_cast %parallel_loop3A_1085 : vector<16xf32> to vector<1x1x16xf32>
        tpu.vector_store %arg6[%parallel_loop3A_1087, %parallel_loop3A_1088, %parallel_loop3A_1089], %parallel_loop3A_1092 {add = true, strides = array<i32>} : memref<4x32x768xf32, #tpu.memory_space<vmem>>, vector<1x1x16xf32>,
        %parallel_loop3A_1093 = arith.constant 1 : i32
        %parallel_loop3A_1094 = arith.index_cast %parallel_loop3A_1093 : i32 to index
        %parallel_loop3A_1095 = arith.index_cast %parallel_loop3A_289 : i32 to index
        %parallel_loop3A_1096 = arith.constant 704 : index
        %parallel_loop3A_1097 = tpu.vector_load %arg6[%parallel_loop3A_1094, %parallel_loop3A_1095, %parallel_loop3A_1096] {strides = array<i32>} : memref<4x32x768xf32, #tpu.memory_space<vmem>>, vector<1x1x16xf32>,
        %parallel_loop3A_1098 = vector.shape_cast %parallel_loop3A_1097 : vector<1x1x16xf32> to vector<16xf32>
        %parallel_loop3A_1099 = vector.shape_cast %parallel_loop3A_1085 : vector<16xf32> to vector<1x1x16xf32>
        tpu.vector_store %arg6[%parallel_loop3A_1094, %parallel_loop3A_1095, %parallel_loop3A_1096], %parallel_loop3A_1099 {add = true, strides = array<i32>} : memref<4x32x768xf32, #tpu.memory_space<vmem>>, vector<1x1x16xf32>,
        %parallel_loop3A_1100 = arith.index_cast %parallel_loop3A_289 : i32 to index
        %parallel_loop3A_1101 = arith.constant 720 : index
        %parallel_loop3A_1102 = tpu.vector_load %arg7[%parallel_loop3A_1100, %parallel_loop3A_1101] {strides = array<i32>} : memref<32x768xf32, #tpu.memory_space<vmem>>, vector<1x16xf32>,
        %parallel_loop3A_1103 = vector.shape_cast %parallel_loop3A_1102 : vector<1x16xf32> to vector<16xf32>
        %parallel_loop3A_1104 = arith.constant 0 : i32
        %parallel_loop3A_1105 = arith.index_cast %parallel_loop3A_1104 : i32 to index
        %parallel_loop3A_1106 = arith.index_cast %parallel_loop3A_289 : i32 to index
        %parallel_loop3A_1107 = arith.constant 720 : index
        %parallel_loop3A_1108 = tpu.vector_load %arg6[%parallel_loop3A_1105, %parallel_loop3A_1106, %parallel_loop3A_1107] {strides = array<i32>} : memref<4x32x768xf32, #tpu.memory_space<vmem>>, vector<1x1x16xf32>,
        %parallel_loop3A_1109 = vector.shape_cast %parallel_loop3A_1108 : vector<1x1x16xf32> to vector<16xf32>
        %parallel_loop3A_1110 = vector.shape_cast %parallel_loop3A_1103 : vector<16xf32> to vector<1x1x16xf32>
        tpu.vector_store %arg6[%parallel_loop3A_1105, %parallel_loop3A_1106, %parallel_loop3A_1107], %parallel_loop3A_1110 {add = true, strides = array<i32>} : memref<4x32x768xf32, #tpu.memory_space<vmem>>, vector<1x1x16xf32>,
        %parallel_loop3A_1111 = arith.constant 1 : i32
        %parallel_loop3A_1112 = arith.index_cast %parallel_loop3A_1111 : i32 to index
        %parallel_loop3A_1113 = arith.index_cast %parallel_loop3A_289 : i32 to index
        %parallel_loop3A_1114 = arith.constant 720 : index
        %parallel_loop3A_1115 = tpu.vector_load %arg6[%parallel_loop3A_1112, %parallel_loop3A_1113, %parallel_loop3A_1114] {strides = array<i32>} : memref<4x32x768xf32, #tpu.memory_space<vmem>>, vector<1x1x16xf32>,
        %parallel_loop3A_1116 = vector.shape_cast %parallel_loop3A_1115 : vector<1x1x16xf32> to vector<16xf32>
        %parallel_loop3A_1117 = vector.shape_cast %parallel_loop3A_1103 : vector<16xf32> to vector<1x1x16xf32>
        tpu.vector_store %arg6[%parallel_loop3A_1112, %parallel_loop3A_1113, %parallel_loop3A_1114], %parallel_loop3A_1117 {add = true, strides = array<i32>} : memref<4x32x768xf32, #tpu.memory_space<vmem>>, vector<1x1x16xf32>,
        %parallel_loop3A_1118 = arith.index_cast %parallel_loop3A_289 : i32 to index
        %parallel_loop3A_1119 = arith.constant 736 : index
        %parallel_loop3A_1120 = tpu.vector_load %arg7[%parallel_loop3A_1118, %parallel_loop3A_1119] {strides = array<i32>} : memref<32x768xf32, #tpu.memory_space<vmem>>, vector<1x16xf32>,
        %parallel_loop3A_1121 = vector.shape_cast %parallel_loop3A_1120 : vector<1x16xf32> to vector<16xf32>
        %parallel_loop3A_1122 = arith.constant 0 : i32
        %parallel_loop3A_1123 = arith.index_cast %parallel_loop3A_1122 : i32 to index
        %parallel_loop3A_1124 = arith.index_cast %parallel_loop3A_289 : i32 to index
        %parallel_loop3A_1125 = arith.constant 736 : index
        %parallel_loop3A_1126 = tpu.vector_load %arg6[%parallel_loop3A_1123, %parallel_loop3A_1124, %parallel_loop3A_1125] {strides = array<i32>} : memref<4x32x768xf32, #tpu.memory_space<vmem>>, vector<1x1x16xf32>,
        %parallel_loop3A_1127 = vector.shape_cast %parallel_loop3A_1126 : vector<1x1x16xf32> to vector<16xf32>
        %parallel_loop3A_1128 = vector.shape_cast %parallel_loop3A_1121 : vector<16xf32> to vector<1x1x16xf32>
        tpu.vector_store %arg6[%parallel_loop3A_1123, %parallel_loop3A_1124, %parallel_loop3A_1125], %parallel_loop3A_1128 {add = true, strides = array<i32>} : memref<4x32x768xf32, #tpu.memory_space<vmem>>, vector<1x1x16xf32>,
        %parallel_loop3A_1129 = arith.constant 1 : i32
        %parallel_loop3A_1130 = arith.index_cast %parallel_loop3A_1129 : i32 to index
        %parallel_loop3A_1131 = arith.index_cast %parallel_loop3A_289 : i32 to index
        %parallel_loop3A_1132 = arith.constant 736 : index
        %parallel_loop3A_1133 = tpu.vector_load %arg6[%parallel_loop3A_1130, %parallel_loop3A_1131, %parallel_loop3A_1132] {strides = array<i32>} : memref<4x32x768xf32, #tpu.memory_space<vmem>>, vector<1x1x16xf32>,
        %parallel_loop3A_1134 = vector.shape_cast %parallel_loop3A_1133 : vector<1x1x16xf32> to vector<16xf32>
        %parallel_loop3A_1135 = vector.shape_cast %parallel_loop3A_1121 : vector<16xf32> to vector<1x1x16xf32>
        tpu.vector_store %arg6[%parallel_loop3A_1130, %parallel_loop3A_1131, %parallel_loop3A_1132], %parallel_loop3A_1135 {add = true, strides = array<i32>} : memref<4x32x768xf32, #tpu.memory_space<vmem>>, vector<1x1x16xf32>,
        %parallel_loop3A_1136 = arith.index_cast %parallel_loop3A_289 : i32 to index
        %parallel_loop3A_1137 = arith.constant 752 : index
        %parallel_loop3A_1138 = tpu.vector_load %arg7[%parallel_loop3A_1136, %parallel_loop3A_1137] {strides = array<i32>} : memref<32x768xf32, #tpu.memory_space<vmem>>, vector<1x16xf32>,
        %parallel_loop3A_1139 = vector.shape_cast %parallel_loop3A_1138 : vector<1x16xf32> to vector<16xf32>
        %parallel_loop3A_1140 = arith.constant 0 : i32
        %parallel_loop3A_1141 = arith.index_cast %parallel_loop3A_1140 : i32 to index
        %parallel_loop3A_1142 = arith.index_cast %parallel_loop3A_289 : i32 to index
        %parallel_loop3A_1143 = arith.constant 752 : index
        %parallel_loop3A_1144 = tpu.vector_load %arg6[%parallel_loop3A_1141, %parallel_loop3A_1142, %parallel_loop3A_1143] {strides = array<i32>} : memref<4x32x768xf32, #tpu.memory_space<vmem>>, vector<1x1x16xf32>,
        %parallel_loop3A_1145 = vector.shape_cast %parallel_loop3A_1144 : vector<1x1x16xf32> to vector<16xf32>
        %parallel_loop3A_1146 = vector.shape_cast %parallel_loop3A_1139 : vector<16xf32> to vector<1x1x16xf32>
        tpu.vector_store %arg6[%parallel_loop3A_1141, %parallel_loop3A_1142, %parallel_loop3A_1143], %parallel_loop3A_1146 {add = true, strides = array<i32>} : memref<4x32x768xf32, #tpu.memory_space<vmem>>, vector<1x1x16xf32>,
        %parallel_loop3A_1147 = arith.constant 1 : i32
        %parallel_loop3A_1148 = arith.index_cast %parallel_loop3A_1147 : i32 to index
        %parallel_loop3A_1149 = arith.index_cast %parallel_loop3A_289 : i32 to index
        %parallel_loop3A_1150 = arith.constant 752 : index
        %parallel_loop3A_1151 = tpu.vector_load %arg6[%parallel_loop3A_1148, %parallel_loop3A_1149, %parallel_loop3A_1150] {strides = array<i32>} : memref<4x32x768xf32, #tpu.memory_space<vmem>>, vector<1x1x16xf32>,
        %parallel_loop3A_1152 = vector.shape_cast %parallel_loop3A_1151 : vector<1x1x16xf32> to vector<16xf32>
        %parallel_loop3A_1153 = vector.shape_cast %parallel_loop3A_1139 : vector<16xf32> to vector<1x1x16xf32>
        tpu.vector_store %arg6[%parallel_loop3A_1148, %parallel_loop3A_1149, %parallel_loop3A_1150], %parallel_loop3A_1153 {add = true, strides = array<i32>} : memref<4x32x768xf32, #tpu.memory_space<vmem>>, vector<1x1x16xf32>,
      } {sc.loop_unroll_factor = 2 : i64, sc.parallel_access}
      %dma_start3A_130 = arith.constant 0 : i32
      %dma_start3A_131 = arith.constant 0 : i32
      %dma_start3A_132 = arith.constant 0 : i32
      %dma_start3A_133 = tpu.memref_slice %arg6[%dma_start3A_130, %dma_start3A_131, %dma_start3A_132] : memref<4x32x768xf32, #tpu.memory_space<vmem>> -> memref<1x32x768xf32, #tpu.memory_space<vmem>>
      %dma_start3A_134 = tpu.memref_squeeze %dma_start3A_133 : memref<1x32x768xf32, #tpu.memory_space<vmem>> -> memref<32x768xf32, #tpu.memory_space<vmem>>
      %dma_start3A_135 = arith.constant 0 : i32
      %dma_start3A_136 = arith.constant 0 : i32
      %dma_start3A_137 = tpu.memref_slice %arg5[%add3A_82, %add3A, %dma_start3A_135, %dma_start3A_136] : memref<64x32x32x768xf32, #tpu.memory_space<hbm>> -> memref<1x1x32x768xf32, #tpu.memory_space<hbm>>
      %dma_start3A_138 = tpu.memref_squeeze %dma_start3A_137 : memref<1x1x32x768xf32, #tpu.memory_space<hbm>> -> memref<32x768xf32, #tpu.memory_space<hbm>>
      %dma_start3A_139 = arith.constant 0 : i32
      %dma_start3A_140 = arith.constant 0 : i32
      %dma_start3A_141 = tpu.memref_slice %arg5[%add3A_82, %add3A, %dma_start3A_139, %dma_start3A_140] : memref<64x32x32x768xf32, #tpu.memory_space<hbm>> -> memref<1x1x32x768xf32, #tpu.memory_space<hbm>>
      %dma_start3A_142 = tpu.memref_squeeze %dma_start3A_141 : memref<1x1x32x768xf32, #tpu.memory_space<hbm>> -> memref<32x768xf32, #tpu.memory_space<hbm>>
      %dma_start3A_143 = arith.constant 0 : i32
      %dma_start3A_144 = arith.constant 0 : i32
      %dma_start3A_145 = tpu.memref_slice %arg6[%dma_start3A_130, %dma_start3A_143, %dma_start3A_144] : memref<4x32x768xf32, #tpu.memory_space<vmem>> -> memref<1x32x768xf32, #tpu.memory_space<vmem>>
      %dma_start3A_146 = tpu.memref_squeeze %dma_start3A_145 : memref<1x32x768xf32, #tpu.memory_space<vmem>> -> memref<32x768xf32, #tpu.memory_space<vmem>>
      tpu.enqueue_dma source(%dma_start3A_146 : memref<32x768xf32, #tpu.memory_space<vmem>>) target(%dma_start3A_142 : memref<32x768xf32, #tpu.memory_space<hbm>>) target_semaphore(%arg13 : memref<!tpu.dma_semaphore, #tpu.memory_space<semaphore_mem>>)
      %add3A_147 = arith.constant 1 : i32
      %add3A_148 = arith.addi %add3A_82, %add3A_147 : i32
      %dma_start3A_149 = arith.constant 1 : i32
      %dma_start3A_150 = arith.constant 0 : i32
      %dma_start3A_151 = arith.constant 0 : i32
      %dma_start3A_152 = tpu.memref_slice %arg6[%dma_start3A_149, %dma_start3A_150, %dma_start3A_151] : memref<4x32x768xf32, #tpu.memory_space<vmem>> -> memref<1x32x768xf32, #tpu.memory_space<vmem>>
      %dma_start3A_153 = tpu.memref_squeeze %dma_start3A_152 : memref<1x32x768xf32, #tpu.memory_space<vmem>> -> memref<32x768xf32, #tpu.memory_space<vmem>>
      %dma_start3A_154 = arith.constant 0 : i32
      %dma_start3A_155 = arith.constant 0 : i32
      %dma_start3A_156 = tpu.memref_slice %arg5[%add3A_148, %add3A, %dma_start3A_154, %dma_start3A_155] : memref<64x32x32x768xf32, #tpu.memory_space<hbm>> -> memref<1x1x32x768xf32, #tpu.memory_space<hbm>>
      %dma_start3A_157 = tpu.memref_squeeze %dma_start3A_156 : memref<1x1x32x768xf32, #tpu.memory_space<hbm>> -> memref<32x768xf32, #tpu.memory_space<hbm>>
      %dma_start3A_158 = arith.constant 0 : i32
      %dma_start3A_159 = arith.constant 0 : i32
      %dma_start3A_160 = tpu.memref_slice %arg5[%add3A_148, %add3A, %dma_start3A_158, %dma_start3A_159] : memref<64x32x32x768xf32, #tpu.memory_space<hbm>> -> memref<1x1x32x768xf32, #tpu.memory_space<hbm>>
      %dma_start3A_161 = tpu.memref_squeeze %dma_start3A_160 : memref<1x1x32x768xf32, #tpu.memory_space<hbm>> -> memref<32x768xf32, #tpu.memory_space<hbm>>
      %dma_start3A_162 = arith.constant 0 : i32
      %dma_start3A_163 = arith.constant 0 : i32
      %dma_start3A_164 = tpu.memref_slice %arg6[%dma_start3A_149, %dma_start3A_162, %dma_start3A_163] : memref<4x32x768xf32, #tpu.memory_space<vmem>> -> memref<1x32x768xf32, #tpu.memory_space<vmem>>
      %dma_start3A_165 = tpu.memref_squeeze %dma_start3A_164 : memref<1x32x768xf32, #tpu.memory_space<vmem>> -> memref<32x768xf32, #tpu.memory_space<vmem>>
      tpu.enqueue_dma source(%dma_start3A_165 : memref<32x768xf32, #tpu.memory_space<vmem>>) target(%dma_start3A_161 : memref<32x768xf32, #tpu.memory_space<hbm>>) target_semaphore(%arg14 : memref<!tpu.dma_semaphore, #tpu.memory_space<semaphore_mem>>)
      %mul3A_166 = arith.constant 4 : i32
      %mul3A_167 = arith.muli %mul3A_166, %scan3A_78 : i32
      %add3A_168 = arith.constant 2 : i32
      %add3A_169 = arith.addi %mul3A_167, %add3A_168 : i32
      %dma_wait3A_170 = arith.constant 2 : i32
      %dma_wait3A_171 = arith.constant 0 : i32
      %dma_wait3A_172 = arith.constant 0 : i32
      %dma_wait3A_173 = tpu.memref_slice %arg6[%dma_wait3A_170, %dma_wait3A_171, %dma_wait3A_172] : memref<4x32x768xf32, #tpu.memory_space<vmem>> -> memref<1x32x768xf32, #tpu.memory_space<vmem>>
      %dma_wait3A_174 = tpu.memref_squeeze %dma_wait3A_173 : memref<1x32x768xf32, #tpu.memory_space<vmem>> -> memref<32x768xf32, #tpu.memory_space<vmem>>
      %dma_wait3A_175 = arith.constant 0 : i32
      %dma_wait3A_176 = arith.constant 0 : i32
      %dma_wait3A_177 = tpu.memref_slice %arg2[%add3A_169, %add3A, %dma_wait3A_175, %dma_wait3A_176] : memref<64x32x32x768xf32, #tpu.memory_space<hbm>> -> memref<1x1x32x768xf32, #tpu.memory_space<hbm>>
      %dma_wait3A_178 = tpu.memref_squeeze %dma_wait3A_177 : memref<1x1x32x768xf32, #tpu.memory_space<hbm>> -> memref<32x768xf32, #tpu.memory_space<hbm>>
      %dma_wait3A_179 = arith.constant 0 : i32
      %dma_wait3A_180 = arith.constant 0 : i32
      %dma_wait3A_181 = tpu.memref_slice %arg6[%dma_wait3A_170, %dma_wait3A_179, %dma_wait3A_180] : memref<4x32x768xf32, #tpu.memory_space<vmem>> -> memref<1x32x768xf32, #tpu.memory_space<vmem>>
      %dma_wait3A_182 = tpu.memref_squeeze %dma_wait3A_181 : memref<1x32x768xf32, #tpu.memory_space<vmem>> -> memref<32x768xf32, #tpu.memory_space<vmem>>
      %dma_wait3A_183 = arith.constant 0 : i32
      %dma_wait3A_184 = arith.constant 0 : i32
      %dma_wait3A_185 = tpu.memref_slice %arg2[%add3A_169, %add3A, %dma_wait3A_183, %dma_wait3A_184] : memref<64x32x32x768xf32, #tpu.memory_space<hbm>> -> memref<1x1x32x768xf32, #tpu.memory_space<hbm>>
      %dma_wait3A_186 = tpu.memref_squeeze %dma_wait3A_185 : memref<1x1x32x768xf32, #tpu.memory_space<hbm>> -> memref<32x768xf32, #tpu.memory_space<hbm>>
      tpu.wait_dma2 semaphore(%arg11 : memref<!tpu.dma_semaphore, #tpu.memory_space<semaphore_mem>>) src(%dma_wait3A_186 : memref<32x768xf32, #tpu.memory_space<hbm>>) dst(%dma_wait3A_182 : memref<32x768xf32, #tpu.memory_space<vmem>>)
      %add3A_187 = arith.constant 1 : i32
      %add3A_188 = arith.addi %add3A_169, %add3A_187 : i32
      %dma_wait3A_189 = arith.constant 3 : i32
      %dma_wait3A_190 = arith.constant 0 : i32
      %dma_wait3A_191 = arith.constant 0 : i32
      %dma_wait3A_192 = tpu.memref_slice %arg6[%dma_wait3A_189, %dma_wait3A_190, %dma_wait3A_191] : memref<4x32x768xf32, #tpu.memory_space<vmem>> -> memref<1x32x768xf32, #tpu.memory_space<vmem>>
      %dma_wait3A_193 = tpu.memref_squeeze %dma_wait3A_192 : memref<1x32x768xf32, #tpu.memory_space<vmem>> -> memref<32x768xf32, #tpu.memory_space<vmem>>
      %dma_wait3A_194 = arith.constant 0 : i32
      %dma_wait3A_195 = arith.constant 0 : i32
      %dma_wait3A_196 = tpu.memref_slice %arg2[%add3A_188, %add3A, %dma_wait3A_194, %dma_wait3A_195] : memref<64x32x32x768xf32, #tpu.memory_space<hbm>> -> memref<1x1x32x768xf32, #tpu.memory_space<hbm>>
      %dma_wait3A_197 = tpu.memref_squeeze %dma_wait3A_196 : memref<1x1x32x768xf32, #tpu.memory_space<hbm>> -> memref<32x768xf32, #tpu.memory_space<hbm>>
      %dma_wait3A_198 = arith.constant 0 : i32
      %dma_wait3A_199 = arith.constant 0 : i32
      %dma_wait3A_200 = tpu.memref_slice %arg6[%dma_wait3A_189, %dma_wait3A_198, %dma_wait3A_199] : memref<4x32x768xf32, #tpu.memory_space<vmem>> -> memref<1x32x768xf32, #tpu.memory_space<vmem>>
      %dma_wait3A_201 = tpu.memref_squeeze %dma_wait3A_200 : memref<1x32x768xf32, #tpu.memory_space<vmem>> -> memref<32x768xf32, #tpu.memory_space<vmem>>
      %dma_wait3A_202 = arith.constant 0 : i32
      %dma_wait3A_203 = arith.constant 0 : i32
      %dma_wait3A_204 = tpu.memref_slice %arg2[%add3A_188, %add3A, %dma_wait3A_202, %dma_wait3A_203] : memref<64x32x32x768xf32, #tpu.memory_space<hbm>> -> memref<1x1x32x768xf32, #tpu.memory_space<hbm>>
      %dma_wait3A_205 = tpu.memref_squeeze %dma_wait3A_204 : memref<1x1x32x768xf32, #tpu.memory_space<hbm>> -> memref<32x768xf32, #tpu.memory_space<hbm>>
      tpu.wait_dma2 semaphore(%arg12 : memref<!tpu.dma_semaphore, #tpu.memory_space<semaphore_mem>>) src(%dma_wait3A_205 : memref<32x768xf32, #tpu.memory_space<hbm>>) dst(%dma_wait3A_201 : memref<32x768xf32, #tpu.memory_space<vmem>>)
      %sub3A = arith.constant 2 : i32
      %sub3A_206 = arith.subi %add3A_169, %sub3A : i32
      %dma_wait3A_207 = arith.constant 0 : i32
      %dma_wait3A_208 = arith.constant 0 : i32
      %dma_wait3A_209 = arith.constant 0 : i32
      %dma_wait3A_210 = tpu.memref_slice %arg6[%dma_wait3A_207, %dma_wait3A_208, %dma_wait3A_209] : memref<4x32x768xf32, #tpu.memory_space<vmem>> -> memref<1x32x768xf32, #tpu.memory_space<vmem>>
      %dma_wait3A_211 = tpu.memref_squeeze %dma_wait3A_210 : memref<1x32x768xf32, #tpu.memory_space<vmem>> -> memref<32x768xf32, #tpu.memory_space<vmem>>
      %dma_wait3A_212 = arith.constant 0 : i32
      %dma_wait3A_213 = arith.constant 0 : i32
      %dma_wait3A_214 = tpu.memref_slice %arg5[%sub3A_206, %add3A, %dma_wait3A_212, %dma_wait3A_213] : memref<64x32x32x768xf32, #tpu.memory_space<hbm>> -> memref<1x1x32x768xf32, #tpu.memory_space<hbm>>
      %dma_wait3A_215 = tpu.memref_squeeze %dma_wait3A_214 : memref<1x1x32x768xf32, #tpu.memory_space<hbm>> -> memref<32x768xf32, #tpu.memory_space<hbm>>
      %dma_wait3A_216 = arith.constant 0 : i32
      %dma_wait3A_217 = arith.constant 0 : i32
      %dma_wait3A_218 = tpu.memref_slice %arg5[%sub3A_206, %add3A, %dma_wait3A_216, %dma_wait3A_217] : memref<64x32x32x768xf32, #tpu.memory_space<hbm>> -> memref<1x1x32x768xf32, #tpu.memory_space<hbm>>
      %dma_wait3A_219 = tpu.memref_squeeze %dma_wait3A_218 : memref<1x1x32x768xf32, #tpu.memory_space<hbm>> -> memref<32x768xf32, #tpu.memory_space<hbm>>
      %dma_wait3A_220 = arith.constant 0 : i32
      %dma_wait3A_221 = arith.constant 0 : i32
      %dma_wait3A_222 = tpu.memref_slice %arg6[%dma_wait3A_207, %dma_wait3A_220, %dma_wait3A_221] : memref<4x32x768xf32, #tpu.memory_space<vmem>> -> memref<1x32x768xf32, #tpu.memory_space<vmem>>
      %dma_wait3A_223 = tpu.memref_squeeze %dma_wait3A_222 : memref<1x32x768xf32, #tpu.memory_space<vmem>> -> memref<32x768xf32, #tpu.memory_space<vmem>>
      tpu.wait_dma2 semaphore(%arg13 : memref<!tpu.dma_semaphore, #tpu.memory_space<semaphore_mem>>) src(%dma_wait3A_223 : memref<32x768xf32, #tpu.memory_space<vmem>>) dst(%dma_wait3A_219 : memref<32x768xf32, #tpu.memory_space<hbm>>)
      %sub3A_224 = arith.constant 1 : i32
      %sub3A_225 = arith.subi %add3A_169, %sub3A_224 : i32
      %dma_wait3A_226 = arith.constant 1 : i32
      %dma_wait3A_227 = arith.constant 0 : i32
      %dma_wait3A_228 = arith.constant 0 : i32
      %dma_wait3A_229 = tpu.memref_slice %arg6[%dma_wait3A_226, %dma_wait3A_227, %dma_wait3A_228] : memref<4x32x768xf32, #tpu.memory_space<vmem>> -> memref<1x32x768xf32, #tpu.memory_space<vmem>>
      %dma_wait3A_230 = tpu.memref_squeeze %dma_wait3A_229 : memref<1x32x768xf32, #tpu.memory_space<vmem>> -> memref<32x768xf32, #tpu.memory_space<vmem>>
      %dma_wait3A_231 = arith.constant 0 : i32
      %dma_wait3A_232 = arith.constant 0 : i32
      %dma_wait3A_233 = tpu.memref_slice %arg5[%sub3A_225, %add3A, %dma_wait3A_231, %dma_wait3A_232] : memref<64x32x32x768xf32, #tpu.memory_space<hbm>> -> memref<1x1x32x768xf32, #tpu.memory_space<hbm>>
      %dma_wait3A_234 = tpu.memref_squeeze %dma_wait3A_233 : memref<1x1x32x768xf32, #tpu.memory_space<hbm>> -> memref<32x768xf32, #tpu.memory_space<hbm>>
      %dma_wait3A_235 = arith.constant 0 : i32
      %dma_wait3A_236 = arith.constant 0 : i32
      %dma_wait3A_237 = tpu.memref_slice %arg5[%sub3A_225, %add3A, %dma_wait3A_235, %dma_wait3A_236] : memref<64x32x32x768xf32, #tpu.memory_space<hbm>> -> memref<1x1x32x768xf32, #tpu.memory_space<hbm>>
      %dma_wait3A_238 = tpu.memref_squeeze %dma_wait3A_237 : memref<1x1x32x768xf32, #tpu.memory_space<hbm>> -> memref<32x768xf32, #tpu.memory_space<hbm>>
      %dma_wait3A_239 = arith.constant 0 : i32
      %dma_wait3A_240 = arith.constant 0 : i32
      %dma_wait3A_241 = tpu.memref_slice %arg6[%dma_wait3A_226, %dma_wait3A_239, %dma_wait3A_240] : memref<4x32x768xf32, #tpu.memory_space<vmem>> -> memref<1x32x768xf32, #tpu.memory_space<vmem>>
      %dma_wait3A_242 = tpu.memref_squeeze %dma_wait3A_241 : memref<1x32x768xf32, #tpu.memory_space<vmem>> -> memref<32x768xf32, #tpu.memory_space<vmem>>
      tpu.wait_dma2 semaphore(%arg14 : memref<!tpu.dma_semaphore, #tpu.memory_space<semaphore_mem>>) src(%dma_wait3A_242 : memref<32x768xf32, #tpu.memory_space<vmem>>) dst(%dma_wait3A_238 : memref<32x768xf32, #tpu.memory_space<hbm>>)
      %add3A_243 = arith.constant 2 : i32
      %add3A_244 = arith.addi %add3A_169, %add3A_243 : i32
      %lt3A_245 = arith.constant 64 : i32
      %lt3A_246 = arith.cmpi slt, %add3A_244, %lt3A_245 : i32
      %convert_element_type3A_247 = arith.extui %lt3A_246 : i1 to i32
      %cond3A_248 = arith.constant 0 : i32
      %cond3A_249 = arith.cmpi ne, %convert_element_type3A_247, %cond3A_248 : i32
      scf.if %cond3A_249 {
        %add3A_289 = arith.constant 2 : i32
        %add3A_290 = arith.addi %add3A_169, %add3A_289 : i32
        %dma_start3A_291 = arith.constant 0 : i32
        %dma_start3A_292 = arith.constant 0 : i32
        %dma_start3A_293 = arith.constant 0 : i32
        %dma_start3A_294 = tpu.memref_slice %arg6[%dma_start3A_291, %dma_start3A_292, %dma_start3A_293] : memref<4x32x768xf32, #tpu.memory_space<vmem>> -> memref<1x32x768xf32, #tpu.memory_space<vmem>>
        %dma_start3A_295 = tpu.memref_squeeze %dma_start3A_294 : memref<1x32x768xf32, #tpu.memory_space<vmem>> -> memref<32x768xf32, #tpu.memory_space<vmem>>
        %dma_start3A_296 = arith.constant 0 : i32
        %dma_start3A_297 = arith.constant 0 : i32
        %dma_start3A_298 = tpu.memref_slice %arg2[%add3A_290, %add3A, %dma_start3A_296, %dma_start3A_297] : memref<64x32x32x768xf32, #tpu.memory_space<hbm>> -> memref<1x1x32x768xf32, #tpu.memory_space<hbm>>
        %dma_start3A_299 = tpu.memref_squeeze %dma_start3A_298 : memref<1x1x32x768xf32, #tpu.memory_space<hbm>> -> memref<32x768xf32, #tpu.memory_space<hbm>>
        %dma_start3A_300 = arith.constant 0 : i32
        %dma_start3A_301 = arith.constant 0 : i32
        %dma_start3A_302 = tpu.memref_slice %arg6[%dma_start3A_291, %dma_start3A_300, %dma_start3A_301] : memref<4x32x768xf32, #tpu.memory_space<vmem>> -> memref<1x32x768xf32, #tpu.memory_space<vmem>>
        %dma_start3A_303 = tpu.memref_squeeze %dma_start3A_302 : memref<1x32x768xf32, #tpu.memory_space<vmem>> -> memref<32x768xf32, #tpu.memory_space<vmem>>
        %dma_start3A_304 = arith.constant 0 : i32
        %dma_start3A_305 = arith.constant 0 : i32
        %dma_start3A_306 = tpu.memref_slice %arg2[%add3A_290, %add3A, %dma_start3A_304, %dma_start3A_305] : memref<64x32x32x768xf32, #tpu.memory_space<hbm>> -> memref<1x1x32x768xf32, #tpu.memory_space<hbm>>
        %dma_start3A_307 = tpu.memref_squeeze %dma_start3A_306 : memref<1x1x32x768xf32, #tpu.memory_space<hbm>> -> memref<32x768xf32, #tpu.memory_space<hbm>>
        tpu.enqueue_dma source(%dma_start3A_307 : memref<32x768xf32, #tpu.memory_space<hbm>>) target(%dma_start3A_303 : memref<32x768xf32, #tpu.memory_space<vmem>>) target_semaphore(%arg9 : memref<!tpu.dma_semaphore, #tpu.memory_space<semaphore_mem>>)
        %add3A_308 = arith.constant 3 : i32
        %add3A_309 = arith.addi %add3A_169, %add3A_308 : i32
        %dma_start3A_310 = arith.constant 1 : i32
        %dma_start3A_311 = arith.constant 0 : i32
        %dma_start3A_312 = arith.constant 0 : i32
        %dma_start3A_313 = tpu.memref_slice %arg6[%dma_start3A_310, %dma_start3A_311, %dma_start3A_312] : memref<4x32x768xf32, #tpu.memory_space<vmem>> -> memref<1x32x768xf32, #tpu.memory_space<vmem>>
        %dma_start3A_314 = tpu.memref_squeeze %dma_start3A_313 : memref<1x32x768xf32, #tpu.memory_space<vmem>> -> memref<32x768xf32, #tpu.memory_space<vmem>>
        %dma_start3A_315 = arith.constant 0 : i32
        %dma_start3A_316 = arith.constant 0 : i32
        %dma_start3A_317 = tpu.memref_slice %arg2[%add3A_309, %add3A, %dma_start3A_315, %dma_start3A_316] : memref<64x32x32x768xf32, #tpu.memory_space<hbm>> -> memref<1x1x32x768xf32, #tpu.memory_space<hbm>>
        %dma_start3A_318 = tpu.memref_squeeze %dma_start3A_317 : memref<1x1x32x768xf32, #tpu.memory_space<hbm>> -> memref<32x768xf32, #tpu.memory_space<hbm>>
        %dma_start3A_319 = arith.constant 0 : i32
        %dma_start3A_320 = arith.constant 0 : i32
        %dma_start3A_321 = tpu.memref_slice %arg6[%dma_start3A_310, %dma_start3A_319, %dma_start3A_320] : memref<4x32x768xf32, #tpu.memory_space<vmem>> -> memref<1x32x768xf32, #tpu.memory_space<vmem>>
        %dma_start3A_322 = tpu.memref_squeeze %dma_start3A_321 : memref<1x32x768xf32, #tpu.memory_space<vmem>> -> memref<32x768xf32, #tpu.memory_space<vmem>>
        %dma_start3A_323 = arith.constant 0 : i32
        %dma_start3A_324 = arith.constant 0 : i32
        %dma_start3A_325 = tpu.memref_slice %arg2[%add3A_309, %add3A, %dma_start3A_323, %dma_start3A_324] : memref<64x32x32x768xf32, #tpu.memory_space<hbm>> -> memref<1x1x32x768xf32, #tpu.memory_space<hbm>>
        %dma_start3A_326 = tpu.memref_squeeze %dma_start3A_325 : memref<1x1x32x768xf32, #tpu.memory_space<hbm>> -> memref<32x768xf32, #tpu.memory_space<hbm>>
        tpu.enqueue_dma source(%dma_start3A_326 : memref<32x768xf32, #tpu.memory_space<hbm>>) target(%dma_start3A_322 : memref<32x768xf32, #tpu.memory_space<vmem>>) target_semaphore(%arg10 : memref<!tpu.dma_semaphore, #tpu.memory_space<semaphore_mem>>)
      } else {
      }
      %parallel_loop3A_250 = arith.constant 0 : i32
      %parallel_loop3A_251 = arith.constant 32 : i32
      %parallel_loop3A_252 = arith.constant 1 : i32
      scf.for %parallel_loop3A_289 = %parallel_loop3A_250 to %parallel_loop3A_251 step %parallel_loop3A_252  : i32 {
        %parallel_loop3A_290 = arith.index_cast %parallel_loop3A_289 : i32 to index
        %parallel_loop3A_291 = arith.constant 0 : index
        %parallel_loop3A_292 = tpu.vector_load %arg7[%parallel_loop3A_290, %parallel_loop3A_291] {strides = array<i32>} : memref<32x768xf32, #tpu.memory_space<vmem>>, vector<1x16xf32>,
        %parallel_loop3A_293 = vector.shape_cast %parallel_loop3A_292 : vector<1x16xf32> to vector<16xf32>
        %parallel_loop3A_294 = arith.constant 2 : i32
        %parallel_loop3A_295 = arith.index_cast %parallel_loop3A_294 : i32 to index
        %parallel_loop3A_296 = arith.index_cast %parallel_loop3A_289 : i32 to index
        %parallel_loop3A_297 = arith.constant 0 : index
        %parallel_loop3A_298 = tpu.vector_load %arg6[%parallel_loop3A_295, %parallel_loop3A_296, %parallel_loop3A_297] {strides = array<i32>} : memref<4x32x768xf32, #tpu.memory_space<vmem>>, vector<1x1x16xf32>,
        %parallel_loop3A_299 = vector.shape_cast %parallel_loop3A_298 : vector<1x1x16xf32> to vector<16xf32>
        %parallel_loop3A_300 = vector.shape_cast %parallel_loop3A_293 : vector<16xf32> to vector<1x1x16xf32>
        tpu.vector_store %arg6[%parallel_loop3A_295, %parallel_loop3A_296, %parallel_loop3A_297], %parallel_loop3A_300 {add = true, strides = array<i32>} : memref<4x32x768xf32, #tpu.memory_space<vmem>>, vector<1x1x16xf32>,
        %parallel_loop3A_301 = arith.constant 3 : i32
        %parallel_loop3A_302 = arith.index_cast %parallel_loop3A_301 : i32 to index
        %parallel_loop3A_303 = arith.index_cast %parallel_loop3A_289 : i32 to index
        %parallel_loop3A_304 = arith.constant 0 : index
        %parallel_loop3A_305 = tpu.vector_load %arg6[%parallel_loop3A_302, %parallel_loop3A_303, %parallel_loop3A_304] {strides = array<i32>} : memref<4x32x768xf32, #tpu.memory_space<vmem>>, vector<1x1x16xf32>,
        %parallel_loop3A_306 = vector.shape_cast %parallel_loop3A_305 : vector<1x1x16xf32> to vector<16xf32>
        %parallel_loop3A_307 = vector.shape_cast %parallel_loop3A_293 : vector<16xf32> to vector<1x1x16xf32>
        tpu.vector_store %arg6[%parallel_loop3A_302, %parallel_loop3A_303, %parallel_loop3A_304], %parallel_loop3A_307 {add = true, strides = array<i32>} : memref<4x32x768xf32, #tpu.memory_space<vmem>>, vector<1x1x16xf32>,
        %parallel_loop3A_308 = arith.index_cast %parallel_loop3A_289 : i32 to index
        %parallel_loop3A_309 = arith.constant 16 : index
        %parallel_loop3A_310 = tpu.vector_load %arg7[%parallel_loop3A_308, %parallel_loop3A_309] {strides = array<i32>} : memref<32x768xf32, #tpu.memory_space<vmem>>, vector<1x16xf32>,
        %parallel_loop3A_311 = vector.shape_cast %parallel_loop3A_310 : vector<1x16xf32> to vector<16xf32>
        %parallel_loop3A_312 = arith.constant 2 : i32
        %parallel_loop3A_313 = arith.index_cast %parallel_loop3A_312 : i32 to index
        %parallel_loop3A_314 = arith.index_cast %parallel_loop3A_289 : i32 to index
        %parallel_loop3A_315 = arith.constant 16 : index
        %parallel_loop3A_316 = tpu.vector_load %arg6[%parallel_loop3A_313, %parallel_loop3A_314, %parallel_loop3A_315] {strides = array<i32>} : memref<4x32x768xf32, #tpu.memory_space<vmem>>, vector<1x1x16xf32>,
        %parallel_loop3A_317 = vector.shape_cast %parallel_loop3A_316 : vector<1x1x16xf32> to vector<16xf32>
        %parallel_loop3A_318 = vector.shape_cast %parallel_loop3A_311 : vector<16xf32> to vector<1x1x16xf32>
        tpu.vector_store %arg6[%parallel_loop3A_313, %parallel_loop3A_314, %parallel_loop3A_315], %parallel_loop3A_318 {add = true, strides = array<i32>} : memref<4x32x768xf32, #tpu.memory_space<vmem>>, vector<1x1x16xf32>,
        %parallel_loop3A_319 = arith.constant 3 : i32
        %parallel_loop3A_320 = arith.index_cast %parallel_loop3A_319 : i32 to index
        %parallel_loop3A_321 = arith.index_cast %parallel_loop3A_289 : i32 to index
        %parallel_loop3A_322 = arith.constant 16 : index
        %parallel_loop3A_323 = tpu.vector_load %arg6[%parallel_loop3A_320, %parallel_loop3A_321, %parallel_loop3A_322] {strides = array<i32>} : memref<4x32x768xf32, #tpu.memory_space<vmem>>, vector<1x1x16xf32>,
        %parallel_loop3A_324 = vector.shape_cast %parallel_loop3A_323 : vector<1x1x16xf32> to vector<16xf32>
        %parallel_loop3A_325 = vector.shape_cast %parallel_loop3A_311 : vector<16xf32> to vector<1x1x16xf32>
        tpu.vector_store %arg6[%parallel_loop3A_320, %parallel_loop3A_321, %parallel_loop3A_322], %parallel_loop3A_325 {add = true, strides = array<i32>} : memref<4x32x768xf32, #tpu.memory_space<vmem>>, vector<1x1x16xf32>,
        %parallel_loop3A_326 = arith.index_cast %parallel_loop3A_289 : i32 to index
        %parallel_loop3A_327 = arith.constant 32 : index
        %parallel_loop3A_328 = tpu.vector_load %arg7[%parallel_loop3A_326, %parallel_loop3A_327] {strides = array<i32>} : memref<32x768xf32, #tpu.memory_space<vmem>>, vector<1x16xf32>,
        %parallel_loop3A_329 = vector.shape_cast %parallel_loop3A_328 : vector<1x16xf32> to vector<16xf32>
        %parallel_loop3A_330 = arith.constant 2 : i32
        %parallel_loop3A_331 = arith.index_cast %parallel_loop3A_330 : i32 to index
        %parallel_loop3A_332 = arith.index_cast %parallel_loop3A_289 : i32 to index
        %parallel_loop3A_333 = arith.constant 32 : index
        %parallel_loop3A_334 = tpu.vector_load %arg6[%parallel_loop3A_331, %parallel_loop3A_332, %parallel_loop3A_333] {strides = array<i32>} : memref<4x32x768xf32, #tpu.memory_space<vmem>>, vector<1x1x16xf32>,
        %parallel_loop3A_335 = vector.shape_cast %parallel_loop3A_334 : vector<1x1x16xf32> to vector<16xf32>
        %parallel_loop3A_336 = vector.shape_cast %parallel_loop3A_329 : vector<16xf32> to vector<1x1x16xf32>
        tpu.vector_store %arg6[%parallel_loop3A_331, %parallel_loop3A_332, %parallel_loop3A_333], %parallel_loop3A_336 {add = true, strides = array<i32>} : memref<4x32x768xf32, #tpu.memory_space<vmem>>, vector<1x1x16xf32>,
        %parallel_loop3A_337 = arith.constant 3 : i32
        %parallel_loop3A_338 = arith.index_cast %parallel_loop3A_337 : i32 to index
        %parallel_loop3A_339 = arith.index_cast %parallel_loop3A_289 : i32 to index
        %parallel_loop3A_340 = arith.constant 32 : index
        %parallel_loop3A_341 = tpu.vector_load %arg6[%parallel_loop3A_338, %parallel_loop3A_339, %parallel_loop3A_340] {strides = array<i32>} : memref<4x32x768xf32, #tpu.memory_space<vmem>>, vector<1x1x16xf32>,
        %parallel_loop3A_342 = vector.shape_cast %parallel_loop3A_341 : vector<1x1x16xf32> to vector<16xf32>
        %parallel_loop3A_343 = vector.shape_cast %parallel_loop3A_329 : vector<16xf32> to vector<1x1x16xf32>
        tpu.vector_store %arg6[%parallel_loop3A_338, %parallel_loop3A_339, %parallel_loop3A_340], %parallel_loop3A_343 {add = true, strides = array<i32>} : memref<4x32x768xf32, #tpu.memory_space<vmem>>, vector<1x1x16xf32>,
        %parallel_loop3A_344 = arith.index_cast %parallel_loop3A_289 : i32 to index
        %parallel_loop3A_345 = arith.constant 48 : index
        %parallel_loop3A_346 = tpu.vector_load %arg7[%parallel_loop3A_344, %parallel_loop3A_345] {strides = array<i32>} : memref<32x768xf32, #tpu.memory_space<vmem>>, vector<1x16xf32>,
        %parallel_loop3A_347 = vector.shape_cast %parallel_loop3A_346 : vector<1x16xf32> to vector<16xf32>
        %parallel_loop3A_348 = arith.constant 2 : i32
        %parallel_loop3A_349 = arith.index_cast %parallel_loop3A_348 : i32 to index
        %parallel_loop3A_350 = arith.index_cast %parallel_loop3A_289 : i32 to index
        %parallel_loop3A_351 = arith.constant 48 : index
        %parallel_loop3A_352 = tpu.vector_load %arg6[%parallel_loop3A_349, %parallel_loop3A_350, %parallel_loop3A_351] {strides = array<i32>} : memref<4x32x768xf32, #tpu.memory_space<vmem>>, vector<1x1x16xf32>,
        %parallel_loop3A_353 = vector.shape_cast %parallel_loop3A_352 : vector<1x1x16xf32> to vector<16xf32>
        %parallel_loop3A_354 = vector.shape_cast %parallel_loop3A_347 : vector<16xf32> to vector<1x1x16xf32>
        tpu.vector_store %arg6[%parallel_loop3A_349, %parallel_loop3A_350, %parallel_loop3A_351], %parallel_loop3A_354 {add = true, strides = array<i32>} : memref<4x32x768xf32, #tpu.memory_space<vmem>>, vector<1x1x16xf32>,
        %parallel_loop3A_355 = arith.constant 3 : i32
        %parallel_loop3A_356 = arith.index_cast %parallel_loop3A_355 : i32 to index
        %parallel_loop3A_357 = arith.index_cast %parallel_loop3A_289 : i32 to index
        %parallel_loop3A_358 = arith.constant 48 : index
        %parallel_loop3A_359 = tpu.vector_load %arg6[%parallel_loop3A_356, %parallel_loop3A_357, %parallel_loop3A_358] {strides = array<i32>} : memref<4x32x768xf32, #tpu.memory_space<vmem>>, vector<1x1x16xf32>,
        %parallel_loop3A_360 = vector.shape_cast %parallel_loop3A_359 : vector<1x1x16xf32> to vector<16xf32>
        %parallel_loop3A_361 = vector.shape_cast %parallel_loop3A_347 : vector<16xf32> to vector<1x1x16xf32>
        tpu.vector_store %arg6[%parallel_loop3A_356, %parallel_loop3A_357, %parallel_loop3A_358], %parallel_loop3A_361 {add = true, strides = array<i32>} : memref<4x32x768xf32, #tpu.memory_space<vmem>>, vector<1x1x16xf32>,
        %parallel_loop3A_362 = arith.index_cast %parallel_loop3A_289 : i32 to index
        %parallel_loop3A_363 = arith.constant 64 : index
        %parallel_loop3A_364 = tpu.vector_load %arg7[%parallel_loop3A_362, %parallel_loop3A_363] {strides = array<i32>} : memref<32x768xf32, #tpu.memory_space<vmem>>, vector<1x16xf32>,
        %parallel_loop3A_365 = vector.shape_cast %parallel_loop3A_364 : vector<1x16xf32> to vector<16xf32>
        %parallel_loop3A_366 = arith.constant 2 : i32
        %parallel_loop3A_367 = arith.index_cast %parallel_loop3A_366 : i32 to index
        %parallel_loop3A_368 = arith.index_cast %parallel_loop3A_289 : i32 to index
        %parallel_loop3A_369 = arith.constant 64 : index
        %parallel_loop3A_370 = tpu.vector_load %arg6[%parallel_loop3A_367, %parallel_loop3A_368, %parallel_loop3A_369] {strides = array<i32>} : memref<4x32x768xf32, #tpu.memory_space<vmem>>, vector<1x1x16xf32>,
        %parallel_loop3A_371 = vector.shape_cast %parallel_loop3A_370 : vector<1x1x16xf32> to vector<16xf32>
        %parallel_loop3A_372 = vector.shape_cast %parallel_loop3A_365 : vector<16xf32> to vector<1x1x16xf32>
        tpu.vector_store %arg6[%parallel_loop3A_367, %parallel_loop3A_368, %parallel_loop3A_369], %parallel_loop3A_372 {add = true, strides = array<i32>} : memref<4x32x768xf32, #tpu.memory_space<vmem>>, vector<1x1x16xf32>,
        %parallel_loop3A_373 = arith.constant 3 : i32
        %parallel_loop3A_374 = arith.index_cast %parallel_loop3A_373 : i32 to index
        %parallel_loop3A_375 = arith.index_cast %parallel_loop3A_289 : i32 to index
        %parallel_loop3A_376 = arith.constant 64 : index
        %parallel_loop3A_377 = tpu.vector_load %arg6[%parallel_loop3A_374, %parallel_loop3A_375, %parallel_loop3A_376] {strides = array<i32>} : memref<4x32x768xf32, #tpu.memory_space<vmem>>, vector<1x1x16xf32>,
        %parallel_loop3A_378 = vector.shape_cast %parallel_loop3A_377 : vector<1x1x16xf32> to vector<16xf32>
        %parallel_loop3A_379 = vector.shape_cast %parallel_loop3A_365 : vector<16xf32> to vector<1x1x16xf32>
        tpu.vector_store %arg6[%parallel_loop3A_374, %parallel_loop3A_375, %parallel_loop3A_376], %parallel_loop3A_379 {add = true, strides = array<i32>} : memref<4x32x768xf32, #tpu.memory_space<vmem>>, vector<1x1x16xf32>,
        %parallel_loop3A_380 = arith.index_cast %parallel_loop3A_289 : i32 to index
        %parallel_loop3A_381 = arith.constant 80 : index
        %parallel_loop3A_382 = tpu.vector_load %arg7[%parallel_loop3A_380, %parallel_loop3A_381] {strides = array<i32>} : memref<32x768xf32, #tpu.memory_space<vmem>>, vector<1x16xf32>,
        %parallel_loop3A_383 = vector.shape_cast %parallel_loop3A_382 : vector<1x16xf32> to vector<16xf32>
        %parallel_loop3A_384 = arith.constant 2 : i32
        %parallel_loop3A_385 = arith.index_cast %parallel_loop3A_384 : i32 to index
        %parallel_loop3A_386 = arith.index_cast %parallel_loop3A_289 : i32 to index
        %parallel_loop3A_387 = arith.constant 80 : index
        %parallel_loop3A_388 = tpu.vector_load %arg6[%parallel_loop3A_385, %parallel_loop3A_386, %parallel_loop3A_387] {strides = array<i32>} : memref<4x32x768xf32, #tpu.memory_space<vmem>>, vector<1x1x16xf32>,
        %parallel_loop3A_389 = vector.shape_cast %parallel_loop3A_388 : vector<1x1x16xf32> to vector<16xf32>
        %parallel_loop3A_390 = vector.shape_cast %parallel_loop3A_383 : vector<16xf32> to vector<1x1x16xf32>
        tpu.vector_store %arg6[%parallel_loop3A_385, %parallel_loop3A_386, %parallel_loop3A_387], %parallel_loop3A_390 {add = true, strides = array<i32>} : memref<4x32x768xf32, #tpu.memory_space<vmem>>, vector<1x1x16xf32>,
        %parallel_loop3A_391 = arith.constant 3 : i32
        %parallel_loop3A_392 = arith.index_cast %parallel_loop3A_391 : i32 to index
        %parallel_loop3A_393 = arith.index_cast %parallel_loop3A_289 : i32 to index
        %parallel_loop3A_394 = arith.constant 80 : index
        %parallel_loop3A_395 = tpu.vector_load %arg6[%parallel_loop3A_392, %parallel_loop3A_393, %parallel_loop3A_394] {strides = array<i32>} : memref<4x32x768xf32, #tpu.memory_space<vmem>>, vector<1x1x16xf32>,
        %parallel_loop3A_396 = vector.shape_cast %parallel_loop3A_395 : vector<1x1x16xf32> to vector<16xf32>
        %parallel_loop3A_397 = vector.shape_cast %parallel_loop3A_383 : vector<16xf32> to vector<1x1x16xf32>
        tpu.vector_store %arg6[%parallel_loop3A_392, %parallel_loop3A_393, %parallel_loop3A_394], %parallel_loop3A_397 {add = true, strides = array<i32>} : memref<4x32x768xf32, #tpu.memory_space<vmem>>, vector<1x1x16xf32>,
        %parallel_loop3A_398 = arith.index_cast %parallel_loop3A_289 : i32 to index
        %parallel_loop3A_399 = arith.constant 96 : index
        %parallel_loop3A_400 = tpu.vector_load %arg7[%parallel_loop3A_398, %parallel_loop3A_399] {strides = array<i32>} : memref<32x768xf32, #tpu.memory_space<vmem>>, vector<1x16xf32>,
        %parallel_loop3A_401 = vector.shape_cast %parallel_loop3A_400 : vector<1x16xf32> to vector<16xf32>
        %parallel_loop3A_402 = arith.constant 2 : i32
        %parallel_loop3A_403 = arith.index_cast %parallel_loop3A_402 : i32 to index
        %parallel_loop3A_404 = arith.index_cast %parallel_loop3A_289 : i32 to index
        %parallel_loop3A_405 = arith.constant 96 : index
        %parallel_loop3A_406 = tpu.vector_load %arg6[%parallel_loop3A_403, %parallel_loop3A_404, %parallel_loop3A_405] {strides = array<i32>} : memref<4x32x768xf32, #tpu.memory_space<vmem>>, vector<1x1x16xf32>,
        %parallel_loop3A_407 = vector.shape_cast %parallel_loop3A_406 : vector<1x1x16xf32> to vector<16xf32>
        %parallel_loop3A_408 = vector.shape_cast %parallel_loop3A_401 : vector<16xf32> to vector<1x1x16xf32>
        tpu.vector_store %arg6[%parallel_loop3A_403, %parallel_loop3A_404, %parallel_loop3A_405], %parallel_loop3A_408 {add = true, strides = array<i32>} : memref<4x32x768xf32, #tpu.memory_space<vmem>>, vector<1x1x16xf32>,
        %parallel_loop3A_409 = arith.constant 3 : i32
        %parallel_loop3A_410 = arith.index_cast %parallel_loop3A_409 : i32 to index
        %parallel_loop3A_411 = arith.index_cast %parallel_loop3A_289 : i32 to index
        %parallel_loop3A_412 = arith.constant 96 : index
        %parallel_loop3A_413 = tpu.vector_load %arg6[%parallel_loop3A_410, %parallel_loop3A_411, %parallel_loop3A_412] {strides = array<i32>} : memref<4x32x768xf32, #tpu.memory_space<vmem>>, vector<1x1x16xf32>,
        %parallel_loop3A_414 = vector.shape_cast %parallel_loop3A_413 : vector<1x1x16xf32> to vector<16xf32>
        %parallel_loop3A_415 = vector.shape_cast %parallel_loop3A_401 : vector<16xf32> to vector<1x1x16xf32>
        tpu.vector_store %arg6[%parallel_loop3A_410, %parallel_loop3A_411, %parallel_loop3A_412], %parallel_loop3A_415 {add = true, strides = array<i32>} : memref<4x32x768xf32, #tpu.memory_space<vmem>>, vector<1x1x16xf32>,
        %parallel_loop3A_416 = arith.index_cast %parallel_loop3A_289 : i32 to index
        %parallel_loop3A_417 = arith.constant 112 : index
        %parallel_loop3A_418 = tpu.vector_load %arg7[%parallel_loop3A_416, %parallel_loop3A_417] {strides = array<i32>} : memref<32x768xf32, #tpu.memory_space<vmem>>, vector<1x16xf32>,
        %parallel_loop3A_419 = vector.shape_cast %parallel_loop3A_418 : vector<1x16xf32> to vector<16xf32>
        %parallel_loop3A_420 = arith.constant 2 : i32
        %parallel_loop3A_421 = arith.index_cast %parallel_loop3A_420 : i32 to index
        %parallel_loop3A_422 = arith.index_cast %parallel_loop3A_289 : i32 to index
        %parallel_loop3A_423 = arith.constant 112 : index
        %parallel_loop3A_424 = tpu.vector_load %arg6[%parallel_loop3A_421, %parallel_loop3A_422, %parallel_loop3A_423] {strides = array<i32>} : memref<4x32x768xf32, #tpu.memory_space<vmem>>, vector<1x1x16xf32>,
        %parallel_loop3A_425 = vector.shape_cast %parallel_loop3A_424 : vector<1x1x16xf32> to vector<16xf32>
        %parallel_loop3A_426 = vector.shape_cast %parallel_loop3A_419 : vector<16xf32> to vector<1x1x16xf32>
        tpu.vector_store %arg6[%parallel_loop3A_421, %parallel_loop3A_422, %parallel_loop3A_423], %parallel_loop3A_426 {add = true, strides = array<i32>} : memref<4x32x768xf32, #tpu.memory_space<vmem>>, vector<1x1x16xf32>,
        %parallel_loop3A_427 = arith.constant 3 : i32
        %parallel_loop3A_428 = arith.index_cast %parallel_loop3A_427 : i32 to index
        %parallel_loop3A_429 = arith.index_cast %parallel_loop3A_289 : i32 to index
        %parallel_loop3A_430 = arith.constant 112 : index
        %parallel_loop3A_431 = tpu.vector_load %arg6[%parallel_loop3A_428, %parallel_loop3A_429, %parallel_loop3A_430] {strides = array<i32>} : memref<4x32x768xf32, #tpu.memory_space<vmem>>, vector<1x1x16xf32>,
        %parallel_loop3A_432 = vector.shape_cast %parallel_loop3A_431 : vector<1x1x16xf32> to vector<16xf32>
        %parallel_loop3A_433 = vector.shape_cast %parallel_loop3A_419 : vector<16xf32> to vector<1x1x16xf32>
        tpu.vector_store %arg6[%parallel_loop3A_428, %parallel_loop3A_429, %parallel_loop3A_430], %parallel_loop3A_433 {add = true, strides = array<i32>} : memref<4x32x768xf32, #tpu.memory_space<vmem>>, vector<1x1x16xf32>,
        %parallel_loop3A_434 = arith.index_cast %parallel_loop3A_289 : i32 to index
        %parallel_loop3A_435 = arith.constant 128 : index
        %parallel_loop3A_436 = tpu.vector_load %arg7[%parallel_loop3A_434, %parallel_loop3A_435] {strides = array<i32>} : memref<32x768xf32, #tpu.memory_space<vmem>>, vector<1x16xf32>,
        %parallel_loop3A_437 = vector.shape_cast %parallel_loop3A_436 : vector<1x16xf32> to vector<16xf32>
        %parallel_loop3A_438 = arith.constant 2 : i32
        %parallel_loop3A_439 = arith.index_cast %parallel_loop3A_438 : i32 to index
        %parallel_loop3A_440 = arith.index_cast %parallel_loop3A_289 : i32 to index
        %parallel_loop3A_441 = arith.constant 128 : index
        %parallel_loop3A_442 = tpu.vector_load %arg6[%parallel_loop3A_439, %parallel_loop3A_440, %parallel_loop3A_441] {strides = array<i32>} : memref<4x32x768xf32, #tpu.memory_space<vmem>>, vector<1x1x16xf32>,
        %parallel_loop3A_443 = vector.shape_cast %parallel_loop3A_442 : vector<1x1x16xf32> to vector<16xf32>
        %parallel_loop3A_444 = vector.shape_cast %parallel_loop3A_437 : vector<16xf32> to vector<1x1x16xf32>
        tpu.vector_store %arg6[%parallel_loop3A_439, %parallel_loop3A_440, %parallel_loop3A_441], %parallel_loop3A_444 {add = true, strides = array<i32>} : memref<4x32x768xf32, #tpu.memory_space<vmem>>, vector<1x1x16xf32>,
        %parallel_loop3A_445 = arith.constant 3 : i32
        %parallel_loop3A_446 = arith.index_cast %parallel_loop3A_445 : i32 to index
        %parallel_loop3A_447 = arith.index_cast %parallel_loop3A_289 : i32 to index
        %parallel_loop3A_448 = arith.constant 128 : index
        %parallel_loop3A_449 = tpu.vector_load %arg6[%parallel_loop3A_446, %parallel_loop3A_447, %parallel_loop3A_448] {strides = array<i32>} : memref<4x32x768xf32, #tpu.memory_space<vmem>>, vector<1x1x16xf32>,
        %parallel_loop3A_450 = vector.shape_cast %parallel_loop3A_449 : vector<1x1x16xf32> to vector<16xf32>
        %parallel_loop3A_451 = vector.shape_cast %parallel_loop3A_437 : vector<16xf32> to vector<1x1x16xf32>
        tpu.vector_store %arg6[%parallel_loop3A_446, %parallel_loop3A_447, %parallel_loop3A_448], %parallel_loop3A_451 {add = true, strides = array<i32>} : memref<4x32x768xf32, #tpu.memory_space<vmem>>, vector<1x1x16xf32>,
        %parallel_loop3A_452 = arith.index_cast %parallel_loop3A_289 : i32 to index
        %parallel_loop3A_453 = arith.constant 144 : index
        %parallel_loop3A_454 = tpu.vector_load %arg7[%parallel_loop3A_452, %parallel_loop3A_453] {strides = array<i32>} : memref<32x768xf32, #tpu.memory_space<vmem>>, vector<1x16xf32>,
        %parallel_loop3A_455 = vector.shape_cast %parallel_loop3A_454 : vector<1x16xf32> to vector<16xf32>
        %parallel_loop3A_456 = arith.constant 2 : i32
        %parallel_loop3A_457 = arith.index_cast %parallel_loop3A_456 : i32 to index
        %parallel_loop3A_458 = arith.index_cast %parallel_loop3A_289 : i32 to index
        %parallel_loop3A_459 = arith.constant 144 : index
        %parallel_loop3A_460 = tpu.vector_load %arg6[%parallel_loop3A_457, %parallel_loop3A_458, %parallel_loop3A_459] {strides = array<i32>} : memref<4x32x768xf32, #tpu.memory_space<vmem>>, vector<1x1x16xf32>,
        %parallel_loop3A_461 = vector.shape_cast %parallel_loop3A_460 : vector<1x1x16xf32> to vector<16xf32>
        %parallel_loop3A_462 = vector.shape_cast %parallel_loop3A_455 : vector<16xf32> to vector<1x1x16xf32>
        tpu.vector_store %arg6[%parallel_loop3A_457, %parallel_loop3A_458, %parallel_loop3A_459], %parallel_loop3A_462 {add = true, strides = array<i32>} : memref<4x32x768xf32, #tpu.memory_space<vmem>>, vector<1x1x16xf32>,
        %parallel_loop3A_463 = arith.constant 3 : i32
        %parallel_loop3A_464 = arith.index_cast %parallel_loop3A_463 : i32 to index
        %parallel_loop3A_465 = arith.index_cast %parallel_loop3A_289 : i32 to index
        %parallel_loop3A_466 = arith.constant 144 : index
        %parallel_loop3A_467 = tpu.vector_load %arg6[%parallel_loop3A_464, %parallel_loop3A_465, %parallel_loop3A_466] {strides = array<i32>} : memref<4x32x768xf32, #tpu.memory_space<vmem>>, vector<1x1x16xf32>,
        %parallel_loop3A_468 = vector.shape_cast %parallel_loop3A_467 : vector<1x1x16xf32> to vector<16xf32>
        %parallel_loop3A_469 = vector.shape_cast %parallel_loop3A_455 : vector<16xf32> to vector<1x1x16xf32>
        tpu.vector_store %arg6[%parallel_loop3A_464, %parallel_loop3A_465, %parallel_loop3A_466], %parallel_loop3A_469 {add = true, strides = array<i32>} : memref<4x32x768xf32, #tpu.memory_space<vmem>>, vector<1x1x16xf32>,
        %parallel_loop3A_470 = arith.index_cast %parallel_loop3A_289 : i32 to index
        %parallel_loop3A_471 = arith.constant 160 : index
        %parallel_loop3A_472 = tpu.vector_load %arg7[%parallel_loop3A_470, %parallel_loop3A_471] {strides = array<i32>} : memref<32x768xf32, #tpu.memory_space<vmem>>, vector<1x16xf32>,
        %parallel_loop3A_473 = vector.shape_cast %parallel_loop3A_472 : vector<1x16xf32> to vector<16xf32>
        %parallel_loop3A_474 = arith.constant 2 : i32
        %parallel_loop3A_475 = arith.index_cast %parallel_loop3A_474 : i32 to index
        %parallel_loop3A_476 = arith.index_cast %parallel_loop3A_289 : i32 to index
        %parallel_loop3A_477 = arith.constant 160 : index
        %parallel_loop3A_478 = tpu.vector_load %arg6[%parallel_loop3A_475, %parallel_loop3A_476, %parallel_loop3A_477] {strides = array<i32>} : memref<4x32x768xf32, #tpu.memory_space<vmem>>, vector<1x1x16xf32>,
        %parallel_loop3A_479 = vector.shape_cast %parallel_loop3A_478 : vector<1x1x16xf32> to vector<16xf32>
        %parallel_loop3A_480 = vector.shape_cast %parallel_loop3A_473 : vector<16xf32> to vector<1x1x16xf32>
        tpu.vector_store %arg6[%parallel_loop3A_475, %parallel_loop3A_476, %parallel_loop3A_477], %parallel_loop3A_480 {add = true, strides = array<i32>} : memref<4x32x768xf32, #tpu.memory_space<vmem>>, vector<1x1x16xf32>,
        %parallel_loop3A_481 = arith.constant 3 : i32
        %parallel_loop3A_482 = arith.index_cast %parallel_loop3A_481 : i32 to index
        %parallel_loop3A_483 = arith.index_cast %parallel_loop3A_289 : i32 to index
        %parallel_loop3A_484 = arith.constant 160 : index
        %parallel_loop3A_485 = tpu.vector_load %arg6[%parallel_loop3A_482, %parallel_loop3A_483, %parallel_loop3A_484] {strides = array<i32>} : memref<4x32x768xf32, #tpu.memory_space<vmem>>, vector<1x1x16xf32>,
        %parallel_loop3A_486 = vector.shape_cast %parallel_loop3A_485 : vector<1x1x16xf32> to vector<16xf32>
        %parallel_loop3A_487 = vector.shape_cast %parallel_loop3A_473 : vector<16xf32> to vector<1x1x16xf32>
        tpu.vector_store %arg6[%parallel_loop3A_482, %parallel_loop3A_483, %parallel_loop3A_484], %parallel_loop3A_487 {add = true, strides = array<i32>} : memref<4x32x768xf32, #tpu.memory_space<vmem>>, vector<1x1x16xf32>,
        %parallel_loop3A_488 = arith.index_cast %parallel_loop3A_289 : i32 to index
        %parallel_loop3A_489 = arith.constant 176 : index
        %parallel_loop3A_490 = tpu.vector_load %arg7[%parallel_loop3A_488, %parallel_loop3A_489] {strides = array<i32>} : memref<32x768xf32, #tpu.memory_space<vmem>>, vector<1x16xf32>,
        %parallel_loop3A_491 = vector.shape_cast %parallel_loop3A_490 : vector<1x16xf32> to vector<16xf32>
        %parallel_loop3A_492 = arith.constant 2 : i32
        %parallel_loop3A_493 = arith.index_cast %parallel_loop3A_492 : i32 to index
        %parallel_loop3A_494 = arith.index_cast %parallel_loop3A_289 : i32 to index
        %parallel_loop3A_495 = arith.constant 176 : index
        %parallel_loop3A_496 = tpu.vector_load %arg6[%parallel_loop3A_493, %parallel_loop3A_494, %parallel_loop3A_495] {strides = array<i32>} : memref<4x32x768xf32, #tpu.memory_space<vmem>>, vector<1x1x16xf32>,
        %parallel_loop3A_497 = vector.shape_cast %parallel_loop3A_496 : vector<1x1x16xf32> to vector<16xf32>
        %parallel_loop3A_498 = vector.shape_cast %parallel_loop3A_491 : vector<16xf32> to vector<1x1x16xf32>
        tpu.vector_store %arg6[%parallel_loop3A_493, %parallel_loop3A_494, %parallel_loop3A_495], %parallel_loop3A_498 {add = true, strides = array<i32>} : memref<4x32x768xf32, #tpu.memory_space<vmem>>, vector<1x1x16xf32>,
        %parallel_loop3A_499 = arith.constant 3 : i32
        %parallel_loop3A_500 = arith.index_cast %parallel_loop3A_499 : i32 to index
        %parallel_loop3A_501 = arith.index_cast %parallel_loop3A_289 : i32 to index
        %parallel_loop3A_502 = arith.constant 176 : index
        %parallel_loop3A_503 = tpu.vector_load %arg6[%parallel_loop3A_500, %parallel_loop3A_501, %parallel_loop3A_502] {strides = array<i32>} : memref<4x32x768xf32, #tpu.memory_space<vmem>>, vector<1x1x16xf32>,
        %parallel_loop3A_504 = vector.shape_cast %parallel_loop3A_503 : vector<1x1x16xf32> to vector<16xf32>
        %parallel_loop3A_505 = vector.shape_cast %parallel_loop3A_491 : vector<16xf32> to vector<1x1x16xf32>
        tpu.vector_store %arg6[%parallel_loop3A_500, %parallel_loop3A_501, %parallel_loop3A_502], %parallel_loop3A_505 {add = true, strides = array<i32>} : memref<4x32x768xf32, #tpu.memory_space<vmem>>, vector<1x1x16xf32>,
        %parallel_loop3A_506 = arith.index_cast %parallel_loop3A_289 : i32 to index
        %parallel_loop3A_507 = arith.constant 192 : index
        %parallel_loop3A_508 = tpu.vector_load %arg7[%parallel_loop3A_506, %parallel_loop3A_507] {strides = array<i32>} : memref<32x768xf32, #tpu.memory_space<vmem>>, vector<1x16xf32>,
        %parallel_loop3A_509 = vector.shape_cast %parallel_loop3A_508 : vector<1x16xf32> to vector<16xf32>
        %parallel_loop3A_510 = arith.constant 2 : i32
        %parallel_loop3A_511 = arith.index_cast %parallel_loop3A_510 : i32 to index
        %parallel_loop3A_512 = arith.index_cast %parallel_loop3A_289 : i32 to index
        %parallel_loop3A_513 = arith.constant 192 : index
        %parallel_loop3A_514 = tpu.vector_load %arg6[%parallel_loop3A_511, %parallel_loop3A_512, %parallel_loop3A_513] {strides = array<i32>} : memref<4x32x768xf32, #tpu.memory_space<vmem>>, vector<1x1x16xf32>,
        %parallel_loop3A_515 = vector.shape_cast %parallel_loop3A_514 : vector<1x1x16xf32> to vector<16xf32>
        %parallel_loop3A_516 = vector.shape_cast %parallel_loop3A_509 : vector<16xf32> to vector<1x1x16xf32>
        tpu.vector_store %arg6[%parallel_loop3A_511, %parallel_loop3A_512, %parallel_loop3A_513], %parallel_loop3A_516 {add = true, strides = array<i32>} : memref<4x32x768xf32, #tpu.memory_space<vmem>>, vector<1x1x16xf32>,
        %parallel_loop3A_517 = arith.constant 3 : i32
        %parallel_loop3A_518 = arith.index_cast %parallel_loop3A_517 : i32 to index
        %parallel_loop3A_519 = arith.index_cast %parallel_loop3A_289 : i32 to index
        %parallel_loop3A_520 = arith.constant 192 : index
        %parallel_loop3A_521 = tpu.vector_load %arg6[%parallel_loop3A_518, %parallel_loop3A_519, %parallel_loop3A_520] {strides = array<i32>} : memref<4x32x768xf32, #tpu.memory_space<vmem>>, vector<1x1x16xf32>,
        %parallel_loop3A_522 = vector.shape_cast %parallel_loop3A_521 : vector<1x1x16xf32> to vector<16xf32>
        %parallel_loop3A_523 = vector.shape_cast %parallel_loop3A_509 : vector<16xf32> to vector<1x1x16xf32>
        tpu.vector_store %arg6[%parallel_loop3A_518, %parallel_loop3A_519, %parallel_loop3A_520], %parallel_loop3A_523 {add = true, strides = array<i32>} : memref<4x32x768xf32, #tpu.memory_space<vmem>>, vector<1x1x16xf32>,
        %parallel_loop3A_524 = arith.index_cast %parallel_loop3A_289 : i32 to index
        %parallel_loop3A_525 = arith.constant 208 : index
        %parallel_loop3A_526 = tpu.vector_load %arg7[%parallel_loop3A_524, %parallel_loop3A_525] {strides = array<i32>} : memref<32x768xf32, #tpu.memory_space<vmem>>, vector<1x16xf32>,
        %parallel_loop3A_527 = vector.shape_cast %parallel_loop3A_526 : vector<1x16xf32> to vector<16xf32>
        %parallel_loop3A_528 = arith.constant 2 : i32
        %parallel_loop3A_529 = arith.index_cast %parallel_loop3A_528 : i32 to index
        %parallel_loop3A_530 = arith.index_cast %parallel_loop3A_289 : i32 to index
        %parallel_loop3A_531 = arith.constant 208 : index
        %parallel_loop3A_532 = tpu.vector_load %arg6[%parallel_loop3A_529, %parallel_loop3A_530, %parallel_loop3A_531] {strides = array<i32>} : memref<4x32x768xf32, #tpu.memory_space<vmem>>, vector<1x1x16xf32>,
        %parallel_loop3A_533 = vector.shape_cast %parallel_loop3A_532 : vector<1x1x16xf32> to vector<16xf32>
        %parallel_loop3A_534 = vector.shape_cast %parallel_loop3A_527 : vector<16xf32> to vector<1x1x16xf32>
        tpu.vector_store %arg6[%parallel_loop3A_529, %parallel_loop3A_530, %parallel_loop3A_531], %parallel_loop3A_534 {add = true, strides = array<i32>} : memref<4x32x768xf32, #tpu.memory_space<vmem>>, vector<1x1x16xf32>,
        %parallel_loop3A_535 = arith.constant 3 : i32
        %parallel_loop3A_536 = arith.index_cast %parallel_loop3A_535 : i32 to index
        %parallel_loop3A_537 = arith.index_cast %parallel_loop3A_289 : i32 to index
        %parallel_loop3A_538 = arith.constant 208 : index
        %parallel_loop3A_539 = tpu.vector_load %arg6[%parallel_loop3A_536, %parallel_loop3A_537, %parallel_loop3A_538] {strides = array<i32>} : memref<4x32x768xf32, #tpu.memory_space<vmem>>, vector<1x1x16xf32>,
        %parallel_loop3A_540 = vector.shape_cast %parallel_loop3A_539 : vector<1x1x16xf32> to vector<16xf32>
        %parallel_loop3A_541 = vector.shape_cast %parallel_loop3A_527 : vector<16xf32> to vector<1x1x16xf32>
        tpu.vector_store %arg6[%parallel_loop3A_536, %parallel_loop3A_537, %parallel_loop3A_538], %parallel_loop3A_541 {add = true, strides = array<i32>} : memref<4x32x768xf32, #tpu.memory_space<vmem>>, vector<1x1x16xf32>,
        %parallel_loop3A_542 = arith.index_cast %parallel_loop3A_289 : i32 to index
        %parallel_loop3A_543 = arith.constant 224 : index
        %parallel_loop3A_544 = tpu.vector_load %arg7[%parallel_loop3A_542, %parallel_loop3A_543] {strides = array<i32>} : memref<32x768xf32, #tpu.memory_space<vmem>>, vector<1x16xf32>,
        %parallel_loop3A_545 = vector.shape_cast %parallel_loop3A_544 : vector<1x16xf32> to vector<16xf32>
        %parallel_loop3A_546 = arith.constant 2 : i32
        %parallel_loop3A_547 = arith.index_cast %parallel_loop3A_546 : i32 to index
        %parallel_loop3A_548 = arith.index_cast %parallel_loop3A_289 : i32 to index
        %parallel_loop3A_549 = arith.constant 224 : index
        %parallel_loop3A_550 = tpu.vector_load %arg6[%parallel_loop3A_547, %parallel_loop3A_548, %parallel_loop3A_549] {strides = array<i32>} : memref<4x32x768xf32, #tpu.memory_space<vmem>>, vector<1x1x16xf32>,
        %parallel_loop3A_551 = vector.shape_cast %parallel_loop3A_550 : vector<1x1x16xf32> to vector<16xf32>
        %parallel_loop3A_552 = vector.shape_cast %parallel_loop3A_545 : vector<16xf32> to vector<1x1x16xf32>
        tpu.vector_store %arg6[%parallel_loop3A_547, %parallel_loop3A_548, %parallel_loop3A_549], %parallel_loop3A_552 {add = true, strides = array<i32>} : memref<4x32x768xf32, #tpu.memory_space<vmem>>, vector<1x1x16xf32>,
        %parallel_loop3A_553 = arith.constant 3 : i32
        %parallel_loop3A_554 = arith.index_cast %parallel_loop3A_553 : i32 to index
        %parallel_loop3A_555 = arith.index_cast %parallel_loop3A_289 : i32 to index
        %parallel_loop3A_556 = arith.constant 224 : index
        %parallel_loop3A_557 = tpu.vector_load %arg6[%parallel_loop3A_554, %parallel_loop3A_555, %parallel_loop3A_556] {strides = array<i32>} : memref<4x32x768xf32, #tpu.memory_space<vmem>>, vector<1x1x16xf32>,
        %parallel_loop3A_558 = vector.shape_cast %parallel_loop3A_557 : vector<1x1x16xf32> to vector<16xf32>
        %parallel_loop3A_559 = vector.shape_cast %parallel_loop3A_545 : vector<16xf32> to vector<1x1x16xf32>
        tpu.vector_store %arg6[%parallel_loop3A_554, %parallel_loop3A_555, %parallel_loop3A_556], %parallel_loop3A_559 {add = true, strides = array<i32>} : memref<4x32x768xf32, #tpu.memory_space<vmem>>, vector<1x1x16xf32>,
        %parallel_loop3A_560 = arith.index_cast %parallel_loop3A_289 : i32 to index
        %parallel_loop3A_561 = arith.constant 240 : index
        %parallel_loop3A_562 = tpu.vector_load %arg7[%parallel_loop3A_560, %parallel_loop3A_561] {strides = array<i32>} : memref<32x768xf32, #tpu.memory_space<vmem>>, vector<1x16xf32>,
        %parallel_loop3A_563 = vector.shape_cast %parallel_loop3A_562 : vector<1x16xf32> to vector<16xf32>
        %parallel_loop3A_564 = arith.constant 2 : i32
        %parallel_loop3A_565 = arith.index_cast %parallel_loop3A_564 : i32 to index
        %parallel_loop3A_566 = arith.index_cast %parallel_loop3A_289 : i32 to index
        %parallel_loop3A_567 = arith.constant 240 : index
        %parallel_loop3A_568 = tpu.vector_load %arg6[%parallel_loop3A_565, %parallel_loop3A_566, %parallel_loop3A_567] {strides = array<i32>} : memref<4x32x768xf32, #tpu.memory_space<vmem>>, vector<1x1x16xf32>,
        %parallel_loop3A_569 = vector.shape_cast %parallel_loop3A_568 : vector<1x1x16xf32> to vector<16xf32>
        %parallel_loop3A_570 = vector.shape_cast %parallel_loop3A_563 : vector<16xf32> to vector<1x1x16xf32>
        tpu.vector_store %arg6[%parallel_loop3A_565, %parallel_loop3A_566, %parallel_loop3A_567], %parallel_loop3A_570 {add = true, strides = array<i32>} : memref<4x32x768xf32, #tpu.memory_space<vmem>>, vector<1x1x16xf32>,
        %parallel_loop3A_571 = arith.constant 3 : i32
        %parallel_loop3A_572 = arith.index_cast %parallel_loop3A_571 : i32 to index
        %parallel_loop3A_573 = arith.index_cast %parallel_loop3A_289 : i32 to index
        %parallel_loop3A_574 = arith.constant 240 : index
        %parallel_loop3A_575 = tpu.vector_load %arg6[%parallel_loop3A_572, %parallel_loop3A_573, %parallel_loop3A_574] {strides = array<i32>} : memref<4x32x768xf32, #tpu.memory_space<vmem>>, vector<1x1x16xf32>,
        %parallel_loop3A_576 = vector.shape_cast %parallel_loop3A_575 : vector<1x1x16xf32> to vector<16xf32>
        %parallel_loop3A_577 = vector.shape_cast %parallel_loop3A_563 : vector<16xf32> to vector<1x1x16xf32>
        tpu.vector_store %arg6[%parallel_loop3A_572, %parallel_loop3A_573, %parallel_loop3A_574], %parallel_loop3A_577 {add = true, strides = array<i32>} : memref<4x32x768xf32, #tpu.memory_space<vmem>>, vector<1x1x16xf32>,
        %parallel_loop3A_578 = arith.index_cast %parallel_loop3A_289 : i32 to index
        %parallel_loop3A_579 = arith.constant 256 : index
        %parallel_loop3A_580 = tpu.vector_load %arg7[%parallel_loop3A_578, %parallel_loop3A_579] {strides = array<i32>} : memref<32x768xf32, #tpu.memory_space<vmem>>, vector<1x16xf32>,
        %parallel_loop3A_581 = vector.shape_cast %parallel_loop3A_580 : vector<1x16xf32> to vector<16xf32>
        %parallel_loop3A_582 = arith.constant 2 : i32
        %parallel_loop3A_583 = arith.index_cast %parallel_loop3A_582 : i32 to index
        %parallel_loop3A_584 = arith.index_cast %parallel_loop3A_289 : i32 to index
        %parallel_loop3A_585 = arith.constant 256 : index
        %parallel_loop3A_586 = tpu.vector_load %arg6[%parallel_loop3A_583, %parallel_loop3A_584, %parallel_loop3A_585] {strides = array<i32>} : memref<4x32x768xf32, #tpu.memory_space<vmem>>, vector<1x1x16xf32>,
        %parallel_loop3A_587 = vector.shape_cast %parallel_loop3A_586 : vector<1x1x16xf32> to vector<16xf32>
        %parallel_loop3A_588 = vector.shape_cast %parallel_loop3A_581 : vector<16xf32> to vector<1x1x16xf32>
        tpu.vector_store %arg6[%parallel_loop3A_583, %parallel_loop3A_584, %parallel_loop3A_585], %parallel_loop3A_588 {add = true, strides = array<i32>} : memref<4x32x768xf32, #tpu.memory_space<vmem>>, vector<1x1x16xf32>,
        %parallel_loop3A_589 = arith.constant 3 : i32
        %parallel_loop3A_590 = arith.index_cast %parallel_loop3A_589 : i32 to index
        %parallel_loop3A_591 = arith.index_cast %parallel_loop3A_289 : i32 to index
        %parallel_loop3A_592 = arith.constant 256 : index
        %parallel_loop3A_593 = tpu.vector_load %arg6[%parallel_loop3A_590, %parallel_loop3A_591, %parallel_loop3A_592] {strides = array<i32>} : memref<4x32x768xf32, #tpu.memory_space<vmem>>, vector<1x1x16xf32>,
        %parallel_loop3A_594 = vector.shape_cast %parallel_loop3A_593 : vector<1x1x16xf32> to vector<16xf32>
        %parallel_loop3A_595 = vector.shape_cast %parallel_loop3A_581 : vector<16xf32> to vector<1x1x16xf32>
        tpu.vector_store %arg6[%parallel_loop3A_590, %parallel_loop3A_591, %parallel_loop3A_592], %parallel_loop3A_595 {add = true, strides = array<i32>} : memref<4x32x768xf32, #tpu.memory_space<vmem>>, vector<1x1x16xf32>,
        %parallel_loop3A_596 = arith.index_cast %parallel_loop3A_289 : i32 to index
        %parallel_loop3A_597 = arith.constant 272 : index
        %parallel_loop3A_598 = tpu.vector_load %arg7[%parallel_loop3A_596, %parallel_loop3A_597] {strides = array<i32>} : memref<32x768xf32, #tpu.memory_space<vmem>>, vector<1x16xf32>,
        %parallel_loop3A_599 = vector.shape_cast %parallel_loop3A_598 : vector<1x16xf32> to vector<16xf32>
        %parallel_loop3A_600 = arith.constant 2 : i32
        %parallel_loop3A_601 = arith.index_cast %parallel_loop3A_600 : i32 to index
        %parallel_loop3A_602 = arith.index_cast %parallel_loop3A_289 : i32 to index
        %parallel_loop3A_603 = arith.constant 272 : index
        %parallel_loop3A_604 = tpu.vector_load %arg6[%parallel_loop3A_601, %parallel_loop3A_602, %parallel_loop3A_603] {strides = array<i32>} : memref<4x32x768xf32, #tpu.memory_space<vmem>>, vector<1x1x16xf32>,
        %parallel_loop3A_605 = vector.shape_cast %parallel_loop3A_604 : vector<1x1x16xf32> to vector<16xf32>
        %parallel_loop3A_606 = vector.shape_cast %parallel_loop3A_599 : vector<16xf32> to vector<1x1x16xf32>
        tpu.vector_store %arg6[%parallel_loop3A_601, %parallel_loop3A_602, %parallel_loop3A_603], %parallel_loop3A_606 {add = true, strides = array<i32>} : memref<4x32x768xf32, #tpu.memory_space<vmem>>, vector<1x1x16xf32>,
        %parallel_loop3A_607 = arith.constant 3 : i32
        %parallel_loop3A_608 = arith.index_cast %parallel_loop3A_607 : i32 to index
        %parallel_loop3A_609 = arith.index_cast %parallel_loop3A_289 : i32 to index
        %parallel_loop3A_610 = arith.constant 272 : index
        %parallel_loop3A_611 = tpu.vector_load %arg6[%parallel_loop3A_608, %parallel_loop3A_609, %parallel_loop3A_610] {strides = array<i32>} : memref<4x32x768xf32, #tpu.memory_space<vmem>>, vector<1x1x16xf32>,
        %parallel_loop3A_612 = vector.shape_cast %parallel_loop3A_611 : vector<1x1x16xf32> to vector<16xf32>
        %parallel_loop3A_613 = vector.shape_cast %parallel_loop3A_599 : vector<16xf32> to vector<1x1x16xf32>
        tpu.vector_store %arg6[%parallel_loop3A_608, %parallel_loop3A_609, %parallel_loop3A_610], %parallel_loop3A_613 {add = true, strides = array<i32>} : memref<4x32x768xf32, #tpu.memory_space<vmem>>, vector<1x1x16xf32>,
        %parallel_loop3A_614 = arith.index_cast %parallel_loop3A_289 : i32 to index
        %parallel_loop3A_615 = arith.constant 288 : index
        %parallel_loop3A_616 = tpu.vector_load %arg7[%parallel_loop3A_614, %parallel_loop3A_615] {strides = array<i32>} : memref<32x768xf32, #tpu.memory_space<vmem>>, vector<1x16xf32>,
        %parallel_loop3A_617 = vector.shape_cast %parallel_loop3A_616 : vector<1x16xf32> to vector<16xf32>
        %parallel_loop3A_618 = arith.constant 2 : i32
        %parallel_loop3A_619 = arith.index_cast %parallel_loop3A_618 : i32 to index
        %parallel_loop3A_620 = arith.index_cast %parallel_loop3A_289 : i32 to index
        %parallel_loop3A_621 = arith.constant 288 : index
        %parallel_loop3A_622 = tpu.vector_load %arg6[%parallel_loop3A_619, %parallel_loop3A_620, %parallel_loop3A_621] {strides = array<i32>} : memref<4x32x768xf32, #tpu.memory_space<vmem>>, vector<1x1x16xf32>,
        %parallel_loop3A_623 = vector.shape_cast %parallel_loop3A_622 : vector<1x1x16xf32> to vector<16xf32>
        %parallel_loop3A_624 = vector.shape_cast %parallel_loop3A_617 : vector<16xf32> to vector<1x1x16xf32>
        tpu.vector_store %arg6[%parallel_loop3A_619, %parallel_loop3A_620, %parallel_loop3A_621], %parallel_loop3A_624 {add = true, strides = array<i32>} : memref<4x32x768xf32, #tpu.memory_space<vmem>>, vector<1x1x16xf32>,
        %parallel_loop3A_625 = arith.constant 3 : i32
        %parallel_loop3A_626 = arith.index_cast %parallel_loop3A_625 : i32 to index
        %parallel_loop3A_627 = arith.index_cast %parallel_loop3A_289 : i32 to index
        %parallel_loop3A_628 = arith.constant 288 : index
        %parallel_loop3A_629 = tpu.vector_load %arg6[%parallel_loop3A_626, %parallel_loop3A_627, %parallel_loop3A_628] {strides = array<i32>} : memref<4x32x768xf32, #tpu.memory_space<vmem>>, vector<1x1x16xf32>,
        %parallel_loop3A_630 = vector.shape_cast %parallel_loop3A_629 : vector<1x1x16xf32> to vector<16xf32>
        %parallel_loop3A_631 = vector.shape_cast %parallel_loop3A_617 : vector<16xf32> to vector<1x1x16xf32>
        tpu.vector_store %arg6[%parallel_loop3A_626, %parallel_loop3A_627, %parallel_loop3A_628], %parallel_loop3A_631 {add = true, strides = array<i32>} : memref<4x32x768xf32, #tpu.memory_space<vmem>>, vector<1x1x16xf32>,
        %parallel_loop3A_632 = arith.index_cast %parallel_loop3A_289 : i32 to index
        %parallel_loop3A_633 = arith.constant 304 : index
        %parallel_loop3A_634 = tpu.vector_load %arg7[%parallel_loop3A_632, %parallel_loop3A_633] {strides = array<i32>} : memref<32x768xf32, #tpu.memory_space<vmem>>, vector<1x16xf32>,
        %parallel_loop3A_635 = vector.shape_cast %parallel_loop3A_634 : vector<1x16xf32> to vector<16xf32>
        %parallel_loop3A_636 = arith.constant 2 : i32
        %parallel_loop3A_637 = arith.index_cast %parallel_loop3A_636 : i32 to index
        %parallel_loop3A_638 = arith.index_cast %parallel_loop3A_289 : i32 to index
        %parallel_loop3A_639 = arith.constant 304 : index
        %parallel_loop3A_640 = tpu.vector_load %arg6[%parallel_loop3A_637, %parallel_loop3A_638, %parallel_loop3A_639] {strides = array<i32>} : memref<4x32x768xf32, #tpu.memory_space<vmem>>, vector<1x1x16xf32>,
        %parallel_loop3A_641 = vector.shape_cast %parallel_loop3A_640 : vector<1x1x16xf32> to vector<16xf32>
        %parallel_loop3A_642 = vector.shape_cast %parallel_loop3A_635 : vector<16xf32> to vector<1x1x16xf32>
        tpu.vector_store %arg6[%parallel_loop3A_637, %parallel_loop3A_638, %parallel_loop3A_639], %parallel_loop3A_642 {add = true, strides = array<i32>} : memref<4x32x768xf32, #tpu.memory_space<vmem>>, vector<1x1x16xf32>,
        %parallel_loop3A_643 = arith.constant 3 : i32
        %parallel_loop3A_644 = arith.index_cast %parallel_loop3A_643 : i32 to index
        %parallel_loop3A_645 = arith.index_cast %parallel_loop3A_289 : i32 to index
        %parallel_loop3A_646 = arith.constant 304 : index
        %parallel_loop3A_647 = tpu.vector_load %arg6[%parallel_loop3A_644, %parallel_loop3A_645, %parallel_loop3A_646] {strides = array<i32>} : memref<4x32x768xf32, #tpu.memory_space<vmem>>, vector<1x1x16xf32>,
        %parallel_loop3A_648 = vector.shape_cast %parallel_loop3A_647 : vector<1x1x16xf32> to vector<16xf32>
        %parallel_loop3A_649 = vector.shape_cast %parallel_loop3A_635 : vector<16xf32> to vector<1x1x16xf32>
        tpu.vector_store %arg6[%parallel_loop3A_644, %parallel_loop3A_645, %parallel_loop3A_646], %parallel_loop3A_649 {add = true, strides = array<i32>} : memref<4x32x768xf32, #tpu.memory_space<vmem>>, vector<1x1x16xf32>,
        %parallel_loop3A_650 = arith.index_cast %parallel_loop3A_289 : i32 to index
        %parallel_loop3A_651 = arith.constant 320 : index
        %parallel_loop3A_652 = tpu.vector_load %arg7[%parallel_loop3A_650, %parallel_loop3A_651] {strides = array<i32>} : memref<32x768xf32, #tpu.memory_space<vmem>>, vector<1x16xf32>,
        %parallel_loop3A_653 = vector.shape_cast %parallel_loop3A_652 : vector<1x16xf32> to vector<16xf32>
        %parallel_loop3A_654 = arith.constant 2 : i32
        %parallel_loop3A_655 = arith.index_cast %parallel_loop3A_654 : i32 to index
        %parallel_loop3A_656 = arith.index_cast %parallel_loop3A_289 : i32 to index
        %parallel_loop3A_657 = arith.constant 320 : index
        %parallel_loop3A_658 = tpu.vector_load %arg6[%parallel_loop3A_655, %parallel_loop3A_656, %parallel_loop3A_657] {strides = array<i32>} : memref<4x32x768xf32, #tpu.memory_space<vmem>>, vector<1x1x16xf32>,
        %parallel_loop3A_659 = vector.shape_cast %parallel_loop3A_658 : vector<1x1x16xf32> to vector<16xf32>
        %parallel_loop3A_660 = vector.shape_cast %parallel_loop3A_653 : vector<16xf32> to vector<1x1x16xf32>
        tpu.vector_store %arg6[%parallel_loop3A_655, %parallel_loop3A_656, %parallel_loop3A_657], %parallel_loop3A_660 {add = true, strides = array<i32>} : memref<4x32x768xf32, #tpu.memory_space<vmem>>, vector<1x1x16xf32>,
        %parallel_loop3A_661 = arith.constant 3 : i32
        %parallel_loop3A_662 = arith.index_cast %parallel_loop3A_661 : i32 to index
        %parallel_loop3A_663 = arith.index_cast %parallel_loop3A_289 : i32 to index
        %parallel_loop3A_664 = arith.constant 320 : index
        %parallel_loop3A_665 = tpu.vector_load %arg6[%parallel_loop3A_662, %parallel_loop3A_663, %parallel_loop3A_664] {strides = array<i32>} : memref<4x32x768xf32, #tpu.memory_space<vmem>>, vector<1x1x16xf32>,
        %parallel_loop3A_666 = vector.shape_cast %parallel_loop3A_665 : vector<1x1x16xf32> to vector<16xf32>
        %parallel_loop3A_667 = vector.shape_cast %parallel_loop3A_653 : vector<16xf32> to vector<1x1x16xf32>
        tpu.vector_store %arg6[%parallel_loop3A_662, %parallel_loop3A_663, %parallel_loop3A_664], %parallel_loop3A_667 {add = true, strides = array<i32>} : memref<4x32x768xf32, #tpu.memory_space<vmem>>, vector<1x1x16xf32>,
        %parallel_loop3A_668 = arith.index_cast %parallel_loop3A_289 : i32 to index
        %parallel_loop3A_669 = arith.constant 336 : index
        %parallel_loop3A_670 = tpu.vector_load %arg7[%parallel_loop3A_668, %parallel_loop3A_669] {strides = array<i32>} : memref<32x768xf32, #tpu.memory_space<vmem>>, vector<1x16xf32>,
        %parallel_loop3A_671 = vector.shape_cast %parallel_loop3A_670 : vector<1x16xf32> to vector<16xf32>
        %parallel_loop3A_672 = arith.constant 2 : i32
        %parallel_loop3A_673 = arith.index_cast %parallel_loop3A_672 : i32 to index
        %parallel_loop3A_674 = arith.index_cast %parallel_loop3A_289 : i32 to index
        %parallel_loop3A_675 = arith.constant 336 : index
        %parallel_loop3A_676 = tpu.vector_load %arg6[%parallel_loop3A_673, %parallel_loop3A_674, %parallel_loop3A_675] {strides = array<i32>} : memref<4x32x768xf32, #tpu.memory_space<vmem>>, vector<1x1x16xf32>,
        %parallel_loop3A_677 = vector.shape_cast %parallel_loop3A_676 : vector<1x1x16xf32> to vector<16xf32>
        %parallel_loop3A_678 = vector.shape_cast %parallel_loop3A_671 : vector<16xf32> to vector<1x1x16xf32>
        tpu.vector_store %arg6[%parallel_loop3A_673, %parallel_loop3A_674, %parallel_loop3A_675], %parallel_loop3A_678 {add = true, strides = array<i32>} : memref<4x32x768xf32, #tpu.memory_space<vmem>>, vector<1x1x16xf32>,
        %parallel_loop3A_679 = arith.constant 3 : i32
        %parallel_loop3A_680 = arith.index_cast %parallel_loop3A_679 : i32 to index
        %parallel_loop3A_681 = arith.index_cast %parallel_loop3A_289 : i32 to index
        %parallel_loop3A_682 = arith.constant 336 : index
        %parallel_loop3A_683 = tpu.vector_load %arg6[%parallel_loop3A_680, %parallel_loop3A_681, %parallel_loop3A_682] {strides = array<i32>} : memref<4x32x768xf32, #tpu.memory_space<vmem>>, vector<1x1x16xf32>,
        %parallel_loop3A_684 = vector.shape_cast %parallel_loop3A_683 : vector<1x1x16xf32> to vector<16xf32>
        %parallel_loop3A_685 = vector.shape_cast %parallel_loop3A_671 : vector<16xf32> to vector<1x1x16xf32>
        tpu.vector_store %arg6[%parallel_loop3A_680, %parallel_loop3A_681, %parallel_loop3A_682], %parallel_loop3A_685 {add = true, strides = array<i32>} : memref<4x32x768xf32, #tpu.memory_space<vmem>>, vector<1x1x16xf32>,
        %parallel_loop3A_686 = arith.index_cast %parallel_loop3A_289 : i32 to index
        %parallel_loop3A_687 = arith.constant 352 : index
        %parallel_loop3A_688 = tpu.vector_load %arg7[%parallel_loop3A_686, %parallel_loop3A_687] {strides = array<i32>} : memref<32x768xf32, #tpu.memory_space<vmem>>, vector<1x16xf32>,
        %parallel_loop3A_689 = vector.shape_cast %parallel_loop3A_688 : vector<1x16xf32> to vector<16xf32>
        %parallel_loop3A_690 = arith.constant 2 : i32
        %parallel_loop3A_691 = arith.index_cast %parallel_loop3A_690 : i32 to index
        %parallel_loop3A_692 = arith.index_cast %parallel_loop3A_289 : i32 to index
        %parallel_loop3A_693 = arith.constant 352 : index
        %parallel_loop3A_694 = tpu.vector_load %arg6[%parallel_loop3A_691, %parallel_loop3A_692, %parallel_loop3A_693] {strides = array<i32>} : memref<4x32x768xf32, #tpu.memory_space<vmem>>, vector<1x1x16xf32>,
        %parallel_loop3A_695 = vector.shape_cast %parallel_loop3A_694 : vector<1x1x16xf32> to vector<16xf32>
        %parallel_loop3A_696 = vector.shape_cast %parallel_loop3A_689 : vector<16xf32> to vector<1x1x16xf32>
        tpu.vector_store %arg6[%parallel_loop3A_691, %parallel_loop3A_692, %parallel_loop3A_693], %parallel_loop3A_696 {add = true, strides = array<i32>} : memref<4x32x768xf32, #tpu.memory_space<vmem>>, vector<1x1x16xf32>,
        %parallel_loop3A_697 = arith.constant 3 : i32
        %parallel_loop3A_698 = arith.index_cast %parallel_loop3A_697 : i32 to index
        %parallel_loop3A_699 = arith.index_cast %parallel_loop3A_289 : i32 to index
        %parallel_loop3A_700 = arith.constant 352 : index
        %parallel_loop3A_701 = tpu.vector_load %arg6[%parallel_loop3A_698, %parallel_loop3A_699, %parallel_loop3A_700] {strides = array<i32>} : memref<4x32x768xf32, #tpu.memory_space<vmem>>, vector<1x1x16xf32>,
        %parallel_loop3A_702 = vector.shape_cast %parallel_loop3A_701 : vector<1x1x16xf32> to vector<16xf32>
        %parallel_loop3A_703 = vector.shape_cast %parallel_loop3A_689 : vector<16xf32> to vector<1x1x16xf32>
        tpu.vector_store %arg6[%parallel_loop3A_698, %parallel_loop3A_699, %parallel_loop3A_700], %parallel_loop3A_703 {add = true, strides = array<i32>} : memref<4x32x768xf32, #tpu.memory_space<vmem>>, vector<1x1x16xf32>,
        %parallel_loop3A_704 = arith.index_cast %parallel_loop3A_289 : i32 to index
        %parallel_loop3A_705 = arith.constant 368 : index
        %parallel_loop3A_706 = tpu.vector_load %arg7[%parallel_loop3A_704, %parallel_loop3A_705] {strides = array<i32>} : memref<32x768xf32, #tpu.memory_space<vmem>>, vector<1x16xf32>,
        %parallel_loop3A_707 = vector.shape_cast %parallel_loop3A_706 : vector<1x16xf32> to vector<16xf32>
        %parallel_loop3A_708 = arith.constant 2 : i32
        %parallel_loop3A_709 = arith.index_cast %parallel_loop3A_708 : i32 to index
        %parallel_loop3A_710 = arith.index_cast %parallel_loop3A_289 : i32 to index
        %parallel_loop3A_711 = arith.constant 368 : index
        %parallel_loop3A_712 = tpu.vector_load %arg6[%parallel_loop3A_709, %parallel_loop3A_710, %parallel_loop3A_711] {strides = array<i32>} : memref<4x32x768xf32, #tpu.memory_space<vmem>>, vector<1x1x16xf32>,
        %parallel_loop3A_713 = vector.shape_cast %parallel_loop3A_712 : vector<1x1x16xf32> to vector<16xf32>
        %parallel_loop3A_714 = vector.shape_cast %parallel_loop3A_707 : vector<16xf32> to vector<1x1x16xf32>
        tpu.vector_store %arg6[%parallel_loop3A_709, %parallel_loop3A_710, %parallel_loop3A_711], %parallel_loop3A_714 {add = true, strides = array<i32>} : memref<4x32x768xf32, #tpu.memory_space<vmem>>, vector<1x1x16xf32>,
        %parallel_loop3A_715 = arith.constant 3 : i32
        %parallel_loop3A_716 = arith.index_cast %parallel_loop3A_715 : i32 to index
        %parallel_loop3A_717 = arith.index_cast %parallel_loop3A_289 : i32 to index
        %parallel_loop3A_718 = arith.constant 368 : index
        %parallel_loop3A_719 = tpu.vector_load %arg6[%parallel_loop3A_716, %parallel_loop3A_717, %parallel_loop3A_718] {strides = array<i32>} : memref<4x32x768xf32, #tpu.memory_space<vmem>>, vector<1x1x16xf32>,
        %parallel_loop3A_720 = vector.shape_cast %parallel_loop3A_719 : vector<1x1x16xf32> to vector<16xf32>
        %parallel_loop3A_721 = vector.shape_cast %parallel_loop3A_707 : vector<16xf32> to vector<1x1x16xf32>
        tpu.vector_store %arg6[%parallel_loop3A_716, %parallel_loop3A_717, %parallel_loop3A_718], %parallel_loop3A_721 {add = true, strides = array<i32>} : memref<4x32x768xf32, #tpu.memory_space<vmem>>, vector<1x1x16xf32>,
        %parallel_loop3A_722 = arith.index_cast %parallel_loop3A_289 : i32 to index
        %parallel_loop3A_723 = arith.constant 384 : index
        %parallel_loop3A_724 = tpu.vector_load %arg7[%parallel_loop3A_722, %parallel_loop3A_723] {strides = array<i32>} : memref<32x768xf32, #tpu.memory_space<vmem>>, vector<1x16xf32>,
        %parallel_loop3A_725 = vector.shape_cast %parallel_loop3A_724 : vector<1x16xf32> to vector<16xf32>
        %parallel_loop3A_726 = arith.constant 2 : i32
        %parallel_loop3A_727 = arith.index_cast %parallel_loop3A_726 : i32 to index
        %parallel_loop3A_728 = arith.index_cast %parallel_loop3A_289 : i32 to index
        %parallel_loop3A_729 = arith.constant 384 : index
        %parallel_loop3A_730 = tpu.vector_load %arg6[%parallel_loop3A_727, %parallel_loop3A_728, %parallel_loop3A_729] {strides = array<i32>} : memref<4x32x768xf32, #tpu.memory_space<vmem>>, vector<1x1x16xf32>,
        %parallel_loop3A_731 = vector.shape_cast %parallel_loop3A_730 : vector<1x1x16xf32> to vector<16xf32>
        %parallel_loop3A_732 = vector.shape_cast %parallel_loop3A_725 : vector<16xf32> to vector<1x1x16xf32>
        tpu.vector_store %arg6[%parallel_loop3A_727, %parallel_loop3A_728, %parallel_loop3A_729], %parallel_loop3A_732 {add = true, strides = array<i32>} : memref<4x32x768xf32, #tpu.memory_space<vmem>>, vector<1x1x16xf32>,
        %parallel_loop3A_733 = arith.constant 3 : i32
        %parallel_loop3A_734 = arith.index_cast %parallel_loop3A_733 : i32 to index
        %parallel_loop3A_735 = arith.index_cast %parallel_loop3A_289 : i32 to index
        %parallel_loop3A_736 = arith.constant 384 : index
        %parallel_loop3A_737 = tpu.vector_load %arg6[%parallel_loop3A_734, %parallel_loop3A_735, %parallel_loop3A_736] {strides = array<i32>} : memref<4x32x768xf32, #tpu.memory_space<vmem>>, vector<1x1x16xf32>,
        %parallel_loop3A_738 = vector.shape_cast %parallel_loop3A_737 : vector<1x1x16xf32> to vector<16xf32>
        %parallel_loop3A_739 = vector.shape_cast %parallel_loop3A_725 : vector<16xf32> to vector<1x1x16xf32>
        tpu.vector_store %arg6[%parallel_loop3A_734, %parallel_loop3A_735, %parallel_loop3A_736], %parallel_loop3A_739 {add = true, strides = array<i32>} : memref<4x32x768xf32, #tpu.memory_space<vmem>>, vector<1x1x16xf32>,
        %parallel_loop3A_740 = arith.index_cast %parallel_loop3A_289 : i32 to index
        %parallel_loop3A_741 = arith.constant 400 : index
        %parallel_loop3A_742 = tpu.vector_load %arg7[%parallel_loop3A_740, %parallel_loop3A_741] {strides = array<i32>} : memref<32x768xf32, #tpu.memory_space<vmem>>, vector<1x16xf32>,
        %parallel_loop3A_743 = vector.shape_cast %parallel_loop3A_742 : vector<1x16xf32> to vector<16xf32>
        %parallel_loop3A_744 = arith.constant 2 : i32
        %parallel_loop3A_745 = arith.index_cast %parallel_loop3A_744 : i32 to index
        %parallel_loop3A_746 = arith.index_cast %parallel_loop3A_289 : i32 to index
        %parallel_loop3A_747 = arith.constant 400 : index
        %parallel_loop3A_748 = tpu.vector_load %arg6[%parallel_loop3A_745, %parallel_loop3A_746, %parallel_loop3A_747] {strides = array<i32>} : memref<4x32x768xf32, #tpu.memory_space<vmem>>, vector<1x1x16xf32>,
        %parallel_loop3A_749 = vector.shape_cast %parallel_loop3A_748 : vector<1x1x16xf32> to vector<16xf32>
        %parallel_loop3A_750 = vector.shape_cast %parallel_loop3A_743 : vector<16xf32> to vector<1x1x16xf32>
        tpu.vector_store %arg6[%parallel_loop3A_745, %parallel_loop3A_746, %parallel_loop3A_747], %parallel_loop3A_750 {add = true, strides = array<i32>} : memref<4x32x768xf32, #tpu.memory_space<vmem>>, vector<1x1x16xf32>,
        %parallel_loop3A_751 = arith.constant 3 : i32
        %parallel_loop3A_752 = arith.index_cast %parallel_loop3A_751 : i32 to index
        %parallel_loop3A_753 = arith.index_cast %parallel_loop3A_289 : i32 to index
        %parallel_loop3A_754 = arith.constant 400 : index
        %parallel_loop3A_755 = tpu.vector_load %arg6[%parallel_loop3A_752, %parallel_loop3A_753, %parallel_loop3A_754] {strides = array<i32>} : memref<4x32x768xf32, #tpu.memory_space<vmem>>, vector<1x1x16xf32>,
        %parallel_loop3A_756 = vector.shape_cast %parallel_loop3A_755 : vector<1x1x16xf32> to vector<16xf32>
        %parallel_loop3A_757 = vector.shape_cast %parallel_loop3A_743 : vector<16xf32> to vector<1x1x16xf32>
        tpu.vector_store %arg6[%parallel_loop3A_752, %parallel_loop3A_753, %parallel_loop3A_754], %parallel_loop3A_757 {add = true, strides = array<i32>} : memref<4x32x768xf32, #tpu.memory_space<vmem>>, vector<1x1x16xf32>,
        %parallel_loop3A_758 = arith.index_cast %parallel_loop3A_289 : i32 to index
        %parallel_loop3A_759 = arith.constant 416 : index
        %parallel_loop3A_760 = tpu.vector_load %arg7[%parallel_loop3A_758, %parallel_loop3A_759] {strides = array<i32>} : memref<32x768xf32, #tpu.memory_space<vmem>>, vector<1x16xf32>,
        %parallel_loop3A_761 = vector.shape_cast %parallel_loop3A_760 : vector<1x16xf32> to vector<16xf32>
        %parallel_loop3A_762 = arith.constant 2 : i32
        %parallel_loop3A_763 = arith.index_cast %parallel_loop3A_762 : i32 to index
        %parallel_loop3A_764 = arith.index_cast %parallel_loop3A_289 : i32 to index
        %parallel_loop3A_765 = arith.constant 416 : index
        %parallel_loop3A_766 = tpu.vector_load %arg6[%parallel_loop3A_763, %parallel_loop3A_764, %parallel_loop3A_765] {strides = array<i32>} : memref<4x32x768xf32, #tpu.memory_space<vmem>>, vector<1x1x16xf32>,
        %parallel_loop3A_767 = vector.shape_cast %parallel_loop3A_766 : vector<1x1x16xf32> to vector<16xf32>
        %parallel_loop3A_768 = vector.shape_cast %parallel_loop3A_761 : vector<16xf32> to vector<1x1x16xf32>
        tpu.vector_store %arg6[%parallel_loop3A_763, %parallel_loop3A_764, %parallel_loop3A_765], %parallel_loop3A_768 {add = true, strides = array<i32>} : memref<4x32x768xf32, #tpu.memory_space<vmem>>, vector<1x1x16xf32>,
        %parallel_loop3A_769 = arith.constant 3 : i32
        %parallel_loop3A_770 = arith.index_cast %parallel_loop3A_769 : i32 to index
        %parallel_loop3A_771 = arith.index_cast %parallel_loop3A_289 : i32 to index
        %parallel_loop3A_772 = arith.constant 416 : index
        %parallel_loop3A_773 = tpu.vector_load %arg6[%parallel_loop3A_770, %parallel_loop3A_771, %parallel_loop3A_772] {strides = array<i32>} : memref<4x32x768xf32, #tpu.memory_space<vmem>>, vector<1x1x16xf32>,
        %parallel_loop3A_774 = vector.shape_cast %parallel_loop3A_773 : vector<1x1x16xf32> to vector<16xf32>
        %parallel_loop3A_775 = vector.shape_cast %parallel_loop3A_761 : vector<16xf32> to vector<1x1x16xf32>
        tpu.vector_store %arg6[%parallel_loop3A_770, %parallel_loop3A_771, %parallel_loop3A_772], %parallel_loop3A_775 {add = true, strides = array<i32>} : memref<4x32x768xf32, #tpu.memory_space<vmem>>, vector<1x1x16xf32>,
        %parallel_loop3A_776 = arith.index_cast %parallel_loop3A_289 : i32 to index
        %parallel_loop3A_777 = arith.constant 432 : index
        %parallel_loop3A_778 = tpu.vector_load %arg7[%parallel_loop3A_776, %parallel_loop3A_777] {strides = array<i32>} : memref<32x768xf32, #tpu.memory_space<vmem>>, vector<1x16xf32>,
        %parallel_loop3A_779 = vector.shape_cast %parallel_loop3A_778 : vector<1x16xf32> to vector<16xf32>
        %parallel_loop3A_780 = arith.constant 2 : i32
        %parallel_loop3A_781 = arith.index_cast %parallel_loop3A_780 : i32 to index
        %parallel_loop3A_782 = arith.index_cast %parallel_loop3A_289 : i32 to index
        %parallel_loop3A_783 = arith.constant 432 : index
        %parallel_loop3A_784 = tpu.vector_load %arg6[%parallel_loop3A_781, %parallel_loop3A_782, %parallel_loop3A_783] {strides = array<i32>} : memref<4x32x768xf32, #tpu.memory_space<vmem>>, vector<1x1x16xf32>,
        %parallel_loop3A_785 = vector.shape_cast %parallel_loop3A_784 : vector<1x1x16xf32> to vector<16xf32>
        %parallel_loop3A_786 = vector.shape_cast %parallel_loop3A_779 : vector<16xf32> to vector<1x1x16xf32>
        tpu.vector_store %arg6[%parallel_loop3A_781, %parallel_loop3A_782, %parallel_loop3A_783], %parallel_loop3A_786 {add = true, strides = array<i32>} : memref<4x32x768xf32, #tpu.memory_space<vmem>>, vector<1x1x16xf32>,
        %parallel_loop3A_787 = arith.constant 3 : i32
        %parallel_loop3A_788 = arith.index_cast %parallel_loop3A_787 : i32 to index
        %parallel_loop3A_789 = arith.index_cast %parallel_loop3A_289 : i32 to index
        %parallel_loop3A_790 = arith.constant 432 : index
        %parallel_loop3A_791 = tpu.vector_load %arg6[%parallel_loop3A_788, %parallel_loop3A_789, %parallel_loop3A_790] {strides = array<i32>} : memref<4x32x768xf32, #tpu.memory_space<vmem>>, vector<1x1x16xf32>,
        %parallel_loop3A_792 = vector.shape_cast %parallel_loop3A_791 : vector<1x1x16xf32> to vector<16xf32>
        %parallel_loop3A_793 = vector.shape_cast %parallel_loop3A_779 : vector<16xf32> to vector<1x1x16xf32>
        tpu.vector_store %arg6[%parallel_loop3A_788, %parallel_loop3A_789, %parallel_loop3A_790], %parallel_loop3A_793 {add = true, strides = array<i32>} : memref<4x32x768xf32, #tpu.memory_space<vmem>>, vector<1x1x16xf32>,
        %parallel_loop3A_794 = arith.index_cast %parallel_loop3A_289 : i32 to index
        %parallel_loop3A_795 = arith.constant 448 : index
        %parallel_loop3A_796 = tpu.vector_load %arg7[%parallel_loop3A_794, %parallel_loop3A_795] {strides = array<i32>} : memref<32x768xf32, #tpu.memory_space<vmem>>, vector<1x16xf32>,
        %parallel_loop3A_797 = vector.shape_cast %parallel_loop3A_796 : vector<1x16xf32> to vector<16xf32>
        %parallel_loop3A_798 = arith.constant 2 : i32
        %parallel_loop3A_799 = arith.index_cast %parallel_loop3A_798 : i32 to index
        %parallel_loop3A_800 = arith.index_cast %parallel_loop3A_289 : i32 to index
        %parallel_loop3A_801 = arith.constant 448 : index
        %parallel_loop3A_802 = tpu.vector_load %arg6[%parallel_loop3A_799, %parallel_loop3A_800, %parallel_loop3A_801] {strides = array<i32>} : memref<4x32x768xf32, #tpu.memory_space<vmem>>, vector<1x1x16xf32>,
        %parallel_loop3A_803 = vector.shape_cast %parallel_loop3A_802 : vector<1x1x16xf32> to vector<16xf32>
        %parallel_loop3A_804 = vector.shape_cast %parallel_loop3A_797 : vector<16xf32> to vector<1x1x16xf32>
        tpu.vector_store %arg6[%parallel_loop3A_799, %parallel_loop3A_800, %parallel_loop3A_801], %parallel_loop3A_804 {add = true, strides = array<i32>} : memref<4x32x768xf32, #tpu.memory_space<vmem>>, vector<1x1x16xf32>,
        %parallel_loop3A_805 = arith.constant 3 : i32
        %parallel_loop3A_806 = arith.index_cast %parallel_loop3A_805 : i32 to index
        %parallel_loop3A_807 = arith.index_cast %parallel_loop3A_289 : i32 to index
        %parallel_loop3A_808 = arith.constant 448 : index
        %parallel_loop3A_809 = tpu.vector_load %arg6[%parallel_loop3A_806, %parallel_loop3A_807, %parallel_loop3A_808] {strides = array<i32>} : memref<4x32x768xf32, #tpu.memory_space<vmem>>, vector<1x1x16xf32>,
        %parallel_loop3A_810 = vector.shape_cast %parallel_loop3A_809 : vector<1x1x16xf32> to vector<16xf32>
        %parallel_loop3A_811 = vector.shape_cast %parallel_loop3A_797 : vector<16xf32> to vector<1x1x16xf32>
        tpu.vector_store %arg6[%parallel_loop3A_806, %parallel_loop3A_807, %parallel_loop3A_808], %parallel_loop3A_811 {add = true, strides = array<i32>} : memref<4x32x768xf32, #tpu.memory_space<vmem>>, vector<1x1x16xf32>,
        %parallel_loop3A_812 = arith.index_cast %parallel_loop3A_289 : i32 to index
        %parallel_loop3A_813 = arith.constant 464 : index
        %parallel_loop3A_814 = tpu.vector_load %arg7[%parallel_loop3A_812, %parallel_loop3A_813] {strides = array<i32>} : memref<32x768xf32, #tpu.memory_space<vmem>>, vector<1x16xf32>,
        %parallel_loop3A_815 = vector.shape_cast %parallel_loop3A_814 : vector<1x16xf32> to vector<16xf32>
        %parallel_loop3A_816 = arith.constant 2 : i32
        %parallel_loop3A_817 = arith.index_cast %parallel_loop3A_816 : i32 to index
        %parallel_loop3A_818 = arith.index_cast %parallel_loop3A_289 : i32 to index
        %parallel_loop3A_819 = arith.constant 464 : index
        %parallel_loop3A_820 = tpu.vector_load %arg6[%parallel_loop3A_817, %parallel_loop3A_818, %parallel_loop3A_819] {strides = array<i32>} : memref<4x32x768xf32, #tpu.memory_space<vmem>>, vector<1x1x16xf32>,
        %parallel_loop3A_821 = vector.shape_cast %parallel_loop3A_820 : vector<1x1x16xf32> to vector<16xf32>
        %parallel_loop3A_822 = vector.shape_cast %parallel_loop3A_815 : vector<16xf32> to vector<1x1x16xf32>
        tpu.vector_store %arg6[%parallel_loop3A_817, %parallel_loop3A_818, %parallel_loop3A_819], %parallel_loop3A_822 {add = true, strides = array<i32>} : memref<4x32x768xf32, #tpu.memory_space<vmem>>, vector<1x1x16xf32>,
        %parallel_loop3A_823 = arith.constant 3 : i32
        %parallel_loop3A_824 = arith.index_cast %parallel_loop3A_823 : i32 to index
        %parallel_loop3A_825 = arith.index_cast %parallel_loop3A_289 : i32 to index
        %parallel_loop3A_826 = arith.constant 464 : index
        %parallel_loop3A_827 = tpu.vector_load %arg6[%parallel_loop3A_824, %parallel_loop3A_825, %parallel_loop3A_826] {strides = array<i32>} : memref<4x32x768xf32, #tpu.memory_space<vmem>>, vector<1x1x16xf32>,
        %parallel_loop3A_828 = vector.shape_cast %parallel_loop3A_827 : vector<1x1x16xf32> to vector<16xf32>
        %parallel_loop3A_829 = vector.shape_cast %parallel_loop3A_815 : vector<16xf32> to vector<1x1x16xf32>
        tpu.vector_store %arg6[%parallel_loop3A_824, %parallel_loop3A_825, %parallel_loop3A_826], %parallel_loop3A_829 {add = true, strides = array<i32>} : memref<4x32x768xf32, #tpu.memory_space<vmem>>, vector<1x1x16xf32>,
        %parallel_loop3A_830 = arith.index_cast %parallel_loop3A_289 : i32 to index
        %parallel_loop3A_831 = arith.constant 480 : index
        %parallel_loop3A_832 = tpu.vector_load %arg7[%parallel_loop3A_830, %parallel_loop3A_831] {strides = array<i32>} : memref<32x768xf32, #tpu.memory_space<vmem>>, vector<1x16xf32>,
        %parallel_loop3A_833 = vector.shape_cast %parallel_loop3A_832 : vector<1x16xf32> to vector<16xf32>
        %parallel_loop3A_834 = arith.constant 2 : i32
        %parallel_loop3A_835 = arith.index_cast %parallel_loop3A_834 : i32 to index
        %parallel_loop3A_836 = arith.index_cast %parallel_loop3A_289 : i32 to index
        %parallel_loop3A_837 = arith.constant 480 : index
        %parallel_loop3A_838 = tpu.vector_load %arg6[%parallel_loop3A_835, %parallel_loop3A_836, %parallel_loop3A_837] {strides = array<i32>} : memref<4x32x768xf32, #tpu.memory_space<vmem>>, vector<1x1x16xf32>,
        %parallel_loop3A_839 = vector.shape_cast %parallel_loop3A_838 : vector<1x1x16xf32> to vector<16xf32>
        %parallel_loop3A_840 = vector.shape_cast %parallel_loop3A_833 : vector<16xf32> to vector<1x1x16xf32>
        tpu.vector_store %arg6[%parallel_loop3A_835, %parallel_loop3A_836, %parallel_loop3A_837], %parallel_loop3A_840 {add = true, strides = array<i32>} : memref<4x32x768xf32, #tpu.memory_space<vmem>>, vector<1x1x16xf32>,
        %parallel_loop3A_841 = arith.constant 3 : i32
        %parallel_loop3A_842 = arith.index_cast %parallel_loop3A_841 : i32 to index
        %parallel_loop3A_843 = arith.index_cast %parallel_loop3A_289 : i32 to index
        %parallel_loop3A_844 = arith.constant 480 : index
        %parallel_loop3A_845 = tpu.vector_load %arg6[%parallel_loop3A_842, %parallel_loop3A_843, %parallel_loop3A_844] {strides = array<i32>} : memref<4x32x768xf32, #tpu.memory_space<vmem>>, vector<1x1x16xf32>,
        %parallel_loop3A_846 = vector.shape_cast %parallel_loop3A_845 : vector<1x1x16xf32> to vector<16xf32>
        %parallel_loop3A_847 = vector.shape_cast %parallel_loop3A_833 : vector<16xf32> to vector<1x1x16xf32>
        tpu.vector_store %arg6[%parallel_loop3A_842, %parallel_loop3A_843, %parallel_loop3A_844], %parallel_loop3A_847 {add = true, strides = array<i32>} : memref<4x32x768xf32, #tpu.memory_space<vmem>>, vector<1x1x16xf32>,
        %parallel_loop3A_848 = arith.index_cast %parallel_loop3A_289 : i32 to index
        %parallel_loop3A_849 = arith.constant 496 : index
        %parallel_loop3A_850 = tpu.vector_load %arg7[%parallel_loop3A_848, %parallel_loop3A_849] {strides = array<i32>} : memref<32x768xf32, #tpu.memory_space<vmem>>, vector<1x16xf32>,
        %parallel_loop3A_851 = vector.shape_cast %parallel_loop3A_850 : vector<1x16xf32> to vector<16xf32>
        %parallel_loop3A_852 = arith.constant 2 : i32
        %parallel_loop3A_853 = arith.index_cast %parallel_loop3A_852 : i32 to index
        %parallel_loop3A_854 = arith.index_cast %parallel_loop3A_289 : i32 to index
        %parallel_loop3A_855 = arith.constant 496 : index
        %parallel_loop3A_856 = tpu.vector_load %arg6[%parallel_loop3A_853, %parallel_loop3A_854, %parallel_loop3A_855] {strides = array<i32>} : memref<4x32x768xf32, #tpu.memory_space<vmem>>, vector<1x1x16xf32>,
        %parallel_loop3A_857 = vector.shape_cast %parallel_loop3A_856 : vector<1x1x16xf32> to vector<16xf32>
        %parallel_loop3A_858 = vector.shape_cast %parallel_loop3A_851 : vector<16xf32> to vector<1x1x16xf32>
        tpu.vector_store %arg6[%parallel_loop3A_853, %parallel_loop3A_854, %parallel_loop3A_855], %parallel_loop3A_858 {add = true, strides = array<i32>} : memref<4x32x768xf32, #tpu.memory_space<vmem>>, vector<1x1x16xf32>,
        %parallel_loop3A_859 = arith.constant 3 : i32
        %parallel_loop3A_860 = arith.index_cast %parallel_loop3A_859 : i32 to index
        %parallel_loop3A_861 = arith.index_cast %parallel_loop3A_289 : i32 to index
        %parallel_loop3A_862 = arith.constant 496 : index
        %parallel_loop3A_863 = tpu.vector_load %arg6[%parallel_loop3A_860, %parallel_loop3A_861, %parallel_loop3A_862] {strides = array<i32>} : memref<4x32x768xf32, #tpu.memory_space<vmem>>, vector<1x1x16xf32>,
        %parallel_loop3A_864 = vector.shape_cast %parallel_loop3A_863 : vector<1x1x16xf32> to vector<16xf32>
        %parallel_loop3A_865 = vector.shape_cast %parallel_loop3A_851 : vector<16xf32> to vector<1x1x16xf32>
        tpu.vector_store %arg6[%parallel_loop3A_860, %parallel_loop3A_861, %parallel_loop3A_862], %parallel_loop3A_865 {add = true, strides = array<i32>} : memref<4x32x768xf32, #tpu.memory_space<vmem>>, vector<1x1x16xf32>,
        %parallel_loop3A_866 = arith.index_cast %parallel_loop3A_289 : i32 to index
        %parallel_loop3A_867 = arith.constant 512 : index
        %parallel_loop3A_868 = tpu.vector_load %arg7[%parallel_loop3A_866, %parallel_loop3A_867] {strides = array<i32>} : memref<32x768xf32, #tpu.memory_space<vmem>>, vector<1x16xf32>,
        %parallel_loop3A_869 = vector.shape_cast %parallel_loop3A_868 : vector<1x16xf32> to vector<16xf32>
        %parallel_loop3A_870 = arith.constant 2 : i32
        %parallel_loop3A_871 = arith.index_cast %parallel_loop3A_870 : i32 to index
        %parallel_loop3A_872 = arith.index_cast %parallel_loop3A_289 : i32 to index
        %parallel_loop3A_873 = arith.constant 512 : index
        %parallel_loop3A_874 = tpu.vector_load %arg6[%parallel_loop3A_871, %parallel_loop3A_872, %parallel_loop3A_873] {strides = array<i32>} : memref<4x32x768xf32, #tpu.memory_space<vmem>>, vector<1x1x16xf32>,
        %parallel_loop3A_875 = vector.shape_cast %parallel_loop3A_874 : vector<1x1x16xf32> to vector<16xf32>
        %parallel_loop3A_876 = vector.shape_cast %parallel_loop3A_869 : vector<16xf32> to vector<1x1x16xf32>
        tpu.vector_store %arg6[%parallel_loop3A_871, %parallel_loop3A_872, %parallel_loop3A_873], %parallel_loop3A_876 {add = true, strides = array<i32>} : memref<4x32x768xf32, #tpu.memory_space<vmem>>, vector<1x1x16xf32>,
        %parallel_loop3A_877 = arith.constant 3 : i32
        %parallel_loop3A_878 = arith.index_cast %parallel_loop3A_877 : i32 to index
        %parallel_loop3A_879 = arith.index_cast %parallel_loop3A_289 : i32 to index
        %parallel_loop3A_880 = arith.constant 512 : index
        %parallel_loop3A_881 = tpu.vector_load %arg6[%parallel_loop3A_878, %parallel_loop3A_879, %parallel_loop3A_880] {strides = array<i32>} : memref<4x32x768xf32, #tpu.memory_space<vmem>>, vector<1x1x16xf32>,
        %parallel_loop3A_882 = vector.shape_cast %parallel_loop3A_881 : vector<1x1x16xf32> to vector<16xf32>
        %parallel_loop3A_883 = vector.shape_cast %parallel_loop3A_869 : vector<16xf32> to vector<1x1x16xf32>
        tpu.vector_store %arg6[%parallel_loop3A_878, %parallel_loop3A_879, %parallel_loop3A_880], %parallel_loop3A_883 {add = true, strides = array<i32>} : memref<4x32x768xf32, #tpu.memory_space<vmem>>, vector<1x1x16xf32>,
        %parallel_loop3A_884 = arith.index_cast %parallel_loop3A_289 : i32 to index
        %parallel_loop3A_885 = arith.constant 528 : index
        %parallel_loop3A_886 = tpu.vector_load %arg7[%parallel_loop3A_884, %parallel_loop3A_885] {strides = array<i32>} : memref<32x768xf32, #tpu.memory_space<vmem>>, vector<1x16xf32>,
        %parallel_loop3A_887 = vector.shape_cast %parallel_loop3A_886 : vector<1x16xf32> to vector<16xf32>
        %parallel_loop3A_888 = arith.constant 2 : i32
        %parallel_loop3A_889 = arith.index_cast %parallel_loop3A_888 : i32 to index
        %parallel_loop3A_890 = arith.index_cast %parallel_loop3A_289 : i32 to index
        %parallel_loop3A_891 = arith.constant 528 : index
        %parallel_loop3A_892 = tpu.vector_load %arg6[%parallel_loop3A_889, %parallel_loop3A_890, %parallel_loop3A_891] {strides = array<i32>} : memref<4x32x768xf32, #tpu.memory_space<vmem>>, vector<1x1x16xf32>,
        %parallel_loop3A_893 = vector.shape_cast %parallel_loop3A_892 : vector<1x1x16xf32> to vector<16xf32>
        %parallel_loop3A_894 = vector.shape_cast %parallel_loop3A_887 : vector<16xf32> to vector<1x1x16xf32>
        tpu.vector_store %arg6[%parallel_loop3A_889, %parallel_loop3A_890, %parallel_loop3A_891], %parallel_loop3A_894 {add = true, strides = array<i32>} : memref<4x32x768xf32, #tpu.memory_space<vmem>>, vector<1x1x16xf32>,
        %parallel_loop3A_895 = arith.constant 3 : i32
        %parallel_loop3A_896 = arith.index_cast %parallel_loop3A_895 : i32 to index
        %parallel_loop3A_897 = arith.index_cast %parallel_loop3A_289 : i32 to index
        %parallel_loop3A_898 = arith.constant 528 : index
        %parallel_loop3A_899 = tpu.vector_load %arg6[%parallel_loop3A_896, %parallel_loop3A_897, %parallel_loop3A_898] {strides = array<i32>} : memref<4x32x768xf32, #tpu.memory_space<vmem>>, vector<1x1x16xf32>,
        %parallel_loop3A_900 = vector.shape_cast %parallel_loop3A_899 : vector<1x1x16xf32> to vector<16xf32>
        %parallel_loop3A_901 = vector.shape_cast %parallel_loop3A_887 : vector<16xf32> to vector<1x1x16xf32>
        tpu.vector_store %arg6[%parallel_loop3A_896, %parallel_loop3A_897, %parallel_loop3A_898], %parallel_loop3A_901 {add = true, strides = array<i32>} : memref<4x32x768xf32, #tpu.memory_space<vmem>>, vector<1x1x16xf32>,
        %parallel_loop3A_902 = arith.index_cast %parallel_loop3A_289 : i32 to index
        %parallel_loop3A_903 = arith.constant 544 : index
        %parallel_loop3A_904 = tpu.vector_load %arg7[%parallel_loop3A_902, %parallel_loop3A_903] {strides = array<i32>} : memref<32x768xf32, #tpu.memory_space<vmem>>, vector<1x16xf32>,
        %parallel_loop3A_905 = vector.shape_cast %parallel_loop3A_904 : vector<1x16xf32> to vector<16xf32>
        %parallel_loop3A_906 = arith.constant 2 : i32
        %parallel_loop3A_907 = arith.index_cast %parallel_loop3A_906 : i32 to index
        %parallel_loop3A_908 = arith.index_cast %parallel_loop3A_289 : i32 to index
        %parallel_loop3A_909 = arith.constant 544 : index
        %parallel_loop3A_910 = tpu.vector_load %arg6[%parallel_loop3A_907, %parallel_loop3A_908, %parallel_loop3A_909] {strides = array<i32>} : memref<4x32x768xf32, #tpu.memory_space<vmem>>, vector<1x1x16xf32>,
        %parallel_loop3A_911 = vector.shape_cast %parallel_loop3A_910 : vector<1x1x16xf32> to vector<16xf32>
        %parallel_loop3A_912 = vector.shape_cast %parallel_loop3A_905 : vector<16xf32> to vector<1x1x16xf32>
        tpu.vector_store %arg6[%parallel_loop3A_907, %parallel_loop3A_908, %parallel_loop3A_909], %parallel_loop3A_912 {add = true, strides = array<i32>} : memref<4x32x768xf32, #tpu.memory_space<vmem>>, vector<1x1x16xf32>,
        %parallel_loop3A_913 = arith.constant 3 : i32
        %parallel_loop3A_914 = arith.index_cast %parallel_loop3A_913 : i32 to index
        %parallel_loop3A_915 = arith.index_cast %parallel_loop3A_289 : i32 to index
        %parallel_loop3A_916 = arith.constant 544 : index
        %parallel_loop3A_917 = tpu.vector_load %arg6[%parallel_loop3A_914, %parallel_loop3A_915, %parallel_loop3A_916] {strides = array<i32>} : memref<4x32x768xf32, #tpu.memory_space<vmem>>, vector<1x1x16xf32>,
        %parallel_loop3A_918 = vector.shape_cast %parallel_loop3A_917 : vector<1x1x16xf32> to vector<16xf32>
        %parallel_loop3A_919 = vector.shape_cast %parallel_loop3A_905 : vector<16xf32> to vector<1x1x16xf32>
        tpu.vector_store %arg6[%parallel_loop3A_914, %parallel_loop3A_915, %parallel_loop3A_916], %parallel_loop3A_919 {add = true, strides = array<i32>} : memref<4x32x768xf32, #tpu.memory_space<vmem>>, vector<1x1x16xf32>,
        %parallel_loop3A_920 = arith.index_cast %parallel_loop3A_289 : i32 to index
        %parallel_loop3A_921 = arith.constant 560 : index
        %parallel_loop3A_922 = tpu.vector_load %arg7[%parallel_loop3A_920, %parallel_loop3A_921] {strides = array<i32>} : memref<32x768xf32, #tpu.memory_space<vmem>>, vector<1x16xf32>,
        %parallel_loop3A_923 = vector.shape_cast %parallel_loop3A_922 : vector<1x16xf32> to vector<16xf32>
        %parallel_loop3A_924 = arith.constant 2 : i32
        %parallel_loop3A_925 = arith.index_cast %parallel_loop3A_924 : i32 to index
        %parallel_loop3A_926 = arith.index_cast %parallel_loop3A_289 : i32 to index
        %parallel_loop3A_927 = arith.constant 560 : index
        %parallel_loop3A_928 = tpu.vector_load %arg6[%parallel_loop3A_925, %parallel_loop3A_926, %parallel_loop3A_927] {strides = array<i32>} : memref<4x32x768xf32, #tpu.memory_space<vmem>>, vector<1x1x16xf32>,
        %parallel_loop3A_929 = vector.shape_cast %parallel_loop3A_928 : vector<1x1x16xf32> to vector<16xf32>
        %parallel_loop3A_930 = vector.shape_cast %parallel_loop3A_923 : vector<16xf32> to vector<1x1x16xf32>
        tpu.vector_store %arg6[%parallel_loop3A_925, %parallel_loop3A_926, %parallel_loop3A_927], %parallel_loop3A_930 {add = true, strides = array<i32>} : memref<4x32x768xf32, #tpu.memory_space<vmem>>, vector<1x1x16xf32>,
        %parallel_loop3A_931 = arith.constant 3 : i32
        %parallel_loop3A_932 = arith.index_cast %parallel_loop3A_931 : i32 to index
        %parallel_loop3A_933 = arith.index_cast %parallel_loop3A_289 : i32 to index
        %parallel_loop3A_934 = arith.constant 560 : index
        %parallel_loop3A_935 = tpu.vector_load %arg6[%parallel_loop3A_932, %parallel_loop3A_933, %parallel_loop3A_934] {strides = array<i32>} : memref<4x32x768xf32, #tpu.memory_space<vmem>>, vector<1x1x16xf32>,
        %parallel_loop3A_936 = vector.shape_cast %parallel_loop3A_935 : vector<1x1x16xf32> to vector<16xf32>
        %parallel_loop3A_937 = vector.shape_cast %parallel_loop3A_923 : vector<16xf32> to vector<1x1x16xf32>
        tpu.vector_store %arg6[%parallel_loop3A_932, %parallel_loop3A_933, %parallel_loop3A_934], %parallel_loop3A_937 {add = true, strides = array<i32>} : memref<4x32x768xf32, #tpu.memory_space<vmem>>, vector<1x1x16xf32>,
        %parallel_loop3A_938 = arith.index_cast %parallel_loop3A_289 : i32 to index
        %parallel_loop3A_939 = arith.constant 576 : index
        %parallel_loop3A_940 = tpu.vector_load %arg7[%parallel_loop3A_938, %parallel_loop3A_939] {strides = array<i32>} : memref<32x768xf32, #tpu.memory_space<vmem>>, vector<1x16xf32>,
        %parallel_loop3A_941 = vector.shape_cast %parallel_loop3A_940 : vector<1x16xf32> to vector<16xf32>
        %parallel_loop3A_942 = arith.constant 2 : i32
        %parallel_loop3A_943 = arith.index_cast %parallel_loop3A_942 : i32 to index
        %parallel_loop3A_944 = arith.index_cast %parallel_loop3A_289 : i32 to index
        %parallel_loop3A_945 = arith.constant 576 : index
        %parallel_loop3A_946 = tpu.vector_load %arg6[%parallel_loop3A_943, %parallel_loop3A_944, %parallel_loop3A_945] {strides = array<i32>} : memref<4x32x768xf32, #tpu.memory_space<vmem>>, vector<1x1x16xf32>,
        %parallel_loop3A_947 = vector.shape_cast %parallel_loop3A_946 : vector<1x1x16xf32> to vector<16xf32>
        %parallel_loop3A_948 = vector.shape_cast %parallel_loop3A_941 : vector<16xf32> to vector<1x1x16xf32>
        tpu.vector_store %arg6[%parallel_loop3A_943, %parallel_loop3A_944, %parallel_loop3A_945], %parallel_loop3A_948 {add = true, strides = array<i32>} : memref<4x32x768xf32, #tpu.memory_space<vmem>>, vector<1x1x16xf32>,
        %parallel_loop3A_949 = arith.constant 3 : i32
        %parallel_loop3A_950 = arith.index_cast %parallel_loop3A_949 : i32 to index
        %parallel_loop3A_951 = arith.index_cast %parallel_loop3A_289 : i32 to index
        %parallel_loop3A_952 = arith.constant 576 : index
        %parallel_loop3A_953 = tpu.vector_load %arg6[%parallel_loop3A_950, %parallel_loop3A_951, %parallel_loop3A_952] {strides = array<i32>} : memref<4x32x768xf32, #tpu.memory_space<vmem>>, vector<1x1x16xf32>,
        %parallel_loop3A_954 = vector.shape_cast %parallel_loop3A_953 : vector<1x1x16xf32> to vector<16xf32>
        %parallel_loop3A_955 = vector.shape_cast %parallel_loop3A_941 : vector<16xf32> to vector<1x1x16xf32>
        tpu.vector_store %arg6[%parallel_loop3A_950, %parallel_loop3A_951, %parallel_loop3A_952], %parallel_loop3A_955 {add = true, strides = array<i32>} : memref<4x32x768xf32, #tpu.memory_space<vmem>>, vector<1x1x16xf32>,
        %parallel_loop3A_956 = arith.index_cast %parallel_loop3A_289 : i32 to index
        %parallel_loop3A_957 = arith.constant 592 : index
        %parallel_loop3A_958 = tpu.vector_load %arg7[%parallel_loop3A_956, %parallel_loop3A_957] {strides = array<i32>} : memref<32x768xf32, #tpu.memory_space<vmem>>, vector<1x16xf32>,
        %parallel_loop3A_959 = vector.shape_cast %parallel_loop3A_958 : vector<1x16xf32> to vector<16xf32>
        %parallel_loop3A_960 = arith.constant 2 : i32
        %parallel_loop3A_961 = arith.index_cast %parallel_loop3A_960 : i32 to index
        %parallel_loop3A_962 = arith.index_cast %parallel_loop3A_289 : i32 to index
        %parallel_loop3A_963 = arith.constant 592 : index
        %parallel_loop3A_964 = tpu.vector_load %arg6[%parallel_loop3A_961, %parallel_loop3A_962, %parallel_loop3A_963] {strides = array<i32>} : memref<4x32x768xf32, #tpu.memory_space<vmem>>, vector<1x1x16xf32>,
        %parallel_loop3A_965 = vector.shape_cast %parallel_loop3A_964 : vector<1x1x16xf32> to vector<16xf32>
        %parallel_loop3A_966 = vector.shape_cast %parallel_loop3A_959 : vector<16xf32> to vector<1x1x16xf32>
        tpu.vector_store %arg6[%parallel_loop3A_961, %parallel_loop3A_962, %parallel_loop3A_963], %parallel_loop3A_966 {add = true, strides = array<i32>} : memref<4x32x768xf32, #tpu.memory_space<vmem>>, vector<1x1x16xf32>,
        %parallel_loop3A_967 = arith.constant 3 : i32
        %parallel_loop3A_968 = arith.index_cast %parallel_loop3A_967 : i32 to index
        %parallel_loop3A_969 = arith.index_cast %parallel_loop3A_289 : i32 to index
        %parallel_loop3A_970 = arith.constant 592 : index
        %parallel_loop3A_971 = tpu.vector_load %arg6[%parallel_loop3A_968, %parallel_loop3A_969, %parallel_loop3A_970] {strides = array<i32>} : memref<4x32x768xf32, #tpu.memory_space<vmem>>, vector<1x1x16xf32>,
        %parallel_loop3A_972 = vector.shape_cast %parallel_loop3A_971 : vector<1x1x16xf32> to vector<16xf32>
        %parallel_loop3A_973 = vector.shape_cast %parallel_loop3A_959 : vector<16xf32> to vector<1x1x16xf32>
        tpu.vector_store %arg6[%parallel_loop3A_968, %parallel_loop3A_969, %parallel_loop3A_970], %parallel_loop3A_973 {add = true, strides = array<i32>} : memref<4x32x768xf32, #tpu.memory_space<vmem>>, vector<1x1x16xf32>,
        %parallel_loop3A_974 = arith.index_cast %parallel_loop3A_289 : i32 to index
        %parallel_loop3A_975 = arith.constant 608 : index
        %parallel_loop3A_976 = tpu.vector_load %arg7[%parallel_loop3A_974, %parallel_loop3A_975] {strides = array<i32>} : memref<32x768xf32, #tpu.memory_space<vmem>>, vector<1x16xf32>,
        %parallel_loop3A_977 = vector.shape_cast %parallel_loop3A_976 : vector<1x16xf32> to vector<16xf32>
        %parallel_loop3A_978 = arith.constant 2 : i32
        %parallel_loop3A_979 = arith.index_cast %parallel_loop3A_978 : i32 to index
        %parallel_loop3A_980 = arith.index_cast %parallel_loop3A_289 : i32 to index
        %parallel_loop3A_981 = arith.constant 608 : index
        %parallel_loop3A_982 = tpu.vector_load %arg6[%parallel_loop3A_979, %parallel_loop3A_980, %parallel_loop3A_981] {strides = array<i32>} : memref<4x32x768xf32, #tpu.memory_space<vmem>>, vector<1x1x16xf32>,
        %parallel_loop3A_983 = vector.shape_cast %parallel_loop3A_982 : vector<1x1x16xf32> to vector<16xf32>
        %parallel_loop3A_984 = vector.shape_cast %parallel_loop3A_977 : vector<16xf32> to vector<1x1x16xf32>
        tpu.vector_store %arg6[%parallel_loop3A_979, %parallel_loop3A_980, %parallel_loop3A_981], %parallel_loop3A_984 {add = true, strides = array<i32>} : memref<4x32x768xf32, #tpu.memory_space<vmem>>, vector<1x1x16xf32>,
        %parallel_loop3A_985 = arith.constant 3 : i32
        %parallel_loop3A_986 = arith.index_cast %parallel_loop3A_985 : i32 to index
        %parallel_loop3A_987 = arith.index_cast %parallel_loop3A_289 : i32 to index
        %parallel_loop3A_988 = arith.constant 608 : index
        %parallel_loop3A_989 = tpu.vector_load %arg6[%parallel_loop3A_986, %parallel_loop3A_987, %parallel_loop3A_988] {strides = array<i32>} : memref<4x32x768xf32, #tpu.memory_space<vmem>>, vector<1x1x16xf32>,
        %parallel_loop3A_990 = vector.shape_cast %parallel_loop3A_989 : vector<1x1x16xf32> to vector<16xf32>
        %parallel_loop3A_991 = vector.shape_cast %parallel_loop3A_977 : vector<16xf32> to vector<1x1x16xf32>
        tpu.vector_store %arg6[%parallel_loop3A_986, %parallel_loop3A_987, %parallel_loop3A_988], %parallel_loop3A_991 {add = true, strides = array<i32>} : memref<4x32x768xf32, #tpu.memory_space<vmem>>, vector<1x1x16xf32>,
        %parallel_loop3A_992 = arith.index_cast %parallel_loop3A_289 : i32 to index
        %parallel_loop3A_993 = arith.constant 624 : index
        %parallel_loop3A_994 = tpu.vector_load %arg7[%parallel_loop3A_992, %parallel_loop3A_993] {strides = array<i32>} : memref<32x768xf32, #tpu.memory_space<vmem>>, vector<1x16xf32>,
        %parallel_loop3A_995 = vector.shape_cast %parallel_loop3A_994 : vector<1x16xf32> to vector<16xf32>
        %parallel_loop3A_996 = arith.constant 2 : i32
        %parallel_loop3A_997 = arith.index_cast %parallel_loop3A_996 : i32 to index
        %parallel_loop3A_998 = arith.index_cast %parallel_loop3A_289 : i32 to index
        %parallel_loop3A_999 = arith.constant 624 : index
        %parallel_loop3A_1000 = tpu.vector_load %arg6[%parallel_loop3A_997, %parallel_loop3A_998, %parallel_loop3A_999] {strides = array<i32>} : memref<4x32x768xf32, #tpu.memory_space<vmem>>, vector<1x1x16xf32>,
        %parallel_loop3A_1001 = vector.shape_cast %parallel_loop3A_1000 : vector<1x1x16xf32> to vector<16xf32>
        %parallel_loop3A_1002 = vector.shape_cast %parallel_loop3A_995 : vector<16xf32> to vector<1x1x16xf32>
        tpu.vector_store %arg6[%parallel_loop3A_997, %parallel_loop3A_998, %parallel_loop3A_999], %parallel_loop3A_1002 {add = true, strides = array<i32>} : memref<4x32x768xf32, #tpu.memory_space<vmem>>, vector<1x1x16xf32>,
        %parallel_loop3A_1003 = arith.constant 3 : i32
        %parallel_loop3A_1004 = arith.index_cast %parallel_loop3A_1003 : i32 to index
        %parallel_loop3A_1005 = arith.index_cast %parallel_loop3A_289 : i32 to index
        %parallel_loop3A_1006 = arith.constant 624 : index
        %parallel_loop3A_1007 = tpu.vector_load %arg6[%parallel_loop3A_1004, %parallel_loop3A_1005, %parallel_loop3A_1006] {strides = array<i32>} : memref<4x32x768xf32, #tpu.memory_space<vmem>>, vector<1x1x16xf32>,
        %parallel_loop3A_1008 = vector.shape_cast %parallel_loop3A_1007 : vector<1x1x16xf32> to vector<16xf32>
        %parallel_loop3A_1009 = vector.shape_cast %parallel_loop3A_995 : vector<16xf32> to vector<1x1x16xf32>
        tpu.vector_store %arg6[%parallel_loop3A_1004, %parallel_loop3A_1005, %parallel_loop3A_1006], %parallel_loop3A_1009 {add = true, strides = array<i32>} : memref<4x32x768xf32, #tpu.memory_space<vmem>>, vector<1x1x16xf32>,
        %parallel_loop3A_1010 = arith.index_cast %parallel_loop3A_289 : i32 to index
        %parallel_loop3A_1011 = arith.constant 640 : index
        %parallel_loop3A_1012 = tpu.vector_load %arg7[%parallel_loop3A_1010, %parallel_loop3A_1011] {strides = array<i32>} : memref<32x768xf32, #tpu.memory_space<vmem>>, vector<1x16xf32>,
        %parallel_loop3A_1013 = vector.shape_cast %parallel_loop3A_1012 : vector<1x16xf32> to vector<16xf32>
        %parallel_loop3A_1014 = arith.constant 2 : i32
        %parallel_loop3A_1015 = arith.index_cast %parallel_loop3A_1014 : i32 to index
        %parallel_loop3A_1016 = arith.index_cast %parallel_loop3A_289 : i32 to index
        %parallel_loop3A_1017 = arith.constant 640 : index
        %parallel_loop3A_1018 = tpu.vector_load %arg6[%parallel_loop3A_1015, %parallel_loop3A_1016, %parallel_loop3A_1017] {strides = array<i32>} : memref<4x32x768xf32, #tpu.memory_space<vmem>>, vector<1x1x16xf32>,
        %parallel_loop3A_1019 = vector.shape_cast %parallel_loop3A_1018 : vector<1x1x16xf32> to vector<16xf32>
        %parallel_loop3A_1020 = vector.shape_cast %parallel_loop3A_1013 : vector<16xf32> to vector<1x1x16xf32>
        tpu.vector_store %arg6[%parallel_loop3A_1015, %parallel_loop3A_1016, %parallel_loop3A_1017], %parallel_loop3A_1020 {add = true, strides = array<i32>} : memref<4x32x768xf32, #tpu.memory_space<vmem>>, vector<1x1x16xf32>,
        %parallel_loop3A_1021 = arith.constant 3 : i32
        %parallel_loop3A_1022 = arith.index_cast %parallel_loop3A_1021 : i32 to index
        %parallel_loop3A_1023 = arith.index_cast %parallel_loop3A_289 : i32 to index
        %parallel_loop3A_1024 = arith.constant 640 : index
        %parallel_loop3A_1025 = tpu.vector_load %arg6[%parallel_loop3A_1022, %parallel_loop3A_1023, %parallel_loop3A_1024] {strides = array<i32>} : memref<4x32x768xf32, #tpu.memory_space<vmem>>, vector<1x1x16xf32>,
        %parallel_loop3A_1026 = vector.shape_cast %parallel_loop3A_1025 : vector<1x1x16xf32> to vector<16xf32>
        %parallel_loop3A_1027 = vector.shape_cast %parallel_loop3A_1013 : vector<16xf32> to vector<1x1x16xf32>
        tpu.vector_store %arg6[%parallel_loop3A_1022, %parallel_loop3A_1023, %parallel_loop3A_1024], %parallel_loop3A_1027 {add = true, strides = array<i32>} : memref<4x32x768xf32, #tpu.memory_space<vmem>>, vector<1x1x16xf32>,
        %parallel_loop3A_1028 = arith.index_cast %parallel_loop3A_289 : i32 to index
        %parallel_loop3A_1029 = arith.constant 656 : index
        %parallel_loop3A_1030 = tpu.vector_load %arg7[%parallel_loop3A_1028, %parallel_loop3A_1029] {strides = array<i32>} : memref<32x768xf32, #tpu.memory_space<vmem>>, vector<1x16xf32>,
        %parallel_loop3A_1031 = vector.shape_cast %parallel_loop3A_1030 : vector<1x16xf32> to vector<16xf32>
        %parallel_loop3A_1032 = arith.constant 2 : i32
        %parallel_loop3A_1033 = arith.index_cast %parallel_loop3A_1032 : i32 to index
        %parallel_loop3A_1034 = arith.index_cast %parallel_loop3A_289 : i32 to index
        %parallel_loop3A_1035 = arith.constant 656 : index
        %parallel_loop3A_1036 = tpu.vector_load %arg6[%parallel_loop3A_1033, %parallel_loop3A_1034, %parallel_loop3A_1035] {strides = array<i32>} : memref<4x32x768xf32, #tpu.memory_space<vmem>>, vector<1x1x16xf32>,
        %parallel_loop3A_1037 = vector.shape_cast %parallel_loop3A_1036 : vector<1x1x16xf32> to vector<16xf32>
        %parallel_loop3A_1038 = vector.shape_cast %parallel_loop3A_1031 : vector<16xf32> to vector<1x1x16xf32>
        tpu.vector_store %arg6[%parallel_loop3A_1033, %parallel_loop3A_1034, %parallel_loop3A_1035], %parallel_loop3A_1038 {add = true, strides = array<i32>} : memref<4x32x768xf32, #tpu.memory_space<vmem>>, vector<1x1x16xf32>,
        %parallel_loop3A_1039 = arith.constant 3 : i32
        %parallel_loop3A_1040 = arith.index_cast %parallel_loop3A_1039 : i32 to index
        %parallel_loop3A_1041 = arith.index_cast %parallel_loop3A_289 : i32 to index
        %parallel_loop3A_1042 = arith.constant 656 : index
        %parallel_loop3A_1043 = tpu.vector_load %arg6[%parallel_loop3A_1040, %parallel_loop3A_1041, %parallel_loop3A_1042] {strides = array<i32>} : memref<4x32x768xf32, #tpu.memory_space<vmem>>, vector<1x1x16xf32>,
        %parallel_loop3A_1044 = vector.shape_cast %parallel_loop3A_1043 : vector<1x1x16xf32> to vector<16xf32>
        %parallel_loop3A_1045 = vector.shape_cast %parallel_loop3A_1031 : vector<16xf32> to vector<1x1x16xf32>
        tpu.vector_store %arg6[%parallel_loop3A_1040, %parallel_loop3A_1041, %parallel_loop3A_1042], %parallel_loop3A_1045 {add = true, strides = array<i32>} : memref<4x32x768xf32, #tpu.memory_space<vmem>>, vector<1x1x16xf32>,
        %parallel_loop3A_1046 = arith.index_cast %parallel_loop3A_289 : i32 to index
        %parallel_loop3A_1047 = arith.constant 672 : index
        %parallel_loop3A_1048 = tpu.vector_load %arg7[%parallel_loop3A_1046, %parallel_loop3A_1047] {strides = array<i32>} : memref<32x768xf32, #tpu.memory_space<vmem>>, vector<1x16xf32>,
        %parallel_loop3A_1049 = vector.shape_cast %parallel_loop3A_1048 : vector<1x16xf32> to vector<16xf32>
        %parallel_loop3A_1050 = arith.constant 2 : i32
        %parallel_loop3A_1051 = arith.index_cast %parallel_loop3A_1050 : i32 to index
        %parallel_loop3A_1052 = arith.index_cast %parallel_loop3A_289 : i32 to index
        %parallel_loop3A_1053 = arith.constant 672 : index
        %parallel_loop3A_1054 = tpu.vector_load %arg6[%parallel_loop3A_1051, %parallel_loop3A_1052, %parallel_loop3A_1053] {strides = array<i32>} : memref<4x32x768xf32, #tpu.memory_space<vmem>>, vector<1x1x16xf32>,
        %parallel_loop3A_1055 = vector.shape_cast %parallel_loop3A_1054 : vector<1x1x16xf32> to vector<16xf32>
        %parallel_loop3A_1056 = vector.shape_cast %parallel_loop3A_1049 : vector<16xf32> to vector<1x1x16xf32>
        tpu.vector_store %arg6[%parallel_loop3A_1051, %parallel_loop3A_1052, %parallel_loop3A_1053], %parallel_loop3A_1056 {add = true, strides = array<i32>} : memref<4x32x768xf32, #tpu.memory_space<vmem>>, vector<1x1x16xf32>,
        %parallel_loop3A_1057 = arith.constant 3 : i32
        %parallel_loop3A_1058 = arith.index_cast %parallel_loop3A_1057 : i32 to index
        %parallel_loop3A_1059 = arith.index_cast %parallel_loop3A_289 : i32 to index
        %parallel_loop3A_1060 = arith.constant 672 : index
        %parallel_loop3A_1061 = tpu.vector_load %arg6[%parallel_loop3A_1058, %parallel_loop3A_1059, %parallel_loop3A_1060] {strides = array<i32>} : memref<4x32x768xf32, #tpu.memory_space<vmem>>, vector<1x1x16xf32>,
        %parallel_loop3A_1062 = vector.shape_cast %parallel_loop3A_1061 : vector<1x1x16xf32> to vector<16xf32>
        %parallel_loop3A_1063 = vector.shape_cast %parallel_loop3A_1049 : vector<16xf32> to vector<1x1x16xf32>
        tpu.vector_store %arg6[%parallel_loop3A_1058, %parallel_loop3A_1059, %parallel_loop3A_1060], %parallel_loop3A_1063 {add = true, strides = array<i32>} : memref<4x32x768xf32, #tpu.memory_space<vmem>>, vector<1x1x16xf32>,
        %parallel_loop3A_1064 = arith.index_cast %parallel_loop3A_289 : i32 to index
        %parallel_loop3A_1065 = arith.constant 688 : index
        %parallel_loop3A_1066 = tpu.vector_load %arg7[%parallel_loop3A_1064, %parallel_loop3A_1065] {strides = array<i32>} : memref<32x768xf32, #tpu.memory_space<vmem>>, vector<1x16xf32>,
        %parallel_loop3A_1067 = vector.shape_cast %parallel_loop3A_1066 : vector<1x16xf32> to vector<16xf32>
        %parallel_loop3A_1068 = arith.constant 2 : i32
        %parallel_loop3A_1069 = arith.index_cast %parallel_loop3A_1068 : i32 to index
        %parallel_loop3A_1070 = arith.index_cast %parallel_loop3A_289 : i32 to index
        %parallel_loop3A_1071 = arith.constant 688 : index
        %parallel_loop3A_1072 = tpu.vector_load %arg6[%parallel_loop3A_1069, %parallel_loop3A_1070, %parallel_loop3A_1071] {strides = array<i32>} : memref<4x32x768xf32, #tpu.memory_space<vmem>>, vector<1x1x16xf32>,
        %parallel_loop3A_1073 = vector.shape_cast %parallel_loop3A_1072 : vector<1x1x16xf32> to vector<16xf32>
        %parallel_loop3A_1074 = vector.shape_cast %parallel_loop3A_1067 : vector<16xf32> to vector<1x1x16xf32>
        tpu.vector_store %arg6[%parallel_loop3A_1069, %parallel_loop3A_1070, %parallel_loop3A_1071], %parallel_loop3A_1074 {add = true, strides = array<i32>} : memref<4x32x768xf32, #tpu.memory_space<vmem>>, vector<1x1x16xf32>,
        %parallel_loop3A_1075 = arith.constant 3 : i32
        %parallel_loop3A_1076 = arith.index_cast %parallel_loop3A_1075 : i32 to index
        %parallel_loop3A_1077 = arith.index_cast %parallel_loop3A_289 : i32 to index
        %parallel_loop3A_1078 = arith.constant 688 : index
        %parallel_loop3A_1079 = tpu.vector_load %arg6[%parallel_loop3A_1076, %parallel_loop3A_1077, %parallel_loop3A_1078] {strides = array<i32>} : memref<4x32x768xf32, #tpu.memory_space<vmem>>, vector<1x1x16xf32>,
        %parallel_loop3A_1080 = vector.shape_cast %parallel_loop3A_1079 : vector<1x1x16xf32> to vector<16xf32>
        %parallel_loop3A_1081 = vector.shape_cast %parallel_loop3A_1067 : vector<16xf32> to vector<1x1x16xf32>
        tpu.vector_store %arg6[%parallel_loop3A_1076, %parallel_loop3A_1077, %parallel_loop3A_1078], %parallel_loop3A_1081 {add = true, strides = array<i32>} : memref<4x32x768xf32, #tpu.memory_space<vmem>>, vector<1x1x16xf32>,
        %parallel_loop3A_1082 = arith.index_cast %parallel_loop3A_289 : i32 to index
        %parallel_loop3A_1083 = arith.constant 704 : index
        %parallel_loop3A_1084 = tpu.vector_load %arg7[%parallel_loop3A_1082, %parallel_loop3A_1083] {strides = array<i32>} : memref<32x768xf32, #tpu.memory_space<vmem>>, vector<1x16xf32>,
        %parallel_loop3A_1085 = vector.shape_cast %parallel_loop3A_1084 : vector<1x16xf32> to vector<16xf32>
        %parallel_loop3A_1086 = arith.constant 2 : i32
        %parallel_loop3A_1087 = arith.index_cast %parallel_loop3A_1086 : i32 to index
        %parallel_loop3A_1088 = arith.index_cast %parallel_loop3A_289 : i32 to index
        %parallel_loop3A_1089 = arith.constant 704 : index
        %parallel_loop3A_1090 = tpu.vector_load %arg6[%parallel_loop3A_1087, %parallel_loop3A_1088, %parallel_loop3A_1089] {strides = array<i32>} : memref<4x32x768xf32, #tpu.memory_space<vmem>>, vector<1x1x16xf32>,
        %parallel_loop3A_1091 = vector.shape_cast %parallel_loop3A_1090 : vector<1x1x16xf32> to vector<16xf32>
        %parallel_loop3A_1092 = vector.shape_cast %parallel_loop3A_1085 : vector<16xf32> to vector<1x1x16xf32>
        tpu.vector_store %arg6[%parallel_loop3A_1087, %parallel_loop3A_1088, %parallel_loop3A_1089], %parallel_loop3A_1092 {add = true, strides = array<i32>} : memref<4x32x768xf32, #tpu.memory_space<vmem>>, vector<1x1x16xf32>,
        %parallel_loop3A_1093 = arith.constant 3 : i32
        %parallel_loop3A_1094 = arith.index_cast %parallel_loop3A_1093 : i32 to index
        %parallel_loop3A_1095 = arith.index_cast %parallel_loop3A_289 : i32 to index
        %parallel_loop3A_1096 = arith.constant 704 : index
        %parallel_loop3A_1097 = tpu.vector_load %arg6[%parallel_loop3A_1094, %parallel_loop3A_1095, %parallel_loop3A_1096] {strides = array<i32>} : memref<4x32x768xf32, #tpu.memory_space<vmem>>, vector<1x1x16xf32>,
        %parallel_loop3A_1098 = vector.shape_cast %parallel_loop3A_1097 : vector<1x1x16xf32> to vector<16xf32>
        %parallel_loop3A_1099 = vector.shape_cast %parallel_loop3A_1085 : vector<16xf32> to vector<1x1x16xf32>
        tpu.vector_store %arg6[%parallel_loop3A_1094, %parallel_loop3A_1095, %parallel_loop3A_1096], %parallel_loop3A_1099 {add = true, strides = array<i32>} : memref<4x32x768xf32, #tpu.memory_space<vmem>>, vector<1x1x16xf32>,
        %parallel_loop3A_1100 = arith.index_cast %parallel_loop3A_289 : i32 to index
        %parallel_loop3A_1101 = arith.constant 720 : index
        %parallel_loop3A_1102 = tpu.vector_load %arg7[%parallel_loop3A_1100, %parallel_loop3A_1101] {strides = array<i32>} : memref<32x768xf32, #tpu.memory_space<vmem>>, vector<1x16xf32>,
        %parallel_loop3A_1103 = vector.shape_cast %parallel_loop3A_1102 : vector<1x16xf32> to vector<16xf32>
        %parallel_loop3A_1104 = arith.constant 2 : i32
        %parallel_loop3A_1105 = arith.index_cast %parallel_loop3A_1104 : i32 to index
        %parallel_loop3A_1106 = arith.index_cast %parallel_loop3A_289 : i32 to index
        %parallel_loop3A_1107 = arith.constant 720 : index
        %parallel_loop3A_1108 = tpu.vector_load %arg6[%parallel_loop3A_1105, %parallel_loop3A_1106, %parallel_loop3A_1107] {strides = array<i32>} : memref<4x32x768xf32, #tpu.memory_space<vmem>>, vector<1x1x16xf32>,
        %parallel_loop3A_1109 = vector.shape_cast %parallel_loop3A_1108 : vector<1x1x16xf32> to vector<16xf32>
        %parallel_loop3A_1110 = vector.shape_cast %parallel_loop3A_1103 : vector<16xf32> to vector<1x1x16xf32>
        tpu.vector_store %arg6[%parallel_loop3A_1105, %parallel_loop3A_1106, %parallel_loop3A_1107], %parallel_loop3A_1110 {add = true, strides = array<i32>} : memref<4x32x768xf32, #tpu.memory_space<vmem>>, vector<1x1x16xf32>,
        %parallel_loop3A_1111 = arith.constant 3 : i32
        %parallel_loop3A_1112 = arith.index_cast %parallel_loop3A_1111 : i32 to index
        %parallel_loop3A_1113 = arith.index_cast %parallel_loop3A_289 : i32 to index
        %parallel_loop3A_1114 = arith.constant 720 : index
        %parallel_loop3A_1115 = tpu.vector_load %arg6[%parallel_loop3A_1112, %parallel_loop3A_1113, %parallel_loop3A_1114] {strides = array<i32>} : memref<4x32x768xf32, #tpu.memory_space<vmem>>, vector<1x1x16xf32>,
        %parallel_loop3A_1116 = vector.shape_cast %parallel_loop3A_1115 : vector<1x1x16xf32> to vector<16xf32>
        %parallel_loop3A_1117 = vector.shape_cast %parallel_loop3A_1103 : vector<16xf32> to vector<1x1x16xf32>
        tpu.vector_store %arg6[%parallel_loop3A_1112, %parallel_loop3A_1113, %parallel_loop3A_1114], %parallel_loop3A_1117 {add = true, strides = array<i32>} : memref<4x32x768xf32, #tpu.memory_space<vmem>>, vector<1x1x16xf32>,
        %parallel_loop3A_1118 = arith.index_cast %parallel_loop3A_289 : i32 to index
        %parallel_loop3A_1119 = arith.constant 736 : index
        %parallel_loop3A_1120 = tpu.vector_load %arg7[%parallel_loop3A_1118, %parallel_loop3A_1119] {strides = array<i32>} : memref<32x768xf32, #tpu.memory_space<vmem>>, vector<1x16xf32>,
        %parallel_loop3A_1121 = vector.shape_cast %parallel_loop3A_1120 : vector<1x16xf32> to vector<16xf32>
        %parallel_loop3A_1122 = arith.constant 2 : i32
        %parallel_loop3A_1123 = arith.index_cast %parallel_loop3A_1122 : i32 to index
        %parallel_loop3A_1124 = arith.index_cast %parallel_loop3A_289 : i32 to index
        %parallel_loop3A_1125 = arith.constant 736 : index
        %parallel_loop3A_1126 = tpu.vector_load %arg6[%parallel_loop3A_1123, %parallel_loop3A_1124, %parallel_loop3A_1125] {strides = array<i32>} : memref<4x32x768xf32, #tpu.memory_space<vmem>>, vector<1x1x16xf32>,
        %parallel_loop3A_1127 = vector.shape_cast %parallel_loop3A_1126 : vector<1x1x16xf32> to vector<16xf32>
        %parallel_loop3A_1128 = vector.shape_cast %parallel_loop3A_1121 : vector<16xf32> to vector<1x1x16xf32>
        tpu.vector_store %arg6[%parallel_loop3A_1123, %parallel_loop3A_1124, %parallel_loop3A_1125], %parallel_loop3A_1128 {add = true, strides = array<i32>} : memref<4x32x768xf32, #tpu.memory_space<vmem>>, vector<1x1x16xf32>,
        %parallel_loop3A_1129 = arith.constant 3 : i32
        %parallel_loop3A_1130 = arith.index_cast %parallel_loop3A_1129 : i32 to index
        %parallel_loop3A_1131 = arith.index_cast %parallel_loop3A_289 : i32 to index
        %parallel_loop3A_1132 = arith.constant 736 : index
        %parallel_loop3A_1133 = tpu.vector_load %arg6[%parallel_loop3A_1130, %parallel_loop3A_1131, %parallel_loop3A_1132] {strides = array<i32>} : memref<4x32x768xf32, #tpu.memory_space<vmem>>, vector<1x1x16xf32>,
        %parallel_loop3A_1134 = vector.shape_cast %parallel_loop3A_1133 : vector<1x1x16xf32> to vector<16xf32>
        %parallel_loop3A_1135 = vector.shape_cast %parallel_loop3A_1121 : vector<16xf32> to vector<1x1x16xf32>
        tpu.vector_store %arg6[%parallel_loop3A_1130, %parallel_loop3A_1131, %parallel_loop3A_1132], %parallel_loop3A_1135 {add = true, strides = array<i32>} : memref<4x32x768xf32, #tpu.memory_space<vmem>>, vector<1x1x16xf32>,
        %parallel_loop3A_1136 = arith.index_cast %parallel_loop3A_289 : i32 to index
        %parallel_loop3A_1137 = arith.constant 752 : index
        %parallel_loop3A_1138 = tpu.vector_load %arg7[%parallel_loop3A_1136, %parallel_loop3A_1137] {strides = array<i32>} : memref<32x768xf32, #tpu.memory_space<vmem>>, vector<1x16xf32>,
        %parallel_loop3A_1139 = vector.shape_cast %parallel_loop3A_1138 : vector<1x16xf32> to vector<16xf32>
        %parallel_loop3A_1140 = arith.constant 2 : i32
        %parallel_loop3A_1141 = arith.index_cast %parallel_loop3A_1140 : i32 to index
        %parallel_loop3A_1142 = arith.index_cast %parallel_loop3A_289 : i32 to index
        %parallel_loop3A_1143 = arith.constant 752 : index
        %parallel_loop3A_1144 = tpu.vector_load %arg6[%parallel_loop3A_1141, %parallel_loop3A_1142, %parallel_loop3A_1143] {strides = array<i32>} : memref<4x32x768xf32, #tpu.memory_space<vmem>>, vector<1x1x16xf32>,
        %parallel_loop3A_1145 = vector.shape_cast %parallel_loop3A_1144 : vector<1x1x16xf32> to vector<16xf32>
        %parallel_loop3A_1146 = vector.shape_cast %parallel_loop3A_1139 : vector<16xf32> to vector<1x1x16xf32>
        tpu.vector_store %arg6[%parallel_loop3A_1141, %parallel_loop3A_1142, %parallel_loop3A_1143], %parallel_loop3A_1146 {add = true, strides = array<i32>} : memref<4x32x768xf32, #tpu.memory_space<vmem>>, vector<1x1x16xf32>,
        %parallel_loop3A_1147 = arith.constant 3 : i32
        %parallel_loop3A_1148 = arith.index_cast %parallel_loop3A_1147 : i32 to index
        %parallel_loop3A_1149 = arith.index_cast %parallel_loop3A_289 : i32 to index
        %parallel_loop3A_1150 = arith.constant 752 : index
        %parallel_loop3A_1151 = tpu.vector_load %arg6[%parallel_loop3A_1148, %parallel_loop3A_1149, %parallel_loop3A_1150] {strides = array<i32>} : memref<4x32x768xf32, #tpu.memory_space<vmem>>, vector<1x1x16xf32>,
        %parallel_loop3A_1152 = vector.shape_cast %parallel_loop3A_1151 : vector<1x1x16xf32> to vector<16xf32>
        %parallel_loop3A_1153 = vector.shape_cast %parallel_loop3A_1139 : vector<16xf32> to vector<1x1x16xf32>
        tpu.vector_store %arg6[%parallel_loop3A_1148, %parallel_loop3A_1149, %parallel_loop3A_1150], %parallel_loop3A_1153 {add = true, strides = array<i32>} : memref<4x32x768xf32, #tpu.memory_space<vmem>>, vector<1x1x16xf32>,
      } {sc.loop_unroll_factor = 2 : i64, sc.parallel_access}
      %dma_start3A_253 = arith.constant 2 : i32
      %dma_start3A_254 = arith.constant 0 : i32
      %dma_start3A_255 = arith.constant 0 : i32
      %dma_start3A_256 = tpu.memref_slice %arg6[%dma_start3A_253, %dma_start3A_254, %dma_start3A_255] : memref<4x32x768xf32, #tpu.memory_space<vmem>> -> memref<1x32x768xf32, #tpu.memory_space<vmem>>
      %dma_start3A_257 = tpu.memref_squeeze %dma_start3A_256 : memref<1x32x768xf32, #tpu.memory_space<vmem>> -> memref<32x768xf32, #tpu.memory_space<vmem>>
      %dma_start3A_258 = arith.constant 0 : i32
      %dma_start3A_259 = arith.constant 0 : i32
      %dma_start3A_260 = tpu.memref_slice %arg5[%add3A_169, %add3A, %dma_start3A_258, %dma_start3A_259] : memref<64x32x32x768xf32, #tpu.memory_space<hbm>> -> memref<1x1x32x768xf32, #tpu.memory_space<hbm>>
      %dma_start3A_261 = tpu.memref_squeeze %dma_start3A_260 : memref<1x1x32x768xf32, #tpu.memory_space<hbm>> -> memref<32x768xf32, #tpu.memory_space<hbm>>
      %dma_start3A_262 = arith.constant 0 : i32
      %dma_start3A_263 = arith.constant 0 : i32
      %dma_start3A_264 = tpu.memref_slice %arg5[%add3A_169, %add3A, %dma_start3A_262, %dma_start3A_263] : memref<64x32x32x768xf32, #tpu.memory_space<hbm>> -> memref<1x1x32x768xf32, #tpu.memory_space<hbm>>
      %dma_start3A_265 = tpu.memref_squeeze %dma_start3A_264 : memref<1x1x32x768xf32, #tpu.memory_space<hbm>> -> memref<32x768xf32, #tpu.memory_space<hbm>>
      %dma_start3A_266 = arith.constant 0 : i32
      %dma_start3A_267 = arith.constant 0 : i32
      %dma_start3A_268 = tpu.memref_slice %arg6[%dma_start3A_253, %dma_start3A_266, %dma_start3A_267] : memref<4x32x768xf32, #tpu.memory_space<vmem>> -> memref<1x32x768xf32, #tpu.memory_space<vmem>>
      %dma_start3A_269 = tpu.memref_squeeze %dma_start3A_268 : memref<1x32x768xf32, #tpu.memory_space<vmem>> -> memref<32x768xf32, #tpu.memory_space<vmem>>
      tpu.enqueue_dma source(%dma_start3A_269 : memref<32x768xf32, #tpu.memory_space<vmem>>) target(%dma_start3A_265 : memref<32x768xf32, #tpu.memory_space<hbm>>) target_semaphore(%arg15 : memref<!tpu.dma_semaphore, #tpu.memory_space<semaphore_mem>>)
      %add3A_270 = arith.constant 1 : i32
      %add3A_271 = arith.addi %add3A_169, %add3A_270 : i32
      %dma_start3A_272 = arith.constant 3 : i32
      %dma_start3A_273 = arith.constant 0 : i32
      %dma_start3A_274 = arith.constant 0 : i32
      %dma_start3A_275 = tpu.memref_slice %arg6[%dma_start3A_272, %dma_start3A_273, %dma_start3A_274] : memref<4x32x768xf32, #tpu.memory_space<vmem>> -> memref<1x32x768xf32, #tpu.memory_space<vmem>>
      %dma_start3A_276 = tpu.memref_squeeze %dma_start3A_275 : memref<1x32x768xf32, #tpu.memory_space<vmem>> -> memref<32x768xf32, #tpu.memory_space<vmem>>
      %dma_start3A_277 = arith.constant 0 : i32
      %dma_start3A_278 = arith.constant 0 : i32
      %dma_start3A_279 = tpu.memref_slice %arg5[%add3A_271, %add3A, %dma_start3A_277, %dma_start3A_278] : memref<64x32x32x768xf32, #tpu.memory_space<hbm>> -> memref<1x1x32x768xf32, #tpu.memory_space<hbm>>
      %dma_start3A_280 = tpu.memref_squeeze %dma_start3A_279 : memref<1x1x32x768xf32, #tpu.memory_space<hbm>> -> memref<32x768xf32, #tpu.memory_space<hbm>>
      %dma_start3A_281 = arith.constant 0 : i32
      %dma_start3A_282 = arith.constant 0 : i32
      %dma_start3A_283 = tpu.memref_slice %arg5[%add3A_271, %add3A, %dma_start3A_281, %dma_start3A_282] : memref<64x32x32x768xf32, #tpu.memory_space<hbm>> -> memref<1x1x32x768xf32, #tpu.memory_space<hbm>>
      %dma_start3A_284 = tpu.memref_squeeze %dma_start3A_283 : memref<1x1x32x768xf32, #tpu.memory_space<hbm>> -> memref<32x768xf32, #tpu.memory_space<hbm>>
      %dma_start3A_285 = arith.constant 0 : i32
      %dma_start3A_286 = arith.constant 0 : i32
      %dma_start3A_287 = tpu.memref_slice %arg6[%dma_start3A_272, %dma_start3A_285, %dma_start3A_286] : memref<4x32x768xf32, #tpu.memory_space<vmem>> -> memref<1x32x768xf32, #tpu.memory_space<vmem>>
      %dma_start3A_288 = tpu.memref_squeeze %dma_start3A_287 : memref<1x32x768xf32, #tpu.memory_space<vmem>> -> memref<32x768xf32, #tpu.memory_space<vmem>>
      tpu.enqueue_dma source(%dma_start3A_288 : memref<32x768xf32, #tpu.memory_space<vmem>>) target(%dma_start3A_284 : memref<32x768xf32, #tpu.memory_space<hbm>>) target_semaphore(%arg16 : memref<!tpu.dma_semaphore, #tpu.memory_space<semaphore_mem>>)
    }
    %scan3A_42 = arith.constant 16 : i32
    %dma_wait3A = arith.constant 2 : i32
    %dma_wait3A_43 = arith.constant 62 : i32
    %dma_wait3A_44 = arith.constant 0 : i32
    %dma_wait3A_45 = arith.constant 0 : i32
    %dma_wait3A_46 = tpu.memref_slice %arg6[%dma_wait3A, %dma_wait3A_44, %dma_wait3A_45] : memref<4x32x768xf32, #tpu.memory_space<vmem>> -> memref<1x32x768xf32, #tpu.memory_space<vmem>>
    %dma_wait3A_47 = tpu.memref_squeeze %dma_wait3A_46 : memref<1x32x768xf32, #tpu.memory_space<vmem>> -> memref<32x768xf32, #tpu.memory_space<vmem>>
    %dma_wait3A_48 = arith.constant 0 : i32
    %dma_wait3A_49 = arith.constant 0 : i32
    %dma_wait3A_50 = tpu.memref_slice %arg5[%dma_wait3A_43, %add3A, %dma_wait3A_48, %dma_wait3A_49] : memref<64x32x32x768xf32, #tpu.memory_space<hbm>> -> memref<1x1x32x768xf32, #tpu.memory_space<hbm>>
    %dma_wait3A_51 = tpu.memref_squeeze %dma_wait3A_50 : memref<1x1x32x768xf32, #tpu.memory_space<hbm>> -> memref<32x768xf32, #tpu.memory_space<hbm>>
    %dma_wait3A_52 = arith.constant 0 : i32
    %dma_wait3A_53 = arith.constant 0 : i32
    %dma_wait3A_54 = tpu.memref_slice %arg5[%dma_wait3A_43, %add3A, %dma_wait3A_52, %dma_wait3A_53] : memref<64x32x32x768xf32, #tpu.memory_space<hbm>> -> memref<1x1x32x768xf32, #tpu.memory_space<hbm>>
    %dma_wait3A_55 = tpu.memref_squeeze %dma_wait3A_54 : memref<1x1x32x768xf32, #tpu.memory_space<hbm>> -> memref<32x768xf32, #tpu.memory_space<hbm>>
    %dma_wait3A_56 = arith.constant 0 : i32
    %dma_wait3A_57 = arith.constant 0 : i32
    %dma_wait3A_58 = tpu.memref_slice %arg6[%dma_wait3A, %dma_wait3A_56, %dma_wait3A_57] : memref<4x32x768xf32, #tpu.memory_space<vmem>> -> memref<1x32x768xf32, #tpu.memory_space<vmem>>
    %dma_wait3A_59 = tpu.memref_squeeze %dma_wait3A_58 : memref<1x32x768xf32, #tpu.memory_space<vmem>> -> memref<32x768xf32, #tpu.memory_space<vmem>>
    tpu.wait_dma2 semaphore(%arg15 : memref<!tpu.dma_semaphore, #tpu.memory_space<semaphore_mem>>) src(%dma_wait3A_59 : memref<32x768xf32, #tpu.memory_space<vmem>>) dst(%dma_wait3A_55 : memref<32x768xf32, #tpu.memory_space<hbm>>)
    %dma_wait3A_60 = arith.constant 3 : i32
    %dma_wait3A_61 = arith.constant 63 : i32
    %dma_wait3A_62 = arith.constant 0 : i32
    %dma_wait3A_63 = arith.constant 0 : i32
    %dma_wait3A_64 = tpu.memref_slice %arg6[%dma_wait3A_60, %dma_wait3A_62, %dma_wait3A_63] : memref<4x32x768xf32, #tpu.memory_space<vmem>> -> memref<1x32x768xf32, #tpu.memory_space<vmem>>
    %dma_wait3A_65 = tpu.memref_squeeze %dma_wait3A_64 : memref<1x32x768xf32, #tpu.memory_space<vmem>> -> memref<32x768xf32, #tpu.memory_space<vmem>>
    %dma_wait3A_66 = arith.constant 0 : i32
    %dma_wait3A_67 = arith.constant 0 : i32
    %dma_wait3A_68 = tpu.memref_slice %arg5[%dma_wait3A_61, %add3A, %dma_wait3A_66, %dma_wait3A_67] : memref<64x32x32x768xf32, #tpu.memory_space<hbm>> -> memref<1x1x32x768xf32, #tpu.memory_space<hbm>>
    %dma_wait3A_69 = tpu.memref_squeeze %dma_wait3A_68 : memref<1x1x32x768xf32, #tpu.memory_space<hbm>> -> memref<32x768xf32, #tpu.memory_space<hbm>>
    %dma_wait3A_70 = arith.constant 0 : i32
    %dma_wait3A_71 = arith.constant 0 : i32
    %dma_wait3A_72 = tpu.memref_slice %arg5[%dma_wait3A_61, %add3A, %dma_wait3A_70, %dma_wait3A_71] : memref<64x32x32x768xf32, #tpu.memory_space<hbm>> -> memref<1x1x32x768xf32, #tpu.memory_space<hbm>>
    %dma_wait3A_73 = tpu.memref_squeeze %dma_wait3A_72 : memref<1x1x32x768xf32, #tpu.memory_space<hbm>> -> memref<32x768xf32, #tpu.memory_space<hbm>>
    %dma_wait3A_74 = arith.constant 0 : i32
    %dma_wait3A_75 = arith.constant 0 : i32
    %dma_wait3A_76 = tpu.memref_slice %arg6[%dma_wait3A_60, %dma_wait3A_74, %dma_wait3A_75] : memref<4x32x768xf32, #tpu.memory_space<vmem>> -> memref<1x32x768xf32, #tpu.memory_space<vmem>>
    %dma_wait3A_77 = tpu.memref_squeeze %dma_wait3A_76 : memref<1x32x768xf32, #tpu.memory_space<vmem>> -> memref<32x768xf32, #tpu.memory_space<vmem>>
    tpu.wait_dma2 semaphore(%arg16 : memref<!tpu.dma_semaphore, #tpu.memory_space<semaphore_mem>>) src(%dma_wait3A_77 : memref<32x768xf32, #tpu.memory_space<vmem>>) dst(%dma_wait3A_73 : memref<32x768xf32, #tpu.memory_space<hbm>>)
    return
  }
}

</mosaic_0001>

<sc_bundles>
// kernel: kernel.3.cloned.1.call-start
scs
__scs_entry_jumppad:
0x0: {  	(pc) =	sbr.rel $0x88, $3  }
0x1: {  	(tag) =	ssettag $0x0;
	lr =	simm.s32 $0x1  }
0x2: {  	[smem:$0x3F9E] =	sst lr;
	_ =	strace $0xD0000000  }
0x3: {  	_ = 	snop  }
0x4: {  	_ = 	snop  }
0x5: {  	_ = 	snop  }
0x6: {  	_ = 	snop  }
0x7: {  	_ = 	snop  }
__scs_overlays_trampoline_lowered:
0x8: {  	[smem:$0x3FAD] =	sst s0  }
0x9: {  	[smem:$0x3FAE] =	sst s1  }
0xa: {  	[smem:$0x3FAF] =	sst s2  }
0xb: {  	[smem:$0x3FB0] =	sst s3  }
0xc: {  	[smem:$0x3FB1] =	sst s4  }
0xd: {  	[smem:$0x3FB2] =	sst s5  }
0xe: {  	[smem:$0x3FB3] =	sst s6  }
0xf: {  	[smem:$0x3FB4] =	sst s7  }
0x10: {  	[smem:$0x3FB5] =	sst s8  }
0x11: {  	[smem:$0x3FB6] =	sst s9;
	s0 =	simm.s32 @!p0 $0x0  }
0x12: {  	s1 =	sld [smem:$0x3F9C];
	s0 =	simm.s32 @p0 $0x1  }
0x13: {  	[smem:$0x3FB7] =	sst s0;
	s0 =	simm.s32 @!p1 $0x0  }
0x14: {  	s2 =	sld [smem:$0x3F9B];
	s0 =	simm.s32 @p1 $0x1  }
0x15: {  	[smem:$0x3FB8] =	sst s0;
	s0 =	simm.s32 @!p2 $0x0  }
0x16: {  	s3 =	sld [smem:$0x3FDB];
	s0 =	simm.s32 @p2 $0x1  }
0x17: {  	s4 =	simm.s32 $0x1BF5;
	[smem:$0x3FBA] =	sst s0  }
0x18: {  	s0 =	sld [smem:$0x3F9D];
	_ =	swait.ge [sflag:s4], $0x0  }
0x19: {  	s7 =	sld [smem:$0x3F9E]  }
0x1a: {  	s8 =	sadd.s32 $0xFFFFE003, lr  }
0x1b: {  	s9 =	sadd.s32 $0xFFFFFEF7, lr;
	s5 =	simm.s32 $0xFFFFFFFF;
	p2 =	slt.u32 s8, $0xFFFFF086  }
0x1c: {  	p1 =	slt.u32 s9, $0xF7A;
	s5 =	simm.s32 @!p2 $0x0  }
0x1d: {  	s5 =	simm.s32 @p1 $0x1;
	p0 =	seq.s32 s7, s2  }
0x1e: {  	s7 =	smul.u32 @!p0 $0xF7A, s2;
	p2 =	seq.s32 @!p0 s5, $0x0  }
0x1f: {  	s9 =	smul.u32 $0xF7A, s1;
	s8 =	simm.s32 @!p0 $0x1BF5;
	p2 =	por !p2, p0  }
0x20: {  	[sflag:s8] =	ssyncset.s32 @!p0 $0xFFFFF086;
	s6 =	sadd.s32 @!p0 s3, s7;
	s7 =	simm.s32 @!p0 $0x108  }
0x21: {  	s3 =	sadd.s32 s3, s9;
	s6 =	sadd.s32 @!p0 $0x88, s6;
	s7 =	simm.s32 @p2 $0x1082  }
0x22: {  	[simem:s7], [sflag:s8] =	dma.local @!p0 [hbm:s6], $0xF7A  }
0x23: {  	s9 =	sor.u32 $0xD0000000, s2;
	s6 =	simm.s32 $0x108;
	_ =	swait.ge @!p0 [sflag:s8], $0x0  }
0x24: {  	s3 =	sadd.s32 $0x88, s3;
	s6 =	simm.s32 @!p1 $0x1082;
	[sflag:s4] =	ssyncset.s32 $0xFFFFF086  }
0x25: {  	[simem:s6], [sflag:s4] =	dma.local [hbm:s3], $0xF7A  }
0x26: {  	[smem:$0x3F9E] =	sst s1;
	(tag) =	ssettag s2;
	_ =	strace s9  }
0x27: {  	s1 =	sld [smem:$0x3FAE]  }
0x28: {  	s2 =	sld [smem:$0x3FAF]  }
0x29: {  	s4 =	sld [smem:$0x3FB1]  }
0x2a: {  	p0 =	seq.s32 s5, $0x0;
	s5 =	sld [smem:$0x3FB2]  }
0x2b: {  	s6 =	sld [smem:$0x3FB3]  }
0x2c: {  	s7 =	sld [smem:$0x3FB4]  }
0x2d: {  	s3 =	simm.s32 $0x108;
	s8 =	sld [smem:$0x3FB5]  }
0x2e: {  	s3 =	simm.s32 @!p0 $0x1082;
	s9 =	sld [smem:$0x3FB6]  }
0x2f: {  	lr =	sadd.s32 s0, s3;
	s0 =	sld [smem:$0x3FAD]  }
0x30: {  	s3 =	sld [smem:$0x3FB0]  }
0x31: {  	[smem:$0x3FB9] =	sst s10  }
0x32: {  	s10 =	sld [smem:$0x3FB7];
	_ =	sdelay $0x3  }
0x33: {  	p0 =	seq.s32 s10, $0x1;
	s10 =	sld [smem:$0x3FB9];
	_ =	sdelay $0x3  }
0x34: {  	[smem:$0x3FB9] =	sst s10  }
0x35: {  	s10 =	sld [smem:$0x3FB8];
	_ =	sdelay $0x3  }
0x36: {  	p1 =	seq.s32 s10, $0x1;
	s10 =	sld [smem:$0x3FB9];
	_ =	sdelay $0x3  }
0x37: {  	[smem:$0x3FB9] =	sst s10  }
0x38: {  	s10 =	sld [smem:$0x3FBA]  }
0x39: {  	_ = 	snop;
	(pc) =	sbr.ind lr, $3  }
0x3a: {  	_ = 	snop  }
0x3b: {  	_ = 	snop  }
0x3c: {  	p2 =	seq.s32 s10, $0x1;
	s10 =	sld [smem:$0x3FB9]  }
0x3d: {  	_ =	shalt  }
0x3e: {  	_ =	shalt  }
0x3f: {  	_ =	shalt  }
0x40: {  	_ =	shalt  }
0x41: {  	_ =	shalt  }
0x42: {  	_ =	shalt  }
0x43: {  	_ =	shalt  }
0x44: {  	_ =	shalt  }
0x45: {  	_ =	shalt  }
0x46: {  	_ =	shalt  }
0x47: {  	_ =	shalt  }
0x48: {  	_ =	shalt  }
0x49: {  	_ =	shalt  }
0x4a: {  	_ =	shalt  }
0x4b: {  	_ =	shalt  }
0x4c: {  	_ =	shalt  }
0x4d: {  	_ =	shalt  }
0x4e: {  	_ =	shalt  }
0x4f: {  	_ =	shalt  }
0x50: {  	_ =	shalt  }
0x51: {  	_ =	shalt  }
0x52: {  	_ =	shalt  }
0x53: {  	_ =	shalt  }
0x54: {  	_ =	shalt  }
0x55: {  	_ =	shalt  }
0x56: {  	_ =	shalt  }
0x57: {  	_ =	shalt  }
0x58: {  	_ =	shalt  }
0x59: {  	_ =	shalt  }
0x5a: {  	_ =	shalt  }
0x5b: {  	_ =	shalt  }
0x5c: {  	_ =	shalt  }
0x5d: {  	_ =	shalt  }
0x5e: {  	_ =	shalt  }
0x5f: {  	_ =	shalt  }
0x60: {  	_ =	shalt  }
0x61: {  	_ =	shalt  }
0x62: {  	_ =	shalt  }
0x63: {  	_ =	shalt  }
0x64: {  	_ =	shalt  }
0x65: {  	_ =	shalt  }
0x66: {  	_ =	shalt  }
0x67: {  	_ =	shalt  }
0x68: {  	_ =	shalt  }
0x69: {  	_ =	shalt  }
0x6a: {  	_ =	shalt  }
0x6b: {  	_ =	shalt  }
0x6c: {  	_ =	shalt  }
0x6d: {  	_ =	shalt  }
0x6e: {  	_ =	shalt  }
0x6f: {  	_ =	shalt  }
0x70: {  	_ =	shalt  }
0x71: {  	_ =	shalt  }
0x72: {  	_ =	shalt  }
0x73: {  	_ =	shalt  }
0x74: {  	_ =	shalt  }
0x75: {  	_ =	shalt  }
0x76: {  	_ =	shalt  }
0x77: {  	_ =	shalt  }
0x78: {  	_ =	shalt  }
0x79: {  	_ =	shalt  }
0x7a: {  	_ =	shalt  }
0x7b: {  	_ =	shalt  }
0x7c: {  	_ =	shalt  }
0x7d: {  	_ =	shalt  }
0x7e: {  	_ =	shalt  }
0x7f: {  	_ =	shalt  }
0x80: {  	_ =	shalt  }
0x81: {  	_ =	shalt  }
0x82: {  	_ =	shalt  }
0x83: {  	_ =	shalt  }
0x84: {  	_ =	shalt  }
0x85: {  	_ =	shalt  }
0x86: {  	_ =	shalt  }
0x87: {  	_ =	shalt  }
.Lfunc_end0:
.L_simem_size_0:
called_computation_lowered:
.L_overlay_start_0:
0x88: {  	s2 =	sld [smem:$0x3FD9]  }
0x89: {  	s3 =	sld [smem:$0x3FFE];
	_ =	sdelay $0x1  }
0x8a: {  	s1 =	srdreg.scid  }
0x8b: {  	s0 =	sand.u32 $0x1, s1  }
0x8c: {  	s18 =	sshll.u32 s0, $0xA;
	s2 =	sadd.s32 s3, s2  }
0x8d: {  	s2 =	sadd.s32 s2, s18  }
0x8e: {  	[smem:$0x3FC5] =	sst s2  }
0x8f: {  	_ = 	snop  }
0x90: {  	s2 =	sld [smem:$0x3FC9]  }
0x91: {  	s19 =	sld [smem:$0x3FC8]  }
0x92: {  	s4 =	sld [smem:$0x3FC7]  }
0x93: {  	s5 =	sld [smem:$0x3FD0];
	(tm) =	ssettm $0x1  }
0x94: {  	s6 =	sld [smem:$0x3FFB];
	_ =	sdelay $0x3  }
0x95: {  	_ =	strace s6  }
0x96: {  	s6 =	sld [smem:$0x3FFC];
	_ =	sdelay $0x3  }
0x97: {  	_ =	strace s6  }
0x98: {  	s6 =	sld [smem:$0x3FFD];
	_ =	sdelay $0x3  }
0x99: {  	_ =	strace s6  }
0x9a: {  	_ =	strace $0x8FFFFFFF  }
0x9b: {  	s20 =	sld [smem:$0x3FDB];
	_ =	sdelay $0x1  }
0x9c: {  	s7 =	simm.s32 $_scs_section_size  }
0x9d: {  	s8 =	simm.s32 $_size__tile_overlayer_lowered;
	s9 =	simm.s32 $_tile_overlayer_lowered  }
0x9e: {  	s23 =	simm.s32 $0x1BFF;
	s22 =	sshll.u32 s9, $0x1;
	s6 =	sadd.s32 s7, s20  }
0x9f: {  	s10 =	simm.s32 $0x0;
	s21 =	sshll.u32 s8, $0x1;
	s8 =	sadd.s32 s22, s6  }
0xa0: {  	[timem:s10], [sflag:s23] =	dma.local [hbm:s8], s21  }
0xa1: {  	_ =	swait.ge [sflag:s23], s21  }
0xa2: {  	s7 =	ssub.s32 $0x0, s21;
	[sflag:s23] =	ssyncset.done $0x0  }
0xa3: {  	[sflag:s23] =	ssyncadd.s32 s7;
	_ =	sdelay $0x1  }
0xa4: {  	s24 =	simm.s32 $0x1B8B  }
0xa5: {  	_ =	swait.ge [sflag:s24], $0x1  }
0xa6: {  	[sflag:s24] =	ssyncset.done $0x0  }
0xa7: {  	s25 =	simm.s32 $0x1B8E;
	[sflag:s24] =	ssyncadd.s32 $0xFFFFFFFF  }
0xa8: {  	s26 =	simm.s32 $execute0_lowered;
	[smem:$0x3FD2] =	sst s25  }
0xa9: {  	s7 =	sshll.u32 s26, $0x1;
	_ =	strace $0x80000046;
	[dreg:$0x1] =	wrdreg $0xFFFFFFFF  }
0xaa: {  	s28 =	simm.s32 $_size_execute0_lowered;
	s6 =	sadd.s32 s6, s7;
	[dreg:$0x0] =	wrdreg $0x0  }
0xab: {  	s7 =	sshll.u32 s28, $0x1;
	[dreg:$0x2] =	wrdreg s6  }
0xac: {  	[dreg:$0x3] =	wrdreg s7  }
0xad: {  	[dreg:$0x4] =	wrdreg $0xC0  }
0xae: {  	_ =	task [dreg:s10], $0x5FFFF  }
0xaf: {  	[dreg:$0x1] =	wrdreg $0xFFFFFFFF  }
0xb0: {  	[dreg:$0x0] =	wrdreg $0x60  }
0xb1: {  	[dreg:$0x2] =	wrdreg s2  }
0xb2: {  	[dreg:$0x3] =	wrdreg s19  }
0xb3: {  	[dreg:$0x4] =	wrdreg s4  }
0xb4: {  	[dreg:$0x5] =	wrdreg s5  }
0xb5: {  	[dreg:$0x6] =	wrdreg $0x9  }
0xb6: {  	_ =	task.clear_ibuf [dreg:s10], $0x7FFFF;
	_ =	strace $0x90000046  }
0xb7: {  	s29 =	simm.s32 $0x9;
	_ =	strace $0x80000048  }
0xb8: {  	_ =	swait.ge [sflag:s29], $0x1  }
0xb9: {  	[sflag:s29] =	ssyncadd.s32 $0xFFFFFFFF  }
0xba: {  	_ =	strace $0x90000048  }
0xbb: {  	_ =	sfence  }
0xbc: {  	s30 =	sld [smem:$0x0];
	_ =	sdelay $0x2  }
0xbd: {  	s31 =	sshll.u32 s1, $0xD;
	s1 =	sshrl.u32 s1, $0x2  }
0xbe: {  	s3 =	sand.u32 $0x4000, s31;
	s1 =	sadd.s32 s1, s30  }
0xbf: {  	s0 =	sor.u32 s3, s0;
	s1 =	sshll.u32 s1, $0x11  }
0xc0: {  	s0 =	sor.u32 s1, s0  }
0xc1: {  	s0 =	sadd.s32 $0x8F2B, s0  }
0xc2: {  	[sflag:s0] =	ssyncadd.remote.s32 $0x1  }
0xc3: {  	_ =	sfence.sel $0xFFFF  }
0xc4: {  	[dreg:$0x0] =	wrdreg $0xFFFFFFFF;
	(pc) =	sbr.abs _section_cstart, $3  }
0xc5: {  	[dreg:$0x1] =	wrdreg $0xFFFFFFFF  }
0xc6: {  	_ =	task.clear_ibuf [dreg:s10], $0x2FFFF;
	_ =	strace $0x9FFFFFFF  }
0xc7: {  	(tm) =	ssettm $0x7FFFFFFF  }
tec
execute0_lowered:
.L_overlay_start_1:
0x0: {  	(tag) =	ssettag $0x1  }
0x1: {  	s1 =	srdreg.scid;
	s3 =	stileid.u32  }
0x2: {  	s5 =	rddreg [dreg:$0x0];
	s1 =	sand.u32 $0x1, s1;
	s2 =	sshll.u32 s3, $0x1  }
0x3: {  	s0 =	rddreg [dreg:$0x1];
	s4 =	simm.s32 $0x0;
	s2 =	sor.u32 s1, s2  }
0x4: {  	s3 =	sshrl.u32 s3, $0x2;
	[smem:$0x7FF] =	sst s4;
	s6 =	smul.u32 $0x6000, s2  }
0x5: {  	s3 =	smul.u32 $0x1800, s3;
	s1 =	ssub.s32 $0x2, s1;
	_ =	strace $0x80000047  }
0x6: {  	s19 =	sshll.u32 s2, $0x7;
	s22 =	sadd.s32 $0xC0000, s6;
	[smem:$0x7FB] =	sst s6  }
0x7: {  	s20 =	sshrl.u32 s1, $0x1;
	s26 =	sor.u32 $0x300000, s6;
	[smem:$0x7F5] =	sst s22  }
0x8: {  	s4 =	sand.u32 $0x380, s19;
	s28 =	sadd.s32 $0x180000, s6;
	[smem:$0x7F8] =	sst s26  }
0x9: {  	s1 =	ssub.s32 s1, s20;
	s29 =	sadd.s32 $0x240000, s6;
	[smem:$0x7F9] =	sst s28  }
0xa: {  	s3 =	sor.u32 s3, s4;
	s30 =	sadd.s32 $0x3C0000, s6;
	[smem:$0x7FA] =	sst s29  }
0xb: {  	s31 =	smax.u32 s1, $0x1;
	s21 =	sshrl.u32 s3, $0x3;
	[smem:$0x7FC] =	sst s30  }
0xc: {  	s24 =	sshrl.u32 s22, $0x3;
	[smem:$0x7FD] =	sst s31;
	s0 =	sadd.s32 s0, s21  }
0xd: {  	s23 =	sshrl.u32 s6, $0x3;
	s25 =	sadd.s32 s5, s24;
	[smem:$0x7F4] =	sst s0  }
0xe: {  	s0 =	sadd.s32 s5, s23;
	[smem:$0x7F7] =	sst s25  }
0xf: {  	s2 =	simm.s32 $0x0;
	[smem:$0x7F6] =	sst s0  }
.LBB2_1:
0x10: {  	[smem:$0x7F3] =	sst s2  }
0x11: {  	s0 =	rddreg [dreg:$0x2]  }
0x12: {  	s14 =	simm.s32 $0x0;
	s1 =	simm.s32 $0x18000;
	s15 =	simm.s32 $0x9  }
0x13: {  	[tilespmem:s1], [sflag:$0x9] =	stream.linear.gather [hbm4b:s0+s14], $0x6000, $0x38;
	[tilespmem:$0x1E300] =	vst v63  }
0x14: {  	_ =	swait.ge [sflag:s15], $0x6000  }
0x15: {  	s16 =	sld [smem:$0x7F4]  }
0x16: {  	s3 =	simm.s32 $0x80;
	[sflag:s15] =	ssyncset.done $0x0  }
0x17: {  	s4 =	simm.s32 $0x400;
	s5 =	simm.s32 $0x1E000;
	[sflag:s15] =	ssyncadd.s32 $0xFFFFA000  }
0x18: {  	[tilespmem:s5], [sflag:$0x9] =	stream.strided.gather [hbm4b:s16+s3], $0x300, s4, s3, $0x38;
	[tilespmem:$0x1E300] =	vst v63  }
0x19: {  	_ =	swait.ge [sflag:s15], $0x300  }
0x1a: {  	[sflag:s15] =	ssyncset.done $0x0  }
0x1b: {  	s17 =	simm.s32 $0x0;
	[sflag:s15] =	ssyncadd.s32 $0xFFFFFD00  }
0x1c: {  	s18 =	smul.u32 $0x6000, s17;
	v0 =	vld [tilespmem:$0x1E000];
	_ =	sdelay $0x1  }
0x1d: {  	s0 =	sand.u32 $0x300, s14;
	s1 =	sshra.s32 s18, $0x2  }
0x1e: {  	s2 =	sor.u32 $0x80, s0;
	s19 =	sadd.s32 $0x18000, s1  }
0x1f: {  	s20 =	sor.u32 s2, s19  }
0x20: {  	[tilespmem:s20+$0x0] =	vst.add.f32.msk $0xffff, v0  }
0x21: {  	v1 =	vld [tilespmem:$0x1E010];
	_ =	sdelay $0x3  }
0x22: {  	s21 =	sor.u32 $0x10, s20  }
0x23: {  	[tilespmem:s21+$0x0] =	vst.add.f32.msk $0xffff, v1  }
0x24: {  	v1 =	vld [tilespmem:$0x1E020];
	_ =	sdelay $0x3  }
0x25: {  	s22 =	sor.u32 $0x20, s20  }
0x26: {  	[tilespmem:s22+$0x0] =	vst.add.f32.msk $0xffff, v1  }
0x27: {  	v1 =	vld [tilespmem:$0x1E030];
	_ =	sdelay $0x3  }
0x28: {  	s23 =	sor.u32 $0x30, s20  }
0x29: {  	[tilespmem:s23+$0x0] =	vst.add.f32.msk $0xffff, v1  }
0x2a: {  	v1 =	vld [tilespmem:$0x1E040];
	_ =	sdelay $0x1  }
0x2b: {  	s3 =	sor.u32 s0, s19  }
0x2c: {  	[tilespmem:s3+$0x0] =	vst.add.f32.msk $0xffff, v0  }
0x2d: {  	s24 =	sor.u32 $0x40, s20;
	v0 =	vld [tilespmem:$0x1E010]  }
0x2e: {  	[tilespmem:s24+$0x0] =	vst.add.f32.msk $0xffff, v1  }
0x2f: {  	v1 =	vld [tilespmem:$0x1E050];
	_ =	sdelay $0x1  }
0x30: {  	s28 =	sor.u32 $0x10, s3  }
0x31: {  	[tilespmem:s28+$0x0] =	vst.add.f32.msk $0xffff, v0  }
0x32: {  	s25 =	sor.u32 $0x50, s20;
	v0 =	vld [tilespmem:$0x1E020]  }
0x33: {  	[tilespmem:s25+$0x0] =	vst.add.f32.msk $0xffff, v1  }
0x34: {  	v1 =	vld [tilespmem:$0x1E060];
	_ =	sdelay $0x1  }
0x35: {  	s30 =	sor.u32 $0x20, s3  }
0x36: {  	[tilespmem:s30+$0x0] =	vst.add.f32.msk $0xffff, v0  }
0x37: {  	s26 =	sor.u32 $0x60, s20;
	v0 =	vld [tilespmem:$0x1E030]  }
0x38: {  	[tilespmem:s26+$0x0] =	vst.add.f32.msk $0xffff, v1  }
0x39: {  	v1 =	vld [tilespmem:$0x1E070];
	_ =	sdelay $0x1  }
0x3a: {  	s6 =	sor.u32 $0x30, s3  }
0x3b: {  	[tilespmem:s6+$0x0] =	vst.add.f32.msk $0xffff, v0  }
0x3c: {  	s29 =	sor.u32 $0x70, s20;
	v0 =	vld [tilespmem:$0x1E040]  }
0x3d: {  	[tilespmem:s29+$0x0] =	vst.add.f32.msk $0xffff, v1  }
0x3e: {  	v1 =	vld [tilespmem:$0x1E080];
	_ =	sdelay $0x1  }
0x3f: {  	s8 =	sor.u32 $0x40, s3  }
0x40: {  	[tilespmem:s8+$0x0] =	vst.add.f32.msk $0xffff, v0  }
0x41: {  	s31 =	sor.u32 $0x400, s20;
	v0 =	vld [tilespmem:$0x1E050]  }
0x42: {  	[tilespmem:s31+$0x0] =	vst.add.f32.msk $0xffff, v1  }
0x43: {  	v1 =	vld [tilespmem:$0x1E090];
	_ =	sdelay $0x1  }
0x44: {  	s10 =	sor.u32 $0x50, s3  }
0x45: {  	[tilespmem:s10+$0x0] =	vst.add.f32.msk $0xffff, v0  }
0x46: {  	s7 =	sor.u32 $0x410, s20;
	v0 =	vld [tilespmem:$0x1E060]  }
0x47: {  	[tilespmem:s7+$0x0] =	vst.add.f32.msk $0xffff, v1  }
0x48: {  	v1 =	vld [tilespmem:$0x1E0A0];
	_ =	sdelay $0x1  }
0x49: {  	s12 =	sor.u32 $0x60, s3  }
0x4a: {  	[tilespmem:s12+$0x0] =	vst.add.f32.msk $0xffff, v0  }
0x4b: {  	s9 =	sor.u32 $0x420, s20;
	v0 =	vld [tilespmem:$0x1E070]  }
0x4c: {  	[tilespmem:s9+$0x0] =	vst.add.f32.msk $0xffff, v1  }
0x4d: {  	v1 =	vld [tilespmem:$0x1E0B0];
	_ =	sdelay $0x1  }
0x4e: {  	s14 =	sor.u32 $0x70, s3  }
0x4f: {  	[tilespmem:s14+$0x0] =	vst.add.f32.msk $0xffff, v0  }
0x50: {  	s11 =	sor.u32 $0x430, s20;
	v0 =	vld [tilespmem:$0x1E080]  }
0x51: {  	[tilespmem:s11+$0x0] =	vst.add.f32.msk $0xffff, v1  }
0x52: {  	v1 =	vld [tilespmem:$0x1E0C0];
	_ =	sdelay $0x1  }
0x53: {  	s16 =	sor.u32 $0x400, s3  }
0x54: {  	[tilespmem:s16+$0x0] =	vst.add.f32.msk $0xffff, v0  }
0x55: {  	s13 =	sor.u32 $0x440, s20;
	v0 =	vld [tilespmem:$0x1E090]  }
0x56: {  	[tilespmem:s13+$0x0] =	vst.add.f32.msk $0xffff, v1  }
0x57: {  	v1 =	vld [tilespmem:$0x1E0D0];
	_ =	sdelay $0x1  }
0x58: {  	s18 =	sor.u32 $0x410, s3  }
0x59: {  	[tilespmem:s18+$0x0] =	vst.add.f32.msk $0xffff, v0  }
0x5a: {  	s15 =	sor.u32 $0x450, s20;
	v0 =	vld [tilespmem:$0x1E0A0]  }
0x5b: {  	[tilespmem:s15+$0x0] =	vst.add.f32.msk $0xffff, v1  }
0x5c: {  	v1 =	vld [tilespmem:$0x1E0E0];
	_ =	sdelay $0x1  }
0x5d: {  	s19 =	sor.u32 $0x420, s3  }
0x5e: {  	[tilespmem:s19+$0x0] =	vst.add.f32.msk $0xffff, v0  }
0x5f: {  	s17 =	sor.u32 $0x460, s20;
	v0 =	vld [tilespmem:$0x1E0B0]  }
0x60: {  	[tilespmem:s17+$0x0] =	vst.add.f32.msk $0xffff, v1  }
0x61: {  	v1 =	vld [tilespmem:$0x1E0F0];
	_ =	sdelay $0x1  }
0x62: {  	s6 =	sor.u32 $0x430, s3  }
0x63: {  	[tilespmem:s6+$0x0] =	vst.add.f32.msk $0xffff, v0  }
0x64: {  	s4 =	sor.u32 $0x470, s20;
	v0 =	vld [tilespmem:$0x1E0C0]  }
0x65: {  	[tilespmem:s4+$0x0] =	vst.add.f32.msk $0xffff, v1  }
0x66: {  	v1 =	vld [tilespmem:$0x1E100];
	_ =	sdelay $0x1  }
0x67: {  	s23 =	sor.u32 $0x440, s3  }
0x68: {  	s20 =	sadd.s32 $0x18800, s1;
	[tilespmem:s23+$0x0] =	vst.add.f32.msk $0xffff, v0  }
0x69: {  	s21 =	sor.u32 s2, s20;
	v0 =	vld [tilespmem:$0x1E0D0]  }
0x6a: {  	[tilespmem:s21+$0x0] =	vst.add.f32.msk $0xffff, v1  }
0x6b: {  	v1 =	vld [tilespmem:$0x1E110];
	_ =	sdelay $0x1  }
0x6c: {  	s25 =	sor.u32 $0x450, s3  }
0x6d: {  	[tilespmem:s25+$0x0] =	vst.add.f32.msk $0xffff, v0  }
0x6e: {  	s22 =	sor.u32 $0x10, s21;
	v0 =	vld [tilespmem:$0x1E0E0]  }
0x6f: {  	[tilespmem:s22+$0x0] =	vst.add.f32.msk $0xffff, v1  }
0x70: {  	v1 =	vld [tilespmem:$0x1E120];
	_ =	sdelay $0x1  }
0x71: {  	s28 =	sor.u32 $0x460, s3  }
0x72: {  	[tilespmem:s28+$0x0] =	vst.add.f32.msk $0xffff, v0  }
0x73: {  	s24 =	sor.u32 $0x20, s21;
	v0 =	vld [tilespmem:$0x1E0F0]  }
0x74: {  	[tilespmem:s24+$0x0] =	vst.add.f32.msk $0xffff, v1  }
0x75: {  	v1 =	vld [tilespmem:$0x1E130];
	_ =	sdelay $0x1  }
0x76: {  	s3 =	sor.u32 $0x470, s3  }
0x77: {  	[tilespmem:s3+$0x0] =	vst.add.f32.msk $0xffff, v0  }
0x78: {  	s26 =	sor.u32 $0x30, s21;
	v0 =	vld [tilespmem:$0x1E100]  }
0x79: {  	[tilespmem:s26+$0x0] =	vst.add.f32.msk $0xffff, v1  }
0x7a: {  	v1 =	vld [tilespmem:$0x1E140];
	_ =	sdelay $0x1  }
0x7b: {  	s31 =	sor.u32 s0, s20  }
0x7c: {  	[tilespmem:s31+$0x0] =	vst.add.f32.msk $0xffff, v0  }
0x7d: {  	s29 =	sor.u32 $0x40, s21;
	v0 =	vld [tilespmem:$0x1E110]  }
0x7e: {  	[tilespmem:s29+$0x0] =	vst.add.f32.msk $0xffff, v1  }
0x7f: {  	v1 =	vld [tilespmem:$0x1E150];
	_ =	sdelay $0x1  }
0x80: {  	s8 =	sor.u32 $0x10, s31  }
0x81: {  	[tilespmem:s8+$0x0] =	vst.add.f32.msk $0xffff, v0  }
0x82: {  	s30 =	sor.u32 $0x50, s21;
	v0 =	vld [tilespmem:$0x1E120]  }
0x83: {  	[tilespmem:s30+$0x0] =	vst.add.f32.msk $0xffff, v1  }
0x84: {  	v1 =	vld [tilespmem:$0x1E160];
	_ =	sdelay $0x1  }
0x85: {  	s10 =	sor.u32 $0x20, s31  }
0x86: {  	[tilespmem:s10+$0x0] =	vst.add.f32.msk $0xffff, v0  }
0x87: {  	s7 =	sor.u32 $0x60, s21;
	v0 =	vld [tilespmem:$0x1E130]  }
0x88: {  	[tilespmem:s7+$0x0] =	vst.add.f32.msk $0xffff, v1  }
0x89: {  	v1 =	vld [tilespmem:$0x1E170];
	_ =	sdelay $0x1  }
0x8a: {  	s13 =	sor.u32 $0x30, s31  }
0x8b: {  	[tilespmem:s13+$0x0] =	vst.add.f32.msk $0xffff, v0  }
0x8c: {  	s9 =	sor.u32 $0x70, s21;
	v0 =	vld [tilespmem:$0x1E140]  }
0x8d: {  	[tilespmem:s9+$0x0] =	vst.add.f32.msk $0xffff, v1  }
0x8e: {  	v1 =	vld [tilespmem:$0x1E180];
	_ =	sdelay $0x1  }
0x8f: {  	s15 =	sor.u32 $0x40, s31  }
0x90: {  	s11 =	sadd.s32 $0x18C00, s1;
	[tilespmem:s15+$0x0] =	vst.add.f32.msk $0xffff, v0  }
0x91: {  	s12 =	sor.u32 s2, s11;
	v0 =	vld [tilespmem:$0x1E150]  }
0x92: {  	[tilespmem:s12+$0x0] =	vst.add.f32.msk $0xffff, v1  }
0x93: {  	v1 =	vld [tilespmem:$0x1E190];
	_ =	sdelay $0x1  }
0x94: {  	s17 =	sor.u32 $0x50, s31  }
0x95: {  	[tilespmem:s17+$0x0] =	vst.add.f32.msk $0xffff, v0  }
0x96: {  	s14 =	sor.u32 $0x10, s12;
	v0 =	vld [tilespmem:$0x1E160]  }
0x97: {  	[tilespmem:s14+$0x0] =	vst.add.f32.msk $0xffff, v1  }
0x98: {  	v1 =	vld [tilespmem:$0x1E1A0];
	_ =	sdelay $0x1  }
0x99: {  	s19 =	sor.u32 $0x60, s31  }
0x9a: {  	[tilespmem:s19+$0x0] =	vst.add.f32.msk $0xffff, v0  }
0x9b: {  	s16 =	sor.u32 $0x20, s12;
	v0 =	vld [tilespmem:$0x1E170]  }
0x9c: {  	[tilespmem:s16+$0x0] =	vst.add.f32.msk $0xffff, v1  }
0x9d: {  	v1 =	vld [tilespmem:$0x1E1B0];
	_ =	sdelay $0x1  }
0x9e: {  	s3 =	sor.u32 $0x70, s31  }
0x9f: {  	[tilespmem:s3+$0x0] =	vst.add.f32.msk $0xffff, v0  }
0xa0: {  	s18 =	sor.u32 $0x30, s12;
	v0 =	vld [tilespmem:$0x1E180]  }
0xa1: {  	[tilespmem:s18+$0x0] =	vst.add.f32.msk $0xffff, v1  }
0xa2: {  	v1 =	vld [tilespmem:$0x1E1C0];
	_ =	sdelay $0x1  }
0xa3: {  	s4 =	sor.u32 s0, s11  }
0xa4: {  	[tilespmem:s4+$0x0] =	vst.add.f32.msk $0xffff, v0  }
0xa5: {  	s20 =	sor.u32 $0x40, s12;
	v0 =	vld [tilespmem:$0x1E190]  }
0xa6: {  	[tilespmem:s20+$0x0] =	vst.add.f32.msk $0xffff, v1  }
0xa7: {  	v1 =	vld [tilespmem:$0x1E1D0];
	_ =	sdelay $0x1  }
0xa8: {  	v2 =	vld [tilespmem:$0x1E000];
	s23 =	sor.u32 $0x10, s4;
	s24 =	simm.s32 $0x0  }
0xa9: {  	s25 =	smul.u32 $0x6000, s24;
	[tilespmem:s23+$0x0] =	vst.add.f32.msk $0xffff, v0  }
0xaa: {  	s21 =	sor.u32 $0x50, s12;
	s10 =	simm.s32 $0x100;
	v0 =	vld [tilespmem:$0x1E1A0]  }
0xab: {  	s8 =	sshra.s32 s25, $0x2;
	s3 =	sand.u32 $0x300, s10;
	[tilespmem:s21+$0x0] =	vst.add.f32.msk $0xffff, v1  }
0xac: {  	s11 =	sadd.s32 $0x18000, s8;
	s9 =	sor.u32 $0x80, s3;
	v1 =	vld [tilespmem:$0x1E1E0]  }
0xad: {  	s7 =	sor.u32 s9, s11  }
0xae: {  	s28 =	sor.u32 $0x20, s4;
	[tilespmem:s7+$0x0] =	vst.add.f32.msk $0xffff, v2  }
0xaf: {  	[tilespmem:s28+$0x0] =	vst.add.f32.msk $0xffff, v0  }
0xb0: {  	s22 =	sor.u32 $0x60, s12;
	v0 =	vld [tilespmem:$0x1E010]  }
0xb1: {  	[tilespmem:s22+$0x0] =	vst.add.f32.msk $0xffff, v1  }
0xb2: {  	v1 =	vld [tilespmem:$0x1E1F0];
	_ =	sdelay $0x1  }
0xb3: {  	s26 =	sor.u32 $0x70, s12;
	s12 =	sor.u32 $0x10, s7  }
0xb4: {  	[tilespmem:s12+$0x0] =	vst.add.f32.msk $0xffff, v0  }
0xb5: {  	v0 =	vld [tilespmem:$0x1E020]  }
0xb6: {  	[tilespmem:s26+$0x0] =	vst.add.f32.msk $0xffff, v1  }
0xb7: {  	s11 =	sor.u32 s3, s11;
	v1 =	vld [tilespmem:$0x1E200]  }
0xb8: {  	[tilespmem:s11+$0x0] =	vst.add.f32.msk $0xffff, v2  }
0xb9: {  	s30 =	sor.u32 $0x20, s7;
	v2 =	vld [tilespmem:$0x1E010]  }
0xba: {  	s6 =	sadd.s32 $0x19000, s1;
	[tilespmem:s30+$0x0] =	vst.add.f32.msk $0xffff, v0  }
0xbb: {  	s5 =	sor.u32 s2, s6;
	v0 =	vld [tilespmem:$0x1E030]  }
0xbc: {  	[tilespmem:s5+$0x0] =	vst.add.f32.msk $0xffff, v1  }
0xbd: {  	v1 =	vld [tilespmem:$0x1E210]  }
0xbe: {  	s13 =	sor.u32 $0x10, s11  }
0xbf: {  	s15 =	sor.u32 $0x30, s7;
	[tilespmem:s13+$0x0] =	vst.add.f32.msk $0xffff, v2  }
0xc0: {  	[tilespmem:s15+$0x0] =	vst.add.f32.msk $0xffff, v0  }
0xc1: {  	s29 =	sor.u32 $0x10, s5;
	v0 =	vld [tilespmem:$0x1E040]  }
0xc2: {  	[tilespmem:s29+$0x0] =	vst.add.f32.msk $0xffff, v1  }
0xc3: {  	v1 =	vld [tilespmem:$0x1E020];
	_ =	sdelay $0x1  }
0xc4: {  	s17 =	sor.u32 $0x40, s7;
	v3 =	vld [tilespmem:$0x1E1B0]  }
0xc5: {  	[tilespmem:s17+$0x0] =	vst.add.f32.msk $0xffff, v0  }
0xc6: {  	s13 =	sor.u32 $0x20, s11;
	v0 =	vld [tilespmem:$0x1E050]  }
0xc7: {  	[tilespmem:s13+$0x0] =	vst.add.f32.msk $0xffff, v1  }
0xc8: {  	s31 =	sor.u32 $0x30, s4;
	v1 =	vld [tilespmem:$0x1E030]  }
0xc9: {  	[tilespmem:s31+$0x0] =	vst.add.f32.msk $0xffff, v3  }
0xca: {  	v3 =	vld [tilespmem:$0x1E1C0];
	s20 =	sor.u32 $0x50, s7  }
0xcb: {  	[tilespmem:s20+$0x0] =	vst.add.f32.msk $0xffff, v0  }
0xcc: {  	s16 =	sor.u32 $0x30, s11;
	v0 =	vld [tilespmem:$0x1E060]  }
0xcd: {  	[tilespmem:s16+$0x0] =	vst.add.f32.msk $0xffff, v1  }
0xce: {  	s21 =	sor.u32 $0x40, s4;
	v1 =	vld [tilespmem:$0x1E040]  }
0xcf: {  	[tilespmem:s21+$0x0] =	vst.add.f32.msk $0xffff, v3  }
0xd0: {  	s24 =	sor.u32 $0x60, s7;
	v3 =	vld [tilespmem:$0x1E1D0]  }
0xd1: {  	[tilespmem:s24+$0x0] =	vst.add.f32.msk $0xffff, v0  }
0xd2: {  	s19 =	sor.u32 $0x40, s11;
	v0 =	vld [tilespmem:$0x1E070]  }
0xd3: {  	[tilespmem:s19+$0x0] =	vst.add.f32.msk $0xffff, v1  }
0xd4: {  	s31 =	sor.u32 $0x50, s4;
	v1 =	vld [tilespmem:$0x1E050]  }
0xd5: {  	[tilespmem:s31+$0x0] =	vst.add.f32.msk $0xffff, v3  }
0xd6: {  	v3 =	vld [tilespmem:$0x1E1E0];
	s26 =	sor.u32 $0x70, s7  }
0xd7: {  	[tilespmem:s26+$0x0] =	vst.add.f32.msk $0xffff, v0  }
0xd8: {  	s22 =	sor.u32 $0x50, s11;
	v0 =	vld [tilespmem:$0x1E080]  }
0xd9: {  	[tilespmem:s22+$0x0] =	vst.add.f32.msk $0xffff, v1  }
0xda: {  	s20 =	sor.u32 $0x60, s4;
	v1 =	vld [tilespmem:$0x1E060]  }
0xdb: {  	[tilespmem:s20+$0x0] =	vst.add.f32.msk $0xffff, v3  }
0xdc: {  	s30 =	sor.u32 $0x400, s7;
	v2 =	vld [tilespmem:$0x1E220]  }
0xdd: {  	[tilespmem:s30+$0x0] =	vst.add.f32.msk $0xffff, v0  }
0xde: {  	s25 =	sor.u32 $0x60, s11;
	v0 =	vld [tilespmem:$0x1E090]  }
0xdf: {  	[tilespmem:s25+$0x0] =	vst.add.f32.msk $0xffff, v1  }
0xe0: {  	s14 =	sor.u32 $0x20, s5;
	v1 =	vld [tilespmem:$0x1E070]  }
0xe1: {  	[tilespmem:s14+$0x0] =	vst.add.f32.msk $0xffff, v2  }
0xe2: {  	s15 =	sor.u32 $0x410, s7;
	v2 =	vld [tilespmem:$0x1E230]  }
0xe3: {  	[tilespmem:s15+$0x0] =	vst.add.f32.msk $0xffff, v0  }
0xe4: {  	s29 =	sor.u32 $0x70, s11;
	v0 =	vld [tilespmem:$0x1E0A0]  }
0xe5: {  	[tilespmem:s29+$0x0] =	vst.add.f32.msk $0xffff, v1  }
0xe6: {  	s18 =	sor.u32 $0x30, s5;
	v1 =	vld [tilespmem:$0x1E080]  }
0xe7: {  	[tilespmem:s18+$0x0] =	vst.add.f32.msk $0xffff, v2  }
0xe8: {  	s17 =	sor.u32 $0x420, s7;
	v2 =	vld [tilespmem:$0x1E240]  }
0xe9: {  	[tilespmem:s17+$0x0] =	vst.add.f32.msk $0xffff, v0  }
0xea: {  	s13 =	sor.u32 $0x400, s11;
	v0 =	vld [tilespmem:$0x1E0B0]  }
0xeb: {  	[tilespmem:s13+$0x0] =	vst.add.f32.msk $0xffff, v1  }
0xec: {  	s23 =	sor.u32 $0x40, s5;
	v1 =	vld [tilespmem:$0x1E090]  }
0xed: {  	[tilespmem:s23+$0x0] =	vst.add.f32.msk $0xffff, v2  }
0xee: {  	s19 =	sor.u32 $0x430, s7;
	v2 =	vld [tilespmem:$0x1E250]  }
0xef: {  	[tilespmem:s19+$0x0] =	vst.add.f32.msk $0xffff, v0  }
0xf0: {  	s16 =	sor.u32 $0x410, s11;
	v0 =	vld [tilespmem:$0x1E0C0]  }
0xf1: {  	[tilespmem:s16+$0x0] =	vst.add.f32.msk $0xffff, v1  }
0xf2: {  	s28 =	sor.u32 $0x50, s5;
	v1 =	vld [tilespmem:$0x1E0A0]  }
0xf3: {  	[tilespmem:s28+$0x0] =	vst.add.f32.msk $0xffff, v2  }
0xf4: {  	s22 =	sor.u32 $0x440, s7;
	v2 =	vld [tilespmem:$0x1E260]  }
0xf5: {  	[tilespmem:s22+$0x0] =	vst.add.f32.msk $0xffff, v0  }
0xf6: {  	s18 =	sor.u32 $0x420, s11;
	v0 =	vld [tilespmem:$0x1E0D0]  }
0xf7: {  	[tilespmem:s18+$0x0] =	vst.add.f32.msk $0xffff, v1  }
0xf8: {  	s14 =	sor.u32 $0x60, s5;
	v1 =	vld [tilespmem:$0x1E0B0]  }
0xf9: {  	[tilespmem:s14+$0x0] =	vst.add.f32.msk $0xffff, v2  }
0xfa: {  	s24 =	sor.u32 $0x450, s7;
	v2 =	vld [tilespmem:$0x1E270]  }
0xfb: {  	[tilespmem:s24+$0x0] =	vst.add.f32.msk $0xffff, v0  }
0xfc: {  	s21 =	sor.u32 $0x430, s11;
	v0 =	vld [tilespmem:$0x1E0E0]  }
0xfd: {  	[tilespmem:s21+$0x0] =	vst.add.f32.msk $0xffff, v1  }
0xfe: {  	s5 =	sor.u32 $0x70, s5;
	v1 =	vld [tilespmem:$0x1E0C0]  }
0xff: {  	[tilespmem:s5+$0x0] =	vst.add.f32.msk $0xffff, v2  }
0x100: {  	s28 =	sor.u32 $0x460, s7;
	v2 =	vld [tilespmem:$0x1E280]  }
0x101: {  	[tilespmem:s28+$0x0] =	vst.add.f32.msk $0xffff, v0  }
0x102: {  	s23 =	sor.u32 $0x440, s11;
	v0 =	vld [tilespmem:$0x1E0F0]  }
0x103: {  	s5 =	sadd.s32 $0x19400, s1;
	[tilespmem:s23+$0x0] =	vst.add.f32.msk $0xffff, v1  }
0x104: {  	s1 =	sor.u32 s2, s5;
	v1 =	vld [tilespmem:$0x1E0D0]  }
0x105: {  	[tilespmem:s1+$0x0] =	vst.add.f32.msk $0xffff, v2  }
0x106: {  	v2 =	vld [tilespmem:$0x1E290]  }
0x107: {  	v3 =	vld [tilespmem:$0x1E1F0];
	s29 =	sor.u32 $0x70, s4;
	s4 =	sor.u32 $0x470, s7  }
0x108: {  	s26 =	sor.u32 $0x450, s11;
	[tilespmem:s4+$0x0] =	vst.add.f32.msk $0xffff, v0  }
0x109: {  	[tilespmem:s26+$0x0] =	vst.add.f32.msk $0xffff, v1  }
0x10a: {  	s25 =	sor.u32 $0x10, s1;
	v1 =	vld [tilespmem:$0x1E0E0]  }
0x10b: {  	[tilespmem:s25+$0x0] =	vst.add.f32.msk $0xffff, v2  }
0x10c: {  	v0 =	vld [tilespmem:$0x1E100]  }
0x10d: {  	v2 =	vld [tilespmem:$0x1E2A0]  }
0x10e: {  	s30 =	sor.u32 $0x460, s11;
	[tilespmem:s29+$0x0] =	vst.add.f32.msk $0xffff, v3  }
0x10f: {  	s7 =	sor.u32 $0x470, s11;
	s11 =	sadd.s32 $0x18800, s8;
	[tilespmem:s30+$0x0] =	vst.add.f32.msk $0xffff, v1  }
0x110: {  	s12 =	sor.u32 s9, s11;
	v1 =	vld [tilespmem:$0x1E0F0]  }
0x111: {  	s31 =	sor.u32 $0x20, s1;
	[tilespmem:s12+$0x0] =	vst.add.f32.msk $0xffff, v0  }
0x112: {  	[tilespmem:s31+$0x0] =	vst.add.f32.msk $0xffff, v2  }
0x113: {  	v2 =	vld [tilespmem:$0x1E200]  }
0x114: {  	v0 =	vld [tilespmem:$0x1E110]  }
0x115: {  	[tilespmem:s7+$0x0] =	vst.add.f32.msk $0xffff, v1  }
0x116: {  	v1 =	vld [tilespmem:$0x1E100];
	_ =	sdelay $0x1  }
0x117: {  	s2 =	sor.u32 s0, s6;
	v3 =	vld [tilespmem:$0x1E2B0]  }
0x118: {  	s13 =	sor.u32 $0x10, s12;
	[tilespmem:s2+$0x0] =	vst.add.f32.msk $0xffff, v2  }
0x119: {  	s4 =	sor.u32 s3, s11;
	[tilespmem:s13+$0x0] =	vst.add.f32.msk $0xffff, v0  }
0x11a: {  	[tilespmem:s4+$0x0] =	vst.add.f32.msk $0xffff, v1  }
0x11b: {  	v1 =	vld [tilespmem:$0x1E110]  }
0x11c: {  	v2 =	vld [tilespmem:$0x1E210]  }
0x11d: {  	s14 =	sor.u32 $0x30, s1;
	v0 =	vld [tilespmem:$0x1E120]  }
0x11e: {  	[tilespmem:s14+$0x0] =	vst.add.f32.msk $0xffff, v3  }
0x11f: {  	s15 =	sor.u32 $0x10, s4;
	v3 =	vld [tilespmem:$0x1E2C0]  }
0x120: {  	[tilespmem:s15+$0x0] =	vst.add.f32.msk $0xffff, v1  }
0x121: {  	s17 =	sor.u32 $0x20, s12;
	v1 =	vld [tilespmem:$0x1E120]  }
0x122: {  	[tilespmem:s17+$0x0] =	vst.add.f32.msk $0xffff, v0  }
0x123: {  	s16 =	sor.u32 $0x10, s2;
	v0 =	vld [tilespmem:$0x1E130]  }
0x124: {  	[tilespmem:s16+$0x0] =	vst.add.f32.msk $0xffff, v2  }
0x125: {  	s18 =	sor.u32 $0x20, s4;
	v2 =	vld [tilespmem:$0x1E220]  }
0x126: {  	[tilespmem:s18+$0x0] =	vst.add.f32.msk $0xffff, v1  }
0x127: {  	s19 =	sor.u32 $0x30, s12;
	v1 =	vld [tilespmem:$0x1E130]  }
0x128: {  	[tilespmem:s19+$0x0] =	vst.add.f32.msk $0xffff, v0  }
0x129: {  	s23 =	sor.u32 $0x40, s1;
	v0 =	vld [tilespmem:$0x1E140]  }
0x12a: {  	[tilespmem:s23+$0x0] =	vst.add.f32.msk $0xffff, v3  }
0x12b: {  	s21 =	sor.u32 $0x30, s4;
	v3 =	vld [tilespmem:$0x1E2D0]  }
0x12c: {  	[tilespmem:s21+$0x0] =	vst.add.f32.msk $0xffff, v1  }
0x12d: {  	s22 =	sor.u32 $0x40, s12;
	v1 =	vld [tilespmem:$0x1E140]  }
0x12e: {  	[tilespmem:s22+$0x0] =	vst.add.f32.msk $0xffff, v0  }
0x12f: {  	s20 =	sor.u32 $0x20, s2;
	v0 =	vld [tilespmem:$0x1E150]  }
0x130: {  	[tilespmem:s20+$0x0] =	vst.add.f32.msk $0xffff, v2  }
0x131: {  	s24 =	sor.u32 $0x40, s4;
	v2 =	vld [tilespmem:$0x1E230]  }
0x132: {  	[tilespmem:s24+$0x0] =	vst.add.f32.msk $0xffff, v1  }
0x133: {  	s26 =	sor.u32 $0x50, s12;
	v1 =	vld [tilespmem:$0x1E150]  }
0x134: {  	[tilespmem:s26+$0x0] =	vst.add.f32.msk $0xffff, v0  }
0x135: {  	s29 =	sor.u32 $0x60, s12;
	s11 =	sor.u32 $0x70, s12;
	s12 =	sor.u32 $0x50, s1;
	v0 =	vld [tilespmem:$0x1E160]  }
0x136: {  	[tilespmem:s12+$0x0] =	vst.add.f32.msk $0xffff, v3  }
0x137: {  	s28 =	sor.u32 $0x50, s4;
	v3 =	vld [tilespmem:$0x1E2E0]  }
0x138: {  	[tilespmem:s28+$0x0] =	vst.add.f32.msk $0xffff, v1  }
0x139: {  	v1 =	vld [tilespmem:$0x1E160]  }
0x13a: {  	[tilespmem:s29+$0x0] =	vst.add.f32.msk $0xffff, v0  }
0x13b: {  	s25 =	sor.u32 $0x30, s2;
	v0 =	vld [tilespmem:$0x1E170]  }
0x13c: {  	[tilespmem:s25+$0x0] =	vst.add.f32.msk $0xffff, v2  }
0x13d: {  	s31 =	sor.u32 $0x60, s4;
	v2 =	vld [tilespmem:$0x1E240]  }
0x13e: {  	[tilespmem:s31+$0x0] =	vst.add.f32.msk $0xffff, v1  }
0x13f: {  	v1 =	vld [tilespmem:$0x1E170]  }
0x140: {  	[tilespmem:s11+$0x0] =	vst.add.f32.msk $0xffff, v0  }
0x141: {  	s30 =	sor.u32 $0x40, s2;
	v0 =	vld [tilespmem:$0x1E180]  }
0x142: {  	[tilespmem:s30+$0x0] =	vst.add.f32.msk $0xffff, v2  }
0x143: {  	v2 =	vld [tilespmem:$0x1E250];
	s4 =	sor.u32 $0x70, s4  }
0x144: {  	s14 =	sadd.s32 $0x18C00, s8;
	[tilespmem:s4+$0x0] =	vst.add.f32.msk $0xffff, v1  }
0x145: {  	s15 =	sor.u32 s9, s14;
	v1 =	vld [tilespmem:$0x1E180]  }
0x146: {  	[tilespmem:s15+$0x0] =	vst.add.f32.msk $0xffff, v0  }
0x147: {  	s13 =	sor.u32 $0x50, s2;
	v0 =	vld [tilespmem:$0x1E190]  }
0x148: {  	[tilespmem:s13+$0x0] =	vst.add.f32.msk $0xffff, v2  }
0x149: {  	s16 =	sor.u32 s3, s14;
	v2 =	vld [tilespmem:$0x1E260]  }
0x14a: {  	[tilespmem:s16+$0x0] =	vst.add.f32.msk $0xffff, v1  }
0x14b: {  	s17 =	sor.u32 $0x10, s15;
	v1 =	vld [tilespmem:$0x1E190]  }
0x14c: {  	[tilespmem:s17+$0x0] =	vst.add.f32.msk $0xffff, v0  }
0x14d: {  	s18 =	sor.u32 $0x60, s2;
	v0 =	vld [tilespmem:$0x1E1A0]  }
0x14e: {  	[tilespmem:s18+$0x0] =	vst.add.f32.msk $0xffff, v2  }
0x14f: {  	s19 =	sor.u32 $0x10, s16;
	v2 =	vld [tilespmem:$0x1E270]  }
0x150: {  	[tilespmem:s19+$0x0] =	vst.add.f32.msk $0xffff, v1  }
0x151: {  	s20 =	sor.u32 $0x20, s15;
	v1 =	vld [tilespmem:$0x1E1A0]  }
0x152: {  	[tilespmem:s20+$0x0] =	vst.add.f32.msk $0xffff, v0  }
0x153: {  	s21 =	sor.u32 $0x60, s1;
	v0 =	vld [tilespmem:$0x1E1B0]  }
0x154: {  	s2 =	sor.u32 $0x70, s2;
	[tilespmem:s21+$0x0] =	vst.add.f32.msk $0xffff, v3  }
0x155: {  	s22 =	sor.u32 $0x20, s16;
	[tilespmem:s2+$0x0] =	vst.add.f32.msk $0xffff, v2  }
0x156: {  	[tilespmem:s22+$0x0] =	vst.add.f32.msk $0xffff, v1  }
0x157: {  	s23 =	sor.u32 $0x30, s15;
	v1 =	vld [tilespmem:$0x1E1B0]  }
0x158: {  	[tilespmem:s23+$0x0] =	vst.add.f32.msk $0xffff, v0  }
0x159: {  	v0 =	vld [tilespmem:$0x1E1C0]  }
0x15a: {  	v2 =	vld [tilespmem:$0x1E280]  }
0x15b: {  	v3 =	vld [tilespmem:$0x1E2F0];
	s24 =	sor.u32 $0x30, s16  }
0x15c: {  	[tilespmem:s24+$0x0] =	vst.add.f32.msk $0xffff, v1  }
0x15d: {  	s25 =	sor.u32 $0x40, s15;
	v1 =	vld [tilespmem:$0x1E1C0]  }
0x15e: {  	[tilespmem:s25+$0x0] =	vst.add.f32.msk $0xffff, v0  }
0x15f: {  	s0 =	sor.u32 s0, s5;
	v0 =	vld [tilespmem:$0x1E1D0]  }
0x160: {  	[tilespmem:s0+$0x0] =	vst.add.f32.msk $0xffff, v2  }
0x161: {  	s26 =	sor.u32 $0x40, s16;
	v2 =	vld [tilespmem:$0x1E290]  }
0x162: {  	[tilespmem:s26+$0x0] =	vst.add.f32.msk $0xffff, v1  }
0x163: {  	s28 =	sor.u32 $0x50, s15;
	v1 =	vld [tilespmem:$0x1E1D0]  }
0x164: {  	[tilespmem:s28+$0x0] =	vst.add.f32.msk $0xffff, v0  }
0x165: {  	s1 =	sor.u32 $0x70, s1;
	v0 =	vld [tilespmem:$0x1E1E0]  }
0x166: {  	s30 =	sor.u32 $0x10, s0;
	[tilespmem:s1+$0x0] =	vst.add.f32.msk $0xffff, v3  }
0x167: {  	s29 =	sor.u32 $0x50, s16;
	[tilespmem:s30+$0x0] =	vst.add.f32.msk $0xffff, v2  }
0x168: {  	[tilespmem:s29+$0x0] =	vst.add.f32.msk $0xffff, v1  }
0x169: {  	s31 =	sor.u32 $0x60, s15;
	v1 =	vld [tilespmem:$0x1E1E0]  }
0x16a: {  	s6 =	simm.s32 $0x2;
	s5 =	sor.u32 $0x70, s0;
	s12 =	sor.u32 $0x30, s0;
	[tilespmem:s31+$0x0] =	vst.add.f32.msk $0xffff, v0  }
0x16b: {  	s13 =	sor.u32 $0x20, s0;
	s18 =	sor.u32 $0x60, s0;
	s21 =	sor.u32 $0x40, s0;
	v0 =	vld [tilespmem:$0x1E2A0]  }
0x16c: {  	s1 =	sor.u32 $0x60, s16;
	v2 =	vld [tilespmem:$0x1E1F0];
	s19 =	sor.u32 $0x50, s0;
	s0 =	sor.u32 $0x70, s16  }
.LBB2_2:
0x16d: {  	_ = 	snop  }
0x16e: {  	s6 =	sadd.s32 $0x2, s6;
	[tilespmem:s1+$0x0] =	vst.add.f32.msk $0xffff, v1  }
0x16f: {  	[smem:$0x7EC] =	sst s19;
	s19 =	sshrl.u32 s6, $0x3;
	v1 =	vld [tilespmem:$0x1E1F0]  }
0x170: {  	s4 =	sor.u32 $0x70, s15;
	s1 =	smul.u32 $0x6000, s19;
	v3 =	vld [tilespmem:$0x1E000]  }
0x171: {  	s10 =	sadd.s32 $0x100, s10;
	[tilespmem:s4+$0x0] =	vst.add.f32.msk $0xffff, v2  }
0x172: {  	s14 =	sand.u32 $0x300, s10;
	s16 =	sshra.s32 s1, $0x2;
	v2 =	vld [tilespmem:$0x1E200]  }
0x173: {  	[tilespmem:s13+$0x0] =	vst.add.f32.msk $0xffff, v0;
	s1 =	sor.u32 $0x80, s14;
	s20 =	sadd.s32 $0x18000, s16  }
0x174: {  	s22 =	sor.u32 s1, s20;
	[tilespmem:s0+$0x0] =	vst.add.f32.msk $0xffff, v1  }
0x175: {  	s23 =	sadd.s32 $0x19000, s8;
	[tilespmem:s22+$0x0] =	vst.add.f32.msk $0xffff, v3  }
0x176: {  	s13 =	sor.u32 s9, s23;
	v0 =	vld [tilespmem:$0x1E010]  }
0x177: {  	[tilespmem:s13+$0x0] =	vst.add.f32.msk $0xffff, v2  }
0x178: {  	[smem:$0x7E9] =	sst s21;
	s21 =	sor.u32 s14, s20;
	v1 =	vld [tilespmem:$0x1E210]  }
0x179: {  	[tilespmem:s21+$0x0] =	vst.add.f32.msk $0xffff, v3  }
0x17a: {  	s11 =	sor.u32 $0x10, s22;
	v2 =	vld [tilespmem:$0x1E010]  }
0x17b: {  	[tilespmem:s11+$0x0] =	vst.add.f32.msk $0xffff, v0  }
0x17c: {  	s23 =	sor.u32 s3, s23;
	s11 =	sor.u32 $0x10, s13;
	v0 =	vld [tilespmem:$0x1E020]  }
0x17d: {  	s15 =	sor.u32 $0x30, s23;
	[tilespmem:s11+$0x0] =	vst.add.f32.msk $0xffff, v1  }
0x17e: {  	[smem:$0x7EA] =	sst s15;
	s15 =	sor.u32 $0x40, s23;
	s2 =	sor.u32 $0x10, s21;
	v1 =	vld [tilespmem:$0x1E220]  }
0x17f: {  	[smem:$0x7EB] =	sst s15;
	s15 =	sor.u32 $0x50, s23;
	[tilespmem:s2+$0x0] =	vst.add.f32.msk $0xffff, v2  }
0x180: {  	[smem:$0x7ED] =	sst s15;
	s15 =	sor.u32 $0x60, s23;
	s11 =	sor.u32 $0x20, s22;
	v2 =	vld [tilespmem:$0x1E020]  }
0x181: {  	[smem:$0x7EE] =	sst s15;
	s15 =	sor.u32 $0x70, s23;
	[tilespmem:s11+$0x0] =	vst.add.f32.msk $0xffff, v0  }
0x182: {  	[smem:$0x7F0] =	sst s15;
	s15 =	sor.u32 $0x20, s13;
	v0 =	vld [tilespmem:$0x1E030]  }
0x183: {  	[tilespmem:s15+$0x0] =	vst.add.f32.msk $0xffff, v1  }
0x184: {  	s7 =	sor.u32 $0x20, s21;
	v1 =	vld [tilespmem:$0x1E230]  }
0x185: {  	[tilespmem:s7+$0x0] =	vst.add.f32.msk $0xffff, v2  }
0x186: {  	s11 =	sor.u32 $0x30, s22;
	v2 =	vld [tilespmem:$0x1E030]  }
0x187: {  	[tilespmem:s11+$0x0] =	vst.add.f32.msk $0xffff, v0  }
0x188: {  	s15 =	sor.u32 $0x30, s13;
	v0 =	vld [tilespmem:$0x1E040]  }
0x189: {  	[tilespmem:s15+$0x0] =	vst.add.f32.msk $0xffff, v1  }
0x18a: {  	s30 =	sor.u32 $0x30, s21;
	v1 =	vld [tilespmem:$0x1E240]  }
0x18b: {  	[tilespmem:s30+$0x0] =	vst.add.f32.msk $0xffff, v2  }
0x18c: {  	s30 =	sor.u32 $0x40, s22;
	v2 =	vld [tilespmem:$0x1E040]  }
0x18d: {  	[tilespmem:s30+$0x0] =	vst.add.f32.msk $0xffff, v0  }
0x18e: {  	s7 =	sor.u32 $0x40, s13;
	v0 =	vld [tilespmem:$0x1E050]  }
0x18f: {  	[tilespmem:s7+$0x0] =	vst.add.f32.msk $0xffff, v1  }
0x190: {  	s25 =	sor.u32 $0x40, s21;
	v1 =	vld [tilespmem:$0x1E250]  }
0x191: {  	[tilespmem:s25+$0x0] =	vst.add.f32.msk $0xffff, v2  }
0x192: {  	s11 =	sor.u32 $0x50, s22;
	v2 =	vld [tilespmem:$0x1E050]  }
0x193: {  	[tilespmem:s11+$0x0] =	vst.add.f32.msk $0xffff, v0  }
0x194: {  	s15 =	sor.u32 $0x50, s13;
	v0 =	vld [tilespmem:$0x1E060]  }
0x195: {  	[tilespmem:s15+$0x0] =	vst.add.f32.msk $0xffff, v1  }
0x196: {  	s20 =	sor.u32 $0x50, s21;
	v1 =	vld [tilespmem:$0x1E260]  }
0x197: {  	[tilespmem:s20+$0x0] =	vst.add.f32.msk $0xffff, v2  }
0x198: {  	s20 =	sor.u32 $0x60, s22;
	v2 =	vld [tilespmem:$0x1E060]  }
0x199: {  	[tilespmem:s20+$0x0] =	vst.add.f32.msk $0xffff, v0  }
0x19a: {  	s25 =	sor.u32 $0x60, s13;
	v0 =	vld [tilespmem:$0x1E070]  }
0x19b: {  	[tilespmem:s25+$0x0] =	vst.add.f32.msk $0xffff, v1  }
0x19c: {  	[smem:$0x7EF] =	sst s18;
	s18 =	sor.u32 $0x60, s21;
	v1 =	vld [tilespmem:$0x1E270]  }
0x19d: {  	[tilespmem:s18+$0x0] =	vst.add.f32.msk $0xffff, v2  }
0x19e: {  	s30 =	sor.u32 $0x70, s22;
	v2 =	vld [tilespmem:$0x1E070]  }
0x19f: {  	[tilespmem:s30+$0x0] =	vst.add.f32.msk $0xffff, v0  }
0x1a0: {  	s7 =	sor.u32 $0x70, s13;
	v0 =	vld [tilespmem:$0x1E080]  }
0x1a1: {  	[tilespmem:s7+$0x0] =	vst.add.f32.msk $0xffff, v1  }
0x1a2: {  	[smem:$0x7F1] =	sst s5;
	s5 =	sor.u32 $0x70, s21;
	v1 =	vld [tilespmem:$0x1E280]  }
0x1a3: {  	[tilespmem:s5+$0x0] =	vst.add.f32.msk $0xffff, v2  }
0x1a4: {  	s11 =	sor.u32 $0x400, s22;
	v2 =	vld [tilespmem:$0x1E080]  }
0x1a5: {  	s13 =	sadd.s32 $0x19400, s8;
	[tilespmem:s11+$0x0] =	vst.add.f32.msk $0xffff, v0  }
0x1a6: {  	s18 =	sor.u32 s9, s13;
	v0 =	vld [tilespmem:$0x1E090]  }
0x1a7: {  	[tilespmem:s18+$0x0] =	vst.add.f32.msk $0xffff, v1  }
0x1a8: {  	s17 =	sor.u32 $0x400, s21;
	v1 =	vld [tilespmem:$0x1E290]  }
0x1a9: {  	[tilespmem:s17+$0x0] =	vst.add.f32.msk $0xffff, v2  }
0x1aa: {  	s15 =	sor.u32 $0x410, s22;
	v2 =	vld [tilespmem:$0x1E090]  }
0x1ab: {  	[tilespmem:s15+$0x0] =	vst.add.f32.msk $0xffff, v0  }
0x1ac: {  	s17 =	sor.u32 $0x10, s18;
	v0 =	vld [tilespmem:$0x1E0A0]  }
0x1ad: {  	[tilespmem:s17+$0x0] =	vst.add.f32.msk $0xffff, v1  }
0x1ae: {  	s4 =	sor.u32 $0x410, s21;
	v1 =	vld [tilespmem:$0x1E2A0]  }
0x1af: {  	[tilespmem:s4+$0x0] =	vst.add.f32.msk $0xffff, v2  }
0x1b0: {  	s2 =	sor.u32 $0x420, s22;
	v2 =	vld [tilespmem:$0x1E0A0]  }
0x1b1: {  	[tilespmem:s2+$0x0] =	vst.add.f32.msk $0xffff, v0  }
0x1b2: {  	s4 =	sor.u32 $0x20, s18;
	v0 =	vld [tilespmem:$0x1E0B0]  }
0x1b3: {  	[tilespmem:s4+$0x0] =	vst.add.f32.msk $0xffff, v1  }
0x1b4: {  	s0 =	sor.u32 $0x420, s21;
	v1 =	vld [tilespmem:$0x1E2B0]  }
0x1b5: {  	[tilespmem:s0+$0x0] =	vst.add.f32.msk $0xffff, v2  }
0x1b6: {  	s7 =	sor.u32 $0x430, s22;
	v2 =	vld [tilespmem:$0x1E0B0]  }
0x1b7: {  	[tilespmem:s7+$0x0] =	vst.add.f32.msk $0xffff, v0  }
0x1b8: {  	s11 =	sor.u32 $0x30, s18;
	v0 =	vld [tilespmem:$0x1E0C0]  }
0x1b9: {  	[tilespmem:s11+$0x0] =	vst.add.f32.msk $0xffff, v1  }
0x1ba: {  	s31 =	sor.u32 $0x430, s21;
	v1 =	vld [tilespmem:$0x1E2C0]  }
0x1bb: {  	[tilespmem:s31+$0x0] =	vst.add.f32.msk $0xffff, v2  }
0x1bc: {  	s15 =	sor.u32 $0x440, s22;
	v2 =	vld [tilespmem:$0x1E0C0]  }
0x1bd: {  	[tilespmem:s15+$0x0] =	vst.add.f32.msk $0xffff, v0  }
0x1be: {  	s17 =	sor.u32 $0x40, s18;
	v0 =	vld [tilespmem:$0x1E0D0]  }
0x1bf: {  	[tilespmem:s17+$0x0] =	vst.add.f32.msk $0xffff, v1  }
0x1c0: {  	s29 =	sor.u32 $0x440, s21;
	v1 =	vld [tilespmem:$0x1E2D0]  }
0x1c1: {  	[tilespmem:s29+$0x0] =	vst.add.f32.msk $0xffff, v2  }
0x1c2: {  	s29 =	sor.u32 $0x450, s22;
	v2 =	vld [tilespmem:$0x1E0D0]  }
0x1c3: {  	[tilespmem:s29+$0x0] =	vst.add.f32.msk $0xffff, v0  }
0x1c4: {  	s31 =	sor.u32 $0x50, s18;
	v0 =	vld [tilespmem:$0x1E0E0]  }
0x1c5: {  	[tilespmem:s31+$0x0] =	vst.add.f32.msk $0xffff, v1  }
0x1c6: {  	s28 =	sor.u32 $0x450, s21;
	v1 =	vld [tilespmem:$0x1E2E0]  }
0x1c7: {  	[tilespmem:s28+$0x0] =	vst.add.f32.msk $0xffff, v2  }
0x1c8: {  	s9 =	smov.u32 s1;
	s1 =	sor.u32 $0x460, s22;
	v2 =	vld [tilespmem:$0x1E0E0]  }
0x1c9: {  	[tilespmem:s1+$0x0] =	vst.add.f32.msk $0xffff, v0  }
0x1ca: {  	s2 =	sor.u32 $0x60, s18;
	v0 =	vld [tilespmem:$0x1E0F0]  }
0x1cb: {  	[tilespmem:s2+$0x0] =	vst.add.f32.msk $0xffff, v1  }
0x1cc: {  	s26 =	sor.u32 $0x460, s21;
	v1 =	vld [tilespmem:$0x1E2F0]  }
0x1cd: {  	[tilespmem:s26+$0x0] =	vst.add.f32.msk $0xffff, v2  }
0x1ce: {  	s4 =	sor.u32 $0x470, s22;
	v2 =	vld [tilespmem:$0x1E0F0]  }
0x1cf: {  	[tilespmem:s4+$0x0] =	vst.add.f32.msk $0xffff, v0  }
0x1d0: {  	s7 =	sor.u32 $0x70, s18;
	v0 =	vld [tilespmem:$0x1E100]  }
0x1d1: {  	[tilespmem:s7+$0x0] =	vst.add.f32.msk $0xffff, v1  }
0x1d2: {  	s24 =	sor.u32 $0x470, s21;
	v1 =	vld [tilespmem:$0x1E200]  }
0x1d3: {  	s8 =	smov.u32 s16;
	[tilespmem:s24+$0x0] =	vst.add.f32.msk $0xffff, v2  }
0x1d4: {  	s11 =	sadd.s32 $0x18800, s8;
	v2 =	vld [tilespmem:$0x1E100]  }
0x1d5: {  	s0 =	sor.u32 s9, s11;
	v3 =	vld [tilespmem:$0x1E2B0]  }
0x1d6: {  	[tilespmem:s0+$0x0] =	vst.add.f32.msk $0xffff, v0  }
0x1d7: {  	s16 =	sor.u32 s3, s13;
	s3 =	smov.u32 s14;
	v0 =	vld [tilespmem:$0x1E110]  }
0x1d8: {  	s15 =	sor.u32 s3, s11;
	[tilespmem:s23+$0x0] =	vst.add.f32.msk $0xffff, v1  }
0x1d9: {  	[tilespmem:s15+$0x0] =	vst.add.f32.msk $0xffff, v2  }
0x1da: {  	v1 =	vld [tilespmem:$0x1E110]  }
0x1db: {  	s28 =	sor.u32 $0x10, s0;
	v2 =	vld [tilespmem:$0x1E210]  }
0x1dc: {  	[tilespmem:s28+$0x0] =	vst.add.f32.msk $0xffff, v0  }
0x1dd: {  	v0 =	vld [tilespmem:$0x1E120]  }
0x1de: {  	s17 =	sor.u32 $0x10, s15;
	[tilespmem:s12+$0x0] =	vst.add.f32.msk $0xffff, v3  }
0x1df: {  	[tilespmem:s17+$0x0] =	vst.add.f32.msk $0xffff, v1  }
0x1e0: {  	s21 =	sor.u32 $0x10, s23;
	v1 =	vld [tilespmem:$0x1E120]  }
0x1e1: {  	s29 =	sor.u32 $0x20, s0;
	[tilespmem:s21+$0x0] =	vst.add.f32.msk $0xffff, v2  }
0x1e2: {  	[tilespmem:s29+$0x0] =	vst.add.f32.msk $0xffff, v0  }
0x1e3: {  	v0 =	vld [tilespmem:$0x1E130]  }
0x1e4: {  	s18 =	sor.u32 $0x20, s15;
	v2 =	vld [tilespmem:$0x1E220]  }
0x1e5: {  	[tilespmem:s18+$0x0] =	vst.add.f32.msk $0xffff, v1  }
0x1e6: {  	v1 =	vld [tilespmem:$0x1E130]  }
0x1e7: {  	s31 =	sor.u32 $0x30, s0;
	v3 =	vld [tilespmem:$0x1E2C0]  }
0x1e8: {  	[tilespmem:s31+$0x0] =	vst.add.f32.msk $0xffff, v0  }
0x1e9: {  	s19 =	sor.u32 $0x20, s23;
	v0 =	vld [tilespmem:$0x1E140]  }
0x1ea: {  	s22 =	sor.u32 $0x30, s15;
	[tilespmem:s19+$0x0] =	vst.add.f32.msk $0xffff, v2  }
0x1eb: {  	[tilespmem:s22+$0x0] =	vst.add.f32.msk $0xffff, v1  }
0x1ec: {  	s5 =	sor.u32 $0x30, s16;
	v1 =	vld [tilespmem:$0x1E140]  }
0x1ed: {  	s7 =	sld [smem:$0x7E9];
	s12 =	smov.u32 s5;
	s5 =	sor.u32 $0x40, s0;
	v2 =	vld [tilespmem:$0x1E230]  }
0x1ee: {  	[tilespmem:s5+$0x0] =	vst.add.f32.msk $0xffff, v0  }
0x1ef: {  	s1 =	sor.u32 $0x40, s15;
	s26 =	sor.u32 $0x70, s15;
	v0 =	vld [tilespmem:$0x1E150]  }
0x1f0: {  	s4 =	sor.u32 $0x50, s15;
	s24 =	sor.u32 $0x60, s15;
	s15 =	sld [smem:$0x7EA];
	[tilespmem:s7+$0x0] =	vst.add.f32.msk $0xffff, v3  }
0x1f1: {  	[tilespmem:s1+$0x0] =	vst.add.f32.msk $0xffff, v1  }
0x1f2: {  	v1 =	vld [tilespmem:$0x1E150]  }
0x1f3: {  	s11 =	sor.u32 $0x50, s0;
	[tilespmem:s15+$0x0] =	vst.add.f32.msk $0xffff, v2  }
0x1f4: {  	[tilespmem:s11+$0x0] =	vst.add.f32.msk $0xffff, v0  }
0x1f5: {  	v0 =	vld [tilespmem:$0x1E160]  }
0x1f6: {  	v2 =	vld [tilespmem:$0x1E240]  }
0x1f7: {  	[tilespmem:s4+$0x0] =	vst.add.f32.msk $0xffff, v1  }
0x1f8: {  	v1 =	vld [tilespmem:$0x1E160]  }
0x1f9: {  	s17 =	sor.u32 $0x60, s0;
	s18 =	sld [smem:$0x7EB];
	v3 =	vld [tilespmem:$0x1E2D0]  }
0x1fa: {  	[tilespmem:s17+$0x0] =	vst.add.f32.msk $0xffff, v0  }
0x1fb: {  	v0 =	vld [tilespmem:$0x1E170]  }
0x1fc: {  	[tilespmem:s18+$0x0] =	vst.add.f32.msk $0xffff, v2  }
0x1fd: {  	[tilespmem:s24+$0x0] =	vst.add.f32.msk $0xffff, v1  }
0x1fe: {  	v1 =	vld [tilespmem:$0x1E170]  }
0x1ff: {  	s0 =	sor.u32 $0x70, s0;
	s19 =	sld [smem:$0x7EC];
	v2 =	vld [tilespmem:$0x1E250]  }
0x200: {  	[tilespmem:s0+$0x0] =	vst.add.f32.msk $0xffff, v0  }
0x201: {  	v0 =	vld [tilespmem:$0x1E180]  }
0x202: {  	s24 =	sld [smem:$0x7ED];
	[tilespmem:s19+$0x0] =	vst.add.f32.msk $0xffff, v3  }
0x203: {  	[tilespmem:s26+$0x0] =	vst.add.f32.msk $0xffff, v1  }
0x204: {  	s22 =	sadd.s32 $0x18C00, s8;
	v1 =	vld [tilespmem:$0x1E180]  }
0x205: {  	s15 =	sor.u32 s9, s22;
	[tilespmem:s24+$0x0] =	vst.add.f32.msk $0xffff, v2  }
0x206: {  	[tilespmem:s15+$0x0] =	vst.add.f32.msk $0xffff, v0  }
0x207: {  	v0 =	vld [tilespmem:$0x1E190]  }
0x208: {  	s23 =	sor.u32 s3, s22;
	v2 =	vld [tilespmem:$0x1E260]  }
0x209: {  	[tilespmem:s23+$0x0] =	vst.add.f32.msk $0xffff, v1  }
0x20a: {  	v1 =	vld [tilespmem:$0x1E190]  }
0x20b: {  	s31 =	sor.u32 $0x10, s15;
	s18 =	sld [smem:$0x7EE];
	v3 =	vld [tilespmem:$0x1E2E0]  }
0x20c: {  	[tilespmem:s31+$0x0] =	vst.add.f32.msk $0xffff, v0  }
0x20d: {  	s25 =	sor.u32 $0x50, s16;
	v0 =	vld [tilespmem:$0x1E1A0]  }
0x20e: {  	s30 =	sor.u32 $0x40, s16;
	s19 =	smov.u32 s25;
	s25 =	sor.u32 $0x10, s23;
	[tilespmem:s18+$0x0] =	vst.add.f32.msk $0xffff, v2  }
0x20f: {  	s21 =	smov.u32 s30;
	s28 =	sor.u32 $0x30, s23;
	s29 =	sor.u32 $0x40, s23;
	[tilespmem:s25+$0x0] =	vst.add.f32.msk $0xffff, v1  }
0x210: {  	s30 =	sor.u32 $0x50, s23;
	s1 =	sor.u32 $0x60, s23;
	s22 =	sor.u32 $0x20, s15;
	v1 =	vld [tilespmem:$0x1E1A0]  }
0x211: {  	s0 =	sor.u32 $0x70, s23;
	s26 =	sor.u32 $0x20, s23;
	s23 =	sld [smem:$0x7EF];
	v2 =	vld [tilespmem:$0x1E270]  }
0x212: {  	[tilespmem:s22+$0x0] =	vst.add.f32.msk $0xffff, v0  }
0x213: {  	v0 =	vld [tilespmem:$0x1E1B0]  }
0x214: {  	s25 =	sld [smem:$0x7F0];
	[tilespmem:s23+$0x0] =	vst.add.f32.msk $0xffff, v3  }
0x215: {  	[tilespmem:s26+$0x0] =	vst.add.f32.msk $0xffff, v1  }
0x216: {  	v1 =	vld [tilespmem:$0x1E1B0]  }
0x217: {  	s24 =	sor.u32 $0x30, s15;
	[tilespmem:s25+$0x0] =	vst.add.f32.msk $0xffff, v2  }
0x218: {  	[tilespmem:s24+$0x0] =	vst.add.f32.msk $0xffff, v0  }
0x219: {  	v0 =	vld [tilespmem:$0x1E1C0]  }
0x21a: {  	v2 =	vld [tilespmem:$0x1E280]  }
0x21b: {  	[tilespmem:s28+$0x0] =	vst.add.f32.msk $0xffff, v1  }
0x21c: {  	v1 =	vld [tilespmem:$0x1E1C0]  }
0x21d: {  	s26 =	sor.u32 $0x40, s15;
	v3 =	vld [tilespmem:$0x1E2F0]  }
0x21e: {  	[tilespmem:s26+$0x0] =	vst.add.f32.msk $0xffff, v0  }
0x21f: {  	v0 =	vld [tilespmem:$0x1E1D0]  }
0x220: {  	[tilespmem:s16+$0x0] =	vst.add.f32.msk $0xffff, v2  }
0x221: {  	[tilespmem:s29+$0x0] =	vst.add.f32.msk $0xffff, v1  }
0x222: {  	v1 =	vld [tilespmem:$0x1E1D0]  }
0x223: {  	s28 =	sor.u32 $0x50, s15;
	s29 =	sld [smem:$0x7F1];
	v2 =	vld [tilespmem:$0x1E290]  }
0x224: {  	s14 =	sor.u32 $0x10, s16;
	[tilespmem:s28+$0x0] =	vst.add.f32.msk $0xffff, v0  }
0x225: {  	[smem:$0x7F2] =	sst s14;
	v0 =	vld [tilespmem:$0x1E1E0]  }
0x226: {  	s31 =	sld [smem:$0x7F2];
	[tilespmem:s29+$0x0] =	vst.add.f32.msk $0xffff, v3  }
0x227: {  	p0 =	slt.u32 s6, $0x1E;
	[tilespmem:s30+$0x0] =	vst.add.f32.msk $0xffff, v1  }
.Ltmp0:
0x228: {  	v1 =	vld [tilespmem:$0x1E1E0];
	(pc) =	sbr.rel @p0 .LBB2_2-.Ltmp0, $4  }
0x229: {  	s30 =	sor.u32 $0x60, s15;
	[tilespmem:s31+$0x0] =	vst.add.f32.msk $0xffff, v2  }
0x22a: {  	[tilespmem:s30+$0x0] =	vst.add.f32.msk $0xffff, v0  }
0x22b: {  	s14 =	sor.u32 $0x70, s16;
	s20 =	sor.u32 $0x60, s16;
	v0 =	vld [tilespmem:$0x1E2A0]  }
0x22c: {  	s13 =	sor.u32 $0x20, s16;
	s5 =	smov.u32 s14;
	s18 =	smov.u32 s20;
	v2 =	vld [tilespmem:$0x1E1F0]  }
0x22d: {  	[tilespmem:s1+$0x0] =	vst.add.f32.msk $0xffff, v1  }
0x22e: {  	v1 =	vld [tilespmem:$0x1E1F0];
	_ =	sdelay $0x1  }
0x22f: {  	s17 =	sor.u32 $0x70, s15  }
0x230: {  	[tilespmem:s17+$0x0] =	vst.add.f32.msk $0xffff, v2  }
0x231: {  	v2 =	vld [tilespmem:$0x1E200]  }
0x232: {  	[tilespmem:s0+$0x0] =	vst.add.f32.msk $0xffff, v1  }
0x233: {  	v1 =	vld [tilespmem:$0x1E200]  }
0x234: {  	s20 =	sadd.s32 $0x19000, s8  }
0x235: {  	s22 =	sor.u32 s9, s20  }
0x236: {  	[tilespmem:s22+$0x0] =	vst.add.f32.msk $0xffff, v2  }
0x237: {  	s0 =	sor.u32 s3, s20;
	v2 =	vld [tilespmem:$0x1E210]  }
0x238: {  	[tilespmem:s0+$0x0] =	vst.add.f32.msk $0xffff, v1  }
0x239: {  	v1 =	vld [tilespmem:$0x1E210];
	_ =	sdelay $0x1  }
0x23a: {  	s2 =	sor.u32 $0x10, s22  }
0x23b: {  	[tilespmem:s2+$0x0] =	vst.add.f32.msk $0xffff, v2  }
0x23c: {  	s23 =	sor.u32 $0x10, s0;
	v2 =	vld [tilespmem:$0x1E220]  }
0x23d: {  	[tilespmem:s23+$0x0] =	vst.add.f32.msk $0xffff, v1  }
0x23e: {  	v1 =	vld [tilespmem:$0x1E220];
	_ =	sdelay $0x1  }
0x23f: {  	s24 =	sor.u32 $0x20, s22  }
0x240: {  	[tilespmem:s24+$0x0] =	vst.add.f32.msk $0xffff, v2  }
0x241: {  	s25 =	sor.u32 $0x20, s0;
	v2 =	vld [tilespmem:$0x1E230]  }
0x242: {  	[tilespmem:s25+$0x0] =	vst.add.f32.msk $0xffff, v1  }
0x243: {  	v1 =	vld [tilespmem:$0x1E230];
	_ =	sdelay $0x1  }
0x244: {  	s26 =	sor.u32 $0x30, s22  }
0x245: {  	[tilespmem:s26+$0x0] =	vst.add.f32.msk $0xffff, v2  }
0x246: {  	s28 =	sor.u32 $0x30, s0;
	v2 =	vld [tilespmem:$0x1E240]  }
0x247: {  	[tilespmem:s28+$0x0] =	vst.add.f32.msk $0xffff, v1  }
0x248: {  	v1 =	vld [tilespmem:$0x1E240];
	_ =	sdelay $0x1  }
0x249: {  	s29 =	sor.u32 $0x40, s22  }
0x24a: {  	[tilespmem:s29+$0x0] =	vst.add.f32.msk $0xffff, v2  }
0x24b: {  	s30 =	sor.u32 $0x40, s0;
	v2 =	vld [tilespmem:$0x1E250]  }
0x24c: {  	[tilespmem:s30+$0x0] =	vst.add.f32.msk $0xffff, v1  }
0x24d: {  	v1 =	vld [tilespmem:$0x1E250];
	_ =	sdelay $0x1  }
0x24e: {  	s31 =	sor.u32 $0x50, s22  }
0x24f: {  	[tilespmem:s31+$0x0] =	vst.add.f32.msk $0xffff, v2  }
0x250: {  	s4 =	sor.u32 $0x50, s0;
	v2 =	vld [tilespmem:$0x1E260]  }
0x251: {  	[tilespmem:s4+$0x0] =	vst.add.f32.msk $0xffff, v1  }
0x252: {  	v1 =	vld [tilespmem:$0x1E260];
	_ =	sdelay $0x1  }
0x253: {  	s6 =	sor.u32 $0x60, s22  }
0x254: {  	[tilespmem:s6+$0x0] =	vst.add.f32.msk $0xffff, v2  }
0x255: {  	s7 =	sor.u32 $0x60, s0;
	v2 =	vld [tilespmem:$0x1E270]  }
0x256: {  	[tilespmem:s7+$0x0] =	vst.add.f32.msk $0xffff, v1  }
0x257: {  	v1 =	vld [tilespmem:$0x1E270];
	_ =	sdelay $0x1  }
0x258: {  	s1 =	sor.u32 $0x70, s22  }
0x259: {  	[tilespmem:s1+$0x0] =	vst.add.f32.msk $0xffff, v2  }
0x25a: {  	s0 =	sor.u32 $0x70, s0;
	v2 =	vld [tilespmem:$0x1E280]  }
0x25b: {  	[tilespmem:s0+$0x0] =	vst.add.f32.msk $0xffff, v1  }
0x25c: {  	v1 =	vld [tilespmem:$0x1E280]  }
0x25d: {  	s8 =	sadd.s32 $0x19400, s8  }
0x25e: {  	s9 =	sor.u32 s9, s8  }
0x25f: {  	[tilespmem:s9+$0x0] =	vst.add.f32.msk $0xffff, v2  }
0x260: {  	s1 =	sor.u32 s3, s8;
	v2 =	vld [tilespmem:$0x1E290]  }
0x261: {  	[tilespmem:s1+$0x0] =	vst.add.f32.msk $0xffff, v1  }
0x262: {  	v1 =	vld [tilespmem:$0x1E290];
	_ =	sdelay $0x1  }
0x263: {  	s10 =	sor.u32 $0x10, s9  }
0x264: {  	[tilespmem:s10+$0x0] =	vst.add.f32.msk $0xffff, v2  }
0x265: {  	s11 =	sor.u32 $0x10, s1;
	v2 =	vld [tilespmem:$0x1E2A0]  }
0x266: {  	[tilespmem:s11+$0x0] =	vst.add.f32.msk $0xffff, v1  }
0x267: {  	v1 =	vld [tilespmem:$0x1E2A0]  }
0x268: {  	[tilespmem:s13+$0x0] =	vst.add.f32.msk $0xffff, v0  }
0x269: {  	s14 =	sor.u32 $0x20, s9;
	v0 =	vld [tilespmem:$0x1E2B0]  }
0x26a: {  	[tilespmem:s14+$0x0] =	vst.add.f32.msk $0xffff, v2  }
0x26b: {  	s15 =	sor.u32 $0x20, s1;
	v2 =	vld [tilespmem:$0x1E2B0]  }
0x26c: {  	[tilespmem:s15+$0x0] =	vst.add.f32.msk $0xffff, v1  }
0x26d: {  	v1 =	vld [tilespmem:$0x1E2B0]  }
0x26e: {  	[tilespmem:s12+$0x0] =	vst.add.f32.msk $0xffff, v0  }
0x26f: {  	s16 =	sor.u32 $0x30, s9;
	v0 =	vld [tilespmem:$0x1E2C0]  }
0x270: {  	[tilespmem:s16+$0x0] =	vst.add.f32.msk $0xffff, v2  }
0x271: {  	s17 =	sor.u32 $0x30, s1;
	v2 =	vld [tilespmem:$0x1E2C0]  }
0x272: {  	[tilespmem:s17+$0x0] =	vst.add.f32.msk $0xffff, v1  }
0x273: {  	v1 =	vld [tilespmem:$0x1E2C0]  }
0x274: {  	[tilespmem:s21+$0x0] =	vst.add.f32.msk $0xffff, v0  }
0x275: {  	s20 =	sor.u32 $0x40, s9;
	v0 =	vld [tilespmem:$0x1E2D0]  }
0x276: {  	[tilespmem:s20+$0x0] =	vst.add.f32.msk $0xffff, v2  }
0x277: {  	s22 =	sor.u32 $0x40, s1;
	v2 =	vld [tilespmem:$0x1E2D0]  }
0x278: {  	[tilespmem:s22+$0x0] =	vst.add.f32.msk $0xffff, v1  }
0x279: {  	v1 =	vld [tilespmem:$0x1E2D0]  }
0x27a: {  	[tilespmem:s19+$0x0] =	vst.add.f32.msk $0xffff, v0  }
0x27b: {  	s23 =	sor.u32 $0x50, s9;
	v0 =	vld [tilespmem:$0x1E2E0]  }
0x27c: {  	[tilespmem:s23+$0x0] =	vst.add.f32.msk $0xffff, v2  }
0x27d: {  	s24 =	sor.u32 $0x50, s1;
	v2 =	vld [tilespmem:$0x1E2E0]  }
0x27e: {  	[tilespmem:s24+$0x0] =	vst.add.f32.msk $0xffff, v1  }
0x27f: {  	v1 =	vld [tilespmem:$0x1E2E0]  }
0x280: {  	[tilespmem:s18+$0x0] =	vst.add.f32.msk $0xffff, v0  }
0x281: {  	s25 =	sor.u32 $0x60, s9;
	v0 =	vld [tilespmem:$0x1E2F0]  }
0x282: {  	[tilespmem:s25+$0x0] =	vst.add.f32.msk $0xffff, v2  }
0x283: {  	s26 =	sor.u32 $0x60, s1;
	v2 =	vld [tilespmem:$0x1E2F0]  }
0x284: {  	[tilespmem:s26+$0x0] =	vst.add.f32.msk $0xffff, v1  }
0x285: {  	v1 =	vld [tilespmem:$0x1E2F0];
	_ =	sdelay $0x2  }
0x286: {  	[tilespmem:s5+$0x0] =	vst.add.f32.msk $0xffff, v0;
	s0 =	sor.u32 $0x70, s9  }
0x287: {  	s28 =	sor.u32 $0x70, s1;
	[tilespmem:s0+$0x0] =	vst.add.f32.msk $0xffff, v2  }
0x288: {  	[tilespmem:s28+$0x0] =	vst.add.f32.msk $0xffff, v1  }
0x289: {  	s0 =	sld [smem:$0x7F6];
	_ =	sdelay $0x1  }
0x28a: {  	s2 =	simm.s32 $0x12000;
	s29 =	simm.s32 $0x0;
	s30 =	sld [smem:$0x7F7]  }
0x28b: {  	[tilespmem:s29], [sflag:$0x1] =	stream.linear.gather [hbm4b:s0+s29], $0x6000, $0x38;
	[tilespmem:$0x1E300] =	vst v63  }
0x28c: {  	s31 =	simm.s32 $0x6000;
	s3 =	simm.s32 $0xC000;
	s1 =	simm.s32 $0x0  }
0x28d: {  	[tilespmem:s31], [sflag:$0x2] =	stream.linear.gather [hbm4b:s30+s29], $0x6000, $0x38;
	[tilespmem:$0x1E300] =	vst v63  }
.LBB2_4:
0x28e: {  	s0 =	simm.s32 $0x1  }
0x28f: {  	_ =	swait.ge [sflag:s0], $0x6000  }
0x290: {  	[sflag:s0] =	ssyncset.done $0x0  }
0x291: {  	s10 =	simm.s32 $0x2;
	[sflag:s0] =	ssyncadd.s32 $0xFFFFA000  }
0x292: {  	_ =	swait.ge [sflag:s10], $0x6000  }
0x293: {  	p0 =	seq.s32 s1, $0x0;
	[sflag:s10] =	ssyncset.done $0x0  }
0x294: {  	s0 =	simm.s32 @!p0 $0x7;
	[sflag:s10] =	ssyncadd.s32 $0xFFFFA000  }
0x295: {  	_ =	swait.ge @!p0 [sflag:s0], $0x6000  }
0x296: {  	[sflag:s0] =	ssyncset.done @!p0 $0x0  }
0x297: {  	[smem:$0x7E5] =	sst s1;
	[sflag:s0] =	ssyncadd.s32 @!p0 $0xFFFFA000;
	s0 =	simm.s32 @!p0 $0x8  }
0x298: {  	_ =	swait.ge @!p0 [sflag:s0], $0x6000  }
0x299: {  	s5 =	smul.u32 $0x300000, s1;
	s14 =	simm.s32 $0x0;
	s11 =	sld [smem:$0x7F9]  }
0x29a: {  	s16 =	simm.s32 $0x0;
	s8 =	sand.u32 $0x300, s14;
	s15 =	sld [smem:$0x7FA]  }
0x29b: {  	s9 =	sor.u32 $0x80, s8;
	s10 =	smul.u32 $0x1800, s16;
	[sflag:s0] =	ssyncset.done @!p0 $0x0  }
0x29c: {  	[smem:$0x7E7] =	sst s5;
	[sflag:s0] =	ssyncadd.s32 @!p0 $0xFFFFA000;
	s1 =	sadd.s32 s5, s11  }
0x29d: {  	s12 =	rddreg [dreg:$0x0];
	s0 =	sadd.s32 s5, s15;
	s4 =	sshrl.u32 s1, $0x3  }
0x29e: {  	s0 =	sshrl.u32 s0, $0x3;
	[smem:$0x7E6] =	sst s4;
	s13 =	sadd.s32 s12, s4  }
0x29f: {  	[tilespmem:s3], [sflag:$0x3] =	stream.linear.gather [hbm4b:s13+s14], $0x6000, $0x38;
	[tilespmem:$0x1E300] =	vst v63  }
0x2a0: {  	s1 =	sor.u32 s10, s9;
	[smem:$0x7E8] =	sst s0;
	s0 =	sadd.s32 s12, s0  }
0x2a1: {  	[tilespmem:s2], [sflag:$0x4] =	stream.linear.gather [hbm4b:s0+s14], $0x6000, $0x38;
	[tilespmem:$0x1E300] =	vst v63  }
0x2a2: {  	v0 =	vld [tilespmem:s1+$0x18000];
	_ =	sdelay $0x3  }
0x2a3: {  	s17 =	sadd.s32 $0x6000, s10  }
0x2a4: {  	s18 =	sor.u32 s9, s17;
	[tilespmem:s1+$0x0] =	vst.add.f32.msk $0xffff, v0  }
0x2a5: {  	[tilespmem:s18+$0x0] =	vst.add.f32.msk $0xffff, v0  }
0x2a6: {  	v0 =	vld [tilespmem:s1+$0x18010];
	_ =	sdelay $0x3  }
0x2a7: {  	s19 =	sor.u32 $0x10, s1  }
0x2a8: {  	s20 =	sor.u32 $0x10, s18;
	[tilespmem:s19+$0x0] =	vst.add.f32.msk $0xffff, v0  }
0x2a9: {  	[tilespmem:s20+$0x0] =	vst.add.f32.msk $0xffff, v0  }
0x2aa: {  	v0 =	vld [tilespmem:s1+$0x18020];
	_ =	sdelay $0x3  }
0x2ab: {  	s21 =	sor.u32 $0x20, s1  }
0x2ac: {  	s22 =	sor.u32 $0x20, s18;
	[tilespmem:s21+$0x0] =	vst.add.f32.msk $0xffff, v0  }
0x2ad: {  	[tilespmem:s22+$0x0] =	vst.add.f32.msk $0xffff, v0  }
0x2ae: {  	v0 =	vld [tilespmem:s1+$0x18030];
	_ =	sdelay $0x3  }
0x2af: {  	s23 =	sor.u32 $0x30, s1  }
0x2b0: {  	s24 =	sor.u32 $0x30, s18;
	[tilespmem:s23+$0x0] =	vst.add.f32.msk $0xffff, v0  }
0x2b1: {  	[tilespmem:s24+$0x0] =	vst.add.f32.msk $0xffff, v0  }
0x2b2: {  	v0 =	vld [tilespmem:s1+$0x18040];
	_ =	sdelay $0x2  }
0x2b3: {  	s0 =	sor.u32 s8, s10  }
0x2b4: {  	s25 =	sor.u32 $0x40, s1;
	v1 =	vld [tilespmem:s0+$0x18000]  }
0x2b5: {  	s26 =	sor.u32 $0x40, s18;
	[tilespmem:s25+$0x0] =	vst.add.f32.msk $0xffff, v0  }
0x2b6: {  	[tilespmem:s26+$0x0] =	vst.add.f32.msk $0xffff, v0  }
0x2b7: {  	v0 =	vld [tilespmem:s1+$0x18050];
	_ =	sdelay $0x1  }
0x2b8: {  	s2 =	sor.u32 s8, s17;
	[tilespmem:s0+$0x0] =	vst.add.f32.msk $0xffff, v1  }
0x2b9: {  	[tilespmem:s2+$0x0] =	vst.add.f32.msk $0xffff, v1  }
0x2ba: {  	s28 =	sor.u32 $0x50, s1;
	v1 =	vld [tilespmem:s0+$0x18010]  }
0x2bb: {  	s31 =	sor.u32 $0x50, s18;
	[tilespmem:s28+$0x0] =	vst.add.f32.msk $0xffff, v0  }
0x2bc: {  	[tilespmem:s31+$0x0] =	vst.add.f32.msk $0xffff, v0  }
0x2bd: {  	v0 =	vld [tilespmem:s1+$0x18060]  }
0x2be: {  	s5 =	sor.u32 $0x10, s0  }
0x2bf: {  	s6 =	sor.u32 $0x10, s2;
	[tilespmem:s5+$0x0] =	vst.add.f32.msk $0xffff, v1  }
0x2c0: {  	[tilespmem:s6+$0x0] =	vst.add.f32.msk $0xffff, v1  }
0x2c1: {  	s7 =	sor.u32 $0x60, s1;
	v1 =	vld [tilespmem:s0+$0x18020]  }
0x2c2: {  	s11 =	sor.u32 $0x60, s18;
	[tilespmem:s7+$0x0] =	vst.add.f32.msk $0xffff, v0  }
0x2c3: {  	[tilespmem:s11+$0x0] =	vst.add.f32.msk $0xffff, v0  }
0x2c4: {  	v0 =	vld [tilespmem:s1+$0x18070]  }
0x2c5: {  	s12 =	sor.u32 $0x20, s0  }
0x2c6: {  	s13 =	sor.u32 $0x20, s2;
	[tilespmem:s12+$0x0] =	vst.add.f32.msk $0xffff, v1  }
0x2c7: {  	[tilespmem:s13+$0x0] =	vst.add.f32.msk $0xffff, v1  }
0x2c8: {  	s14 =	sor.u32 $0x70, s1;
	v1 =	vld [tilespmem:s0+$0x18030]  }
0x2c9: {  	s3 =	sor.u32 $0x70, s18;
	[tilespmem:s14+$0x0] =	vst.add.f32.msk $0xffff, v0  }
0x2ca: {  	[tilespmem:s3+$0x0] =	vst.add.f32.msk $0xffff, v0  }
0x2cb: {  	v0 =	vld [tilespmem:s1+$0x18400]  }
0x2cc: {  	s15 =	sor.u32 $0x30, s0  }
0x2cd: {  	s16 =	sor.u32 $0x30, s2;
	[tilespmem:s15+$0x0] =	vst.add.f32.msk $0xffff, v1  }
0x2ce: {  	[tilespmem:s16+$0x0] =	vst.add.f32.msk $0xffff, v1  }
0x2cf: {  	s17 =	sadd.s32 $0x6400, s10;
	s18 =	sor.u32 $0x400, s1;
	v1 =	vld [tilespmem:s0+$0x18040]  }
0x2d0: {  	s3 =	sor.u32 s9, s17;
	[tilespmem:s18+$0x0] =	vst.add.f32.msk $0xffff, v0  }
0x2d1: {  	[tilespmem:s3+$0x0] =	vst.add.f32.msk $0xffff, v0  }
0x2d2: {  	v0 =	vld [tilespmem:s1+$0x18410]  }
0x2d3: {  	s19 =	sor.u32 $0x40, s0  }
0x2d4: {  	s6 =	sor.u32 $0x40, s2;
	[tilespmem:s19+$0x0] =	vst.add.f32.msk $0xffff, v1  }
0x2d5: {  	[tilespmem:s6+$0x0] =	vst.add.f32.msk $0xffff, v1  }
0x2d6: {  	s20 =	sor.u32 $0x410, s1;
	v1 =	vld [tilespmem:s0+$0x18050]  }
0x2d7: {  	s21 =	sor.u32 $0x10, s3;
	[tilespmem:s20+$0x0] =	vst.add.f32.msk $0xffff, v0  }
0x2d8: {  	[tilespmem:s21+$0x0] =	vst.add.f32.msk $0xffff, v0  }
0x2d9: {  	v0 =	vld [tilespmem:s1+$0x18420]  }
0x2da: {  	s22 =	sor.u32 $0x50, s0  }
0x2db: {  	s23 =	sor.u32 $0x50, s2;
	[tilespmem:s22+$0x0] =	vst.add.f32.msk $0xffff, v1  }
0x2dc: {  	[tilespmem:s23+$0x0] =	vst.add.f32.msk $0xffff, v1  }
0x2dd: {  	s24 =	sor.u32 $0x420, s1;
	v1 =	vld [tilespmem:s0+$0x18060]  }
0x2de: {  	s25 =	sor.u32 $0x20, s3;
	[tilespmem:s24+$0x0] =	vst.add.f32.msk $0xffff, v0  }
0x2df: {  	[tilespmem:s25+$0x0] =	vst.add.f32.msk $0xffff, v0  }
0x2e0: {  	v0 =	vld [tilespmem:s1+$0x18430]  }
0x2e1: {  	s26 =	sor.u32 $0x60, s0  }
0x2e2: {  	s28 =	sor.u32 $0x60, s2;
	[tilespmem:s26+$0x0] =	vst.add.f32.msk $0xffff, v1  }
0x2e3: {  	[tilespmem:s28+$0x0] =	vst.add.f32.msk $0xffff, v1  }
0x2e4: {  	s31 =	sor.u32 $0x430, s1;
	v1 =	vld [tilespmem:s0+$0x18070]  }
0x2e5: {  	s6 =	sor.u32 $0x30, s3;
	[tilespmem:s31+$0x0] =	vst.add.f32.msk $0xffff, v0  }
0x2e6: {  	[tilespmem:s6+$0x0] =	vst.add.f32.msk $0xffff, v0  }
0x2e7: {  	v0 =	vld [tilespmem:s1+$0x18440]  }
0x2e8: {  	s7 =	sor.u32 $0x70, s0  }
0x2e9: {  	s2 =	sor.u32 $0x70, s2;
	[tilespmem:s7+$0x0] =	vst.add.f32.msk $0xffff, v1  }
0x2ea: {  	[tilespmem:s2+$0x0] =	vst.add.f32.msk $0xffff, v1  }
0x2eb: {  	s11 =	sor.u32 $0x440, s1;
	v1 =	vld [tilespmem:s0+$0x18400]  }
0x2ec: {  	s12 =	sor.u32 $0x40, s3;
	[tilespmem:s11+$0x0] =	vst.add.f32.msk $0xffff, v0  }
0x2ed: {  	[tilespmem:s12+$0x0] =	vst.add.f32.msk $0xffff, v0  }
0x2ee: {  	v0 =	vld [tilespmem:s1+$0x18450]  }
0x2ef: {  	s13 =	sor.u32 $0x400, s0  }
0x2f0: {  	s2 =	sor.u32 s8, s17;
	[tilespmem:s13+$0x0] =	vst.add.f32.msk $0xffff, v1  }
0x2f1: {  	[tilespmem:s2+$0x0] =	vst.add.f32.msk $0xffff, v1  }
0x2f2: {  	s14 =	sor.u32 $0x450, s1;
	v1 =	vld [tilespmem:s0+$0x18410]  }
0x2f3: {  	s15 =	sor.u32 $0x50, s3;
	[tilespmem:s14+$0x0] =	vst.add.f32.msk $0xffff, v0  }
0x2f4: {  	[tilespmem:s15+$0x0] =	vst.add.f32.msk $0xffff, v0  }
0x2f5: {  	v0 =	vld [tilespmem:s1+$0x18460]  }
0x2f6: {  	s16 =	sor.u32 $0x410, s0  }
0x2f7: {  	s17 =	sor.u32 $0x10, s2;
	[tilespmem:s16+$0x0] =	vst.add.f32.msk $0xffff, v1  }
0x2f8: {  	[tilespmem:s17+$0x0] =	vst.add.f32.msk $0xffff, v1  }
0x2f9: {  	s18 =	sor.u32 $0x460, s1;
	v1 =	vld [tilespmem:s0+$0x18420]  }
0x2fa: {  	s19 =	sor.u32 $0x60, s3;
	[tilespmem:s18+$0x0] =	vst.add.f32.msk $0xffff, v0  }
0x2fb: {  	[tilespmem:s19+$0x0] =	vst.add.f32.msk $0xffff, v0  }
0x2fc: {  	v0 =	vld [tilespmem:s1+$0x18470]  }
0x2fd: {  	s20 =	sor.u32 $0x420, s0  }
0x2fe: {  	s21 =	sor.u32 $0x20, s2;
	[tilespmem:s20+$0x0] =	vst.add.f32.msk $0xffff, v1  }
0x2ff: {  	[tilespmem:s21+$0x0] =	vst.add.f32.msk $0xffff, v1  }
0x300: {  	v1 =	vld [tilespmem:s0+$0x18430];
	s1 =	sor.u32 $0x470, s1  }
0x301: {  	s22 =	sadd.s32 $0x800, s10;
	s23 =	sor.u32 $0x70, s3;
	[tilespmem:s1+$0x0] =	vst.add.f32.msk $0xffff, v0  }
0x302: {  	s1 =	sor.u32 s9, s22;
	[tilespmem:s23+$0x0] =	vst.add.f32.msk $0xffff, v0  }
0x303: {  	v0 =	vld [tilespmem:s1+$0x18000]  }
0x304: {  	s24 =	sor.u32 $0x430, s0  }
0x305: {  	s25 =	sor.u32 $0x30, s2;
	[tilespmem:s24+$0x0] =	vst.add.f32.msk $0xffff, v1  }
0x306: {  	[tilespmem:s25+$0x0] =	vst.add.f32.msk $0xffff, v1  }
0x307: {  	s26 =	sadd.s32 $0x6800, s10;
	v1 =	vld [tilespmem:s0+$0x18440]  }
0x308: {  	s3 =	sor.u32 s9, s26;
	[tilespmem:s1+$0x0] =	vst.add.f32.msk $0xffff, v0  }
0x309: {  	[tilespmem:s3+$0x0] =	vst.add.f32.msk $0xffff, v0  }
0x30a: {  	v0 =	vld [tilespmem:s1+$0x18010]  }
0x30b: {  	s28 =	sor.u32 $0x440, s0  }
0x30c: {  	s7 =	sor.u32 $0x40, s2;
	[tilespmem:s28+$0x0] =	vst.add.f32.msk $0xffff, v1  }
0x30d: {  	[tilespmem:s7+$0x0] =	vst.add.f32.msk $0xffff, v1  }
0x30e: {  	v1 =	vld [tilespmem:s0+$0x18450];
	s31 =	sor.u32 $0x10, s1  }
0x30f: {  	s7 =	sor.u32 $0x10, s3;
	[tilespmem:s31+$0x0] =	vst.add.f32.msk $0xffff, v0  }
0x310: {  	[tilespmem:s7+$0x0] =	vst.add.f32.msk $0xffff, v0  }
0x311: {  	v0 =	vld [tilespmem:s1+$0x18020]  }
0x312: {  	s11 =	sor.u32 $0x450, s0  }
0x313: {  	s12 =	sor.u32 $0x50, s2;
	[tilespmem:s11+$0x0] =	vst.add.f32.msk $0xffff, v1  }
0x314: {  	[tilespmem:s12+$0x0] =	vst.add.f32.msk $0xffff, v1  }
0x315: {  	v1 =	vld [tilespmem:s0+$0x18460];
	s13 =	sor.u32 $0x20, s1  }
0x316: {  	s14 =	sor.u32 $0x20, s3;
	[tilespmem:s13+$0x0] =	vst.add.f32.msk $0xffff, v0  }
0x317: {  	[tilespmem:s14+$0x0] =	vst.add.f32.msk $0xffff, v0  }
0x318: {  	v0 =	vld [tilespmem:s1+$0x18030]  }
0x319: {  	s15 =	sor.u32 $0x460, s0  }
0x31a: {  	s16 =	sor.u32 $0x60, s2;
	[tilespmem:s15+$0x0] =	vst.add.f32.msk $0xffff, v1  }
0x31b: {  	[tilespmem:s16+$0x0] =	vst.add.f32.msk $0xffff, v1  }
0x31c: {  	v1 =	vld [tilespmem:s0+$0x18470];
	s17 =	sor.u32 $0x30, s1  }
0x31d: {  	s18 =	sor.u32 $0x30, s3;
	[tilespmem:s17+$0x0] =	vst.add.f32.msk $0xffff, v0  }
0x31e: {  	[tilespmem:s18+$0x0] =	vst.add.f32.msk $0xffff, v0  }
0x31f: {  	v0 =	vld [tilespmem:s1+$0x18040]  }
0x320: {  	s0 =	sor.u32 $0x470, s0  }
0x321: {  	s2 =	sor.u32 $0x70, s2;
	[tilespmem:s0+$0x0] =	vst.add.f32.msk $0xffff, v1  }
0x322: {  	s0 =	sor.u32 s8, s22;
	[tilespmem:s2+$0x0] =	vst.add.f32.msk $0xffff, v1  }
0x323: {  	s19 =	sor.u32 $0x40, s1;
	v1 =	vld [tilespmem:s0+$0x18000]  }
0x324: {  	s20 =	sor.u32 $0x40, s3;
	[tilespmem:s19+$0x0] =	vst.add.f32.msk $0xffff, v0  }
0x325: {  	[tilespmem:s20+$0x0] =	vst.add.f32.msk $0xffff, v0  }
0x326: {  	v0 =	vld [tilespmem:s1+$0x18050];
	_ =	sdelay $0x1  }
0x327: {  	s2 =	sor.u32 s8, s26;
	[tilespmem:s0+$0x0] =	vst.add.f32.msk $0xffff, v1  }
0x328: {  	[tilespmem:s2+$0x0] =	vst.add.f32.msk $0xffff, v1  }
0x329: {  	s21 =	sor.u32 $0x50, s1;
	v1 =	vld [tilespmem:s0+$0x18010]  }
0x32a: {  	s22 =	sor.u32 $0x50, s3;
	[tilespmem:s21+$0x0] =	vst.add.f32.msk $0xffff, v0  }
0x32b: {  	[tilespmem:s22+$0x0] =	vst.add.f32.msk $0xffff, v0  }
0x32c: {  	v0 =	vld [tilespmem:s1+$0x18060]  }
0x32d: {  	s23 =	sor.u32 $0x10, s0  }
0x32e: {  	s5 =	sor.u32 $0x10, s2;
	[tilespmem:s23+$0x0] =	vst.add.f32.msk $0xffff, v1  }
0x32f: {  	[tilespmem:s5+$0x0] =	vst.add.f32.msk $0xffff, v1  }
0x330: {  	s24 =	sor.u32 $0x60, s1;
	v1 =	vld [tilespmem:s0+$0x18020]  }
0x331: {  	s25 =	sor.u32 $0x60, s3;
	[tilespmem:s24+$0x0] =	vst.add.f32.msk $0xffff, v0  }
0x332: {  	[tilespmem:s25+$0x0] =	vst.add.f32.msk $0xffff, v0  }
0x333: {  	v0 =	vld [tilespmem:s1+$0x18070]  }
0x334: {  	s26 =	sor.u32 $0x20, s0  }
0x335: {  	s28 =	sor.u32 $0x20, s2;
	[tilespmem:s26+$0x0] =	vst.add.f32.msk $0xffff, v1  }
0x336: {  	[tilespmem:s28+$0x0] =	vst.add.f32.msk $0xffff, v1  }
0x337: {  	v1 =	vld [tilespmem:s0+$0x18030];
	s1 =	sor.u32 $0x70, s1  }
0x338: {  	s11 =	sor.u32 $0x70, s3;
	s31 =	sadd.s32 $0xC00, s10;
	[tilespmem:s1+$0x0] =	vst.add.f32.msk $0xffff, v0  }
0x339: {  	s1 =	sor.u32 s9, s31;
	[tilespmem:s11+$0x0] =	vst.add.f32.msk $0xffff, v0  }
0x33a: {  	v0 =	vld [tilespmem:s1+$0x18000]  }
0x33b: {  	s12 =	sor.u32 $0x30, s0  }
0x33c: {  	s13 =	sor.u32 $0x30, s2;
	[tilespmem:s12+$0x0] =	vst.add.f32.msk $0xffff, v1  }
0x33d: {  	[tilespmem:s13+$0x0] =	vst.add.f32.msk $0xffff, v1  }
0x33e: {  	s14 =	sadd.s32 $0x6C00, s10;
	v1 =	vld [tilespmem:s0+$0x18040]  }
0x33f: {  	s4 =	sor.u32 s9, s14;
	[tilespmem:s1+$0x0] =	vst.add.f32.msk $0xffff, v0  }
0x340: {  	[tilespmem:s4+$0x0] =	vst.add.f32.msk $0xffff, v0  }
0x341: {  	v0 =	vld [tilespmem:s1+$0x18010]  }
0x342: {  	s15 =	sor.u32 $0x40, s0  }
0x343: {  	s16 =	sor.u32 $0x40, s2;
	[tilespmem:s15+$0x0] =	vst.add.f32.msk $0xffff, v1  }
0x344: {  	[tilespmem:s16+$0x0] =	vst.add.f32.msk $0xffff, v1  }
0x345: {  	v1 =	vld [tilespmem:s0+$0x18050];
	s17 =	sor.u32 $0x10, s1  }
0x346: {  	s18 =	sor.u32 $0x10, s4;
	[tilespmem:s17+$0x0] =	vst.add.f32.msk $0xffff, v0  }
0x347: {  	[tilespmem:s18+$0x0] =	vst.add.f32.msk $0xffff, v0  }
0x348: {  	v0 =	vld [tilespmem:s1+$0x18020]  }
0x349: {  	s19 =	sor.u32 $0x50, s0  }
0x34a: {  	s20 =	sor.u32 $0x50, s2;
	[tilespmem:s19+$0x0] =	vst.add.f32.msk $0xffff, v1  }
0x34b: {  	[tilespmem:s20+$0x0] =	vst.add.f32.msk $0xffff, v1  }
0x34c: {  	v1 =	vld [tilespmem:s0+$0x18060];
	s21 =	sor.u32 $0x20, s1  }
0x34d: {  	s22 =	sor.u32 $0x20, s4;
	[tilespmem:s21+$0x0] =	vst.add.f32.msk $0xffff, v0  }
0x34e: {  	[tilespmem:s22+$0x0] =	vst.add.f32.msk $0xffff, v0  }
0x34f: {  	v0 =	vld [tilespmem:s1+$0x18030]  }
0x350: {  	s23 =	sor.u32 $0x60, s0  }
0x351: {  	s24 =	sor.u32 $0x60, s2;
	[tilespmem:s23+$0x0] =	vst.add.f32.msk $0xffff, v1  }
0x352: {  	[tilespmem:s24+$0x0] =	vst.add.f32.msk $0xffff, v1  }
0x353: {  	v1 =	vld [tilespmem:s0+$0x18070];
	s25 =	sor.u32 $0x30, s1  }
0x354: {  	s26 =	sor.u32 $0x30, s4;
	[tilespmem:s25+$0x0] =	vst.add.f32.msk $0xffff, v0  }
0x355: {  	[tilespmem:s26+$0x0] =	vst.add.f32.msk $0xffff, v0  }
0x356: {  	v0 =	vld [tilespmem:s1+$0x18040]  }
0x357: {  	s0 =	sor.u32 $0x70, s0  }
0x358: {  	s28 =	sor.u32 $0x70, s2;
	[tilespmem:s0+$0x0] =	vst.add.f32.msk $0xffff, v1  }
0x359: {  	s2 =	sor.u32 s8, s31;
	[tilespmem:s28+$0x0] =	vst.add.f32.msk $0xffff, v1  }
0x35a: {  	s31 =	sor.u32 $0x40, s1;
	v1 =	vld [tilespmem:s2+$0x18000]  }
0x35b: {  	s5 =	sor.u32 $0x40, s4;
	[tilespmem:s31+$0x0] =	vst.add.f32.msk $0xffff, v0  }
0x35c: {  	[tilespmem:s5+$0x0] =	vst.add.f32.msk $0xffff, v0  }
0x35d: {  	v0 =	vld [tilespmem:s1+$0x18050];
	_ =	sdelay $0x1  }
0x35e: {  	s3 =	sor.u32 s8, s14;
	[tilespmem:s2+$0x0] =	vst.add.f32.msk $0xffff, v1  }
0x35f: {  	[tilespmem:s3+$0x0] =	vst.add.f32.msk $0xffff, v1  }
0x360: {  	s6 =	sor.u32 $0x50, s1;
	v1 =	vld [tilespmem:s2+$0x18010]  }
0x361: {  	s7 =	sor.u32 $0x50, s4;
	[tilespmem:s6+$0x0] =	vst.add.f32.msk $0xffff, v0  }
0x362: {  	[tilespmem:s7+$0x0] =	vst.add.f32.msk $0xffff, v0  }
0x363: {  	v0 =	vld [tilespmem:s1+$0x18060]  }
0x364: {  	s11 =	sor.u32 $0x10, s2  }
0x365: {  	s12 =	sor.u32 $0x10, s3;
	[tilespmem:s11+$0x0] =	vst.add.f32.msk $0xffff, v1  }
0x366: {  	[tilespmem:s12+$0x0] =	vst.add.f32.msk $0xffff, v1  }
0x367: {  	s13 =	sor.u32 $0x60, s1;
	v1 =	vld [tilespmem:s2+$0x18020]  }
0x368: {  	s14 =	sor.u32 $0x60, s4;
	[tilespmem:s13+$0x0] =	vst.add.f32.msk $0xffff, v0  }
0x369: {  	[tilespmem:s14+$0x0] =	vst.add.f32.msk $0xffff, v0  }
0x36a: {  	v0 =	vld [tilespmem:s1+$0x18070]  }
0x36b: {  	s15 =	sor.u32 $0x20, s2  }
0x36c: {  	s16 =	sor.u32 $0x20, s3;
	[tilespmem:s15+$0x0] =	vst.add.f32.msk $0xffff, v1  }
0x36d: {  	[tilespmem:s16+$0x0] =	vst.add.f32.msk $0xffff, v1  }
0x36e: {  	s17 =	sor.u32 $0x70, s1;
	v1 =	vld [tilespmem:s2+$0x18030]  }
0x36f: {  	s19 =	sor.u32 $0x70, s4;
	s18 =	sadd.s32 $0x1000, s10;
	[tilespmem:s17+$0x0] =	vst.add.f32.msk $0xffff, v0  }
0x370: {  	s0 =	sor.u32 s9, s18;
	[tilespmem:s19+$0x0] =	vst.add.f32.msk $0xffff, v0  }
0x371: {  	v0 =	vld [tilespmem:s0+$0x18000]  }
0x372: {  	s20 =	sor.u32 $0x30, s2  }
0x373: {  	s21 =	sor.u32 $0x30, s3;
	[tilespmem:s20+$0x0] =	vst.add.f32.msk $0xffff, v1  }
0x374: {  	[tilespmem:s21+$0x0] =	vst.add.f32.msk $0xffff, v1  }
0x375: {  	s22 =	sadd.s32 $0x7000, s10;
	v1 =	vld [tilespmem:s2+$0x18040]  }
0x376: {  	s1 =	sor.u32 s9, s22;
	[tilespmem:s0+$0x0] =	vst.add.f32.msk $0xffff, v0  }
0x377: {  	[tilespmem:s1+$0x0] =	vst.add.f32.msk $0xffff, v0  }
0x378: {  	v0 =	vld [tilespmem:s0+$0x18010]  }
0x379: {  	s23 =	sor.u32 $0x40, s2  }
0x37a: {  	s24 =	sor.u32 $0x40, s3;
	[tilespmem:s23+$0x0] =	vst.add.f32.msk $0xffff, v1  }
0x37b: {  	[tilespmem:s24+$0x0] =	vst.add.f32.msk $0xffff, v1  }
0x37c: {  	s25 =	sor.u32 $0x10, s0;
	v1 =	vld [tilespmem:s2+$0x18050]  }
0x37d: {  	s26 =	sor.u32 $0x10, s1;
	[tilespmem:s25+$0x0] =	vst.add.f32.msk $0xffff, v0  }
0x37e: {  	[tilespmem:s26+$0x0] =	vst.add.f32.msk $0xffff, v0  }
0x37f: {  	v0 =	vld [tilespmem:s0+$0x18020]  }
0x380: {  	s28 =	sor.u32 $0x50, s2  }
0x381: {  	s31 =	sor.u32 $0x50, s3;
	[tilespmem:s28+$0x0] =	vst.add.f32.msk $0xffff, v1  }
0x382: {  	[tilespmem:s31+$0x0] =	vst.add.f32.msk $0xffff, v1  }
0x383: {  	s11 =	sor.u32 $0x20, s0;
	v1 =	vld [tilespmem:s2+$0x18060]  }
0x384: {  	s12 =	sor.u32 $0x20, s1;
	[tilespmem:s11+$0x0] =	vst.add.f32.msk $0xffff, v0  }
0x385: {  	[tilespmem:s12+$0x0] =	vst.add.f32.msk $0xffff, v0  }
0x386: {  	v0 =	vld [tilespmem:s0+$0x18030]  }
0x387: {  	s13 =	sor.u32 $0x60, s2  }
0x388: {  	s14 =	sor.u32 $0x60, s3;
	[tilespmem:s13+$0x0] =	vst.add.f32.msk $0xffff, v1  }
0x389: {  	[tilespmem:s14+$0x0] =	vst.add.f32.msk $0xffff, v1  }
0x38a: {  	s15 =	sor.u32 $0x30, s0;
	v1 =	vld [tilespmem:s2+$0x18070]  }
0x38b: {  	s16 =	sor.u32 $0x30, s1;
	[tilespmem:s15+$0x0] =	vst.add.f32.msk $0xffff, v0  }
0x38c: {  	[tilespmem:s16+$0x0] =	vst.add.f32.msk $0xffff, v0  }
0x38d: {  	v0 =	vld [tilespmem:s0+$0x18040]  }
0x38e: {  	s2 =	sor.u32 $0x70, s2  }
0x38f: {  	s3 =	sor.u32 $0x70, s3;
	[tilespmem:s2+$0x0] =	vst.add.f32.msk $0xffff, v1  }
0x390: {  	s24 =	sor.u32 s8, s18;
	[tilespmem:s3+$0x0] =	vst.add.f32.msk $0xffff, v1  }
0x391: {  	s17 =	sor.u32 $0x40, s0;
	v1 =	vld [tilespmem:s24+$0x18000]  }
0x392: {  	s18 =	sor.u32 $0x40, s1;
	[tilespmem:s17+$0x0] =	vst.add.f32.msk $0xffff, v0  }
0x393: {  	[tilespmem:s18+$0x0] =	vst.add.f32.msk $0xffff, v0  }
0x394: {  	v0 =	vld [tilespmem:s0+$0x18050];
	_ =	sdelay $0x1  }
0x395: {  	s19 =	sor.u32 s8, s22;
	[tilespmem:s24+$0x0] =	vst.add.f32.msk $0xffff, v1  }
0x396: {  	[tilespmem:s19+$0x0] =	vst.add.f32.msk $0xffff, v1  }
0x397: {  	s20 =	sor.u32 $0x50, s0;
	v1 =	vld [tilespmem:s24+$0x18010]  }
0x398: {  	s21 =	sor.u32 $0x50, s1;
	[tilespmem:s20+$0x0] =	vst.add.f32.msk $0xffff, v0  }
0x399: {  	[tilespmem:s21+$0x0] =	vst.add.f32.msk $0xffff, v0  }
0x39a: {  	v0 =	vld [tilespmem:s0+$0x18060]  }
0x39b: {  	s22 =	sor.u32 $0x10, s24  }
0x39c: {  	s4 =	sor.u32 $0x10, s19;
	[tilespmem:s22+$0x0] =	vst.add.f32.msk $0xffff, v1  }
0x39d: {  	[tilespmem:s4+$0x0] =	vst.add.f32.msk $0xffff, v1  }
0x39e: {  	s23 =	sor.u32 $0x60, s0;
	v1 =	vld [tilespmem:s24+$0x18020]  }
0x39f: {  	s25 =	sor.u32 $0x60, s1;
	[tilespmem:s23+$0x0] =	vst.add.f32.msk $0xffff, v0  }
0x3a0: {  	s26 =	simm.s32 $0x0;
	[tilespmem:s25+$0x0] =	vst.add.f32.msk $0xffff, v0  }
0x3a1: {  	[dreg:$0x7] =	wrdreg s26  }
0x3a2: {  	s5 =	sor.u32 $0x30, s24;
	v0 =	vld [tilespmem:s0+$0x18070]  }
0x3a3: {  	s29 =	sor.u32 $0x60, s24;
	s28 =	sor.u32 $0x20, s24;
	s2 =	sadd.s32 $0x1400, s10  }
0x3a4: {  	s31 =	sor.u32 $0x20, s19;
	s13 =	sor.u32 $0x30, s19;
	s30 =	sor.u32 $0x60, s19;
	[tilespmem:s28+$0x0] =	vst.add.f32.msk $0xffff, v1  }
0x3a5: {  	s1 =	sor.u32 $0x70, s1;
	s4 =	simm.s32 $0x0;
	s11 =	sor.u32 $0x40, s19;
	[tilespmem:s31+$0x0] =	vst.add.f32.msk $0xffff, v1  }
0x3a6: {  	s12 =	sor.u32 $0x50, s24;
	s15 =	sor.u32 $0x70, s24;
	s0 =	sor.u32 $0x70, s0;
	v1 =	vld [tilespmem:s24+$0x18030]  }
0x3a7: {  	s17 =	sor.u32 $0x40, s24;
	s18 =	sor.u32 $0x50, s19;
	s19 =	sor.u32 $0x70, s19;
	[tilespmem:s0+$0x0] =	vst.add.f32.msk $0xffff, v0  }
.LBB2_5:
0x3a8: {  	[smem:$0x7D3] =	sst s29  }
0x3a9: {  	[smem:$0x7D6] =	sst s30  }
0x3aa: {  	[smem:$0x7D9] =	sst s15  }
0x3ab: {  	[smem:$0x7DB] =	sst s19  }
0x3ac: {  	s3 =	rddreg [dreg:$0x7];
	s0 =	sor.u32 s8, s2  }
0x3ad: {  	s20 =	sor.u32 s9, s2;
	s4 =	sadd.s32 $0x100, s4;
	s3 =	sadd.s32 $0x2, s3  }
0x3ae: {  	[tilespmem:s1+$0x0] =	vst.add.f32.msk $0xffff, v0;
	s26 =	sor.u32 $0x10, s0;
	[dreg:$0x8] =	wrdreg s4;
	s1 =	sand.u32 $0x300, s4  }
0x3af: {  	v2 =	vld [tilespmem:s20+$0x18000];
	s28 =	sor.u32 $0x20, s0;
	s25 =	sshrl.u32 s3, $0x3;
	[smem:$0x7E1] =	sst s26  }
0x3b0: {  	s4 =	sor.u32 $0x30, s0;
	[dreg:$0x1e] =	wrdreg s28;
	s31 =	smul.u32 $0x1800, s25;
	[tilespmem:s5+$0x0] =	vst.add.f32.msk $0xffff, v1  }
0x3b1: {  	s7 =	sor.u32 $0x50, s0;
	s6 =	sor.u32 $0x80, s1;
	[dreg:$0x18] =	wrdreg s4;
	[tilespmem:s13+$0x0] =	vst.add.f32.msk $0xffff, v1  }
0x3b2: {  	s10 =	sadd.s32 $0x7400, s10;
	[dreg:$0x10] =	wrdreg s7;
	s21 =	sor.u32 s31, s6;
	v0 =	vld [tilespmem:s24+$0x18040]  }
0x3b3: {  	[dreg:$0x7] =	wrdreg s3;
	s5 =	sor.u32 $0x40, s0;
	s4 =	sor.u32 s1, s31;
	v1 =	vld [tilespmem:s21+$0x18000]  }
0x3b4: {  	s23 =	sor.u32 s9, s10;
	[dreg:$0x15] =	wrdreg s5;
	s9 =	sor.u32 $0x60, s4;
	v3 =	vld [tilespmem:s4+$0x18000]  }
0x3b5: {  	[tilespmem:s20+$0x0] =	vst.add.f32.msk $0xffff, v2;
	s15 =	sor.u32 $0x400, s4;
	[smem:$0x7D2] =	sst s9  }
0x3b6: {  	s22 =	sor.u32 $0x420, s4;
	[tilespmem:s23+$0x0] =	vst.add.f32.msk $0xffff, v2;
	[smem:$0x7D7] =	sst s15  }
0x3b7: {  	s26 =	sadd.s32 $0x6000, s31;
	s28 =	sor.u32 $0x440, s4;
	[smem:$0x7DA] =	sst s22;
	v2 =	vld [tilespmem:s20+$0x18010]  }
0x3b8: {  	[smem:$0x7DD] =	sst s28;
	s15 =	sor.u32 s1, s26;
	s9 =	sor.u32 $0x450, s4;
	[tilespmem:s21+$0x0] =	vst.add.f32.msk $0xffff, v1  }
0x3b9: {  	s28 =	sor.u32 s6, s26;
	[smem:$0x7DE] =	sst s9;
	s22 =	sor.u32 $0x70, s15;
	[tilespmem:s4+$0x0] =	vst.add.f32.msk $0xffff, v3  }
0x3ba: {  	[smem:$0x7D5] =	sst s22;
	s22 =	sor.u32 $0x460, s4;
	[tilespmem:s28+$0x0] =	vst.add.f32.msk $0xffff, v1  }
0x3bb: {  	s13 =	sor.u32 $0x70, s4;
	[smem:$0x7DF] =	sst s22;
	s22 =	sor.u32 $0x470, s4;
	[tilespmem:s15+$0x0] =	vst.add.f32.msk $0xffff, v3  }
0x3bc: {  	s9 =	sor.u32 $0x10, s20;
	[smem:$0x7E0] =	sst s22;
	s22 =	sor.u32 s8, s10;
	v1 =	vld [tilespmem:s21+$0x18010]  }
0x3bd: {  	[smem:$0x7D4] =	sst s13;
	s8 =	sor.u32 $0x10, s22;
	[tilespmem:s9+$0x0] =	vst.add.f32.msk $0xffff, v2;
	s9 =	sor.u32 $0x10, s23  }
0x3be: {  	s10 =	sor.u32 $0x20, s22;
	[smem:$0x7E2] =	sst s8;
	[tilespmem:s9+$0x0] =	vst.add.f32.msk $0xffff, v2  }
0x3bf: {  	p0 =	slt.u32 s3, $0x1E;
	[smem:$0x7E3] =	sst s10;
	s10 =	sor.u32 $0x40, s22;
	v2 =	vld [tilespmem:s20+$0x18020]  }
0x3c0: {  	s8 =	sor.u32 $0x10, s21;
	v3 =	vld [tilespmem:s4+$0x18010];
	[dreg:$0x19] =	wrdreg s10;
	s10 =	sor.u32 $0x50, s22  }
0x3c1: {  	[dreg:$0x13] =	wrdreg s10;
	s10 =	sor.u32 $0x60, s0;
	[tilespmem:s8+$0x0] =	vst.add.f32.msk $0xffff, v1;
	s8 =	sor.u32 $0x10, s28  }
0x3c2: {  	s3 =	sor.u32 $0x20, s20;
	[dreg:$0x11] =	wrdreg s10;
	s10 =	sor.u32 $0x60, s22;
	[tilespmem:s8+$0x0] =	vst.add.f32.msk $0xffff, v1  }
0x3c3: {  	s19 =	sor.u32 $0x410, s4;
	[dreg:$0xe] =	wrdreg s10;
	s10 =	sor.u32 $0x70, s22;
	v1 =	vld [tilespmem:s21+$0x18020]  }
0x3c4: {  	[dreg:$0xb] =	wrdreg s10;
	s10 =	smov.u32 s31;
	s31 =	sor.u32 $0x20, s23;
	[tilespmem:s3+$0x0] =	vst.add.f32.msk $0xffff, v2  }
0x3c5: {  	s30 =	sor.u32 $0x10, s4;
	s7 =	sor.u32 $0x430, s4;
	[smem:$0x7D8] =	sst s19;
	[tilespmem:s31+$0x0] =	vst.add.f32.msk $0xffff, v2  }
0x3c6: {  	[smem:$0x7DC] =	sst s7;
	s29 =	sor.u32 $0x10, s15;
	s9 =	sor.u32 $0x30, s22;
	v2 =	vld [tilespmem:s20+$0x18030]  }
0x3c7: {  	[dreg:$0x1c] =	wrdreg s9;
	s9 =	sor.u32 $0x70, s0;
	[tilespmem:s30+$0x0] =	vst.add.f32.msk $0xffff, v3;
	s3 =	sor.u32 $0x20, s21  }
0x3c8: {  	[dreg:$0xc] =	wrdreg s9;
	s9 =	smov.u32 s6;
	s6 =	sor.u32 $0x20, s28;
	[tilespmem:s3+$0x0] =	vst.add.f32.msk $0xffff, v1  }
0x3c9: {  	s7 =	sor.u32 $0x20, s15;
	s13 =	sor.u32 $0x30, s15;
	s19 =	sor.u32 $0x40, s15;
	[tilespmem:s6+$0x0] =	vst.add.f32.msk $0xffff, v1  }
0x3ca: {  	s26 =	sor.u32 $0x50, s15;
	s5 =	sor.u32 $0x60, s15;
	s15 =	sor.u32 $0x30, s20;
	v1 =	vld [tilespmem:s21+$0x18030]  }
0x3cb: {  	s31 =	sor.u32 $0x30, s23;
	[tilespmem:s15+$0x0] =	vst.add.f32.msk $0xffff, v2  }
0x3cc: {  	[tilespmem:s31+$0x0] =	vst.add.f32.msk $0xffff, v2  }
0x3cd: {  	v2 =	vld [tilespmem:s20+$0x18040]  }
0x3ce: {  	[tilespmem:s29+$0x0] =	vst.add.f32.msk $0xffff, v3;
	s3 =	sor.u32 $0x30, s21  }
0x3cf: {  	s6 =	sor.u32 $0x30, s28;
	[tilespmem:s3+$0x0] =	vst.add.f32.msk $0xffff, v1  }
0x3d0: {  	[tilespmem:s6+$0x0] =	vst.add.f32.msk $0xffff, v1  }
0x3d1: {  	s15 =	sor.u32 $0x40, s20;
	v1 =	vld [tilespmem:s21+$0x18040]  }
0x3d2: {  	s31 =	sor.u32 $0x40, s23;
	[tilespmem:s15+$0x0] =	vst.add.f32.msk $0xffff, v2  }
0x3d3: {  	[tilespmem:s31+$0x0] =	vst.add.f32.msk $0xffff, v2  }
0x3d4: {  	v2 =	vld [tilespmem:s20+$0x18050]  }
0x3d5: {  	v3 =	vld [tilespmem:s4+$0x18020];
	s3 =	sor.u32 $0x40, s21  }
0x3d6: {  	s6 =	sor.u32 $0x40, s28;
	[tilespmem:s3+$0x0] =	vst.add.f32.msk $0xffff, v1  }
0x3d7: {  	[tilespmem:s6+$0x0] =	vst.add.f32.msk $0xffff, v1  }
0x3d8: {  	s15 =	sor.u32 $0x50, s20;
	v1 =	vld [tilespmem:s21+$0x18050]  }
0x3d9: {  	s31 =	sor.u32 $0x50, s23;
	[tilespmem:s15+$0x0] =	vst.add.f32.msk $0xffff, v2  }
0x3da: {  	[tilespmem:s31+$0x0] =	vst.add.f32.msk $0xffff, v2  }
0x3db: {  	v2 =	vld [tilespmem:s20+$0x18060]  }
0x3dc: {  	[tilespmem:s17+$0x0] =	vst.add.f32.msk $0xffff, v0;
	s3 =	sor.u32 $0x50, s21  }
0x3dd: {  	s6 =	sor.u32 $0x50, s28;
	[tilespmem:s3+$0x0] =	vst.add.f32.msk $0xffff, v1  }
0x3de: {  	[tilespmem:s6+$0x0] =	vst.add.f32.msk $0xffff, v1  }
0x3df: {  	s15 =	sor.u32 $0x60, s20;
	v1 =	vld [tilespmem:s21+$0x18060]  }
0x3e0: {  	s31 =	sor.u32 $0x60, s23;
	[tilespmem:s15+$0x0] =	vst.add.f32.msk $0xffff, v2  }
0x3e1: {  	[tilespmem:s31+$0x0] =	vst.add.f32.msk $0xffff, v2  }
0x3e2: {  	v2 =	vld [tilespmem:s20+$0x18070]  }
0x3e3: {  	s16 =	sor.u32 $0x20, s4;
	[tilespmem:s11+$0x0] =	vst.add.f32.msk $0xffff, v0  }
0x3e4: {  	[tilespmem:s16+$0x0] =	vst.add.f32.msk $0xffff, v3  }
0x3e5: {  	[tilespmem:s7+$0x0] =	vst.add.f32.msk $0xffff, v3;
	s3 =	sor.u32 $0x60, s21  }
0x3e6: {  	s6 =	sor.u32 $0x70, s20;
	[tilespmem:s3+$0x0] =	vst.add.f32.msk $0xffff, v1  }
0x3e7: {  	s11 =	sor.u32 $0x70, s23;
	[tilespmem:s6+$0x0] =	vst.add.f32.msk $0xffff, v2  }
0x3e8: {  	s15 =	sor.u32 $0x60, s28;
	[tilespmem:s11+$0x0] =	vst.add.f32.msk $0xffff, v2  }
0x3e9: {  	[tilespmem:s15+$0x0] =	vst.add.f32.msk $0xffff, v1  }
0x3ea: {  	v1 =	vld [tilespmem:s4+$0x18030]  }
0x3eb: {  	v0 =	vld [tilespmem:s21+$0x18070];
	_ =	sdelay $0x2  }
0x3ec: {  	s25 =	sor.u32 $0x30, s4;
	v2 =	vld [tilespmem:s24+$0x18050]  }
0x3ed: {  	s16 =	sor.u32 $0x70, s21;
	[tilespmem:s25+$0x0] =	vst.add.f32.msk $0xffff, v1  }
0x3ee: {  	[tilespmem:s16+$0x0] =	vst.add.f32.msk $0xffff, v0  }
0x3ef: {  	s17 =	sor.u32 $0x70, s28;
	[tilespmem:s13+$0x0] =	vst.add.f32.msk $0xffff, v1  }
0x3f0: {  	[tilespmem:s17+$0x0] =	vst.add.f32.msk $0xffff, v0  }
0x3f1: {  	v1 =	vld [tilespmem:s4+$0x18040]  }
0x3f2: {  	v0 =	vld [tilespmem:s21+$0x18400];
	_ =	sdelay $0x2  }
0x3f3: {  	s2 =	sor.u32 $0x40, s4;
	[tilespmem:s12+$0x0] =	vst.add.f32.msk $0xffff, v2  }
0x3f4: {  	s23 =	sor.u32 $0x400, s21;
	[tilespmem:s2+$0x0] =	vst.add.f32.msk $0xffff, v1  }
0x3f5: {  	s20 =	sadd.s32 $0x6400, s10;
	[tilespmem:s23+$0x0] =	vst.add.f32.msk $0xffff, v0  }
0x3f6: {  	s7 =	sor.u32 s9, s20;
	[tilespmem:s19+$0x0] =	vst.add.f32.msk $0xffff, v1  }
0x3f7: {  	[tilespmem:s7+$0x0] =	vst.add.f32.msk $0xffff, v0  }
0x3f8: {  	v1 =	vld [tilespmem:s4+$0x18050]  }
0x3f9: {  	v0 =	vld [tilespmem:s21+$0x18410];
	_ =	sdelay $0x2  }
0x3fa: {  	s14 =	sor.u32 $0x50, s4;
	[tilespmem:s18+$0x0] =	vst.add.f32.msk $0xffff, v2  }
0x3fb: {  	s25 =	sor.u32 $0x410, s21;
	[tilespmem:s14+$0x0] =	vst.add.f32.msk $0xffff, v1  }
0x3fc: {  	[tilespmem:s25+$0x0] =	vst.add.f32.msk $0xffff, v0  }
0x3fd: {  	s28 =	sor.u32 $0x10, s7;
	[tilespmem:s26+$0x0] =	vst.add.f32.msk $0xffff, v1  }
0x3fe: {  	[tilespmem:s28+$0x0] =	vst.add.f32.msk $0xffff, v0  }
0x3ff: {  	v1 =	vld [tilespmem:s4+$0x18060]  }
0x400: {  	v0 =	vld [tilespmem:s21+$0x18420]  }
0x401: {  	s12 =	sld [smem:$0x7D2];
	_ =	sdelay $0x1  }
0x402: {  	v2 =	vld [tilespmem:s24+$0x18060]  }
0x403: {  	s31 =	sor.u32 $0x420, s21;
	[tilespmem:s12+$0x0] =	vst.add.f32.msk $0xffff, v1  }
0x404: {  	[tilespmem:s31+$0x0] =	vst.add.f32.msk $0xffff, v0  }
0x405: {  	s6 =	sor.u32 $0x20, s7;
	[tilespmem:s5+$0x0] =	vst.add.f32.msk $0xffff, v1  }
0x406: {  	[tilespmem:s6+$0x0] =	vst.add.f32.msk $0xffff, v0  }
0x407: {  	v1 =	vld [tilespmem:s4+$0x18070]  }
0x408: {  	s15 =	sld [smem:$0x7D3];
	v0 =	vld [tilespmem:s21+$0x18430]  }
0x409: {  	s19 =	sld [smem:$0x7D4];
	_ =	sdelay $0x1  }
0x40a: {  	s25 =	sld [smem:$0x7D5];
	[tilespmem:s15+$0x0] =	vst.add.f32.msk $0xffff, v2  }
0x40b: {  	s14 =	sor.u32 $0x430, s21;
	[tilespmem:s19+$0x0] =	vst.add.f32.msk $0xffff, v1  }
0x40c: {  	[tilespmem:s14+$0x0] =	vst.add.f32.msk $0xffff, v0  }
0x40d: {  	s18 =	sor.u32 $0x30, s7;
	[tilespmem:s25+$0x0] =	vst.add.f32.msk $0xffff, v1  }
0x40e: {  	[tilespmem:s18+$0x0] =	vst.add.f32.msk $0xffff, v0  }
0x40f: {  	v1 =	vld [tilespmem:s4+$0x18400]  }
0x410: {  	s28 =	sld [smem:$0x7D6];
	v0 =	vld [tilespmem:s21+$0x18440]  }
0x411: {  	s5 =	sld [smem:$0x7D7];
	_ =	sdelay $0x1  }
0x412: {  	[tilespmem:s28+$0x0] =	vst.add.f32.msk $0xffff, v2  }
0x413: {  	s8 =	smov.u32 s1;
	s26 =	sor.u32 $0x440, s21;
	[tilespmem:s5+$0x0] =	vst.add.f32.msk $0xffff, v1  }
0x414: {  	s1 =	sor.u32 s8, s20;
	[tilespmem:s26+$0x0] =	vst.add.f32.msk $0xffff, v0  }
0x415: {  	s31 =	sor.u32 $0x40, s7;
	[tilespmem:s1+$0x0] =	vst.add.f32.msk $0xffff, v1  }
0x416: {  	[tilespmem:s31+$0x0] =	vst.add.f32.msk $0xffff, v0  }
0x417: {  	v1 =	vld [tilespmem:s4+$0x18410]  }
0x418: {  	v0 =	vld [tilespmem:s21+$0x18450]  }
0x419: {  	s14 =	sld [smem:$0x7D8];
	_ =	sdelay $0x1  }
0x41a: {  	v2 =	vld [tilespmem:s24+$0x18070]  }
0x41b: {  	s6 =	sor.u32 $0x450, s21;
	[tilespmem:s14+$0x0] =	vst.add.f32.msk $0xffff, v1  }
0x41c: {  	s12 =	sor.u32 $0x50, s7;
	[tilespmem:s6+$0x0] =	vst.add.f32.msk $0xffff, v0  }
0x41d: {  	[tilespmem:s12+$0x0] =	vst.add.f32.msk $0xffff, v0  }
0x41e: {  	s16 =	sor.u32 $0x10, s1;
	v0 =	vld [tilespmem:s21+$0x18460]  }
0x41f: {  	[tilespmem:s16+$0x0] =	vst.add.f32.msk $0xffff, v1;
	s16 =	sld [smem:$0x7D9];
	_ =	sdelay $0x1  }
0x420: {  	v1 =	vld [tilespmem:s4+$0x18420]  }
0x421: {  	s15 =	sor.u32 $0x460, s21;
	[tilespmem:s16+$0x0] =	vst.add.f32.msk $0xffff, v2  }
0x422: {  	s19 =	sld [smem:$0x7DA];
	s18 =	sor.u32 $0x60, s7;
	[tilespmem:s15+$0x0] =	vst.add.f32.msk $0xffff, v0  }
0x423: {  	[tilespmem:s18+$0x0] =	vst.add.f32.msk $0xffff, v0  }
0x424: {  	v0 =	vld [tilespmem:s21+$0x18470]  }
0x425: {  	s13 =	sor.u32 $0x20, s1;
	s24 =	sld [smem:$0x7DB];
	[tilespmem:s19+$0x0] =	vst.add.f32.msk $0xffff, v1  }
0x426: {  	[tilespmem:s13+$0x0] =	vst.add.f32.msk $0xffff, v1  }
0x427: {  	v1 =	vld [tilespmem:s4+$0x18430]  }
0x428: {  	[tilespmem:s24+$0x0] =	vst.add.f32.msk $0xffff, v2;
	s21 =	sor.u32 $0x470, s21  }
0x429: {  	s25 =	sadd.s32 $0x800, s10;
	s28 =	sld [smem:$0x7DC];
	s26 =	sor.u32 $0x70, s7;
	[tilespmem:s21+$0x0] =	vst.add.f32.msk $0xffff, v0  }
0x42a: {  	s2 =	sor.u32 s9, s25;
	[tilespmem:s26+$0x0] =	vst.add.f32.msk $0xffff, v0  }
0x42b: {  	v0 =	vld [tilespmem:s2+$0x18000]  }
0x42c: {  	s3 =	sor.u32 $0x30, s1;
	[tilespmem:s28+$0x0] =	vst.add.f32.msk $0xffff, v1  }
0x42d: {  	[tilespmem:s3+$0x0] =	vst.add.f32.msk $0xffff, v1  }
0x42e: {  	v1 =	vld [tilespmem:s4+$0x18440]  }
0x42f: {  	s31 =	sadd.s32 $0x6800, s10;
	v2 =	vld [tilespmem:s0+$0x18000]  }
0x430: {  	s19 =	sor.u32 s9, s31;
	s15 =	sld [smem:$0x7DD];
	[tilespmem:s2+$0x0] =	vst.add.f32.msk $0xffff, v0  }
0x431: {  	[tilespmem:s19+$0x0] =	vst.add.f32.msk $0xffff, v0  }
0x432: {  	v0 =	vld [tilespmem:s2+$0x18010]  }
0x433: {  	s23 =	sor.u32 $0x40, s1;
	[tilespmem:s15+$0x0] =	vst.add.f32.msk $0xffff, v1  }
0x434: {  	[tilespmem:s23+$0x0] =	vst.add.f32.msk $0xffff, v1  }
0x435: {  	v1 =	vld [tilespmem:s4+$0x18450]  }
0x436: {  	s29 =	sor.u32 s8, s31;
	s31 =	sor.u32 $0x10, s2;
	[tilespmem:s0+$0x0] =	vst.add.f32.msk $0xffff, v2  }
0x437: {  	s23 =	sor.u32 $0x10, s19;
	[tilespmem:s31+$0x0] =	vst.add.f32.msk $0xffff, v0;
	s31 =	sld [smem:$0x7DE]  }
0x438: {  	[tilespmem:s23+$0x0] =	vst.add.f32.msk $0xffff, v0  }
0x439: {  	v0 =	vld [tilespmem:s2+$0x18020]  }
0x43a: {  	s20 =	sor.u32 $0x50, s1;
	[tilespmem:s31+$0x0] =	vst.add.f32.msk $0xffff, v1  }
0x43b: {  	[tilespmem:s20+$0x0] =	vst.add.f32.msk $0xffff, v1  }
0x43c: {  	v1 =	vld [tilespmem:s4+$0x18460]  }
0x43d: {  	s20 =	sor.u32 $0x20, s2;
	[tilespmem:s22+$0x0] =	vst.add.f32.msk $0xffff, v2  }
0x43e: {  	s23 =	sor.u32 $0x20, s19;
	s31 =	sld [smem:$0x7DF];
	[tilespmem:s20+$0x0] =	vst.add.f32.msk $0xffff, v0  }
0x43f: {  	[tilespmem:s23+$0x0] =	vst.add.f32.msk $0xffff, v0  }
0x440: {  	v0 =	vld [tilespmem:s2+$0x18030]  }
0x441: {  	s17 =	sor.u32 $0x60, s1;
	[tilespmem:s31+$0x0] =	vst.add.f32.msk $0xffff, v1  }
0x442: {  	[tilespmem:s17+$0x0] =	vst.add.f32.msk $0xffff, v1  }
0x443: {  	v1 =	vld [tilespmem:s4+$0x18470]  }
0x444: {  	s20 =	sor.u32 $0x30, s2;
	v2 =	vld [tilespmem:s0+$0x18010]  }
0x445: {  	s22 =	sor.u32 $0x30, s19;
	s23 =	sld [smem:$0x7E0];
	[tilespmem:s20+$0x0] =	vst.add.f32.msk $0xffff, v0  }
0x446: {  	[tilespmem:s22+$0x0] =	vst.add.f32.msk $0xffff, v0  }
0x447: {  	v0 =	vld [tilespmem:s2+$0x18040]  }
0x448: {  	s11 =	sor.u32 $0x70, s1;
	s15 =	sld [smem:$0x7E1];
	[tilespmem:s23+$0x0] =	vst.add.f32.msk $0xffff, v1  }
0x449: {  	s1 =	sor.u32 s8, s25;
	[tilespmem:s11+$0x0] =	vst.add.f32.msk $0xffff, v1  }
0x44a: {  	v1 =	vld [tilespmem:s1+$0x18000]  }
0x44b: {  	s31 =	sor.u32 $0x40, s2;
	[tilespmem:s15+$0x0] =	vst.add.f32.msk $0xffff, v2  }
0x44c: {  	s17 =	sor.u32 $0x40, s19;
	[tilespmem:s31+$0x0] =	vst.add.f32.msk $0xffff, v0  }
0x44d: {  	[tilespmem:s17+$0x0] =	vst.add.f32.msk $0xffff, v0  }
0x44e: {  	v0 =	vld [tilespmem:s2+$0x18050]  }
0x44f: {  	s22 =	sld [smem:$0x7E2];
	[tilespmem:s1+$0x0] =	vst.add.f32.msk $0xffff, v1  }
0x450: {  	[tilespmem:s29+$0x0] =	vst.add.f32.msk $0xffff, v1  }
0x451: {  	v1 =	vld [tilespmem:s1+$0x18010]  }
0x452: {  	s20 =	sor.u32 $0x50, s2;
	[tilespmem:s22+$0x0] =	vst.add.f32.msk $0xffff, v2  }
0x453: {  	s23 =	sor.u32 $0x50, s19;
	[tilespmem:s20+$0x0] =	vst.add.f32.msk $0xffff, v0  }
0x454: {  	[tilespmem:s23+$0x0] =	vst.add.f32.msk $0xffff, v0  }
0x455: {  	s25 =	sor.u32 $0x10, s1;
	v0 =	vld [tilespmem:s2+$0x18060]  }
0x456: {  	s28 =	sor.u32 $0x10, s29;
	[tilespmem:s25+$0x0] =	vst.add.f32.msk $0xffff, v1  }
0x457: {  	[tilespmem:s28+$0x0] =	vst.add.f32.msk $0xffff, v1  }
0x458: {  	v1 =	vld [tilespmem:s1+$0x18020]  }
0x459: {  	s31 =	sor.u32 $0x60, s2;
	v2 =	vld [tilespmem:s0+$0x18020]  }
0x45a: {  	s11 =	sor.u32 $0x60, s19;
	[tilespmem:s31+$0x0] =	vst.add.f32.msk $0xffff, v0  }
0x45b: {  	[tilespmem:s11+$0x0] =	vst.add.f32.msk $0xffff, v0  }
0x45c: {  	s14 =	sor.u32 $0x20, s1;
	v0 =	vld [tilespmem:s2+$0x18070]  }
0x45d: {  	s26 =	sor.u32 $0x20, s29;
	[tilespmem:s14+$0x0] =	vst.add.f32.msk $0xffff, v1  }
0x45e: {  	[tilespmem:s26+$0x0] =	vst.add.f32.msk $0xffff, v1  }
0x45f: {  	s15 =	rddreg [dreg:$0x1e];
	v1 =	vld [tilespmem:s1+$0x18030]  }
0x460: {  	s2 =	sor.u32 $0x70, s2;
	[tilespmem:s15+$0x0] =	vst.add.f32.msk $0xffff, v2  }
0x461: {  	s17 =	sadd.s32 $0xC00, s10;
	s20 =	sor.u32 $0x70, s19;
	[tilespmem:s2+$0x0] =	vst.add.f32.msk $0xffff, v0  }
0x462: {  	s2 =	sor.u32 s8, s17;
	s17 =	sor.u32 s9, s17;
	[tilespmem:s20+$0x0] =	vst.add.f32.msk $0xffff, v0  }
0x463: {  	s6 =	sor.u32 $0x30, s1;
	v0 =	vld [tilespmem:s17+$0x18000]  }
0x464: {  	s21 =	sor.u32 $0x30, s29;
	s23 =	sld [smem:$0x7E3];
	[tilespmem:s6+$0x0] =	vst.add.f32.msk $0xffff, v1  }
0x465: {  	[tilespmem:s21+$0x0] =	vst.add.f32.msk $0xffff, v1  }
0x466: {  	v1 =	vld [tilespmem:s1+$0x18040]  }
0x467: {  	s22 =	sadd.s32 $0x6C00, s10;
	[tilespmem:s23+$0x0] =	vst.add.f32.msk $0xffff, v2  }
0x468: {  	s26 =	sor.u32 s9, s22;
	[tilespmem:s17+$0x0] =	vst.add.f32.msk $0xffff, v0  }
0x469: {  	[tilespmem:s26+$0x0] =	vst.add.f32.msk $0xffff, v0  }
0x46a: {  	s12 =	sor.u32 $0x40, s1;
	v0 =	vld [tilespmem:s17+$0x18010]  }
0x46b: {  	s24 =	sor.u32 $0x40, s29;
	[tilespmem:s12+$0x0] =	vst.add.f32.msk $0xffff, v1  }
0x46c: {  	[tilespmem:s24+$0x0] =	vst.add.f32.msk $0xffff, v1  }
0x46d: {  	v1 =	vld [tilespmem:s1+$0x18050]  }
0x46e: {  	s24 =	sor.u32 $0x10, s17;
	v2 =	vld [tilespmem:s0+$0x18030]  }
0x46f: {  	s12 =	sor.u32 $0x10, s26;
	[tilespmem:s24+$0x0] =	vst.add.f32.msk $0xffff, v0  }
0x470: {  	[tilespmem:s12+$0x0] =	vst.add.f32.msk $0xffff, v0  }
0x471: {  	s13 =	sor.u32 $0x50, s1;
	v0 =	vld [tilespmem:s17+$0x18020]  }
0x472: {  	s18 =	sor.u32 $0x50, s29;
	[tilespmem:s13+$0x0] =	vst.add.f32.msk $0xffff, v1  }
0x473: {  	[tilespmem:s18+$0x0] =	vst.add.f32.msk $0xffff, v1  }
0x474: {  	s24 =	rddreg [dreg:$0x18];
	v1 =	vld [tilespmem:s1+$0x18060]  }
0x475: {  	s18 =	sor.u32 $0x20, s17;
	[tilespmem:s24+$0x0] =	vst.add.f32.msk $0xffff, v2  }
0x476: {  	s15 =	sor.u32 $0x20, s26;
	[tilespmem:s18+$0x0] =	vst.add.f32.msk $0xffff, v0  }
0x477: {  	[tilespmem:s15+$0x0] =	vst.add.f32.msk $0xffff, v0  }
0x478: {  	s5 =	sor.u32 $0x60, s1;
	v0 =	vld [tilespmem:s17+$0x18030]  }
0x479: {  	s16 =	sor.u32 $0x60, s29;
	[tilespmem:s5+$0x0] =	vst.add.f32.msk $0xffff, v1  }
0x47a: {  	[tilespmem:s16+$0x0] =	vst.add.f32.msk $0xffff, v1  }
0x47b: {  	s24 =	rddreg [dreg:$0x1c];
	v1 =	vld [tilespmem:s1+$0x18070]  }
0x47c: {  	s18 =	sor.u32 $0x30, s17;
	[tilespmem:s24+$0x0] =	vst.add.f32.msk $0xffff, v2  }
0x47d: {  	s5 =	sor.u32 $0x30, s26;
	[tilespmem:s18+$0x0] =	vst.add.f32.msk $0xffff, v0  }
0x47e: {  	[tilespmem:s5+$0x0] =	vst.add.f32.msk $0xffff, v0  }
0x47f: {  	s3 =	sor.u32 $0x70, s1;
	v0 =	vld [tilespmem:s17+$0x18040]  }
0x480: {  	s7 =	sor.u32 $0x70, s29;
	[tilespmem:s3+$0x0] =	vst.add.f32.msk $0xffff, v1  }
0x481: {  	[tilespmem:s7+$0x0] =	vst.add.f32.msk $0xffff, v1  }
0x482: {  	v1 =	vld [tilespmem:s2+$0x18000]  }
0x483: {  	s12 =	sor.u32 $0x40, s17;
	v2 =	vld [tilespmem:s0+$0x18040]  }
0x484: {  	s13 =	sor.u32 $0x40, s26;
	[tilespmem:s12+$0x0] =	vst.add.f32.msk $0xffff, v0  }
0x485: {  	[tilespmem:s13+$0x0] =	vst.add.f32.msk $0xffff, v0  }
0x486: {  	v0 =	vld [tilespmem:s17+$0x18050]  }
0x487: {  	s6 =	sor.u32 s8, s22;
	[tilespmem:s2+$0x0] =	vst.add.f32.msk $0xffff, v1  }
0x488: {  	[tilespmem:s6+$0x0] =	vst.add.f32.msk $0xffff, v1  }
0x489: {  	s16 =	rddreg [dreg:$0x15];
	v1 =	vld [tilespmem:s2+$0x18010]  }
0x48a: {  	s15 =	sor.u32 $0x50, s17;
	[tilespmem:s16+$0x0] =	vst.add.f32.msk $0xffff, v2  }
0x48b: {  	s18 =	sor.u32 $0x50, s26;
	[tilespmem:s15+$0x0] =	vst.add.f32.msk $0xffff, v0  }
0x48c: {  	[tilespmem:s18+$0x0] =	vst.add.f32.msk $0xffff, v0  }
0x48d: {  	s28 =	sor.u32 $0x10, s2;
	v0 =	vld [tilespmem:s17+$0x18060]  }
0x48e: {  	s30 =	sor.u32 $0x10, s6;
	[tilespmem:s28+$0x0] =	vst.add.f32.msk $0xffff, v1  }
0x48f: {  	[tilespmem:s30+$0x0] =	vst.add.f32.msk $0xffff, v1  }
0x490: {  	s28 =	rddreg [dreg:$0x19];
	v1 =	vld [tilespmem:s2+$0x18020]  }
0x491: {  	s24 =	sor.u32 $0x60, s17;
	[tilespmem:s28+$0x0] =	vst.add.f32.msk $0xffff, v2  }
0x492: {  	s5 =	sor.u32 $0x60, s26;
	[tilespmem:s24+$0x0] =	vst.add.f32.msk $0xffff, v0  }
0x493: {  	[tilespmem:s5+$0x0] =	vst.add.f32.msk $0xffff, v0  }
0x494: {  	s25 =	sor.u32 $0x20, s2;
	v0 =	vld [tilespmem:s17+$0x18070]  }
0x495: {  	s29 =	sor.u32 $0x20, s6;
	[tilespmem:s25+$0x0] =	vst.add.f32.msk $0xffff, v1  }
0x496: {  	s21 =	sor.u32 $0x70, s2;
	s22 =	sor.u32 $0x40, s6;
	[tilespmem:s29+$0x0] =	vst.add.f32.msk $0xffff, v1  }
0x497: {  	s20 =	sor.u32 $0x60, s6;
	s4 =	sor.u32 $0x70, s6;
	[smem:$0x7E4] =	sst s21;
	v1 =	vld [tilespmem:s2+$0x18030]  }
0x498: {  	s23 =	sor.u32 $0x30, s6;
	s21 =	sor.u32 $0x50, s6;
	s6 =	sor.u32 $0x70, s17;
	v2 =	vld [tilespmem:s0+$0x18050]  }
0x499: {  	s7 =	sadd.s32 $0x1000, s10;
	s12 =	sor.u32 $0x70, s26;
	[tilespmem:s6+$0x0] =	vst.add.f32.msk $0xffff, v0  }
0x49a: {  	s24 =	sor.u32 s8, s7;
	s7 =	sor.u32 s9, s7;
	[tilespmem:s12+$0x0] =	vst.add.f32.msk $0xffff, v0  }
0x49b: {  	s11 =	sor.u32 $0x30, s2;
	v0 =	vld [tilespmem:s7+$0x18000]  }
0x49c: {  	[tilespmem:s11+$0x0] =	vst.add.f32.msk $0xffff, v1  }
0x49d: {  	[tilespmem:s23+$0x0] =	vst.add.f32.msk $0xffff, v1  }
0x49e: {  	s18 =	rddreg [dreg:$0x10];
	v1 =	vld [tilespmem:s2+$0x18040]  }
0x49f: {  	s13 =	sadd.s32 $0x7000, s10;
	[tilespmem:s18+$0x0] =	vst.add.f32.msk $0xffff, v2  }
0x4a0: {  	s23 =	sor.u32 s9, s13;
	[tilespmem:s7+$0x0] =	vst.add.f32.msk $0xffff, v0  }
0x4a1: {  	[tilespmem:s23+$0x0] =	vst.add.f32.msk $0xffff, v0  }
0x4a2: {  	s19 =	sor.u32 $0x40, s2;
	v0 =	vld [tilespmem:s7+$0x18010]  }
0x4a3: {  	[tilespmem:s19+$0x0] =	vst.add.f32.msk $0xffff, v1  }
0x4a4: {  	[tilespmem:s22+$0x0] =	vst.add.f32.msk $0xffff, v1  }
0x4a5: {  	s22 =	rddreg [dreg:$0x13];
	v1 =	vld [tilespmem:s2+$0x18050]  }
0x4a6: {  	s6 =	sor.u32 $0x10, s7;
	[tilespmem:s22+$0x0] =	vst.add.f32.msk $0xffff, v2  }
0x4a7: {  	s3 =	sor.u32 $0x10, s23;
	[tilespmem:s6+$0x0] =	vst.add.f32.msk $0xffff, v0  }
0x4a8: {  	[tilespmem:s3+$0x0] =	vst.add.f32.msk $0xffff, v0  }
0x4a9: {  	s14 =	sor.u32 $0x50, s2;
	v0 =	vld [tilespmem:s7+$0x18020]  }
0x4aa: {  	[tilespmem:s14+$0x0] =	vst.add.f32.msk $0xffff, v1  }
0x4ab: {  	[tilespmem:s21+$0x0] =	vst.add.f32.msk $0xffff, v1  }
0x4ac: {  	v1 =	vld [tilespmem:s2+$0x18060]  }
0x4ad: {  	s22 =	sor.u32 $0x20, s7;
	v2 =	vld [tilespmem:s0+$0x18060]  }
0x4ae: {  	s3 =	sor.u32 $0x20, s23;
	[tilespmem:s22+$0x0] =	vst.add.f32.msk $0xffff, v0  }
0x4af: {  	[tilespmem:s3+$0x0] =	vst.add.f32.msk $0xffff, v0  }
0x4b0: {  	s31 =	sor.u32 $0x60, s2;
	v0 =	vld [tilespmem:s7+$0x18030]  }
0x4b1: {  	[tilespmem:s31+$0x0] =	vst.add.f32.msk $0xffff, v1  }
0x4b2: {  	[tilespmem:s20+$0x0] =	vst.add.f32.msk $0xffff, v1  }
0x4b3: {  	s14 =	rddreg [dreg:$0x11];
	v1 =	vld [tilespmem:s2+$0x18070]  }
0x4b4: {  	s6 =	sor.u32 $0x30, s7;
	[tilespmem:s14+$0x0] =	vst.add.f32.msk $0xffff, v2  }
0x4b5: {  	s21 =	sld [smem:$0x7E4];
	s20 =	sor.u32 $0x30, s23;
	[tilespmem:s6+$0x0] =	vst.add.f32.msk $0xffff, v0  }
0x4b6: {  	[tilespmem:s20+$0x0] =	vst.add.f32.msk $0xffff, v0  }
0x4b7: {  	v0 =	vld [tilespmem:s7+$0x18040]  }
0x4b8: {  	[tilespmem:s21+$0x0] =	vst.add.f32.msk $0xffff, v1  }
0x4b9: {  	[tilespmem:s4+$0x0] =	vst.add.f32.msk $0xffff, v1  }
0x4ba: {  	s31 =	rddreg [dreg:$0xe];
	v1 =	vld [tilespmem:s24+$0x18000]  }
0x4bb: {  	s22 =	sor.u32 $0x40, s7;
	[tilespmem:s31+$0x0] =	vst.add.f32.msk $0xffff, v2  }
0x4bc: {  	s6 =	sor.u32 $0x40, s23;
	[tilespmem:s22+$0x0] =	vst.add.f32.msk $0xffff, v0  }
0x4bd: {  	[tilespmem:s6+$0x0] =	vst.add.f32.msk $0xffff, v0  }
0x4be: {  	v0 =	vld [tilespmem:s7+$0x18050]  }
0x4bf: {  	s1 =	sor.u32 s8, s13;
	[tilespmem:s24+$0x0] =	vst.add.f32.msk $0xffff, v1  }
0x4c0: {  	[tilespmem:s1+$0x0] =	vst.add.f32.msk $0xffff, v1  }
0x4c1: {  	v1 =	vld [tilespmem:s24+$0x18010]  }
0x4c2: {  	s14 =	sor.u32 $0x50, s7;
	v2 =	vld [tilespmem:s0+$0x18070]  }
0x4c3: {  	s20 =	sor.u32 $0x50, s23;
	[tilespmem:s14+$0x0] =	vst.add.f32.msk $0xffff, v0  }
0x4c4: {  	[tilespmem:s20+$0x0] =	vst.add.f32.msk $0xffff, v0  }
0x4c5: {  	s25 =	sor.u32 $0x10, s24;
	v0 =	vld [tilespmem:s7+$0x18060]  }
0x4c6: {  	s28 =	sor.u32 $0x10, s1;
	[tilespmem:s25+$0x0] =	vst.add.f32.msk $0xffff, v1  }
0x4c7: {  	[tilespmem:s28+$0x0] =	vst.add.f32.msk $0xffff, v1  }
0x4c8: {  	s22 =	rddreg [dreg:$0xc];
	v1 =	vld [tilespmem:s24+$0x18020]  }
0x4c9: {  	s21 =	sor.u32 $0x60, s7;
	[tilespmem:s22+$0x0] =	vst.add.f32.msk $0xffff, v2  }
0x4ca: {  	s25 =	sor.u32 $0x60, s23;
	[tilespmem:s21+$0x0] =	vst.add.f32.msk $0xffff, v0  }
0x4cb: {  	[tilespmem:s25+$0x0] =	vst.add.f32.msk $0xffff, v0  }
0x4cc: {  	s26 =	sor.u32 $0x20, s1;
	s30 =	sor.u32 $0x60, s1;
	s16 =	sor.u32 $0x20, s24;
	v0 =	vld [tilespmem:s7+$0x18070]  }
.Ltmp1:
0x4cd: {  	s5 =	sor.u32 $0x30, s24;
	s15 =	sor.u32 $0x70, s24;
	[tilespmem:s16+$0x0] =	vst.add.f32.msk $0xffff, v1;
	(pc) =	sbr.rel @p0 .LBB2_5-.Ltmp1, $4  }
0x4ce: {  	s17 =	sor.u32 $0x40, s24;
	s29 =	sor.u32 $0x60, s24;
	s12 =	sor.u32 $0x50, s24;
	[tilespmem:s26+$0x0] =	vst.add.f32.msk $0xffff, v1  }
0x4cf: {  	s11 =	sor.u32 $0x40, s1;
	s13 =	sor.u32 $0x30, s1;
	s31 =	rddreg [dreg:$0xb];
	v1 =	vld [tilespmem:s24+$0x18030]  }
0x4d0: {  	s18 =	sor.u32 $0x50, s1;
	s19 =	sor.u32 $0x70, s1;
	s28 =	sor.u32 $0x70, s7;
	[tilespmem:s31+$0x0] =	vst.add.f32.msk $0xffff, v2  }
0x4d1: {  	s2 =	sadd.s32 $0x1400, s10;
	s4 =	rddreg [dreg:$0x8];
	s1 =	sor.u32 $0x70, s23;
	[tilespmem:s28+$0x0] =	vst.add.f32.msk $0xffff, v0  }
0x4d2: {  	_ =	sdelay $0x1  }
0x4d3: {  	[tilespmem:s5+$0x0] =	vst.add.f32.msk $0xffff, v1  }
0x4d4: {  	[tilespmem:s13+$0x0] =	vst.add.f32.msk $0xffff, v1  }
0x4d5: {  	v1 =	vld [tilespmem:s24+$0x18040];
	_ =	sdelay $0x4  }
0x4d6: {  	[tilespmem:s17+$0x0] =	vst.add.f32.msk $0xffff, v1  }
0x4d7: {  	[tilespmem:s11+$0x0] =	vst.add.f32.msk $0xffff, v1  }
0x4d8: {  	v1 =	vld [tilespmem:s24+$0x18050];
	_ =	sdelay $0x4  }
0x4d9: {  	[tilespmem:s12+$0x0] =	vst.add.f32.msk $0xffff, v1  }
0x4da: {  	[tilespmem:s18+$0x0] =	vst.add.f32.msk $0xffff, v1  }
0x4db: {  	v1 =	vld [tilespmem:s24+$0x18060];
	_ =	sdelay $0x2  }
0x4dc: {  	[tilespmem:s1+$0x0] =	vst.add.f32.msk $0xffff, v0;
	s1 =	sor.u32 s9, s2  }
0x4dd: {  	v0 =	vld [tilespmem:s1+$0x18000]  }
0x4de: {  	[tilespmem:s29+$0x0] =	vst.add.f32.msk $0xffff, v1  }
0x4df: {  	[tilespmem:s30+$0x0] =	vst.add.f32.msk $0xffff, v1  }
0x4e0: {  	v1 =	vld [tilespmem:s24+$0x18070]  }
0x4e1: {  	s21 =	sadd.s32 $0x7400, s10  }
0x4e2: {  	s3 =	sor.u32 s9, s21;
	[tilespmem:s1+$0x0] =	vst.add.f32.msk $0xffff, v0  }
0x4e3: {  	[tilespmem:s3+$0x0] =	vst.add.f32.msk $0xffff, v0  }
0x4e4: {  	v0 =	vld [tilespmem:s1+$0x18010]  }
0x4e5: {  	[tilespmem:s15+$0x0] =	vst.add.f32.msk $0xffff, v1  }
0x4e6: {  	s0 =	sor.u32 s8, s2;
	[tilespmem:s19+$0x0] =	vst.add.f32.msk $0xffff, v1  }
0x4e7: {  	v1 =	vld [tilespmem:s0+$0x18000]  }
0x4e8: {  	s4 =	sor.u32 $0x10, s1  }
0x4e9: {  	s22 =	sor.u32 $0x10, s3;
	[tilespmem:s4+$0x0] =	vst.add.f32.msk $0xffff, v0  }
0x4ea: {  	[tilespmem:s22+$0x0] =	vst.add.f32.msk $0xffff, v0  }
0x4eb: {  	v0 =	vld [tilespmem:s1+$0x18020]  }
0x4ec: {  	s2 =	sor.u32 s8, s21;
	[tilespmem:s0+$0x0] =	vst.add.f32.msk $0xffff, v1  }
0x4ed: {  	[tilespmem:s2+$0x0] =	vst.add.f32.msk $0xffff, v1  }
0x4ee: {  	v1 =	vld [tilespmem:s0+$0x18010]  }
0x4ef: {  	s25 =	sor.u32 $0x20, s1  }
0x4f0: {  	s26 =	sor.u32 $0x20, s3;
	[tilespmem:s25+$0x0] =	vst.add.f32.msk $0xffff, v0  }
0x4f1: {  	[tilespmem:s26+$0x0] =	vst.add.f32.msk $0xffff, v0  }
0x4f2: {  	s23 =	sor.u32 $0x10, s0;
	v0 =	vld [tilespmem:s1+$0x18030]  }
0x4f3: {  	s24 =	sor.u32 $0x10, s2;
	[tilespmem:s23+$0x0] =	vst.add.f32.msk $0xffff, v1  }
0x4f4: {  	[tilespmem:s24+$0x0] =	vst.add.f32.msk $0xffff, v1  }
0x4f5: {  	v1 =	vld [tilespmem:s0+$0x18020]  }
0x4f6: {  	s6 =	sor.u32 $0x30, s1  }
0x4f7: {  	s7 =	sor.u32 $0x30, s3;
	[tilespmem:s6+$0x0] =	vst.add.f32.msk $0xffff, v0  }
0x4f8: {  	[tilespmem:s7+$0x0] =	vst.add.f32.msk $0xffff, v0  }
0x4f9: {  	s28 =	sor.u32 $0x20, s0;
	v0 =	vld [tilespmem:s1+$0x18040]  }
0x4fa: {  	s31 =	sor.u32 $0x20, s2;
	[tilespmem:s28+$0x0] =	vst.add.f32.msk $0xffff, v1  }
0x4fb: {  	[tilespmem:s31+$0x0] =	vst.add.f32.msk $0xffff, v1  }
0x4fc: {  	v1 =	vld [tilespmem:s0+$0x18030]  }
0x4fd: {  	s10 =	sor.u32 $0x40, s1  }
0x4fe: {  	s11 =	sor.u32 $0x40, s3;
	[tilespmem:s10+$0x0] =	vst.add.f32.msk $0xffff, v0  }
0x4ff: {  	[tilespmem:s11+$0x0] =	vst.add.f32.msk $0xffff, v0  }
0x500: {  	s8 =	sor.u32 $0x30, s0;
	v0 =	vld [tilespmem:s1+$0x18050]  }
0x501: {  	s9 =	sor.u32 $0x30, s2;
	[tilespmem:s8+$0x0] =	vst.add.f32.msk $0xffff, v1  }
0x502: {  	[tilespmem:s9+$0x0] =	vst.add.f32.msk $0xffff, v1  }
0x503: {  	v1 =	vld [tilespmem:s0+$0x18040]  }
0x504: {  	s14 =	sor.u32 $0x50, s1  }
0x505: {  	s15 =	sor.u32 $0x50, s3;
	[tilespmem:s14+$0x0] =	vst.add.f32.msk $0xffff, v0  }
0x506: {  	[tilespmem:s15+$0x0] =	vst.add.f32.msk $0xffff, v0  }
0x507: {  	s12 =	sor.u32 $0x40, s0;
	v0 =	vld [tilespmem:s1+$0x18060]  }
0x508: {  	s13 =	sor.u32 $0x40, s2;
	[tilespmem:s12+$0x0] =	vst.add.f32.msk $0xffff, v1  }
0x509: {  	[tilespmem:s13+$0x0] =	vst.add.f32.msk $0xffff, v1  }
0x50a: {  	v1 =	vld [tilespmem:s0+$0x18050]  }
0x50b: {  	s18 =	sor.u32 $0x60, s1  }
0x50c: {  	s19 =	sor.u32 $0x60, s3;
	[tilespmem:s18+$0x0] =	vst.add.f32.msk $0xffff, v0  }
0x50d: {  	[tilespmem:s19+$0x0] =	vst.add.f32.msk $0xffff, v0  }
0x50e: {  	s16 =	sor.u32 $0x50, s0;
	v0 =	vld [tilespmem:s1+$0x18070]  }
0x50f: {  	s17 =	sor.u32 $0x50, s2;
	[tilespmem:s16+$0x0] =	vst.add.f32.msk $0xffff, v1  }
0x510: {  	[tilespmem:s17+$0x0] =	vst.add.f32.msk $0xffff, v1  }
0x511: {  	v1 =	vld [tilespmem:s0+$0x18060];
	_ =	sdelay $0x2  }
0x512: {  	s1 =	sor.u32 $0x70, s1  }
0x513: {  	s20 =	sor.u32 $0x60, s0;
	[tilespmem:s1+$0x0] =	vst.add.f32.msk $0xffff, v0  }
0x514: {  	s21 =	sor.u32 $0x60, s2;
	[tilespmem:s20+$0x0] =	vst.add.f32.msk $0xffff, v1  }
0x515: {  	[tilespmem:s21+$0x0] =	vst.add.f32.msk $0xffff, v1  }
0x516: {  	s22 =	sor.u32 $0x70, s3;
	v1 =	vld [tilespmem:s0+$0x18070]  }
0x517: {  	[tilespmem:s22+$0x0] =	vst.add.f32.msk $0xffff, v0  }
0x518: {  	s1 =	sld [smem:$0x7FB]  }
0x519: {  	s3 =	sld [smem:$0x7E7]  }
0x51a: {  	s0 =	sor.u32 $0x70, s0  }
0x51b: {  	s2 =	sor.u32 $0x70, s2;
	[tilespmem:s0+$0x0] =	vst.add.f32.msk $0xffff, v1  }
0x51c: {  	s24 =	rddreg [dreg:$0x3];
	s1 =	sor.u32 s1, s3;
	[tilespmem:s2+$0x0] =	vst.add.f32.msk $0xffff, v1  }
0x51d: {  	s23 =	sshrl.u32 s1, $0x3;
	s26 =	sld [smem:$0x7F5]  }
0x51e: {  	s25 =	simm.s32 $0x0;
	s0 =	sadd.s32 s24, s23  }
0x51f: {  	[hbm4b:s0+s25] =	stream.linear.scatter [tilespmem:s25], [sflag:$0x5], $0x6000, $0x38;
	[tilespmem:$0x1E300] =	vst v63  }
0x520: {  	s0 =	sadd.s32 s3, s26  }
0x521: {  	s0 =	sshrl.u32 s0, $0x3  }
0x522: {  	s28 =	simm.s32 $0x6000;
	s31 =	simm.s32 $0x3;
	s0 =	sadd.s32 s24, s0  }
0x523: {  	[hbm4b:s0+s25] =	stream.linear.scatter [tilespmem:s28], [sflag:$0x6], $0x6000, $0x38;
	[tilespmem:$0x1E300] =	vst v63  }
0x524: {  	_ =	swait.ge [sflag:s31], $0x6000  }
0x525: {  	[sflag:s31] =	ssyncset.done $0x0  }
0x526: {  	s1 =	simm.s32 $0x4;
	[sflag:s31] =	ssyncadd.s32 $0xFFFFA000  }
0x527: {  	_ =	swait.ge [sflag:s1], $0x6000  }
0x528: {  	[sflag:s1] =	ssyncset.done $0x0  }
0x529: {  	s2 =	simm.s32 $0x5;
	[sflag:s1] =	ssyncadd.s32 $0xFFFFA000  }
0x52a: {  	_ =	swait.ge [sflag:s2], $0x6000  }
0x52b: {  	[sflag:s2] =	ssyncset.done $0x0  }
0x52c: {  	s5 =	simm.s32 $0x6;
	[sflag:s2] =	ssyncadd.s32 $0xFFFFA000  }
0x52d: {  	s4 =	sld [smem:$0x7E5];
	_ =	swait.ge [sflag:s5], $0x6000  }
0x52e: {  	s0 =	sld [smem:$0x7F8];
	_ =	sdelay $0x1  }
0x52f: {  	p0 =	seq.s32 s4, $0xF;
	[sflag:s5] =	ssyncset.done $0x0  }
0x530: {  	[sflag:s5] =	ssyncadd.s32 $0xFFFFA000;
	s0 =	sadd.s32 @!p0 s0, s3  }
0x531: {  	s2 =	rddreg [dreg:$0x0];
	s0 =	sshrl.u32 @!p0 s0, $0x3  }
0x532: {  	s1 =	simm.s32 @!p0 $0x0;
	s0 =	sadd.s32 @!p0 s2, s0  }
0x533: {  	[tilespmem:s1], [sflag:$0x1] =	stream.linear.gather @!p0 [hbm4b:s0+s1], $0x6000, $0x38;
	[tilespmem:$0x1E300] =	vst v63  }
0x534: {  	s0 =	sld [smem:$0x7FC];
	_ =	sdelay $0x2  }
0x535: {  	s6 =	simm.s32 $0x0;
	s0 =	sadd.s32 @!p0 s3, s0  }
0x536: {  	s10 =	smul.u32 $0x1800, s6;
	s16 =	simm.s32 $0x0;
	s0 =	sshrl.u32 @!p0 s0, $0x3  }
0x537: {  	s13 =	sand.u32 $0x300, s16;
	s0 =	sadd.s32 @!p0 s2, s0;
	s2 =	simm.s32 @!p0 $0x6000  }
0x538: {  	[tilespmem:s2], [sflag:$0x2] =	stream.linear.gather @!p0 [hbm4b:s0+s1], $0x6000, $0x38;
	[tilespmem:$0x1E300] =	vst v63  }
0x539: {  	s9 =	sor.u32 $0x80, s13;
	s0 =	sadd.s32 $0x18000, s10  }
0x53a: {  	s1 =	sor.u32 s9, s0  }
0x53b: {  	v0 =	vld [tilespmem:s1+$0x0];
	_ =	sdelay $0x2  }
0x53c: {  	s7 =	sadd.s32 $0xC000, s10  }
0x53d: {  	s8 =	sadd.s32 $0x12000, s10;
	s11 =	sor.u32 s9, s7  }
0x53e: {  	s12 =	sor.u32 s9, s8;
	[tilespmem:s11+$0x0] =	vst.add.f32.msk $0xffff, v0  }
0x53f: {  	[tilespmem:s12+$0x0] =	vst.add.f32.msk $0xffff, v0  }
0x540: {  	v0 =	vld [tilespmem:s1+$0x10];
	_ =	sdelay $0x3  }
0x541: {  	s6 =	sor.u32 $0x10, s11  }
0x542: {  	s14 =	sor.u32 $0x10, s12;
	[tilespmem:s6+$0x0] =	vst.add.f32.msk $0xffff, v0  }
0x543: {  	[tilespmem:s14+$0x0] =	vst.add.f32.msk $0xffff, v0  }
0x544: {  	v0 =	vld [tilespmem:s1+$0x20];
	_ =	sdelay $0x3  }
0x545: {  	s15 =	sor.u32 $0x20, s11  }
0x546: {  	s17 =	sor.u32 $0x20, s12;
	[tilespmem:s15+$0x0] =	vst.add.f32.msk $0xffff, v0  }
0x547: {  	[tilespmem:s17+$0x0] =	vst.add.f32.msk $0xffff, v0  }
0x548: {  	v0 =	vld [tilespmem:s1+$0x30];
	_ =	sdelay $0x2  }
0x549: {  	s0 =	sor.u32 s13, s0  }
0x54a: {  	s18 =	sor.u32 $0x30, s11;
	v1 =	vld [tilespmem:s0+$0x0]  }
0x54b: {  	s19 =	sor.u32 $0x30, s12;
	[tilespmem:s18+$0x0] =	vst.add.f32.msk $0xffff, v0  }
0x54c: {  	[tilespmem:s19+$0x0] =	vst.add.f32.msk $0xffff, v0  }
0x54d: {  	v0 =	vld [tilespmem:s1+$0x40]  }
0x54e: {  	s2 =	sor.u32 s13, s7  }
0x54f: {  	s3 =	sor.u32 s13, s8;
	[tilespmem:s2+$0x0] =	vst.add.f32.msk $0xffff, v1  }
0x550: {  	[tilespmem:s3+$0x0] =	vst.add.f32.msk $0xffff, v1  }
0x551: {  	s20 =	sor.u32 $0x40, s11;
	v1 =	vld [tilespmem:s0+$0x10]  }
0x552: {  	s21 =	sor.u32 $0x40, s12;
	[tilespmem:s20+$0x0] =	vst.add.f32.msk $0xffff, v0  }
0x553: {  	[tilespmem:s21+$0x0] =	vst.add.f32.msk $0xffff, v0  }
0x554: {  	v0 =	vld [tilespmem:s1+$0x50]  }
0x555: {  	s24 =	sor.u32 $0x10, s2  }
0x556: {  	s7 =	sor.u32 $0x10, s3;
	[tilespmem:s24+$0x0] =	vst.add.f32.msk $0xffff, v1  }
0x557: {  	[tilespmem:s7+$0x0] =	vst.add.f32.msk $0xffff, v1  }
0x558: {  	s22 =	sor.u32 $0x50, s11;
	v1 =	vld [tilespmem:s0+$0x20]  }
0x559: {  	s23 =	sor.u32 $0x50, s12;
	[tilespmem:s22+$0x0] =	vst.add.f32.msk $0xffff, v0  }
0x55a: {  	[tilespmem:s23+$0x0] =	vst.add.f32.msk $0xffff, v0  }
0x55b: {  	v0 =	vld [tilespmem:s1+$0x60]  }
0x55c: {  	s28 =	sor.u32 $0x20, s2  }
0x55d: {  	s31 =	sor.u32 $0x20, s3;
	[tilespmem:s28+$0x0] =	vst.add.f32.msk $0xffff, v1  }
0x55e: {  	[tilespmem:s31+$0x0] =	vst.add.f32.msk $0xffff, v1  }
0x55f: {  	s25 =	sor.u32 $0x60, s11;
	v1 =	vld [tilespmem:s0+$0x30]  }
0x560: {  	s26 =	sor.u32 $0x60, s12;
	[tilespmem:s25+$0x0] =	vst.add.f32.msk $0xffff, v0  }
0x561: {  	[tilespmem:s26+$0x0] =	vst.add.f32.msk $0xffff, v0  }
0x562: {  	v0 =	vld [tilespmem:s1+$0x70]  }
0x563: {  	s8 =	sor.u32 $0x30, s2  }
0x564: {  	s4 =	sor.u32 $0x70, s11;
	s11 =	sor.u32 $0x30, s3;
	[tilespmem:s8+$0x0] =	vst.add.f32.msk $0xffff, v1  }
0x565: {  	[tilespmem:s11+$0x0] =	vst.add.f32.msk $0xffff, v1  }
0x566: {  	v1 =	vld [tilespmem:s0+$0x40]  }
0x567: {  	s7 =	sor.u32 $0x70, s12;
	[tilespmem:s4+$0x0] =	vst.add.f32.msk $0xffff, v0  }
0x568: {  	[tilespmem:s7+$0x0] =	vst.add.f32.msk $0xffff, v0  }
0x569: {  	v0 =	vld [tilespmem:s1+$0x400]  }
0x56a: {  	s15 =	sor.u32 $0x40, s2  }
0x56b: {  	s17 =	sor.u32 $0x40, s3;
	[tilespmem:s15+$0x0] =	vst.add.f32.msk $0xffff, v1  }
0x56c: {  	s12 =	sadd.s32 $0xC400, s10;
	[tilespmem:s17+$0x0] =	vst.add.f32.msk $0xffff, v1  }
0x56d: {  	s14 =	sadd.s32 $0x12400, s10;
	s5 =	sor.u32 s9, s12;
	v1 =	vld [tilespmem:s0+$0x50]  }
0x56e: {  	s4 =	sor.u32 s9, s14;
	[tilespmem:s5+$0x0] =	vst.add.f32.msk $0xffff, v0  }
0x56f: {  	[tilespmem:s4+$0x0] =	vst.add.f32.msk $0xffff, v0  }
0x570: {  	v0 =	vld [tilespmem:s1+$0x410]  }
0x571: {  	s20 =	sor.u32 $0x50, s2  }
0x572: {  	s21 =	sor.u32 $0x50, s3;
	[tilespmem:s20+$0x0] =	vst.add.f32.msk $0xffff, v1  }
0x573: {  	[tilespmem:s21+$0x0] =	vst.add.f32.msk $0xffff, v1  }
0x574: {  	s18 =	sor.u32 $0x10, s5;
	v1 =	vld [tilespmem:s0+$0x60]  }
0x575: {  	s19 =	sor.u32 $0x10, s4;
	[tilespmem:s18+$0x0] =	vst.add.f32.msk $0xffff, v0  }
0x576: {  	[tilespmem:s19+$0x0] =	vst.add.f32.msk $0xffff, v0  }
0x577: {  	v0 =	vld [tilespmem:s1+$0x420]  }
0x578: {  	s24 =	sor.u32 $0x60, s2  }
0x579: {  	s25 =	sor.u32 $0x60, s3;
	[tilespmem:s24+$0x0] =	vst.add.f32.msk $0xffff, v1  }
0x57a: {  	[tilespmem:s25+$0x0] =	vst.add.f32.msk $0xffff, v1  }
0x57b: {  	s22 =	sor.u32 $0x20, s5;
	v1 =	vld [tilespmem:s0+$0x70]  }
0x57c: {  	s23 =	sor.u32 $0x20, s4;
	[tilespmem:s22+$0x0] =	vst.add.f32.msk $0xffff, v0  }
0x57d: {  	[tilespmem:s23+$0x0] =	vst.add.f32.msk $0xffff, v0  }
0x57e: {  	v0 =	vld [tilespmem:s1+$0x430]  }
0x57f: {  	s2 =	sor.u32 $0x70, s2  }
0x580: {  	s3 =	sor.u32 $0x70, s3;
	[tilespmem:s2+$0x0] =	vst.add.f32.msk $0xffff, v1  }
0x581: {  	[tilespmem:s3+$0x0] =	vst.add.f32.msk $0xffff, v1  }
0x582: {  	s26 =	sor.u32 $0x30, s5;
	v1 =	vld [tilespmem:s0+$0x400]  }
0x583: {  	s28 =	sor.u32 $0x30, s4;
	[tilespmem:s26+$0x0] =	vst.add.f32.msk $0xffff, v0  }
0x584: {  	[tilespmem:s28+$0x0] =	vst.add.f32.msk $0xffff, v0  }
0x585: {  	v0 =	vld [tilespmem:s1+$0x440];
	_ =	sdelay $0x2  }
0x586: {  	s2 =	sor.u32 s13, s12  }
0x587: {  	s31 =	sor.u32 $0x40, s5;
	[tilespmem:s2+$0x0] =	vst.add.f32.msk $0xffff, v1  }
0x588: {  	s3 =	sor.u32 $0x40, s4;
	[tilespmem:s31+$0x0] =	vst.add.f32.msk $0xffff, v0  }
0x589: {  	[tilespmem:s3+$0x0] =	vst.add.f32.msk $0xffff, v0  }
0x58a: {  	s3 =	sor.u32 s13, s14;
	v0 =	vld [tilespmem:s1+$0x450]  }
0x58b: {  	[tilespmem:s3+$0x0] =	vst.add.f32.msk $0xffff, v1  }
0x58c: {  	v1 =	vld [tilespmem:s0+$0x410];
	_ =	sdelay $0x1  }
0x58d: {  	s8 =	sor.u32 $0x50, s5  }
0x58e: {  	s11 =	sor.u32 $0x50, s4;
	[tilespmem:s8+$0x0] =	vst.add.f32.msk $0xffff, v0  }
0x58f: {  	s12 =	sor.u32 $0x10, s2;
	[tilespmem:s11+$0x0] =	vst.add.f32.msk $0xffff, v0  }
0x590: {  	[tilespmem:s12+$0x0] =	vst.add.f32.msk $0xffff, v1  }
0x591: {  	s7 =	sor.u32 $0x10, s3;
	v0 =	vld [tilespmem:s1+$0x460]  }
0x592: {  	[tilespmem:s7+$0x0] =	vst.add.f32.msk $0xffff, v1  }
0x593: {  	v1 =	vld [tilespmem:s0+$0x420];
	_ =	sdelay $0x1  }
0x594: {  	s14 =	sor.u32 $0x60, s5  }
0x595: {  	s15 =	sor.u32 $0x60, s4;
	[tilespmem:s14+$0x0] =	vst.add.f32.msk $0xffff, v0  }
0x596: {  	s17 =	sor.u32 $0x20, s2;
	[tilespmem:s15+$0x0] =	vst.add.f32.msk $0xffff, v0  }
0x597: {  	[tilespmem:s17+$0x0] =	vst.add.f32.msk $0xffff, v1  }
0x598: {  	s18 =	sor.u32 $0x20, s3;
	v0 =	vld [tilespmem:s1+$0x470]  }
0x599: {  	[tilespmem:s18+$0x0] =	vst.add.f32.msk $0xffff, v1  }
0x59a: {  	v1 =	vld [tilespmem:s0+$0x430];
	_ =	sdelay $0x1  }
0x59b: {  	s19 =	sor.u32 $0x70, s5  }
0x59c: {  	s20 =	sor.u32 $0x70, s4;
	[tilespmem:s19+$0x0] =	vst.add.f32.msk $0xffff, v0  }
0x59d: {  	s6 =	sadd.s32 $0x18800, s10;
	s21 =	sor.u32 $0x30, s2;
	[tilespmem:s20+$0x0] =	vst.add.f32.msk $0xffff, v0  }
0x59e: {  	s1 =	sor.u32 s9, s6;
	[tilespmem:s21+$0x0] =	vst.add.f32.msk $0xffff, v1  }
0x59f: {  	s22 =	sor.u32 $0x30, s3;
	v0 =	vld [tilespmem:s1+$0x0]  }
0x5a0: {  	[tilespmem:s22+$0x0] =	vst.add.f32.msk $0xffff, v1  }
0x5a1: {  	v1 =	vld [tilespmem:s0+$0x440]  }
0x5a2: {  	s7 =	sadd.s32 $0xC800, s10  }
0x5a3: {  	s8 =	sadd.s32 $0x12800, s10;
	s5 =	sor.u32 s9, s7  }
0x5a4: {  	s4 =	sor.u32 s9, s8;
	[tilespmem:s5+$0x0] =	vst.add.f32.msk $0xffff, v0  }
0x5a5: {  	s23 =	sor.u32 $0x40, s2;
	[tilespmem:s4+$0x0] =	vst.add.f32.msk $0xffff, v0  }
0x5a6: {  	[tilespmem:s23+$0x0] =	vst.add.f32.msk $0xffff, v1  }
0x5a7: {  	s24 =	sor.u32 $0x40, s3;
	v0 =	vld [tilespmem:s1+$0x10]  }
0x5a8: {  	[tilespmem:s24+$0x0] =	vst.add.f32.msk $0xffff, v1  }
0x5a9: {  	v1 =	vld [tilespmem:s0+$0x450];
	_ =	sdelay $0x1  }
0x5aa: {  	s25 =	sor.u32 $0x10, s5  }
0x5ab: {  	s26 =	sor.u32 $0x10, s4;
	[tilespmem:s25+$0x0] =	vst.add.f32.msk $0xffff, v0  }
0x5ac: {  	s28 =	sor.u32 $0x50, s2;
	[tilespmem:s26+$0x0] =	vst.add.f32.msk $0xffff, v0  }
0x5ad: {  	[tilespmem:s28+$0x0] =	vst.add.f32.msk $0xffff, v1  }
0x5ae: {  	s31 =	sor.u32 $0x50, s3;
	v0 =	vld [tilespmem:s1+$0x20]  }
0x5af: {  	[tilespmem:s31+$0x0] =	vst.add.f32.msk $0xffff, v1  }
0x5b0: {  	v1 =	vld [tilespmem:s0+$0x460];
	_ =	sdelay $0x1  }
0x5b1: {  	s14 =	sor.u32 $0x20, s5  }
0x5b2: {  	s15 =	sor.u32 $0x20, s4;
	[tilespmem:s14+$0x0] =	vst.add.f32.msk $0xffff, v0  }
0x5b3: {  	s17 =	sor.u32 $0x60, s2;
	[tilespmem:s15+$0x0] =	vst.add.f32.msk $0xffff, v0  }
0x5b4: {  	[tilespmem:s17+$0x0] =	vst.add.f32.msk $0xffff, v1  }
0x5b5: {  	s18 =	sor.u32 $0x60, s3;
	v0 =	vld [tilespmem:s1+$0x30]  }
0x5b6: {  	[tilespmem:s18+$0x0] =	vst.add.f32.msk $0xffff, v1  }
0x5b7: {  	v1 =	vld [tilespmem:s0+$0x470];
	_ =	sdelay $0x1  }
0x5b8: {  	s19 =	sor.u32 $0x30, s5  }
0x5b9: {  	s20 =	sor.u32 $0x30, s4;
	[tilespmem:s19+$0x0] =	vst.add.f32.msk $0xffff, v0  }
0x5ba: {  	s21 =	sor.u32 $0x70, s2;
	[tilespmem:s20+$0x0] =	vst.add.f32.msk $0xffff, v0  }
0x5bb: {  	[tilespmem:s21+$0x0] =	vst.add.f32.msk $0xffff, v1  }
0x5bc: {  	s22 =	sor.u32 $0x70, s3;
	v0 =	vld [tilespmem:s1+$0x40]  }
0x5bd: {  	s0 =	sor.u32 s13, s6;
	[tilespmem:s22+$0x0] =	vst.add.f32.msk $0xffff, v1  }
0x5be: {  	v1 =	vld [tilespmem:s0+$0x0];
	_ =	sdelay $0x1  }
0x5bf: {  	s23 =	sor.u32 $0x40, s5  }
0x5c0: {  	s24 =	sor.u32 $0x40, s4;
	[tilespmem:s23+$0x0] =	vst.add.f32.msk $0xffff, v0  }
0x5c1: {  	s2 =	sor.u32 s13, s7;
	[tilespmem:s24+$0x0] =	vst.add.f32.msk $0xffff, v0  }
0x5c2: {  	[tilespmem:s2+$0x0] =	vst.add.f32.msk $0xffff, v1  }
0x5c3: {  	s3 =	sor.u32 s13, s8;
	v0 =	vld [tilespmem:s1+$0x50]  }
0x5c4: {  	[tilespmem:s3+$0x0] =	vst.add.f32.msk $0xffff, v1  }
0x5c5: {  	v1 =	vld [tilespmem:s0+$0x10];
	_ =	sdelay $0x1  }
0x5c6: {  	s25 =	sor.u32 $0x50, s5  }
0x5c7: {  	s26 =	sor.u32 $0x50, s4;
	[tilespmem:s25+$0x0] =	vst.add.f32.msk $0xffff, v0  }
0x5c8: {  	s28 =	sor.u32 $0x10, s2;
	[tilespmem:s26+$0x0] =	vst.add.f32.msk $0xffff, v0  }
0x5c9: {  	[tilespmem:s28+$0x0] =	vst.add.f32.msk $0xffff, v1  }
0x5ca: {  	s31 =	sor.u32 $0x10, s3;
	v0 =	vld [tilespmem:s1+$0x60]  }
0x5cb: {  	[tilespmem:s31+$0x0] =	vst.add.f32.msk $0xffff, v1  }
0x5cc: {  	v1 =	vld [tilespmem:s0+$0x20];
	_ =	sdelay $0x1  }
0x5cd: {  	s7 =	sor.u32 $0x60, s5  }
0x5ce: {  	s8 =	sor.u32 $0x60, s4;
	[tilespmem:s7+$0x0] =	vst.add.f32.msk $0xffff, v0  }
0x5cf: {  	s11 =	sor.u32 $0x20, s2;
	[tilespmem:s8+$0x0] =	vst.add.f32.msk $0xffff, v0  }
0x5d0: {  	[tilespmem:s11+$0x0] =	vst.add.f32.msk $0xffff, v1  }
0x5d1: {  	s12 =	sor.u32 $0x20, s3;
	v0 =	vld [tilespmem:s1+$0x70]  }
0x5d2: {  	[tilespmem:s12+$0x0] =	vst.add.f32.msk $0xffff, v1  }
0x5d3: {  	v1 =	vld [tilespmem:s0+$0x30];
	_ =	sdelay $0x1  }
0x5d4: {  	s14 =	sor.u32 $0x70, s5  }
0x5d5: {  	s15 =	sor.u32 $0x70, s4;
	[tilespmem:s14+$0x0] =	vst.add.f32.msk $0xffff, v0  }
0x5d6: {  	s5 =	sadd.s32 $0x18C00, s10;
	s17 =	sor.u32 $0x30, s2;
	[tilespmem:s15+$0x0] =	vst.add.f32.msk $0xffff, v0  }
0x5d7: {  	s1 =	sor.u32 s9, s5;
	[tilespmem:s17+$0x0] =	vst.add.f32.msk $0xffff, v1  }
0x5d8: {  	s18 =	sor.u32 $0x30, s3;
	v0 =	vld [tilespmem:s1+$0x0]  }
0x5d9: {  	[tilespmem:s18+$0x0] =	vst.add.f32.msk $0xffff, v1  }
0x5da: {  	v1 =	vld [tilespmem:s0+$0x40]  }
0x5db: {  	s4 =	sadd.s32 $0xCC00, s10  }
0x5dc: {  	s7 =	sor.u32 s9, s4;
	s8 =	sadd.s32 $0x12C00, s10  }
0x5dd: {  	s6 =	sor.u32 s9, s8;
	[tilespmem:s7+$0x0] =	vst.add.f32.msk $0xffff, v0  }
0x5de: {  	s19 =	sor.u32 $0x40, s2;
	[tilespmem:s6+$0x0] =	vst.add.f32.msk $0xffff, v0  }
0x5df: {  	[tilespmem:s19+$0x0] =	vst.add.f32.msk $0xffff, v1  }
0x5e0: {  	s20 =	sor.u32 $0x40, s3;
	v0 =	vld [tilespmem:s1+$0x10]  }
0x5e1: {  	[tilespmem:s20+$0x0] =	vst.add.f32.msk $0xffff, v1  }
0x5e2: {  	v1 =	vld [tilespmem:s0+$0x50];
	_ =	sdelay $0x1  }
0x5e3: {  	s21 =	sor.u32 $0x10, s7  }
0x5e4: {  	s22 =	sor.u32 $0x10, s6;
	[tilespmem:s21+$0x0] =	vst.add.f32.msk $0xffff, v0  }
0x5e5: {  	s23 =	sor.u32 $0x50, s2;
	[tilespmem:s22+$0x0] =	vst.add.f32.msk $0xffff, v0  }
0x5e6: {  	[tilespmem:s23+$0x0] =	vst.add.f32.msk $0xffff, v1  }
0x5e7: {  	s24 =	sor.u32 $0x50, s3;
	v0 =	vld [tilespmem:s1+$0x20]  }
0x5e8: {  	[tilespmem:s24+$0x0] =	vst.add.f32.msk $0xffff, v1  }
0x5e9: {  	v1 =	vld [tilespmem:s0+$0x60];
	_ =	sdelay $0x1  }
0x5ea: {  	s25 =	sor.u32 $0x20, s7  }
0x5eb: {  	s26 =	sor.u32 $0x20, s6;
	[tilespmem:s25+$0x0] =	vst.add.f32.msk $0xffff, v0  }
0x5ec: {  	s28 =	sor.u32 $0x60, s2;
	[tilespmem:s26+$0x0] =	vst.add.f32.msk $0xffff, v0  }
0x5ed: {  	[tilespmem:s28+$0x0] =	vst.add.f32.msk $0xffff, v1  }
0x5ee: {  	s31 =	sor.u32 $0x60, s3;
	v0 =	vld [tilespmem:s1+$0x30]  }
0x5ef: {  	[tilespmem:s31+$0x0] =	vst.add.f32.msk $0xffff, v1  }
0x5f0: {  	v1 =	vld [tilespmem:s0+$0x70];
	_ =	sdelay $0x1  }
0x5f1: {  	s14 =	sor.u32 $0x30, s7  }
0x5f2: {  	s15 =	sor.u32 $0x30, s6;
	[tilespmem:s14+$0x0] =	vst.add.f32.msk $0xffff, v0  }
0x5f3: {  	s17 =	sor.u32 $0x70, s2;
	[tilespmem:s15+$0x0] =	vst.add.f32.msk $0xffff, v0  }
0x5f4: {  	[tilespmem:s17+$0x0] =	vst.add.f32.msk $0xffff, v1  }
0x5f5: {  	s18 =	sor.u32 $0x70, s3;
	v0 =	vld [tilespmem:s1+$0x40]  }
0x5f6: {  	s3 =	sor.u32 s13, s5;
	[tilespmem:s18+$0x0] =	vst.add.f32.msk $0xffff, v1  }
0x5f7: {  	v1 =	vld [tilespmem:s3+$0x0];
	_ =	sdelay $0x1  }
0x5f8: {  	s19 =	sor.u32 $0x40, s7  }
0x5f9: {  	s20 =	sor.u32 $0x40, s6;
	[tilespmem:s19+$0x0] =	vst.add.f32.msk $0xffff, v0  }
0x5fa: {  	s4 =	sor.u32 s13, s4;
	[tilespmem:s20+$0x0] =	vst.add.f32.msk $0xffff, v0  }
0x5fb: {  	[tilespmem:s4+$0x0] =	vst.add.f32.msk $0xffff, v1  }
0x5fc: {  	s5 =	sor.u32 s13, s8;
	v0 =	vld [tilespmem:s1+$0x50]  }
0x5fd: {  	[tilespmem:s5+$0x0] =	vst.add.f32.msk $0xffff, v1  }
0x5fe: {  	v1 =	vld [tilespmem:s3+$0x10];
	_ =	sdelay $0x1  }
0x5ff: {  	s21 =	sor.u32 $0x50, s7  }
0x600: {  	s22 =	sor.u32 $0x50, s6;
	[tilespmem:s21+$0x0] =	vst.add.f32.msk $0xffff, v0  }
0x601: {  	s23 =	sor.u32 $0x10, s4;
	[tilespmem:s22+$0x0] =	vst.add.f32.msk $0xffff, v0  }
0x602: {  	[tilespmem:s23+$0x0] =	vst.add.f32.msk $0xffff, v1  }
0x603: {  	s24 =	sor.u32 $0x10, s5;
	v0 =	vld [tilespmem:s1+$0x60]  }
0x604: {  	[tilespmem:s24+$0x0] =	vst.add.f32.msk $0xffff, v1  }
0x605: {  	v1 =	vld [tilespmem:s3+$0x20];
	_ =	sdelay $0x1  }
0x606: {  	s25 =	sor.u32 $0x60, s7  }
0x607: {  	s26 =	sor.u32 $0x60, s6;
	[tilespmem:s25+$0x0] =	vst.add.f32.msk $0xffff, v0  }
0x608: {  	s28 =	sor.u32 $0x20, s4;
	[tilespmem:s26+$0x0] =	vst.add.f32.msk $0xffff, v0  }
0x609: {  	[tilespmem:s28+$0x0] =	vst.add.f32.msk $0xffff, v1  }
0x60a: {  	s31 =	sor.u32 $0x20, s5;
	v0 =	vld [tilespmem:s1+$0x70]  }
0x60b: {  	[tilespmem:s31+$0x0] =	vst.add.f32.msk $0xffff, v1  }
0x60c: {  	v1 =	vld [tilespmem:s3+$0x30];
	_ =	sdelay $0x1  }
0x60d: {  	s2 =	sor.u32 $0x70, s7  }
0x60e: {  	s8 =	sor.u32 $0x70, s6;
	[tilespmem:s2+$0x0] =	vst.add.f32.msk $0xffff, v0  }
0x60f: {  	s11 =	sor.u32 $0x30, s4;
	s7 =	sadd.s32 $0x19000, s10;
	[tilespmem:s8+$0x0] =	vst.add.f32.msk $0xffff, v0  }
0x610: {  	s0 =	sor.u32 s9, s7;
	[tilespmem:s11+$0x0] =	vst.add.f32.msk $0xffff, v1  }
0x611: {  	s12 =	sor.u32 $0x30, s5;
	v0 =	vld [tilespmem:s0+$0x0]  }
0x612: {  	[tilespmem:s12+$0x0] =	vst.add.f32.msk $0xffff, v1  }
0x613: {  	v1 =	vld [tilespmem:s3+$0x40]  }
0x614: {  	s14 =	sadd.s32 $0xD000, s10  }
0x615: {  	s15 =	sadd.s32 $0x13000, s10;
	s2 =	sor.u32 s9, s14  }
0x616: {  	s1 =	sor.u32 s9, s15;
	[tilespmem:s2+$0x0] =	vst.add.f32.msk $0xffff, v0  }
0x617: {  	s17 =	sor.u32 $0x40, s4;
	[tilespmem:s1+$0x0] =	vst.add.f32.msk $0xffff, v0  }
0x618: {  	[tilespmem:s17+$0x0] =	vst.add.f32.msk $0xffff, v1  }
0x619: {  	s18 =	sor.u32 $0x40, s5;
	v0 =	vld [tilespmem:s0+$0x10]  }
0x61a: {  	[tilespmem:s18+$0x0] =	vst.add.f32.msk $0xffff, v1  }
0x61b: {  	v1 =	vld [tilespmem:s3+$0x50];
	_ =	sdelay $0x1  }
0x61c: {  	s19 =	sor.u32 $0x10, s2  }
0x61d: {  	s20 =	sor.u32 $0x10, s1;
	[tilespmem:s19+$0x0] =	vst.add.f32.msk $0xffff, v0  }
0x61e: {  	s21 =	sor.u32 $0x50, s4;
	[tilespmem:s20+$0x0] =	vst.add.f32.msk $0xffff, v0  }
0x61f: {  	[tilespmem:s21+$0x0] =	vst.add.f32.msk $0xffff, v1  }
0x620: {  	s22 =	sor.u32 $0x50, s5;
	v0 =	vld [tilespmem:s0+$0x20]  }
0x621: {  	[tilespmem:s22+$0x0] =	vst.add.f32.msk $0xffff, v1  }
0x622: {  	v1 =	vld [tilespmem:s3+$0x60];
	_ =	sdelay $0x1  }
0x623: {  	s23 =	sor.u32 $0x20, s2  }
0x624: {  	s24 =	sor.u32 $0x20, s1;
	[tilespmem:s23+$0x0] =	vst.add.f32.msk $0xffff, v0  }
0x625: {  	s25 =	sor.u32 $0x60, s4;
	[tilespmem:s24+$0x0] =	vst.add.f32.msk $0xffff, v0  }
0x626: {  	[tilespmem:s25+$0x0] =	vst.add.f32.msk $0xffff, v1  }
0x627: {  	s26 =	sor.u32 $0x60, s5;
	v0 =	vld [tilespmem:s0+$0x30]  }
0x628: {  	[tilespmem:s26+$0x0] =	vst.add.f32.msk $0xffff, v1  }
0x629: {  	v1 =	vld [tilespmem:s3+$0x70];
	_ =	sdelay $0x1  }
0x62a: {  	s28 =	sor.u32 $0x30, s2  }
0x62b: {  	s31 =	sor.u32 $0x30, s1;
	[tilespmem:s28+$0x0] =	vst.add.f32.msk $0xffff, v0  }
0x62c: {  	s4 =	sor.u32 $0x70, s4;
	[tilespmem:s31+$0x0] =	vst.add.f32.msk $0xffff, v0  }
0x62d: {  	[tilespmem:s4+$0x0] =	vst.add.f32.msk $0xffff, v1  }
0x62e: {  	s5 =	sor.u32 $0x70, s5;
	v0 =	vld [tilespmem:s0+$0x40]  }
0x62f: {  	s24 =	sor.u32 s13, s7;
	[tilespmem:s5+$0x0] =	vst.add.f32.msk $0xffff, v1  }
0x630: {  	v1 =	vld [tilespmem:s24+$0x0];
	_ =	sdelay $0x1  }
0x631: {  	s11 =	sor.u32 $0x40, s2  }
0x632: {  	s12 =	sor.u32 $0x40, s1;
	[tilespmem:s11+$0x0] =	vst.add.f32.msk $0xffff, v0  }
0x633: {  	s14 =	sor.u32 s13, s14;
	[tilespmem:s12+$0x0] =	vst.add.f32.msk $0xffff, v0  }
0x634: {  	[tilespmem:s14+$0x0] =	vst.add.f32.msk $0xffff, v1  }
0x635: {  	s15 =	sor.u32 s13, s15;
	v0 =	vld [tilespmem:s0+$0x50]  }
0x636: {  	[tilespmem:s15+$0x0] =	vst.add.f32.msk $0xffff, v1  }
0x637: {  	v1 =	vld [tilespmem:s24+$0x10];
	_ =	sdelay $0x1  }
0x638: {  	s18 =	sor.u32 $0x50, s2  }
0x639: {  	s19 =	sor.u32 $0x50, s1;
	[tilespmem:s18+$0x0] =	vst.add.f32.msk $0xffff, v0  }
0x63a: {  	s20 =	sor.u32 $0x10, s14;
	[tilespmem:s19+$0x0] =	vst.add.f32.msk $0xffff, v0  }
0x63b: {  	[tilespmem:s20+$0x0] =	vst.add.f32.msk $0xffff, v1  }
0x63c: {  	s21 =	sor.u32 $0x10, s15;
	v0 =	vld [tilespmem:s0+$0x60]  }
0x63d: {  	[tilespmem:s21+$0x0] =	vst.add.f32.msk $0xffff, v1  }
0x63e: {  	v1 =	vld [tilespmem:s24+$0x20];
	_ =	sdelay $0x1  }
0x63f: {  	s22 =	sor.u32 $0x60, s2  }
0x640: {  	s23 =	sor.u32 $0x60, s1;
	[tilespmem:s22+$0x0] =	vst.add.f32.msk $0xffff, v0  }
0x641: {  	s25 =	sor.u32 $0x20, s14;
	[tilespmem:s23+$0x0] =	vst.add.f32.msk $0xffff, v0  }
0x642: {  	s29 =	sor.u32 $0x70, s15;
	s8 =	sor.u32 $0x50, s15;
	s28 =	sor.u32 $0x60, s14;
	[tilespmem:s25+$0x0] =	vst.add.f32.msk $0xffff, v1  }
0x643: {  	s30 =	sor.u32 $0x70, s14;
	s26 =	sor.u32 $0x20, s15;
	v0 =	vld [tilespmem:s0+$0x70];
	[smem:$0x7D0] =	sst s28  }
0x644: {  	s17 =	sor.u32 $0x40, s15;
	s2 =	sor.u32 $0x70, s2;
	s31 =	sor.u32 $0x60, s15;
	[tilespmem:s26+$0x0] =	vst.add.f32.msk $0xffff, v1  }
0x645: {  	s7 =	sor.u32 $0x30, s15;
	s11 =	simm.s32 $0x0;
	[smem:$0x7D1] =	sst s31  }
0x646: {  	s12 =	sor.u32 $0x30, s14;
	s19 =	sor.u32 $0x50, s14;
	s0 =	sor.u32 $0x40, s14;
	v1 =	vld [tilespmem:s24+$0x30]  }
.LBB2_7:
0x647: {  	[smem:$0x7CA] =	sst s29  }
0x648: {  	[smem:$0x7C9] =	sst s30  }
0x649: {  	s11 =	sadd.s32 $0x2, s11;
	s3 =	sadd.s32 $0x19400, s10;
	s1 =	sor.u32 $0x70, s1  }
0x64a: {  	s16 =	sadd.s32 $0x100, s16;
	s22 =	sadd.s32 $0xD400, s10;
	s23 =	sadd.s32 $0x13400, s10  }
0x64b: {  	[dreg:$0x6] =	wrdreg s11;
	s20 =	sshrl.u32 s11, $0x3;
	s31 =	sor.u32 s13, s3  }
0x64c: {  	s14 =	sor.u32 s9, s3;
	p0 =	slt.u32 s11, $0x1E;
	[dreg:$0x5] =	wrdreg s16  }
0x64d: {  	s30 =	sand.u32 $0x300, s16;
	s18 =	sor.u32 s13, s22;
	s22 =	sor.u32 s9, s22;
	[tilespmem:s2+$0x0] =	vst.add.f32.msk $0xffff, v0  }
0x64e: {  	s5 =	sor.u32 s13, s23;
	s28 =	sor.u32 s9, s23;
	s15 =	smul.u32 $0x1800, s20;
	[tilespmem:s1+$0x0] =	vst.add.f32.msk $0xffff, v0  }
0x64f: {  	s26 =	sor.u32 $0x10, s5;
	s3 =	sor.u32 $0x20, s18;
	s6 =	sor.u32 $0x20, s5;
	v2 =	vld [tilespmem:s14+$0x0]  }
0x650: {  	s10 =	sor.u32 $0x30, s18;
	s11 =	sor.u32 $0x30, s5;
	[smem:$0x7CD] =	sst s26;
	[tilespmem:s12+$0x0] =	vst.add.f32.msk $0xffff, v1  }
0x651: {  	[dreg:$0x1f] =	wrdreg s3;
	s21 =	sadd.s32 $0x18000, s15;
	s2 =	sor.u32 $0x80, s30;
	[tilespmem:s7+$0x0] =	vst.add.f32.msk $0xffff, v1  }
0x652: {  	[dreg:$0x1d] =	wrdreg s6;
	s6 =	sadd.s32 $0x12000, s15;
	s16 =	sor.u32 s2, s21;
	v0 =	vld [tilespmem:s24+$0x40]  }
0x653: {  	[dreg:$0x17] =	wrdreg s11;
	s7 =	sadd.s32 $0xC000, s15;
	s11 =	sor.u32 s30, s6;
	v1 =	vld [tilespmem:s16+$0x0]  }
0x654: {  	[dreg:$0x1b] =	wrdreg s10;
	s9 =	sor.u32 s30, s7;
	s13 =	sor.u32 $0x50, s11;
	[tilespmem:s22+$0x0] =	vst.add.f32.msk $0xffff, v2  }
0x655: {  	[smem:$0x7C4] =	sst s13;
	s13 =	sor.u32 $0x60, s9;
	[tilespmem:s28+$0x0] =	vst.add.f32.msk $0xffff, v2  }
0x656: {  	s4 =	sor.u32 s30, s21;
	[smem:$0x7C5] =	sst s13;
	s13 =	sor.u32 $0x60, s11;
	v2 =	vld [tilespmem:s14+$0x10]  }
0x657: {  	v3 =	vld [tilespmem:s4+$0x0];
	s26 =	sor.u32 s2, s7;
	[smem:$0x7C6] =	sst s13;
	s13 =	sor.u32 $0x70, s9  }
0x658: {  	s23 =	sor.u32 s2, s6;
	[smem:$0x7C7] =	sst s13;
	s13 =	sor.u32 $0x70, s11;
	[tilespmem:s26+$0x0] =	vst.add.f32.msk $0xffff, v1  }
0x659: {  	s10 =	sor.u32 $0x10, s28;
	[smem:$0x7C8] =	sst s13;
	s13 =	sor.u32 $0x40, s18;
	[tilespmem:s23+$0x0] =	vst.add.f32.msk $0xffff, v1  }
0x65a: {  	s12 =	sor.u32 $0x10, s22;
	[dreg:$0x1a] =	wrdreg s13;
	s13 =	sor.u32 $0x40, s5;
	v1 =	vld [tilespmem:s16+$0x10]  }
0x65b: {  	s3 =	sor.u32 $0x10, s9;
	[dreg:$0x16] =	wrdreg s13;
	s13 =	sor.u32 $0x50, s18;
	[tilespmem:s12+$0x0] =	vst.add.f32.msk $0xffff, v2  }
0x65c: {  	s29 =	sor.u32 $0x20, s9;
	[dreg:$0x14] =	wrdreg s13;
	s13 =	sor.u32 $0x50, s5;
	[tilespmem:s10+$0x0] =	vst.add.f32.msk $0xffff, v2  }
0x65d: {  	s1 =	sor.u32 $0x30, s9;
	s7 =	sor.u32 $0x40, s9;
	[dreg:$0x12] =	wrdreg s13;
	v2 =	vld [tilespmem:s14+$0x20]  }
0x65e: {  	[tilespmem:s9+$0x0] =	vst.add.f32.msk $0xffff, v3;
	s13 =	sor.u32 $0x60, s18;
	s12 =	sor.u32 $0x50, s9;
	s9 =	sor.u32 $0x10, s26  }
0x65f: {  	[dreg:$0xf] =	wrdreg s13;
	s13 =	sor.u32 $0x70, s18;
	[tilespmem:s9+$0x0] =	vst.add.f32.msk $0xffff, v1;
	s9 =	sor.u32 $0x10, s23  }
0x660: {  	[dreg:$0xa] =	wrdreg s13;
	s10 =	sor.u32 $0x60, s5;
	[tilespmem:s9+$0x0] =	vst.add.f32.msk $0xffff, v1  }
0x661: {  	s13 =	sor.u32 $0x20, s22;
	[dreg:$0xd] =	wrdreg s10;
	s10 =	sor.u32 $0x70, s5;
	v1 =	vld [tilespmem:s16+$0x20]  }
0x662: {  	[dreg:$0x9] =	wrdreg s10;
	s10 =	smov.u32 s15;
	s15 =	sor.u32 $0x20, s28;
	[tilespmem:s13+$0x0] =	vst.add.f32.msk $0xffff, v2  }
0x663: {  	s25 =	sor.u32 $0x10, s18;
	[tilespmem:s15+$0x0] =	vst.add.f32.msk $0xffff, v2  }
0x664: {  	[smem:$0x7CC] =	sst s25;
	v2 =	vld [tilespmem:s14+$0x30]  }
0x665: {  	s21 =	sor.u32 $0x10, s11;
	s20 =	sor.u32 $0x20, s11;
	[tilespmem:s11+$0x0] =	vst.add.f32.msk $0xffff, v3;
	s15 =	sor.u32 $0x20, s26  }
0x666: {  	s25 =	sor.u32 $0x30, s11;
	s6 =	sor.u32 $0x40, s11;
	s11 =	sor.u32 $0x20, s23;
	[tilespmem:s15+$0x0] =	vst.add.f32.msk $0xffff, v1  }
0x667: {  	[tilespmem:s11+$0x0] =	vst.add.f32.msk $0xffff, v1  }
0x668: {  	s15 =	sor.u32 $0x30, s22;
	v1 =	vld [tilespmem:s16+$0x30]  }
0x669: {  	s11 =	sor.u32 $0x30, s28;
	[tilespmem:s15+$0x0] =	vst.add.f32.msk $0xffff, v2  }
0x66a: {  	[tilespmem:s11+$0x0] =	vst.add.f32.msk $0xffff, v2  }
0x66b: {  	v2 =	vld [tilespmem:s14+$0x40]  }
0x66c: {  	v3 =	vld [tilespmem:s4+$0x10];
	s15 =	sor.u32 $0x30, s26  }
0x66d: {  	s11 =	sor.u32 $0x30, s23;
	[tilespmem:s15+$0x0] =	vst.add.f32.msk $0xffff, v1  }
0x66e: {  	[tilespmem:s11+$0x0] =	vst.add.f32.msk $0xffff, v1  }
0x66f: {  	s15 =	sor.u32 $0x40, s22;
	v1 =	vld [tilespmem:s16+$0x40]  }
0x670: {  	s11 =	sor.u32 $0x40, s28;
	[tilespmem:s15+$0x0] =	vst.add.f32.msk $0xffff, v2  }
0x671: {  	[tilespmem:s11+$0x0] =	vst.add.f32.msk $0xffff, v2  }
0x672: {  	v2 =	vld [tilespmem:s14+$0x50]  }
0x673: {  	[tilespmem:s3+$0x0] =	vst.add.f32.msk $0xffff, v3;
	s15 =	sor.u32 $0x40, s26  }
0x674: {  	s3 =	sor.u32 $0x40, s23;
	[tilespmem:s15+$0x0] =	vst.add.f32.msk $0xffff, v1  }
0x675: {  	[tilespmem:s3+$0x0] =	vst.add.f32.msk $0xffff, v1  }
0x676: {  	s11 =	sor.u32 $0x50, s22;
	v1 =	vld [tilespmem:s16+$0x50]  }
0x677: {  	s15 =	sor.u32 $0x50, s28;
	[tilespmem:s11+$0x0] =	vst.add.f32.msk $0xffff, v2  }
0x678: {  	[tilespmem:s15+$0x0] =	vst.add.f32.msk $0xffff, v2  }
0x679: {  	v2 =	vld [tilespmem:s14+$0x60]  }
0x67a: {  	[tilespmem:s21+$0x0] =	vst.add.f32.msk $0xffff, v3;
	s21 =	sor.u32 $0x50, s26  }
0x67b: {  	s3 =	sor.u32 $0x50, s23;
	[tilespmem:s21+$0x0] =	vst.add.f32.msk $0xffff, v1  }
0x67c: {  	[tilespmem:s3+$0x0] =	vst.add.f32.msk $0xffff, v1  }
0x67d: {  	s11 =	sor.u32 $0x60, s22;
	v1 =	vld [tilespmem:s16+$0x60]  }
0x67e: {  	s15 =	sor.u32 $0x60, s28;
	[tilespmem:s11+$0x0] =	vst.add.f32.msk $0xffff, v2  }
0x67f: {  	[tilespmem:s15+$0x0] =	vst.add.f32.msk $0xffff, v2  }
0x680: {  	v2 =	vld [tilespmem:s14+$0x70]  }
0x681: {  	v3 =	vld [tilespmem:s4+$0x20]  }
0x682: {  	[tilespmem:s0+$0x0] =	vst.add.f32.msk $0xffff, v0  }
0x683: {  	[tilespmem:s17+$0x0] =	vst.add.f32.msk $0xffff, v0;
	s21 =	sor.u32 $0x60, s26  }
0x684: {  	s22 =	sor.u32 $0x70, s22;
	[tilespmem:s21+$0x0] =	vst.add.f32.msk $0xffff, v1  }
0x685: {  	s9 =	smov.u32 s2;
	s2 =	sor.u32 $0x70, s28;
	[tilespmem:s22+$0x0] =	vst.add.f32.msk $0xffff, v2  }
0x686: {  	s3 =	sor.u32 $0x60, s23;
	[tilespmem:s2+$0x0] =	vst.add.f32.msk $0xffff, v2  }
0x687: {  	[tilespmem:s3+$0x0] =	vst.add.f32.msk $0xffff, v1  }
0x688: {  	v0 =	vld [tilespmem:s16+$0x70]  }
0x689: {  	[tilespmem:s29+$0x0] =	vst.add.f32.msk $0xffff, v3  }
0x68a: {  	[tilespmem:s20+$0x0] =	vst.add.f32.msk $0xffff, v3  }
0x68b: {  	v1 =	vld [tilespmem:s4+$0x30]  }
0x68c: {  	s11 =	sor.u32 $0x70, s26;
	v2 =	vld [tilespmem:s24+$0x50]  }
0x68d: {  	s14 =	sor.u32 $0x70, s23;
	[tilespmem:s11+$0x0] =	vst.add.f32.msk $0xffff, v0  }
0x68e: {  	[tilespmem:s14+$0x0] =	vst.add.f32.msk $0xffff, v0  }
0x68f: {  	v0 =	vld [tilespmem:s16+$0x400]  }
0x690: {  	[tilespmem:s1+$0x0] =	vst.add.f32.msk $0xffff, v1  }
0x691: {  	[tilespmem:s25+$0x0] =	vst.add.f32.msk $0xffff, v1  }
0x692: {  	s15 =	sadd.s32 $0xC400, s10;
	v1 =	vld [tilespmem:s4+$0x40]  }
0x693: {  	s17 =	sadd.s32 $0x12400, s10;
	s0 =	sor.u32 s9, s15;
	[tilespmem:s19+$0x0] =	vst.add.f32.msk $0xffff, v2  }
0x694: {  	s26 =	sor.u32 s9, s17;
	[tilespmem:s0+$0x0] =	vst.add.f32.msk $0xffff, v0  }
0x695: {  	[tilespmem:s26+$0x0] =	vst.add.f32.msk $0xffff, v0  }
0x696: {  	v0 =	vld [tilespmem:s16+$0x410]  }
0x697: {  	[tilespmem:s7+$0x0] =	vst.add.f32.msk $0xffff, v1  }
0x698: {  	[tilespmem:s6+$0x0] =	vst.add.f32.msk $0xffff, v1  }
0x699: {  	v1 =	vld [tilespmem:s4+$0x50]  }
0x69a: {  	s6 =	sor.u32 $0x10, s0;
	[tilespmem:s8+$0x0] =	vst.add.f32.msk $0xffff, v2  }
0x69b: {  	s11 =	sor.u32 $0x10, s26;
	[tilespmem:s6+$0x0] =	vst.add.f32.msk $0xffff, v0  }
0x69c: {  	s6 =	sld [smem:$0x7C4];
	[tilespmem:s11+$0x0] =	vst.add.f32.msk $0xffff, v0  }
0x69d: {  	v0 =	vld [tilespmem:s16+$0x420]  }
0x69e: {  	[tilespmem:s12+$0x0] =	vst.add.f32.msk $0xffff, v1  }
0x69f: {  	[tilespmem:s6+$0x0] =	vst.add.f32.msk $0xffff, v1  }
0x6a0: {  	v1 =	vld [tilespmem:s4+$0x60]  }
0x6a1: {  	s8 =	sor.u32 $0x20, s0;
	v2 =	vld [tilespmem:s24+$0x60]  }
0x6a2: {  	s12 =	sld [smem:$0x7C5];
	s11 =	sor.u32 $0x20, s26;
	[tilespmem:s8+$0x0] =	vst.add.f32.msk $0xffff, v0  }
0x6a3: {  	s6 =	sld [smem:$0x7C6];
	[tilespmem:s11+$0x0] =	vst.add.f32.msk $0xffff, v0  }
0x6a4: {  	v0 =	vld [tilespmem:s16+$0x430]  }
0x6a5: {  	s11 =	sld [smem:$0x7D0];
	[tilespmem:s12+$0x0] =	vst.add.f32.msk $0xffff, v1  }
0x6a6: {  	[tilespmem:s6+$0x0] =	vst.add.f32.msk $0xffff, v1  }
0x6a7: {  	v1 =	vld [tilespmem:s4+$0x70]  }
0x6a8: {  	s8 =	sor.u32 $0x30, s0;
	[tilespmem:s11+$0x0] =	vst.add.f32.msk $0xffff, v2  }
0x6a9: {  	s12 =	sor.u32 $0x30, s26;
	s6 =	sld [smem:$0x7C7];
	[tilespmem:s8+$0x0] =	vst.add.f32.msk $0xffff, v0  }
0x6aa: {  	s8 =	sld [smem:$0x7C8];
	[tilespmem:s12+$0x0] =	vst.add.f32.msk $0xffff, v0  }
0x6ab: {  	v0 =	vld [tilespmem:s16+$0x440]  }
0x6ac: {  	s12 =	sld [smem:$0x7D1];
	[tilespmem:s6+$0x0] =	vst.add.f32.msk $0xffff, v1  }
0x6ad: {  	[tilespmem:s8+$0x0] =	vst.add.f32.msk $0xffff, v1  }
0x6ae: {  	v1 =	vld [tilespmem:s4+$0x400]  }
0x6af: {  	s11 =	sor.u32 $0x40, s0;
	[tilespmem:s12+$0x0] =	vst.add.f32.msk $0xffff, v2  }
0x6b0: {  	s8 =	sor.u32 $0x40, s26;
	[tilespmem:s11+$0x0] =	vst.add.f32.msk $0xffff, v0  }
0x6b1: {  	s13 =	smov.u32 s30;
	[tilespmem:s8+$0x0] =	vst.add.f32.msk $0xffff, v0  }
0x6b2: {  	s1 =	sor.u32 s13, s15;
	v0 =	vld [tilespmem:s16+$0x450]  }
0x6b3: {  	s30 =	sor.u32 s13, s17;
	[tilespmem:s1+$0x0] =	vst.add.f32.msk $0xffff, v1  }
0x6b4: {  	[tilespmem:s30+$0x0] =	vst.add.f32.msk $0xffff, v1  }
0x6b5: {  	v1 =	vld [tilespmem:s4+$0x410]  }
0x6b6: {  	s11 =	sor.u32 $0x50, s0;
	v2 =	vld [tilespmem:s24+$0x70]  }
0x6b7: {  	s12 =	sor.u32 $0x50, s26;
	[tilespmem:s11+$0x0] =	vst.add.f32.msk $0xffff, v0  }
0x6b8: {  	[tilespmem:s12+$0x0] =	vst.add.f32.msk $0xffff, v0  }
0x6b9: {  	s21 =	sor.u32 $0x10, s1;
	v0 =	vld [tilespmem:s16+$0x460]  }
0x6ba: {  	s15 =	sor.u32 $0x10, s30;
	s6 =	sld [smem:$0x7C9];
	[tilespmem:s21+$0x0] =	vst.add.f32.msk $0xffff, v1  }
0x6bb: {  	[tilespmem:s15+$0x0] =	vst.add.f32.msk $0xffff, v1  }
0x6bc: {  	v1 =	vld [tilespmem:s4+$0x420]  }
0x6bd: {  	s24 =	sor.u32 $0x60, s0;
	[tilespmem:s6+$0x0] =	vst.add.f32.msk $0xffff, v2  }
0x6be: {  	s8 =	sor.u32 $0x60, s26;
	[tilespmem:s24+$0x0] =	vst.add.f32.msk $0xffff, v0  }
0x6bf: {  	[tilespmem:s8+$0x0] =	vst.add.f32.msk $0xffff, v0  }
0x6c0: {  	s29 =	sor.u32 $0x20, s1;
	v0 =	vld [tilespmem:s16+$0x470]  }
0x6c1: {  	s28 =	sor.u32 $0x20, s30;
	s11 =	sld [smem:$0x7CA];
	[tilespmem:s29+$0x0] =	vst.add.f32.msk $0xffff, v1  }
0x6c2: {  	[tilespmem:s28+$0x0] =	vst.add.f32.msk $0xffff, v1  }
0x6c3: {  	v1 =	vld [tilespmem:s4+$0x430]  }
0x6c4: {  	s0 =	sor.u32 $0x70, s0;
	[tilespmem:s11+$0x0] =	vst.add.f32.msk $0xffff, v2  }
0x6c5: {  	s12 =	sadd.s32 $0x18800, s10;
	s15 =	sor.u32 $0x70, s26;
	[tilespmem:s0+$0x0] =	vst.add.f32.msk $0xffff, v0  }
0x6c6: {  	s21 =	sor.u32 s9, s12;
	[tilespmem:s15+$0x0] =	vst.add.f32.msk $0xffff, v0  }
0x6c7: {  	s25 =	sor.u32 $0x30, s1;
	v0 =	vld [tilespmem:s21+$0x0]  }
0x6c8: {  	s20 =	sor.u32 $0x30, s30;
	[tilespmem:s25+$0x0] =	vst.add.f32.msk $0xffff, v1  }
0x6c9: {  	[tilespmem:s20+$0x0] =	vst.add.f32.msk $0xffff, v1  }
0x6ca: {  	s16 =	sadd.s32 $0xC800, s10;
	v1 =	vld [tilespmem:s4+$0x440]  }
0x6cb: {  	s26 =	sor.u32 s9, s16;
	s20 =	sadd.s32 $0x12800, s10;
	v2 =	vld [tilespmem:s31+$0x0]  }
0x6cc: {  	s28 =	sor.u32 s9, s20;
	[tilespmem:s26+$0x0] =	vst.add.f32.msk $0xffff, v0  }
0x6cd: {  	[tilespmem:s28+$0x0] =	vst.add.f32.msk $0xffff, v0  }
0x6ce: {  	s23 =	sor.u32 $0x40, s1;
	v0 =	vld [tilespmem:s21+$0x10]  }
0x6cf: {  	s3 =	sor.u32 $0x40, s30;
	s8 =	sor.u32 s13, s16;
	[tilespmem:s23+$0x0] =	vst.add.f32.msk $0xffff, v1  }
0x6d0: {  	s6 =	sor.u32 s13, s20;
	s23 =	sor.u32 $0x70, s8;
	[tilespmem:s3+$0x0] =	vst.add.f32.msk $0xffff, v1  }
0x6d1: {  	[smem:$0x7CE] =	sst s23;
	s23 =	sor.u32 $0x70, s6;
	v1 =	vld [tilespmem:s4+$0x450]  }
0x6d2: {  	[smem:$0x7CF] =	sst s23;
	s23 =	sor.u32 $0x10, s26;
	[tilespmem:s18+$0x0] =	vst.add.f32.msk $0xffff, v2  }
0x6d3: {  	[tilespmem:s23+$0x0] =	vst.add.f32.msk $0xffff, v0;
	s23 =	sor.u32 $0x10, s28  }
0x6d4: {  	[tilespmem:s23+$0x0] =	vst.add.f32.msk $0xffff, v0  }
0x6d5: {  	s22 =	sor.u32 $0x50, s1;
	v0 =	vld [tilespmem:s21+$0x20]  }
0x6d6: {  	s14 =	sor.u32 $0x50, s30;
	[tilespmem:s22+$0x0] =	vst.add.f32.msk $0xffff, v1  }
0x6d7: {  	[tilespmem:s14+$0x0] =	vst.add.f32.msk $0xffff, v1  }
0x6d8: {  	v1 =	vld [tilespmem:s4+$0x460]  }
0x6d9: {  	s18 =	sor.u32 $0x20, s26;
	[tilespmem:s5+$0x0] =	vst.add.f32.msk $0xffff, v2  }
0x6da: {  	s22 =	sor.u32 $0x20, s28;
	[tilespmem:s18+$0x0] =	vst.add.f32.msk $0xffff, v0  }
0x6db: {  	[tilespmem:s22+$0x0] =	vst.add.f32.msk $0xffff, v0  }
0x6dc: {  	s7 =	sor.u32 $0x60, s1;
	v0 =	vld [tilespmem:s21+$0x30]  }
0x6dd: {  	s17 =	sor.u32 $0x60, s30;
	[tilespmem:s7+$0x0] =	vst.add.f32.msk $0xffff, v1  }
0x6de: {  	[tilespmem:s17+$0x0] =	vst.add.f32.msk $0xffff, v1  }
0x6df: {  	s19 =	sor.u32 $0x70, s1;
	v1 =	vld [tilespmem:s4+$0x470]  }
0x6e0: {  	[smem:$0x7CB] =	sst s19;
	s23 =	sor.u32 $0x30, s26;
	v2 =	vld [tilespmem:s31+$0x10]  }
0x6e1: {  	s5 =	sor.u32 $0x30, s28;
	s7 =	sld [smem:$0x7CB];
	[tilespmem:s23+$0x0] =	vst.add.f32.msk $0xffff, v0  }
0x6e2: {  	[tilespmem:s5+$0x0] =	vst.add.f32.msk $0xffff, v0  }
0x6e3: {  	v0 =	vld [tilespmem:s21+$0x40]  }
0x6e4: {  	s19 =	sor.u32 $0x70, s30;
	s17 =	sld [smem:$0x7CC];
	[tilespmem:s7+$0x0] =	vst.add.f32.msk $0xffff, v1  }
0x6e5: {  	s0 =	sor.u32 s13, s12;
	[tilespmem:s19+$0x0] =	vst.add.f32.msk $0xffff, v1  }
0x6e6: {  	v1 =	vld [tilespmem:s0+$0x0]  }
0x6e7: {  	s14 =	sor.u32 $0x40, s26;
	[tilespmem:s17+$0x0] =	vst.add.f32.msk $0xffff, v2  }
0x6e8: {  	s18 =	sor.u32 $0x40, s28;
	[tilespmem:s14+$0x0] =	vst.add.f32.msk $0xffff, v0  }
0x6e9: {  	[tilespmem:s18+$0x0] =	vst.add.f32.msk $0xffff, v0  }
0x6ea: {  	v0 =	vld [tilespmem:s21+$0x50]  }
0x6eb: {  	s22 =	sld [smem:$0x7CD];
	[tilespmem:s8+$0x0] =	vst.add.f32.msk $0xffff, v1  }
0x6ec: {  	[tilespmem:s6+$0x0] =	vst.add.f32.msk $0xffff, v1  }
0x6ed: {  	v1 =	vld [tilespmem:s0+$0x10]  }
0x6ee: {  	s19 =	sor.u32 $0x50, s26;
	[tilespmem:s22+$0x0] =	vst.add.f32.msk $0xffff, v2  }
0x6ef: {  	s23 =	sor.u32 $0x50, s28;
	[tilespmem:s19+$0x0] =	vst.add.f32.msk $0xffff, v0  }
0x6f0: {  	[tilespmem:s23+$0x0] =	vst.add.f32.msk $0xffff, v0  }
0x6f1: {  	s15 =	sor.u32 $0x10, s8;
	v0 =	vld [tilespmem:s21+$0x60]  }
0x6f2: {  	s1 =	sor.u32 $0x10, s6;
	[tilespmem:s15+$0x0] =	vst.add.f32.msk $0xffff, v1  }
0x6f3: {  	[tilespmem:s1+$0x0] =	vst.add.f32.msk $0xffff, v1  }
0x6f4: {  	v1 =	vld [tilespmem:s0+$0x20]  }
0x6f5: {  	s4 =	sor.u32 $0x60, s26;
	v2 =	vld [tilespmem:s31+$0x20]  }
0x6f6: {  	s5 =	sor.u32 $0x60, s28;
	[tilespmem:s4+$0x0] =	vst.add.f32.msk $0xffff, v0  }
0x6f7: {  	[tilespmem:s5+$0x0] =	vst.add.f32.msk $0xffff, v0  }
0x6f8: {  	s30 =	sor.u32 $0x20, s8;
	v0 =	vld [tilespmem:s21+$0x70]  }
0x6f9: {  	s29 =	sor.u32 $0x20, s6;
	[tilespmem:s30+$0x0] =	vst.add.f32.msk $0xffff, v1  }
0x6fa: {  	s11 =	sor.u32 $0x40, s8;
	s12 =	sor.u32 $0x60, s8;
	s25 =	sor.u32 $0x30, s8;
	[tilespmem:s29+$0x0] =	vst.add.f32.msk $0xffff, v1  }
0x6fb: {  	s24 =	sor.u32 $0x30, s6;
	s2 =	sor.u32 $0x40, s6;
	s7 =	rddreg [dreg:$0x1f];
	v1 =	vld [tilespmem:s0+$0x30]  }
0x6fc: {  	s16 =	sor.u32 $0x50, s6;
	s3 =	sor.u32 $0x60, s6;
	s6 =	sor.u32 $0x70, s26;
	[tilespmem:s7+$0x0] =	vst.add.f32.msk $0xffff, v2  }
0x6fd: {  	s20 =	sor.u32 $0x50, s8;
	s14 =	sor.u32 $0x70, s28;
	s8 =	sadd.s32 $0x18C00, s10;
	[tilespmem:s6+$0x0] =	vst.add.f32.msk $0xffff, v0  }
0x6fe: {  	s19 =	sor.u32 s9, s8;
	[tilespmem:s14+$0x0] =	vst.add.f32.msk $0xffff, v0  }
0x6ff: {  	v0 =	vld [tilespmem:s19+$0x0]  }
0x700: {  	[tilespmem:s25+$0x0] =	vst.add.f32.msk $0xffff, v1  }
0x701: {  	[tilespmem:s24+$0x0] =	vst.add.f32.msk $0xffff, v1  }
0x702: {  	s18 =	rddreg [dreg:$0x1d];
	s15 =	sadd.s32 $0xCC00, s10;
	v1 =	vld [tilespmem:s0+$0x40]  }
0x703: {  	s17 =	sadd.s32 $0x12C00, s10;
	s23 =	sor.u32 s9, s15;
	[tilespmem:s18+$0x0] =	vst.add.f32.msk $0xffff, v2  }
0x704: {  	s24 =	sor.u32 s9, s17;
	[tilespmem:s23+$0x0] =	vst.add.f32.msk $0xffff, v0  }
0x705: {  	[tilespmem:s24+$0x0] =	vst.add.f32.msk $0xffff, v0  }
0x706: {  	v0 =	vld [tilespmem:s19+$0x10]  }
0x707: {  	[tilespmem:s11+$0x0] =	vst.add.f32.msk $0xffff, v1  }
0x708: {  	[tilespmem:s2+$0x0] =	vst.add.f32.msk $0xffff, v1  }
0x709: {  	v1 =	vld [tilespmem:s0+$0x50]  }
0x70a: {  	s4 =	sor.u32 s13, s8;
	s8 =	sor.u32 $0x10, s23;
	v2 =	vld [tilespmem:s31+$0x30]  }
0x70b: {  	[tilespmem:s8+$0x0] =	vst.add.f32.msk $0xffff, v0;
	s8 =	sor.u32 $0x10, s24  }
0x70c: {  	[tilespmem:s8+$0x0] =	vst.add.f32.msk $0xffff, v0  }
0x70d: {  	v0 =	vld [tilespmem:s19+$0x20]  }
0x70e: {  	[tilespmem:s20+$0x0] =	vst.add.f32.msk $0xffff, v1  }
0x70f: {  	[tilespmem:s16+$0x0] =	vst.add.f32.msk $0xffff, v1  }
0x710: {  	s20 =	rddreg [dreg:$0x1b];
	v1 =	vld [tilespmem:s0+$0x60]  }
0x711: {  	s8 =	sor.u32 $0x20, s23;
	[tilespmem:s20+$0x0] =	vst.add.f32.msk $0xffff, v2  }
0x712: {  	s20 =	sor.u32 $0x20, s24;
	[tilespmem:s8+$0x0] =	vst.add.f32.msk $0xffff, v0  }
0x713: {  	[tilespmem:s20+$0x0] =	vst.add.f32.msk $0xffff, v0  }
0x714: {  	v0 =	vld [tilespmem:s19+$0x30]  }
0x715: {  	[tilespmem:s12+$0x0] =	vst.add.f32.msk $0xffff, v1  }
0x716: {  	[tilespmem:s3+$0x0] =	vst.add.f32.msk $0xffff, v1  }
0x717: {  	s12 =	rddreg [dreg:$0x17];
	v1 =	vld [tilespmem:s0+$0x70]  }
0x718: {  	s8 =	sor.u32 $0x30, s23;
	[tilespmem:s12+$0x0] =	vst.add.f32.msk $0xffff, v2  }
0x719: {  	s16 =	sor.u32 $0x30, s24;
	s20 =	sld [smem:$0x7CE];
	[tilespmem:s8+$0x0] =	vst.add.f32.msk $0xffff, v0  }
0x71a: {  	s3 =	sld [smem:$0x7CF];
	[tilespmem:s16+$0x0] =	vst.add.f32.msk $0xffff, v0  }
0x71b: {  	v0 =	vld [tilespmem:s19+$0x40]  }
0x71c: {  	[tilespmem:s20+$0x0] =	vst.add.f32.msk $0xffff, v1  }
0x71d: {  	[tilespmem:s3+$0x0] =	vst.add.f32.msk $0xffff, v1  }
0x71e: {  	v1 =	vld [tilespmem:s4+$0x0]  }
0x71f: {  	s8 =	sor.u32 $0x40, s23;
	v2 =	vld [tilespmem:s31+$0x40]  }
0x720: {  	s12 =	sor.u32 $0x40, s24;
	[tilespmem:s8+$0x0] =	vst.add.f32.msk $0xffff, v0  }
0x721: {  	[tilespmem:s12+$0x0] =	vst.add.f32.msk $0xffff, v0  }
0x722: {  	s7 =	sor.u32 s13, s15;
	v0 =	vld [tilespmem:s19+$0x50]  }
0x723: {  	s29 =	sor.u32 s13, s17;
	[tilespmem:s7+$0x0] =	vst.add.f32.msk $0xffff, v1  }
0x724: {  	s15 =	sor.u32 $0x10, s7;
	[tilespmem:s29+$0x0] =	vst.add.f32.msk $0xffff, v1  }
0x725: {  	s26 =	sor.u32 $0x20, s7;
	s22 =	sor.u32 $0x30, s7;
	s20 =	rddreg [dreg:$0x1a];
	v1 =	vld [tilespmem:s4+$0x10]  }
0x726: {  	s28 =	sor.u32 $0x70, s7;
	s14 =	sor.u32 $0x50, s7;
	s16 =	sor.u32 $0x50, s23;
	[tilespmem:s20+$0x0] =	vst.add.f32.msk $0xffff, v2  }
0x727: {  	s17 =	sor.u32 $0x40, s7;
	s11 =	sor.u32 $0x60, s7;
	s7 =	sor.u32 $0x50, s24;
	[tilespmem:s16+$0x0] =	vst.add.f32.msk $0xffff, v0  }
0x728: {  	[tilespmem:s7+$0x0] =	vst.add.f32.msk $0xffff, v0  }
0x729: {  	v0 =	vld [tilespmem:s19+$0x60]  }
0x72a: {  	s1 =	sor.u32 $0x10, s29;
	[tilespmem:s15+$0x0] =	vst.add.f32.msk $0xffff, v1  }
0x72b: {  	[tilespmem:s1+$0x0] =	vst.add.f32.msk $0xffff, v1  }
0x72c: {  	s12 =	rddreg [dreg:$0x16];
	v1 =	vld [tilespmem:s4+$0x20]  }
0x72d: {  	s8 =	sor.u32 $0x60, s23;
	[tilespmem:s12+$0x0] =	vst.add.f32.msk $0xffff, v2  }
0x72e: {  	s15 =	sor.u32 $0x60, s24;
	[tilespmem:s8+$0x0] =	vst.add.f32.msk $0xffff, v0  }
0x72f: {  	[tilespmem:s15+$0x0] =	vst.add.f32.msk $0xffff, v0  }
0x730: {  	v0 =	vld [tilespmem:s19+$0x70]  }
0x731: {  	s25 =	sor.u32 $0x20, s29;
	[tilespmem:s26+$0x0] =	vst.add.f32.msk $0xffff, v1  }
0x732: {  	[tilespmem:s25+$0x0] =	vst.add.f32.msk $0xffff, v1  }
0x733: {  	v1 =	vld [tilespmem:s4+$0x30]  }
0x734: {  	s16 =	sor.u32 $0x70, s23;
	v2 =	vld [tilespmem:s31+$0x50]  }
0x735: {  	s20 =	sor.u32 $0x70, s24;
	s19 =	sadd.s32 $0x19000, s10;
	[tilespmem:s16+$0x0] =	vst.add.f32.msk $0xffff, v0  }
0x736: {  	s16 =	sor.u32 s9, s19;
	[tilespmem:s20+$0x0] =	vst.add.f32.msk $0xffff, v0  }
0x737: {  	v0 =	vld [tilespmem:s16+$0x0]  }
0x738: {  	s21 =	sor.u32 $0x30, s29;
	[tilespmem:s22+$0x0] =	vst.add.f32.msk $0xffff, v1  }
0x739: {  	[tilespmem:s21+$0x0] =	vst.add.f32.msk $0xffff, v1  }
0x73a: {  	s25 =	rddreg [dreg:$0x14];
	s22 =	sadd.s32 $0xD000, s10;
	v1 =	vld [tilespmem:s4+$0x40]  }
0x73b: {  	s23 =	sadd.s32 $0x13000, s10;
	s20 =	sor.u32 s9, s22;
	[tilespmem:s25+$0x0] =	vst.add.f32.msk $0xffff, v2  }
0x73c: {  	s1 =	sor.u32 s9, s23;
	[tilespmem:s20+$0x0] =	vst.add.f32.msk $0xffff, v0  }
0x73d: {  	s21 =	sor.u32 s13, s22;
	[tilespmem:s1+$0x0] =	vst.add.f32.msk $0xffff, v0  }
0x73e: {  	s25 =	sor.u32 s13, s23;
	s26 =	sor.u32 $0x60, s21;
	v0 =	vld [tilespmem:s16+$0x10]  }
0x73f: {  	s18 =	sor.u32 $0x40, s29;
	[smem:$0x7D0] =	sst s26;
	s26 =	sor.u32 $0x60, s25;
	[tilespmem:s17+$0x0] =	vst.add.f32.msk $0xffff, v1  }
0x740: {  	[smem:$0x7D1] =	sst s26;
	[tilespmem:s18+$0x0] =	vst.add.f32.msk $0xffff, v1  }
0x741: {  	s26 =	rddreg [dreg:$0x12];
	v1 =	vld [tilespmem:s4+$0x50]  }
0x742: {  	s18 =	sor.u32 $0x10, s20;
	[tilespmem:s26+$0x0] =	vst.add.f32.msk $0xffff, v2  }
0x743: {  	s26 =	sor.u32 $0x10, s1;
	[tilespmem:s18+$0x0] =	vst.add.f32.msk $0xffff, v0  }
0x744: {  	[tilespmem:s26+$0x0] =	vst.add.f32.msk $0xffff, v0  }
0x745: {  	v0 =	vld [tilespmem:s16+$0x20]  }
0x746: {  	s6 =	sor.u32 $0x50, s29;
	[tilespmem:s14+$0x0] =	vst.add.f32.msk $0xffff, v1  }
0x747: {  	[tilespmem:s6+$0x0] =	vst.add.f32.msk $0xffff, v1  }
0x748: {  	v1 =	vld [tilespmem:s4+$0x60]  }
0x749: {  	s26 =	sor.u32 $0x20, s20;
	v2 =	vld [tilespmem:s31+$0x60]  }
0x74a: {  	s14 =	sor.u32 $0x20, s1;
	[tilespmem:s26+$0x0] =	vst.add.f32.msk $0xffff, v0  }
0x74b: {  	[tilespmem:s14+$0x0] =	vst.add.f32.msk $0xffff, v0  }
0x74c: {  	v0 =	vld [tilespmem:s16+$0x30]  }
0x74d: {  	s2 =	sor.u32 $0x60, s29;
	[tilespmem:s11+$0x0] =	vst.add.f32.msk $0xffff, v1  }
0x74e: {  	[tilespmem:s2+$0x0] =	vst.add.f32.msk $0xffff, v1  }
0x74f: {  	s26 =	rddreg [dreg:$0xf];
	v1 =	vld [tilespmem:s4+$0x70]  }
0x750: {  	s18 =	sor.u32 $0x30, s20;
	[tilespmem:s26+$0x0] =	vst.add.f32.msk $0xffff, v2  }
0x751: {  	s4 =	sor.u32 $0x30, s1;
	[tilespmem:s18+$0x0] =	vst.add.f32.msk $0xffff, v0  }
0x752: {  	[tilespmem:s4+$0x0] =	vst.add.f32.msk $0xffff, v0  }
0x753: {  	v0 =	vld [tilespmem:s16+$0x40]  }
0x754: {  	s5 =	sor.u32 $0x70, s29;
	[tilespmem:s28+$0x0] =	vst.add.f32.msk $0xffff, v1  }
0x755: {  	s24 =	sor.u32 s13, s19;
	[tilespmem:s5+$0x0] =	vst.add.f32.msk $0xffff, v1  }
0x756: {  	s6 =	rddreg [dreg:$0xd];
	v1 =	vld [tilespmem:s24+$0x0]  }
0x757: {  	s5 =	sor.u32 $0x40, s20;
	[tilespmem:s6+$0x0] =	vst.add.f32.msk $0xffff, v2  }
0x758: {  	s14 =	sor.u32 $0x40, s1;
	[tilespmem:s5+$0x0] =	vst.add.f32.msk $0xffff, v0  }
0x759: {  	[tilespmem:s14+$0x0] =	vst.add.f32.msk $0xffff, v0  }
0x75a: {  	v0 =	vld [tilespmem:s16+$0x50]  }
0x75b: {  	[tilespmem:s21+$0x0] =	vst.add.f32.msk $0xffff, v1  }
0x75c: {  	[tilespmem:s25+$0x0] =	vst.add.f32.msk $0xffff, v1  }
0x75d: {  	s15 =	sor.u32 $0x10, s21;
	s23 =	sor.u32 $0x20, s21;
	v1 =	vld [tilespmem:s24+$0x10]  }
0x75e: {  	s12 =	sor.u32 $0x30, s21;
	s0 =	sor.u32 $0x40, s21;
	s18 =	sor.u32 $0x50, s20;
	v2 =	vld [tilespmem:s31+$0x70]  }
0x75f: {  	s19 =	sor.u32 $0x50, s21;
	s30 =	sor.u32 $0x70, s21;
	s21 =	sor.u32 $0x50, s1;
	[tilespmem:s18+$0x0] =	vst.add.f32.msk $0xffff, v0  }
0x760: {  	[tilespmem:s21+$0x0] =	vst.add.f32.msk $0xffff, v0  }
0x761: {  	v0 =	vld [tilespmem:s16+$0x60]  }
0x762: {  	s3 =	sor.u32 $0x10, s25;
	[tilespmem:s15+$0x0] =	vst.add.f32.msk $0xffff, v1  }
0x763: {  	s22 =	sor.u32 $0x20, s25;
	[tilespmem:s3+$0x0] =	vst.add.f32.msk $0xffff, v1  }
0x764: {  	s7 =	sor.u32 $0x30, s25;
	s8 =	sor.u32 $0x50, s25;
	s26 =	rddreg [dreg:$0xa];
	v1 =	vld [tilespmem:s24+$0x20]  }
0x765: {  	s29 =	sor.u32 $0x70, s25;
	s17 =	sor.u32 $0x40, s25;
	s25 =	sor.u32 $0x60, s20;
	[tilespmem:s26+$0x0] =	vst.add.f32.msk $0xffff, v2  }
0x766: {  	s28 =	sor.u32 $0x60, s1;
	[tilespmem:s25+$0x0] =	vst.add.f32.msk $0xffff, v0  }
0x767: {  	[tilespmem:s28+$0x0] =	vst.add.f32.msk $0xffff, v0  }
.Ltmp2:
0x768: {  	v0 =	vld [tilespmem:s16+$0x70];
	(pc) =	sbr.rel @p0 .LBB2_7-.Ltmp2, $4  }
0x769: {  	[tilespmem:s23+$0x0] =	vst.add.f32.msk $0xffff, v1  }
0x76a: {  	s11 =	rddreg [dreg:$0x6];
	[tilespmem:s22+$0x0] =	vst.add.f32.msk $0xffff, v1  }
0x76b: {  	s31 =	rddreg [dreg:$0x9];
	v1 =	vld [tilespmem:s24+$0x30]  }
0x76c: {  	s2 =	sor.u32 $0x70, s20;
	s16 =	rddreg [dreg:$0x5];
	[tilespmem:s31+$0x0] =	vst.add.f32.msk $0xffff, v2  }
0x76d: {  	_ =	sdelay $0x2  }
0x76e: {  	[tilespmem:s12+$0x0] =	vst.add.f32.msk $0xffff, v1  }
0x76f: {  	[tilespmem:s7+$0x0] =	vst.add.f32.msk $0xffff, v1  }
0x770: {  	v1 =	vld [tilespmem:s24+$0x40];
	_ =	sdelay $0x4  }
0x771: {  	[tilespmem:s0+$0x0] =	vst.add.f32.msk $0xffff, v1  }
0x772: {  	[tilespmem:s17+$0x0] =	vst.add.f32.msk $0xffff, v1  }
0x773: {  	v1 =	vld [tilespmem:s24+$0x50];
	_ =	sdelay $0x4  }
0x774: {  	[tilespmem:s19+$0x0] =	vst.add.f32.msk $0xffff, v1  }
0x775: {  	[tilespmem:s8+$0x0] =	vst.add.f32.msk $0xffff, v1  }
0x776: {  	v1 =	vld [tilespmem:s24+$0x60];
	_ =	sdelay $0x1  }
0x777: {  	s0 =	sld [smem:$0x7D0];
	_ =	sdelay $0x2  }
0x778: {  	[tilespmem:s0+$0x0] =	vst.add.f32.msk $0xffff, v1  }
0x779: {  	s0 =	sld [smem:$0x7D1];
	_ =	sdelay $0x2  }
0x77a: {  	[tilespmem:s0+$0x0] =	vst.add.f32.msk $0xffff, v1  }
0x77b: {  	v1 =	vld [tilespmem:s24+$0x70];
	_ =	sdelay $0x1  }
0x77c: {  	s20 =	sadd.s32 $0x19400, s10;
	s1 =	sor.u32 $0x70, s1;
	[tilespmem:s2+$0x0] =	vst.add.f32.msk $0xffff, v0  }
0x77d: {  	s21 =	sor.u32 s9, s20;
	[tilespmem:s1+$0x0] =	vst.add.f32.msk $0xffff, v0  }
0x77e: {  	v0 =	vld [tilespmem:s21+$0x0]  }
0x77f: {  	[tilespmem:s30+$0x0] =	vst.add.f32.msk $0xffff, v1  }
0x780: {  	s0 =	sor.u32 s13, s20;
	[tilespmem:s29+$0x0] =	vst.add.f32.msk $0xffff, v1  }
0x781: {  	s22 =	sadd.s32 $0xD400, s10;
	v1 =	vld [tilespmem:s0+$0x0]  }
0x782: {  	s4 =	sadd.s32 $0x13400, s10;
	s3 =	sor.u32 s9, s22  }
0x783: {  	s5 =	sor.u32 s9, s4;
	[tilespmem:s3+$0x0] =	vst.add.f32.msk $0xffff, v0  }
0x784: {  	[tilespmem:s5+$0x0] =	vst.add.f32.msk $0xffff, v0  }
0x785: {  	s2 =	sor.u32 s13, s22;
	v0 =	vld [tilespmem:s21+$0x10]  }
0x786: {  	s4 =	sor.u32 s13, s4;
	[tilespmem:s2+$0x0] =	vst.add.f32.msk $0xffff, v1  }
0x787: {  	[tilespmem:s4+$0x0] =	vst.add.f32.msk $0xffff, v1  }
0x788: {  	v1 =	vld [tilespmem:s0+$0x10]  }
0x789: {  	s6 =	sor.u32 $0x10, s3  }
0x78a: {  	s23 =	sor.u32 $0x10, s5;
	[tilespmem:s6+$0x0] =	vst.add.f32.msk $0xffff, v0  }
0x78b: {  	[tilespmem:s23+$0x0] =	vst.add.f32.msk $0xffff, v0  }
0x78c: {  	s24 =	sor.u32 $0x10, s2;
	v0 =	vld [tilespmem:s21+$0x20]  }
0x78d: {  	s25 =	sor.u32 $0x10, s4;
	[tilespmem:s24+$0x0] =	vst.add.f32.msk $0xffff, v1  }
0x78e: {  	[tilespmem:s25+$0x0] =	vst.add.f32.msk $0xffff, v1  }
0x78f: {  	v1 =	vld [tilespmem:s0+$0x20]  }
0x790: {  	s26 =	sor.u32 $0x20, s3  }
0x791: {  	s28 =	sor.u32 $0x20, s5;
	[tilespmem:s26+$0x0] =	vst.add.f32.msk $0xffff, v0  }
0x792: {  	[tilespmem:s28+$0x0] =	vst.add.f32.msk $0xffff, v0  }
0x793: {  	s29 =	sor.u32 $0x20, s2;
	v0 =	vld [tilespmem:s21+$0x30]  }
0x794: {  	s30 =	sor.u32 $0x20, s4;
	[tilespmem:s29+$0x0] =	vst.add.f32.msk $0xffff, v1  }
0x795: {  	[tilespmem:s30+$0x0] =	vst.add.f32.msk $0xffff, v1  }
0x796: {  	v1 =	vld [tilespmem:s0+$0x30]  }
0x797: {  	s31 =	sor.u32 $0x30, s3  }
0x798: {  	s7 =	sor.u32 $0x30, s5;
	[tilespmem:s31+$0x0] =	vst.add.f32.msk $0xffff, v0  }
0x799: {  	[tilespmem:s7+$0x0] =	vst.add.f32.msk $0xffff, v0  }
0x79a: {  	s8 =	sor.u32 $0x30, s2;
	v0 =	vld [tilespmem:s21+$0x40]  }
0x79b: {  	s9 =	sor.u32 $0x30, s4;
	[tilespmem:s8+$0x0] =	vst.add.f32.msk $0xffff, v1  }
0x79c: {  	[tilespmem:s9+$0x0] =	vst.add.f32.msk $0xffff, v1  }
0x79d: {  	v1 =	vld [tilespmem:s0+$0x40]  }
0x79e: {  	s10 =	sor.u32 $0x40, s3  }
0x79f: {  	s11 =	sor.u32 $0x40, s5;
	[tilespmem:s10+$0x0] =	vst.add.f32.msk $0xffff, v0  }
0x7a0: {  	[tilespmem:s11+$0x0] =	vst.add.f32.msk $0xffff, v0  }
0x7a1: {  	s12 =	sor.u32 $0x40, s2;
	v0 =	vld [tilespmem:s21+$0x50]  }
0x7a2: {  	s13 =	sor.u32 $0x40, s4;
	[tilespmem:s12+$0x0] =	vst.add.f32.msk $0xffff, v1  }
0x7a3: {  	[tilespmem:s13+$0x0] =	vst.add.f32.msk $0xffff, v1  }
0x7a4: {  	v1 =	vld [tilespmem:s0+$0x50]  }
0x7a5: {  	s14 =	sor.u32 $0x50, s3  }
0x7a6: {  	s15 =	sor.u32 $0x50, s5;
	[tilespmem:s14+$0x0] =	vst.add.f32.msk $0xffff, v0  }
0x7a7: {  	[tilespmem:s15+$0x0] =	vst.add.f32.msk $0xffff, v0  }
0x7a8: {  	s16 =	sor.u32 $0x50, s2;
	v0 =	vld [tilespmem:s21+$0x60]  }
0x7a9: {  	s17 =	sor.u32 $0x50, s4;
	[tilespmem:s16+$0x0] =	vst.add.f32.msk $0xffff, v1  }
0x7aa: {  	[tilespmem:s17+$0x0] =	vst.add.f32.msk $0xffff, v1  }
0x7ab: {  	v1 =	vld [tilespmem:s0+$0x60]  }
0x7ac: {  	s18 =	sor.u32 $0x60, s3  }
0x7ad: {  	s19 =	sor.u32 $0x60, s5;
	[tilespmem:s18+$0x0] =	vst.add.f32.msk $0xffff, v0  }
0x7ae: {  	[tilespmem:s19+$0x0] =	vst.add.f32.msk $0xffff, v0  }
0x7af: {  	s20 =	sor.u32 $0x60, s2;
	v0 =	vld [tilespmem:s21+$0x70]  }
0x7b0: {  	s21 =	sor.u32 $0x60, s4;
	[tilespmem:s20+$0x0] =	vst.add.f32.msk $0xffff, v1  }
0x7b1: {  	[tilespmem:s21+$0x0] =	vst.add.f32.msk $0xffff, v1  }
0x7b2: {  	v1 =	vld [tilespmem:s0+$0x70];
	_ =	sdelay $0x1  }
0x7b3: {  	s22 =	sor.u32 $0x70, s3  }
0x7b4: {  	s23 =	sor.u32 $0x70, s5;
	[tilespmem:s22+$0x0] =	vst.add.f32.msk $0xffff, v0  }
0x7b5: {  	s24 =	sor.u32 $0x70, s2;
	[tilespmem:s23+$0x0] =	vst.add.f32.msk $0xffff, v0  }
0x7b6: {  	s25 =	sor.u32 $0x70, s4;
	[tilespmem:s24+$0x0] =	vst.add.f32.msk $0xffff, v1  }
0x7b7: {  	[tilespmem:s25+$0x0] =	vst.add.f32.msk $0xffff, v1  }
0x7b8: {  	s31 =	sld [smem:$0x7E5];
	_ =	sdelay $0x2  }
0x7b9: {  	s0 =	sld [smem:$0x7E6];
	s1 =	sadd.s32 $0x1, s31  }
0x7ba: {  	s26 =	rddreg [dreg:$0x3];
	p0 =	sne.s32 s1, $0x10  }
.Ltmp3:
0x7bb: {  	s29 =	sld [smem:$0x7E8];
	(pc) =	sbr.rel @p0 .LBB2_4-.Ltmp3, $4  }
0x7bc: {  	s3 =	simm.s32 $0xC000;
	s28 =	simm.s32 $0x0;
	s0 =	sadd.s32 s26, s0  }
0x7bd: {  	[hbm4b:s0+s28] =	stream.linear.scatter [tilespmem:s3], [sflag:$0x7], $0x6000, $0x38;
	[tilespmem:$0x1E300] =	vst v63  }
0x7be: {  	s2 =	simm.s32 $0x12000;
	s30 =	simm.s32 $0x12000;
	s0 =	sadd.s32 s26, s29  }
0x7bf: {  	[hbm4b:s0+s28] =	stream.linear.scatter [tilespmem:s30], [sflag:$0x8], $0x6000, $0x38;
	[tilespmem:$0x1E300] =	vst v63  }
0x7c0: {  	s0 =	simm.s32 $0x7  }
0x7c1: {  	_ =	swait.ge [sflag:s0], $0x6000  }
0x7c2: {  	[sflag:s0] =	ssyncset.done $0x0  }
0x7c3: {  	s1 =	simm.s32 $0x8;
	[sflag:s0] =	ssyncadd.s32 $0xFFFFA000  }
0x7c4: {  	_ =	swait.ge [sflag:s1], $0x6000  }
0x7c5: {  	s2 =	sld [smem:$0x7F3]  }
0x7c6: {  	s31 =	sld [smem:$0x7FD];
	_ =	sdelay $0x1  }
0x7c7: {  	s2 =	sadd.s32 $0x1, s2  }
0x7c8: {  	p0 =	sne.s32 s2, s31  }
.Ltmp4:
0x7c9: {  	_ = 	snop;
	(pc) =	sbr.rel @p0 .LBB2_1-.Ltmp4, $3  }
0x7ca: {  	_ =	sdelay $0x1  }
0x7cb: {  	[sflag:s1] =	ssyncset.done $0x0  }
0x7cc: {  	[sflag:s1] =	ssyncadd.s32 $0xFFFFA000  }
0x7cd: {  	_ =	sfence.sel $0x180000  }
0x7ce: {  	[bflag:$0x0] =	sbarrier.arrive $0xFFFF  }
0x7cf: {  	_ =	strace $0x90000047  }
0x7d0: {  	s0 =	stileid.u32;
	[bflag:$0x2] =	sbarrier.arrive $0xFFFF  }
0x7d1: {  	p0 =	sne.s32 s0, $0x0;
	s0 =	rddreg [dreg:$0x4]  }
0x7d2: {  	s0 =	sadd.s32 @!p0 $0x100000, s0  }
0x7d3: {  	[sflag:s0] =	ssyncadd.tile.s32 @!p0 $0x1;
	_ =	shalt  }
.Lfunc_end2:
_tile_overlayer_lowered:
.L_overlay_start_2:
0x7d4: {  	(tag) =	ssettag $0x2  }
0x7d5: {  	s0 =	rddreg [dreg:$0x0];
	s2 =	stileid.u32  }
0x7d6: {  	s1 =	rddreg [dreg:$0x1];
	p0 =	sne.s32 s2, $0x0  }
0x7d7: {  	s3 =	rddreg [dreg:$0x2];
	[bflag:$0x3] =	sbarrier.arrive $0xFFFF;
	s2 =	simm.s32 @!p0 $0x1C09  }
0x7d8: {  	[timem:s3], [sflag:s2] =	dma.local @!p0 [hbm:s0], s1  }
0x7d9: {  	s0 =	simm.s32 @!p0 $0x9  }
0x7da: {  	_ =	swait.ge @!p0 [sflag:s0], s1  }
0x7db: {  	s1 =	ssub.s32 @!p0 $0x0, s1;
	[sflag:s0] =	ssyncset.done @!p0 $0x0  }
0x7dc: {  	[sflag:s0] =	ssyncadd.s32 @!p0 s1  }
0x7dd: {  	[bflag:$0x3] =	sbarrier.arrive $0xFFFF  }
0x7de: {  	_ =	shalt  }

</sc_bundles>
